<compile_context>
chip_gen: v7x
topology: tpu7x:2x2x1
jax: 0.10.2.dev20260603
libtpu: 0.0.44.dev20260713+nightly
codegen_flags: <defaults>
</compile_context>

<pallas_src>
import functools

import jax
import jax.numpy as jnp
from jax import lax
from jax.experimental import pallas as pl
from jax.experimental.pallas import tpu as pltpu
from jax.experimental.pallas import tpu_sc as plsc

N = 10000
NPAD = 10080
R = 1000
NBLK = N // R
NG = 2000
NP_ = 100
E_TOT = 170000
E_PAD = 172032
NW = 32
CHUNK = E_PAD // NW
B = 128
NB = CHUNK // B
RPT = NPAD // 16


def _stageA_body(xb, wr, br, wp, bp, wqr, wqp, wjt, wjb, bj, w1, acat,
                 wres, bres, h1_o, al_o, id_o):
    rna = jnp.maximum(xb[:, :NG] @ wr[...] + br[...], 0.0)
    prot = jnp.maximum(xb[:, NG:] @ wp[...] + bp[...], 0.0)
    r = rna @ wqr[...]
    p = prot @ wqp[...]
    inv = jnp.float32(1.0) / jnp.sqrt(jnp.float32(128.0))
    s_rr = jnp.sum(r * r, axis=-1, keepdims=True) * inv
    s_rp = jnp.sum(r * p, axis=-1, keepdims=True) * inv
    s_pp = jnp.sum(p * p, axis=-1, keepdims=True) * inv
    m0 = jnp.maximum(s_rr, s_rp)
    e00 = jnp.exp(s_rr - m0)
    e01 = jnp.exp(s_rp - m0)
    m1 = jnp.maximum(s_rp, s_pp)
    e10 = jnp.exp(s_rp - m1)
    e11 = jnp.exp(s_pp - m1)
    f0 = (e00 * r + e01 * p) / (e00 + e01)
    f1 = (e10 * r + e11 * p) / (e10 + e11)
    joint = jnp.maximum(f0 @ wjt[...] + f1 @ wjb[...] + bj[...], 0.0)
    h1 = joint @ w1[...]
    h1_o[...] = h1
    al_o[...] = h1 @ acat[...]
    id_o[...] = joint @ wres[...] + bres[...]


def _stageA(x, wr, br, wp, bp, wqr, wqp, wjt, wjb, bj, w1, acat, wres, bres):
    full = lambda s: pl.BlockSpec(s, lambda i: (0, 0))
    return pl.pallas_call(
        _stageA_body,
        grid=(NBLK,),
        in_specs=[
            pl.BlockSpec((R, NG + NP_), lambda i: (i, 0)),
            full((NG, 128)), full((1, 128)),
            full((NP_, 64)), full((1, 64)),
            full((128, 128)), full((64, 128)),
            full((128, 128)), full((128, 128)), full((1, 128)),
            full((128, 512)), full((512, 8)),
            full((128, 512)), full((1, 512)),
        ],
        out_specs=[
            pl.BlockSpec((R, 512), lambda i: (i, 0)),
            pl.BlockSpec((R, 8), lambda i: (i, 0)),
            pl.BlockSpec((R, 512), lambda i: (i, 0)),
        ],
        out_shape=[
            jax.ShapeDtypeStruct((N, 512), jnp.float32),
            jax.ShapeDtypeStruct((N, 8), jnp.float32),
            jax.ShapeDtypeStruct((N, 512), jnp.float32),
        ],
        compiler_params=pltpu.CompilerParams(
            dimension_semantics=("parallel",)),
    )(x, wr, br, wp, bp, wqr, wqp, wjt, wjb, bj, w1, acat,
      wres, bres)


def _make_edge_kernel(H, C):
    Wd = C + 16
    WREG = Wd // 16

    def body(src_hbm, dst_hbm, alpha_hbm, haug_hbm, zeros_hbm, out_hbm,
             srcb, srcb2, dstb, asr, adr, rows, acc, sem):
        cid = lax.axis_index("c")
        sid = lax.axis_index("s")
        w = cid * 16 + sid

        def head_body(hh, _):
            pltpu.sync_copy(alpha_hbm.at[pl.ds(hh * NPAD, NPAD)], asr)
            pltpu.sync_copy(alpha_hbm.at[pl.ds((H + hh) * NPAD, NPAD)], adr)
            pltpu.sync_copy(zeros_hbm.at[pl.ds(sid * RPT, RPT)],
                            acc.at[pl.ds(sid * RPT, RPT)])
            plsc.subcore_barrier()

            def batch_body(b, _):
                base = w * CHUNK + b * B
                pltpu.sync_copy(src_hbm.at[pl.ds(base, B)], srcb)
                pltpu.sync_copy(dst_hbm.at[pl.ds(base, B)], dstb)
                hoff = hh * NPAD

                def adj_body(i, _):
                    sl = pl.ds(i * 16, 16)
                    srcb2[sl] = srcb[sl] + hoff
                    return 0
                lax.fori_loop(0, B // 16, adj_body, 0)
                pltpu.async_copy(haug_hbm.at[srcb2], rows, sem).wait()

                def group_body(g, _):
                    s16 = srcb[pl.ds(g * 16, 16)]
                    d16 = dstb[pl.ds(g * 16, 16)]
                    a_s = plsc.load_gather(asr, [s16])
                    a_d = plsc.load_gather(adr, [d16])
                    e = a_s + a_d
                    e = jnp.where(e >= 0.0, e, e * 0.2)
                    ee = jnp.exp(e)
                    for j in range(16):
                        spl = jax.lax.broadcast(ee[j], (16,))
                        eidx = g * 16 + j
                        for cc in range(WREG):
                            sl = pl.ds(cc * 16, 16)
                            rows[eidx, sl] = rows[eidx, sl] * spl
                    return 0
                lax.fori_loop(0, B // 16, group_body, 0)
                pltpu.sync_copy(rows, acc.at[dstb], add=True)
                return 0
            lax.fori_loop(0, NB, batch_body, 0)
            plsc.subcore_barrier()
            pltpu.sync_copy(acc.at[pl.ds(sid * RPT, RPT)],
                            out_hbm.at[cid, hh, pl.ds(sid * RPT, RPT)])
            plsc.subcore_barrier()
            return 0
        lax.fori_loop(0, H, head_body, 0)

    mesh = plsc.VectorSubcoreMesh(core_axis_name="c", subcore_axis_name="s")
    return functools.partial(
        pl.kernel,
        out_type=jax.ShapeDtypeStruct((2, H, NPAD, Wd), jnp.float32),
        mesh=mesh,
        compiler_params=pltpu.CompilerParams(
            needs_layout_passes=False, use_tc_tiling_on_sc=False),
        scratch_types=[
            pltpu.VMEM((B,), jnp.int32),
            pltpu.VMEM((B,), jnp.int32),
            pltpu.VMEM((B,), jnp.int32),
            pltpu.VMEM((NPAD,), jnp.float32),
            pltpu.VMEM((NPAD,), jnp.float32),
            pltpu.VMEM((B, Wd), jnp.float32),
            pltpu.VMEM_SHARED((NPAD, Wd), jnp.float32),
            pltpu.SemaphoreType.DMA,
        ],
    )(body)


def _stageC_body(num, id1, b1, w2, acat2, wres2, bres2, hh2_o, al2_o, id2_o):
    outs = []
    for h in range(4):
        s = num[0, h] + num[1, h]
        outs.append(s[:, :128] / s[:, 128:129])
    gat = jnp.concatenate(outs, axis=-1) + b1[...]
    hcur = jnp.where(gat > 0.0, gat, jnp.exp(gat) - 1.0) + id1[...]
    hh2 = hcur @ w2[...]
    hh2_o[...] = hh2
    al2_o[...] = hh2 @ acat2[...]
    id2_o[...] = hcur @ wres2[...] + bres2[...]


def _stageC(out1, id1, b1, w2, acat2, wres2, bres2):
    full = lambda s: pl.BlockSpec(s, lambda i: tuple(0 for _ in s))
    return pl.pallas_call(
        _stageC_body,
        grid=(NBLK,),
        in_specs=[
            pl.BlockSpec((2, 4, R, 144), lambda i: (0, 0, i, 0)),
            pl.BlockSpec((R, 512), lambda i: (i, 0)),
            full((1, 512)), full((512, 64)), full((64, 2)),
            full((512, 64)), full((1, 64)),
        ],
        out_specs=[
            pl.BlockSpec((R, 64), lambda i: (i, 0)),
            pl.BlockSpec((R, 2), lambda i: (i, 0)),
            pl.BlockSpec((R, 64), lambda i: (i, 0)),
        ],
        out_shape=[
            jax.ShapeDtypeStruct((N, 64), jnp.float32),
            jax.ShapeDtypeStruct((N, 2), jnp.float32),
            jax.ShapeDtypeStruct((N, 64), jnp.float32),
        ],
        compiler_params=pltpu.CompilerParams(
            dimension_semantics=("parallel",)),
    )(out1, id1, b1, w2, acat2, wres2, bres2)


def _stageD_body(num, id2, b2, wm1, bm1, lg, lb, wm2, bm2, y_o):
    s = num[0, 0] + num[1, 0]
    o = s[:, :64] / s[:, 64:65] + b2[...]
    h2 = jnp.where(o > 0.0, o, jnp.exp(o) - 1.0) + id2[...]
    m = h2 @ wm1[...] + bm1[...]
    mu = jnp.mean(m, axis=-1, keepdims=True)
    var = jnp.mean((m - mu) ** 2, axis=-1, keepdims=True)
    m = (m - mu) / jnp.sqrt(var + 1e-5) * lg[...] + lb[...]
    m = jnp.maximum(m, 0.0)
    y_o[...] = m @ wm2[...] + bm2[...]


def _stageD(out2s, id2, b2, wm1, bm1, lg, lb, wm2, bm2):
    full = lambda s: pl.BlockSpec(s, lambda i: tuple(0 for _ in s))
    return pl.pallas_call(
        _stageD_body,
        grid=(NBLK,),
        in_specs=[
            pl.BlockSpec((2, 1, R, 80), lambda i: (0, 0, i, 0)),
            pl.BlockSpec((R, 64), lambda i: (i, 0)),
            full((1, 64)), full((64, 32)), full((1, 32)),
            full((1, 32)), full((1, 32)), full((32, 16)), full((1, 16)),
        ],
        out_specs=[pl.BlockSpec((R, 16), lambda i: (i, 0))],
        out_shape=[jax.ShapeDtypeStruct((N, 16), jnp.float32)],
        compiler_params=pltpu.CompilerParams(
            dimension_semantics=("parallel",)),
    )(out2s, id2, b2, wm1, bm1, lg, lb, wm2, bm2)[0]


def _edge_aggregate(H, C, src, dst, alpha2d, haug_flat, zeros):
    return _make_edge_kernel(H, C)(src, dst, alpha2d, haug_flat, zeros)


def kernel(x, edge_index, W_rna, b_rna, W_prot, b_prot, Wq_r, Wq_p, W_joint,
           b_joint, W1, att_src1, att_dst1, b1, Wres1, bres1, W2, att_src2,
           att_dst2, b2, Wres2, bres2, Wm1, bm1, ln_g, ln_b, Wm2, bm2):
    f32 = jnp.float32
    row = lambda v: v.reshape(1, -1)
    eye4 = jnp.eye(4, dtype=f32)
    a_s = (att_src1[:, :, None] * eye4[:, None, :]).reshape(512, 4)
    a_d = (att_dst1[:, :, None] * eye4[:, None, :]).reshape(512, 4)
    acat1 = jnp.concatenate([a_s, a_d], axis=1)
    acat2 = jnp.concatenate([att_src2.T, att_dst2.T], axis=1)

    loops = jnp.arange(N, dtype=edge_index.dtype)
    src = jnp.concatenate([edge_index[0], loops])
    dst = jnp.concatenate([edge_index[1], loops])
    src = jnp.pad(src, (0, E_PAD - E_TOT), constant_values=N)
    dst = jnp.pad(dst, (0, E_PAD - E_TOT), constant_values=N)

    h1, alcat, id1 = _stageA(x, W_rna, row(b_rna), W_prot, row(b_prot),
                             Wq_r, Wq_p, W_joint[:128], W_joint[128:],
                             row(b_joint), W1, acat1, Wres1, row(bres1))

    ones = jnp.ones((N, 1), f32)
    h3 = h1.reshape(N, 4, 128)
    haug1 = jnp.pad(
        jnp.concatenate([h3.transpose(1, 0, 2),
                         jnp.broadcast_to(ones, (4, N, 1))], axis=2),
        ((0, 0), (0, NPAD - N), (0, 15))).reshape(4 * NPAD, 144)
    alpha1 = jnp.pad(alcat.T, ((0, 0), (0, NPAD - N))).reshape(-1)
    out1 = _edge_aggregate(4, 128, src, dst, alpha1, haug1,
                           jnp.zeros((NPAD, 144), f32))

    hh2, al2, id2 = _stageC(out1, id1, row(b1), W2, acat2, Wres2, row(bres2))

    haug2 = jnp.pad(jnp.concatenate([hh2, ones], axis=1),
                    ((0, NPAD - N), (0, 15)))
    alpha2 = jnp.pad(al2.T, ((0, 0), (0, NPAD - N))).reshape(-1)
    out2 = _edge_aggregate(1, 64, src, dst, alpha2, haug2,
                           jnp.zeros((NPAD, 80), f32))

    return _stageD(out2, id2, row(b2), Wm1, row(bm1), row(ln_g), row(ln_b),
                   Wm2, row(bm2))

# --- scband reference (transcript-rebuilt; emitter-appended) ---
"""Pipeline reference for scband-spectral-gatwith-joint-encoder-13666585935937 (READ-ONLY COPY).

The authoritative reference and input builder live on the scoring server;
editing this copy changes nothing except your own understanding.
"""

import jax, jax.numpy as jnp
import numpy as np

N_NODES = 10000
N_EDGES = 160000
N_GENES = 2000
N_PROT = 100
RNA_H = 128
PROT_H = 64
JOINT_H = 128
GAT_H = 128
HEADS = 4
N_SPEC = 8


def _gat_conv(h_in, src, dst, N, W, a_src, a_dst, bias, heads, out_ch, concat):
    h = (h_in @ W).reshape(N, heads, out_ch)
    alpha_src = (h * a_src[None, :, :]).sum(-1)
    alpha_dst = (h * a_dst[None, :, :]).sum(-1)
    e = jax.nn.leaky_relu(alpha_src[src] + alpha_dst[dst], 0.2)
    emax = jax.ops.segment_max(e, dst, num_segments=N)
    emax = jnp.where(jnp.isfinite(emax), emax, 0.0)
    ee = jnp.exp(e - emax[dst])
    den = jax.ops.segment_sum(ee, dst, num_segments=N)
    a = ee / (den[dst] + 1e-16)
    out = jax.ops.segment_sum(h[src] * a[:, :, None], dst, num_segments=N)
    out = out.reshape(N, heads * out_ch) if concat else out.mean(axis=1)
    return out + bias


def setup_inputs(seed: int = 0):
    key = jax.random.key(seed)
    ks = jax.random.split(key, 32)

    def w(i, shape, s=0.05):
        return jax.random.normal(ks[i], shape, dtype=jnp.float32) * s

    inp = {}
    inp["x"] = jax.random.normal(ks[0], (N_NODES, N_GENES + N_PROT), dtype=jnp.float32)
    inp["edge_index"] = jax.random.randint(ks[1], (2, N_EDGES), 0, N_NODES, dtype=jnp.int32)
    inp["W_rna"] = w(2, (N_GENES, RNA_H)); inp["b_rna"] = jnp.zeros((RNA_H,), jnp.float32)
    inp["W_prot"] = w(3, (N_PROT, PROT_H)); inp["b_prot"] = jnp.zeros((PROT_H,), jnp.float32)
    inp["Wq_r"] = w(4, (RNA_H, JOINT_H)); inp["Wq_p"] = w(5, (PROT_H, JOINT_H))
    inp["W_joint"] = w(6, (2 * JOINT_H, JOINT_H)); inp["b_joint"] = jnp.zeros((JOINT_H,), jnp.float32)
    inp["W1"] = w(7, (JOINT_H, HEADS * GAT_H)); inp["att_src1"] = w(8, (HEADS, GAT_H)); inp["att_dst1"] = w(9, (HEADS, GAT_H)); inp["b1"] = jnp.zeros((HEADS * GAT_H,), jnp.float32)
    inp["Wres1"] = w(10, (JOINT_H, HEADS * GAT_H)); inp["bres1"] = jnp.zeros((HEADS * GAT_H,), jnp.float32)
    inp["W2"] = w(11, (HEADS * GAT_H, 64)); inp["att_src2"] = w(12, (1, 64)); inp["att_dst2"] = w(13, (1, 64)); inp["b2"] = jnp.zeros((64,), jnp.float32)
    inp["Wres2"] = w(14, (HEADS * GAT_H, 64)); inp["bres2"] = jnp.zeros((64,), jnp.float32)
    inp["Wm1"] = w(15, (64, 32)); inp["bm1"] = jnp.zeros((32,), jnp.float32)
    inp["ln_g"] = jnp.ones((32,), jnp.float32); inp["ln_b"] = jnp.zeros((32,), jnp.float32)
    inp["Wm2"] = w(16, (32, 2 * N_SPEC)); inp["bm2"] = jnp.zeros((2 * N_SPEC,), jnp.float32)
    return inp


def _forward(x, edge_index, W_rna, b_rna, W_prot, b_prot, Wq_r, Wq_p, W_joint, b_joint, W1, att_src1, att_dst1, b1, Wres1, bres1, W2, att_src2, att_dst2, b2, Wres2, bres2, Wm1, bm1, ln_g, ln_b, Wm2, bm2):
    N = x.shape[0]
    # Joint encoder: per-modality MLPs + cross-attention fusion
    rna = jax.nn.relu(x[:, :N_GENES] @ W_rna + b_rna)
    prot = jax.nn.relu(x[:, N_GENES:] @ W_prot + b_prot)
    r = rna @ Wq_r
    p = prot @ Wq_p
    toks = jnp.stack([r, p], axis=1)
    scores = jnp.einsum('nid,njd->nij', toks, toks) / jnp.sqrt(jnp.float32(JOINT_H))
    attn = jax.nn.softmax(scores, axis=-1)
    fused = jnp.einsum('nij,njd->nid', attn, toks).reshape(N, 2 * JOINT_H)
    joint = jax.nn.relu(fused @ W_joint + b_joint)
    # GAT layers with self-loops (PyG default)
    loops = jnp.arange(N, dtype=edge_index.dtype)
    src = jnp.concatenate([edge_index[0], loops])
    dst = jnp.concatenate([edge_index[1], loops])
    identity = joint @ Wres1 + bres1
    h = jax.nn.elu(_gat_conv(joint, src, dst, N, W1, att_src1, att_dst1, b1, HEADS, GAT_H, True))
    h = h + identity
    identity2 = h @ Wres2 + bres2
    h2 = jax.nn.elu(_gat_conv(h, src, dst, N, W2, att_src2, att_dst2, b2, 1, 64, False))
    h2 = h2 + identity2
    # final MLP (dropout disabled: eval mode)
    m = h2 @ Wm1 + bm1
    mu = m.mean(-1, keepdims=True)
    var = ((m - mu) ** 2).mean(-1, keepdims=True)
    m = (m - mu) / jnp.sqrt(var + 1e-5) * ln_g + ln_b
    m = jax.nn.relu(m)
    return m @ Wm2 + bm2


def reference(x, edge_index, W_rna, b_rna, W_prot, b_prot, Wq_r, Wq_p, W_joint, b_joint, W1, att_src1, att_dst1, b1, Wres1, bres1, W2, att_src2, att_dst2, b2, Wres2, bres2, Wm1, bm1, ln_g, ln_b, Wm2, bm2):
    return _forward(x, edge_index, W_rna, b_rna, W_prot, b_prot, Wq_r, Wq_p, W_joint, b_joint, W1, att_src1, att_dst1, b1, Wres1, bres1, W2, att_src2, att_dst2, b2, Wres2, bres2, Wm1, bm1, ln_g, ln_b, Wm2, bm2)

if __name__ == "__main__":
    import jax
    _d = setup_inputs()
    print(jax.jit(kernel)(*tuple(_d.values())))

</pallas_src>

<mosaic_0001>
#map = affine_map<(d0, d1) -> (0)>
#map1 = affine_map<(d0, d1) -> (0, 0)>
#map2 = affine_map<(d0, d1) -> (0, 0, 0, 0)>
module attributes {stable_mosaic.version = 14 : i64} {
  func.func @body(%arg0: i32, %arg1: i32, %arg2: memref<172032xi32, #tpu.memory_space<hbm>>, %arg3: memref<172032xi32, #tpu.memory_space<hbm>>, %arg4: memref<80640xf32, #tpu.memory_space<hbm>>, %arg5: memref<40320x144xf32, #tpu.memory_space<hbm>>, %arg6: memref<10080x144xf32, #tpu.memory_space<hbm>>, %arg7: memref<2x4x10080x144xf32, #tpu.memory_space<hbm>>, %arg8: memref<128xi32, #tpu.memory_space<vmem>>, %arg9: memref<128xi32, #tpu.memory_space<vmem>>, %arg10: memref<128xi32, #tpu.memory_space<vmem>>, %arg11: memref<10080xf32, #tpu.memory_space<vmem>>, %arg12: memref<10080xf32, #tpu.memory_space<vmem>>, %arg13: memref<128x144xf32, #tpu.memory_space<vmem>>, %arg14: memref<10080x144xf32, #tpu.memory_space<vmem_shared>>, %arg15: memref<!tpu.dma_semaphore, #tpu.memory_space<semaphore_mem>>) attributes {dimension_semantics = [#tpu.dimension_semantics<core_parallel>, #tpu.dimension_semantics<subcore_parallel>], iteration_bounds = array<i64: 2, 16>, scalar_prefetch = 0 : i64, scratch_operands = 8 : i64, tpu.core_type = #tpu.core_type<sc_vector_subcore>, window_params = [{transform_indices = #map}, {transform_indices = #map}, {transform_indices = #map}, {transform_indices = #map1}, {transform_indices = #map1}, {transform_indices = #map2}]} {
    %mul3A = arith.constant 16 : i32
    %mul3A_0 = arith.muli %arg0, %mul3A : i32
    %add3A = arith.addi %mul3A_0, %arg1 : i32
    %scan3A = arith.constant 0 : i32
    %scan3A_1 = arith.constant 0 : i32
    %scan3A_2 = arith.constant 4 : i32
    %scan3A_3 = arith.addi %scan3A_1, %scan3A_2 : i32
    %scan3A_4 = arith.constant 1 : i32
    %scan3A_5 = scf.for %scan3A_7 = %scan3A_1 to %scan3A_3 step %scan3A_4 iter_args(%scan3A_8 = %scan3A) -> (i32)  : i32 {
      %mul3A_9 = arith.constant 10080 : i32
      %mul3A_10 = arith.muli %scan3A_7, %mul3A_9 : i32
      "tpu.region"() ({
        %run_scoped3A = tpu.sem_alloc : memref<!tpu.dma_semaphore, #tpu.memory_space<semaphore_mem>>
        %dma_start3A = tpu.memref_slice %arg4[%mul3A_10] : memref<80640xf32, #tpu.memory_space<hbm>> -> memref<10080xf32, #tpu.memory_space<hbm>>
        %dma_start3A_33 = tpu.memref_slice %arg4[%mul3A_10] : memref<80640xf32, #tpu.memory_space<hbm>> -> memref<10080xf32, #tpu.memory_space<hbm>>
        tpu.enqueue_dma source(%dma_start3A_33 : memref<10080xf32, #tpu.memory_space<hbm>>) target(%arg11 : memref<10080xf32, #tpu.memory_space<vmem>>) target_semaphore(%run_scoped3A : memref<!tpu.dma_semaphore, #tpu.memory_space<semaphore_mem>>)
        %dma_wait3A = tpu.memref_slice %arg4[%mul3A_10] : memref<80640xf32, #tpu.memory_space<hbm>> -> memref<10080xf32, #tpu.memory_space<hbm>>
        %dma_wait3A_34 = tpu.memref_slice %arg4[%mul3A_10] : memref<80640xf32, #tpu.memory_space<hbm>> -> memref<10080xf32, #tpu.memory_space<hbm>>
        tpu.wait_dma2 semaphore(%run_scoped3A : memref<!tpu.dma_semaphore, #tpu.memory_space<semaphore_mem>>) src(%dma_wait3A_34 : memref<10080xf32, #tpu.memory_space<hbm>>) dst(%arg11 : memref<10080xf32, #tpu.memory_space<vmem>>)
        tpu.yield
      }) : () -> ()
      %add3A_11 = arith.constant 4 : i32
      %add3A_12 = arith.addi %add3A_11, %scan3A_7 : i32
      %mul3A_13 = arith.constant 10080 : i32
      %mul3A_14 = arith.muli %add3A_12, %mul3A_13 : i32
      "tpu.region"() ({
        %run_scoped3A = tpu.sem_alloc : memref<!tpu.dma_semaphore, #tpu.memory_space<semaphore_mem>>
        %dma_start3A = tpu.memref_slice %arg4[%mul3A_14] : memref<80640xf32, #tpu.memory_space<hbm>> -> memref<10080xf32, #tpu.memory_space<hbm>>
        %dma_start3A_33 = tpu.memref_slice %arg4[%mul3A_14] : memref<80640xf32, #tpu.memory_space<hbm>> -> memref<10080xf32, #tpu.memory_space<hbm>>
        tpu.enqueue_dma source(%dma_start3A_33 : memref<10080xf32, #tpu.memory_space<hbm>>) target(%arg12 : memref<10080xf32, #tpu.memory_space<vmem>>) target_semaphore(%run_scoped3A : memref<!tpu.dma_semaphore, #tpu.memory_space<semaphore_mem>>)
        %dma_wait3A = tpu.memref_slice %arg4[%mul3A_14] : memref<80640xf32, #tpu.memory_space<hbm>> -> memref<10080xf32, #tpu.memory_space<hbm>>
        %dma_wait3A_34 = tpu.memref_slice %arg4[%mul3A_14] : memref<80640xf32, #tpu.memory_space<hbm>> -> memref<10080xf32, #tpu.memory_space<hbm>>
        tpu.wait_dma2 semaphore(%run_scoped3A : memref<!tpu.dma_semaphore, #tpu.memory_space<semaphore_mem>>) src(%dma_wait3A_34 : memref<10080xf32, #tpu.memory_space<hbm>>) dst(%arg12 : memref<10080xf32, #tpu.memory_space<vmem>>)
        tpu.yield
      }) : () -> ()
      %mul3A_15 = arith.constant 630 : i32
      %mul3A_16 = arith.muli %arg1, %mul3A_15 : i32
      %mul3A_17 = arith.constant 630 : i32
      %mul3A_18 = arith.muli %arg1, %mul3A_17 : i32
      "tpu.region"() ({
        %run_scoped3A = tpu.sem_alloc : memref<!tpu.dma_semaphore, #tpu.memory_space<semaphore_mem>>
        %dma_start3A = arith.constant 0 : i32
        %dma_start3A_33 = tpu.memref_slice %arg14[%mul3A_18, %dma_start3A] : memref<10080x144xf32, #tpu.memory_space<vmem_shared>> -> memref<630x144xf32, #tpu.memory_space<vmem_shared>>
        %dma_start3A_34 = arith.constant 0 : i32
        %dma_start3A_35 = tpu.memref_slice %arg6[%mul3A_16, %dma_start3A_34] : memref<10080x144xf32, #tpu.memory_space<hbm>> -> memref<630x144xf32, #tpu.memory_space<hbm>>
        tpu.enqueue_dma source(%dma_start3A_35 : memref<630x144xf32, #tpu.memory_space<hbm>>) target(%dma_start3A_33 : memref<630x144xf32, #tpu.memory_space<vmem_shared>>) target_semaphore(%run_scoped3A : memref<!tpu.dma_semaphore, #tpu.memory_space<semaphore_mem>>)
        %dma_wait3A = arith.constant 0 : i32
        %dma_wait3A_36 = tpu.memref_slice %arg14[%mul3A_18, %dma_wait3A] : memref<10080x144xf32, #tpu.memory_space<vmem_shared>> -> memref<630x144xf32, #tpu.memory_space<vmem_shared>>
        %dma_wait3A_37 = arith.constant 0 : i32
        %dma_wait3A_38 = tpu.memref_slice %arg6[%mul3A_16, %dma_wait3A_37] : memref<10080x144xf32, #tpu.memory_space<hbm>> -> memref<630x144xf32, #tpu.memory_space<hbm>>
        tpu.wait_dma2 semaphore(%run_scoped3A : memref<!tpu.dma_semaphore, #tpu.memory_space<semaphore_mem>>) src(%dma_wait3A_38 : memref<630x144xf32, #tpu.memory_space<hbm>>) dst(%dma_wait3A_36 : memref<630x144xf32, #tpu.memory_space<vmem_shared>>)
        tpu.yield
      }) : () -> ()
      %barrier3A = arith.constant 0 : index
      tpu.barrier barrier_id(%barrier3A)
      %scan3A_19 = arith.constant 0 : i32
      %scan3A_20 = arith.constant 0 : i32
      %scan3A_21 = arith.constant 42 : i32
      %scan3A_22 = arith.addi %scan3A_20, %scan3A_21 : i32
      %scan3A_23 = arith.constant 1 : i32
      %scan3A_24 = scf.for %scan3A_33 = %scan3A_20 to %scan3A_22 step %scan3A_23 iter_args(%scan3A_34 = %scan3A_19) -> (i32)  : i32 {
        %mul3A_35 = arith.constant 5376 : i32
        %mul3A_36 = arith.muli %add3A, %mul3A_35 : i32
        %mul3A_37 = arith.constant 128 : i32
        %mul3A_38 = arith.muli %scan3A_33, %mul3A_37 : i32
        %add3A_39 = arith.addi %mul3A_36, %mul3A_38 : i32
        "tpu.region"() ({
          %run_scoped3A = tpu.sem_alloc : memref<!tpu.dma_semaphore, #tpu.memory_space<semaphore_mem>>
          %dma_start3A_61 = tpu.memref_slice %arg2[%add3A_39] : memref<172032xi32, #tpu.memory_space<hbm>> -> memref<128xi32, #tpu.memory_space<hbm>>
          %dma_start3A_62 = tpu.memref_slice %arg2[%add3A_39] : memref<172032xi32, #tpu.memory_space<hbm>> -> memref<128xi32, #tpu.memory_space<hbm>>
          tpu.enqueue_dma source(%dma_start3A_62 : memref<128xi32, #tpu.memory_space<hbm>>) target(%arg8 : memref<128xi32, #tpu.memory_space<vmem>>) target_semaphore(%run_scoped3A : memref<!tpu.dma_semaphore, #tpu.memory_space<semaphore_mem>>)
          %dma_wait3A_63 = tpu.memref_slice %arg2[%add3A_39] : memref<172032xi32, #tpu.memory_space<hbm>> -> memref<128xi32, #tpu.memory_space<hbm>>
          %dma_wait3A_64 = tpu.memref_slice %arg2[%add3A_39] : memref<172032xi32, #tpu.memory_space<hbm>> -> memref<128xi32, #tpu.memory_space<hbm>>
          tpu.wait_dma2 semaphore(%run_scoped3A : memref<!tpu.dma_semaphore, #tpu.memory_space<semaphore_mem>>) src(%dma_wait3A_64 : memref<128xi32, #tpu.memory_space<hbm>>) dst(%arg8 : memref<128xi32, #tpu.memory_space<vmem>>)
          tpu.yield
        }) : () -> ()
        "tpu.region"() ({
          %run_scoped3A = tpu.sem_alloc : memref<!tpu.dma_semaphore, #tpu.memory_space<semaphore_mem>>
          %dma_start3A_61 = tpu.memref_slice %arg3[%add3A_39] : memref<172032xi32, #tpu.memory_space<hbm>> -> memref<128xi32, #tpu.memory_space<hbm>>
          %dma_start3A_62 = tpu.memref_slice %arg3[%add3A_39] : memref<172032xi32, #tpu.memory_space<hbm>> -> memref<128xi32, #tpu.memory_space<hbm>>
          tpu.enqueue_dma source(%dma_start3A_62 : memref<128xi32, #tpu.memory_space<hbm>>) target(%arg10 : memref<128xi32, #tpu.memory_space<vmem>>) target_semaphore(%run_scoped3A : memref<!tpu.dma_semaphore, #tpu.memory_space<semaphore_mem>>)
          %dma_wait3A_63 = tpu.memref_slice %arg3[%add3A_39] : memref<172032xi32, #tpu.memory_space<hbm>> -> memref<128xi32, #tpu.memory_space<hbm>>
          %dma_wait3A_64 = tpu.memref_slice %arg3[%add3A_39] : memref<172032xi32, #tpu.memory_space<hbm>> -> memref<128xi32, #tpu.memory_space<hbm>>
          tpu.wait_dma2 semaphore(%run_scoped3A : memref<!tpu.dma_semaphore, #tpu.memory_space<semaphore_mem>>) src(%dma_wait3A_64 : memref<128xi32, #tpu.memory_space<hbm>>) dst(%arg10 : memref<128xi32, #tpu.memory_space<vmem>>)
          tpu.yield
        }) : () -> ()
        %mul3A_40 = arith.constant 10080 : i32
        %mul3A_41 = arith.muli %scan3A_7, %mul3A_40 : i32
        %scan3A_42 = arith.constant 0 : i32
        %scan3A_43 = arith.constant 0 : i32
        %scan3A_44 = arith.constant 8 : i32
        %scan3A_45 = arith.addi %scan3A_43, %scan3A_44 : i32
        %scan3A_46 = arith.constant 1 : i32
        %scan3A_47 = scf.for %scan3A_61 = %scan3A_43 to %scan3A_45 step %scan3A_46 iter_args(%scan3A_62 = %scan3A_42) -> (i32)  : i32 {
          %mul3A_63 = arith.constant 16 : i32
          %mul3A_64 = arith.muli %scan3A_61, %mul3A_63 : i32
          %get3A = arith.index_cast %mul3A_64 : i32 to index
          %get3A_65 = tpu.vector_load %arg8[%get3A] {strides = array<i32>} : memref<128xi32, #tpu.memory_space<vmem>>, vector<16xi32>,
          %add3A_66 = vector.broadcast %mul3A_41 : i32 to vector<16xi32>
          %add3A_67 = arith.addi %get3A_65, %add3A_66 : vector<16xi32>
          %swap3A = arith.index_cast %mul3A_64 : i32 to index
          %swap3A_68 = tpu.vector_load %arg9[%swap3A] {strides = array<i32>} : memref<128xi32, #tpu.memory_space<vmem>>, vector<16xi32>,
          tpu.vector_store %arg9[%swap3A], %add3A_67 {strides = array<i32>} : memref<128xi32, #tpu.memory_space<vmem>>, vector<16xi32>,
          %scan3A_69 = arith.constant 0 : i32
          scf.yield %scan3A_69 : i32
        }
        %scan3A_48 = arith.constant 8 : i32
        %dma_start3A = arith.constant 0 : i32
        %dma_start3A_49 = arith.constant 0 : i32
        %dma_start3A_50 = tpu.memref_slice %arg5[%dma_start3A, %dma_start3A_49] : memref<40320x144xf32, #tpu.memory_space<hbm>> -> memref<40320x144xf32, #tpu.memory_space<hbm>>
        tpu.enqueue_indirect_dma source(%dma_start3A_50 : memref<40320x144xf32, #tpu.memory_space<hbm>>) target(%arg13 : memref<128x144xf32, #tpu.memory_space<vmem>>) offsets(%arg9 : memref<128xi32, #tpu.memory_space<vmem>>) semaphore(%arg15 : memref<!tpu.dma_semaphore, #tpu.memory_space<semaphore_mem>>)
        %dma_wait3A = arith.constant 0 : i32
        %dma_wait3A_51 = arith.constant 0 : i32
        %dma_wait3A_52 = tpu.memref_slice %arg5[%dma_wait3A, %dma_wait3A_51] : memref<40320x144xf32, #tpu.memory_space<hbm>> -> memref<40320x144xf32, #tpu.memory_space<hbm>>
        tpu.wait_indirect_dma semaphore(%arg15 : memref<!tpu.dma_semaphore, #tpu.memory_space<semaphore_mem>>) src(%dma_wait3A_52 : memref<40320x144xf32, #tpu.memory_space<hbm>>) dst(%arg13 : memref<128x144xf32, #tpu.memory_space<vmem>>)
        %scan3A_53 = arith.constant 0 : i32
        %scan3A_54 = arith.constant 0 : i32
        %scan3A_55 = arith.constant 8 : i32
        %scan3A_56 = arith.addi %scan3A_54, %scan3A_55 : i32
        %scan3A_57 = arith.constant 1 : i32
        %scan3A_58 = scf.for %scan3A_61 = %scan3A_54 to %scan3A_56 step %scan3A_57 iter_args(%scan3A_62 = %scan3A_53) -> (i32)  : i32 {
          %mul3A_63 = arith.constant 16 : i32
          %mul3A_64 = arith.muli %scan3A_61, %mul3A_63 : i32
          %get3A = arith.index_cast %mul3A_64 : i32 to index
          %get3A_65 = tpu.vector_load %arg8[%get3A] {strides = array<i32>} : memref<128xi32, #tpu.memory_space<vmem>>, vector<16xi32>,
          %mul3A_66 = arith.constant 16 : i32
          %mul3A_67 = arith.muli %scan3A_61, %mul3A_66 : i32
          %get3A_68 = arith.index_cast %mul3A_67 : i32 to index
          %get3A_69 = tpu.vector_load %arg10[%get3A_68] {strides = array<i32>} : memref<128xi32, #tpu.memory_space<vmem>>, vector<16xi32>,
          %gather3A = tpu.vector_load_idx %arg11[%get3A_65] : memref<10080xf32, #tpu.memory_space<vmem>>[vector<16xi32>], vector<16xf32>,
          %gather3A_70 = tpu.vector_load_idx %arg12[%get3A_69] : memref<10080xf32, #tpu.memory_space<vmem>>[vector<16xi32>], vector<16xf32>,
          %add3A_71 = arith.addf %gather3A, %gather3A_70 : vector<16xf32>
          %ge3A = arith.constant 0.000000e+00 : f32
          %ge3A_72 = vector.broadcast %ge3A : f32 to vector<16xf32>
          %ge3A_73 = arith.cmpf oge, %add3A_71, %ge3A_72 : vector<16xf32>
          %mul3A_74 = arith.constant 2.000000e-01 : f32
          %mul3A_75 = vector.broadcast %mul3A_74 : f32 to vector<16xf32>
          %mul3A_76 = arith.mulf %add3A_71, %mul3A_75 : vector<16xf32>
          %select_n3A = arith.select %ge3A_73, %add3A_71, %mul3A_76 : vector<16xi1>, vector<16xf32>
          %exp3A = math.exp %select_n3A : vector<16xf32>
          %slice3A = vector.extract_strided_slice %exp3A {offsets = [0], sizes = [1], strides = [1]} : vector<16xf32> to vector<1xf32>
          %squeeze3A = vector.extract %slice3A[0] : f32 from vector<1xf32>
          %broadcast_in_dim3A = vector.broadcast %squeeze3A : f32 to vector<16xf32>
          %mul3A_77 = arith.constant 16 : i32
          %mul3A_78 = arith.muli %scan3A_61, %mul3A_77 : i32
          %add3A_79 = arith.constant 0 : i32
          %add3A_80 = arith.addi %mul3A_78, %add3A_79 : i32
          %get3A_81 = arith.index_cast %add3A_80 : i32 to index
          %get3A_82 = arith.constant 0 : index
          %get3A_83 = tpu.vector_load %arg13[%get3A_81, %get3A_82] {strides = array<i32>} : memref<128x144xf32, #tpu.memory_space<vmem>>, vector<16xf32>,
          %mul3A_84 = arith.mulf %get3A_83, %broadcast_in_dim3A : vector<16xf32>
          %swap3A = arith.index_cast %add3A_80 : i32 to index
          %swap3A_85 = arith.constant 0 : index
          %swap3A_86 = tpu.vector_load %arg13[%swap3A, %swap3A_85] {strides = array<i32>} : memref<128x144xf32, #tpu.memory_space<vmem>>, vector<16xf32>,
          tpu.vector_store %arg13[%swap3A, %swap3A_85], %mul3A_84 {strides = array<i32>} : memref<128x144xf32, #tpu.memory_space<vmem>>, vector<16xf32>,
          %get3A_87 = arith.index_cast %add3A_80 : i32 to index
          %get3A_88 = arith.constant 16 : index
          %get3A_89 = tpu.vector_load %arg13[%get3A_87, %get3A_88] {strides = array<i32>} : memref<128x144xf32, #tpu.memory_space<vmem>>, vector<16xf32>,
          %mul3A_90 = arith.mulf %get3A_89, %broadcast_in_dim3A : vector<16xf32>
          %swap3A_91 = arith.index_cast %add3A_80 : i32 to index
          %swap3A_92 = arith.constant 16 : index
          %swap3A_93 = tpu.vector_load %arg13[%swap3A_91, %swap3A_92] {strides = array<i32>} : memref<128x144xf32, #tpu.memory_space<vmem>>, vector<16xf32>,
          tpu.vector_store %arg13[%swap3A_91, %swap3A_92], %mul3A_90 {strides = array<i32>} : memref<128x144xf32, #tpu.memory_space<vmem>>, vector<16xf32>,
          %get3A_94 = arith.index_cast %add3A_80 : i32 to index
          %get3A_95 = arith.constant 32 : index
          %get3A_96 = tpu.vector_load %arg13[%get3A_94, %get3A_95] {strides = array<i32>} : memref<128x144xf32, #tpu.memory_space<vmem>>, vector<16xf32>,
          %mul3A_97 = arith.mulf %get3A_96, %broadcast_in_dim3A : vector<16xf32>
          %swap3A_98 = arith.index_cast %add3A_80 : i32 to index
          %swap3A_99 = arith.constant 32 : index
          %swap3A_100 = tpu.vector_load %arg13[%swap3A_98, %swap3A_99] {strides = array<i32>} : memref<128x144xf32, #tpu.memory_space<vmem>>, vector<16xf32>,
          tpu.vector_store %arg13[%swap3A_98, %swap3A_99], %mul3A_97 {strides = array<i32>} : memref<128x144xf32, #tpu.memory_space<vmem>>, vector<16xf32>,
          %get3A_101 = arith.index_cast %add3A_80 : i32 to index
          %get3A_102 = arith.constant 48 : index
          %get3A_103 = tpu.vector_load %arg13[%get3A_101, %get3A_102] {strides = array<i32>} : memref<128x144xf32, #tpu.memory_space<vmem>>, vector<16xf32>,
          %mul3A_104 = arith.mulf %get3A_103, %broadcast_in_dim3A : vector<16xf32>
          %swap3A_105 = arith.index_cast %add3A_80 : i32 to index
          %swap3A_106 = arith.constant 48 : index
          %swap3A_107 = tpu.vector_load %arg13[%swap3A_105, %swap3A_106] {strides = array<i32>} : memref<128x144xf32, #tpu.memory_space<vmem>>, vector<16xf32>,
          tpu.vector_store %arg13[%swap3A_105, %swap3A_106], %mul3A_104 {strides = array<i32>} : memref<128x144xf32, #tpu.memory_space<vmem>>, vector<16xf32>,
          %get3A_108 = arith.index_cast %add3A_80 : i32 to index
          %get3A_109 = arith.constant 64 : index
          %get3A_110 = tpu.vector_load %arg13[%get3A_108, %get3A_109] {strides = array<i32>} : memref<128x144xf32, #tpu.memory_space<vmem>>, vector<16xf32>,
          %mul3A_111 = arith.mulf %get3A_110, %broadcast_in_dim3A : vector<16xf32>
          %swap3A_112 = arith.index_cast %add3A_80 : i32 to index
          %swap3A_113 = arith.constant 64 : index
          %swap3A_114 = tpu.vector_load %arg13[%swap3A_112, %swap3A_113] {strides = array<i32>} : memref<128x144xf32, #tpu.memory_space<vmem>>, vector<16xf32>,
          tpu.vector_store %arg13[%swap3A_112, %swap3A_113], %mul3A_111 {strides = array<i32>} : memref<128x144xf32, #tpu.memory_space<vmem>>, vector<16xf32>,
          %get3A_115 = arith.index_cast %add3A_80 : i32 to index
          %get3A_116 = arith.constant 80 : index
          %get3A_117 = tpu.vector_load %arg13[%get3A_115, %get3A_116] {strides = array<i32>} : memref<128x144xf32, #tpu.memory_space<vmem>>, vector<16xf32>,
          %mul3A_118 = arith.mulf %get3A_117, %broadcast_in_dim3A : vector<16xf32>
          %swap3A_119 = arith.index_cast %add3A_80 : i32 to index
          %swap3A_120 = arith.constant 80 : index
          %swap3A_121 = tpu.vector_load %arg13[%swap3A_119, %swap3A_120] {strides = array<i32>} : memref<128x144xf32, #tpu.memory_space<vmem>>, vector<16xf32>,
          tpu.vector_store %arg13[%swap3A_119, %swap3A_120], %mul3A_118 {strides = array<i32>} : memref<128x144xf32, #tpu.memory_space<vmem>>, vector<16xf32>,
          %get3A_122 = arith.index_cast %add3A_80 : i32 to index
          %get3A_123 = arith.constant 96 : index
          %get3A_124 = tpu.vector_load %arg13[%get3A_122, %get3A_123] {strides = array<i32>} : memref<128x144xf32, #tpu.memory_space<vmem>>, vector<16xf32>,
          %mul3A_125 = arith.mulf %get3A_124, %broadcast_in_dim3A : vector<16xf32>
          %swap3A_126 = arith.index_cast %add3A_80 : i32 to index
          %swap3A_127 = arith.constant 96 : index
          %swap3A_128 = tpu.vector_load %arg13[%swap3A_126, %swap3A_127] {strides = array<i32>} : memref<128x144xf32, #tpu.memory_space<vmem>>, vector<16xf32>,
          tpu.vector_store %arg13[%swap3A_126, %swap3A_127], %mul3A_125 {strides = array<i32>} : memref<128x144xf32, #tpu.memory_space<vmem>>, vector<16xf32>,
          %get3A_129 = arith.index_cast %add3A_80 : i32 to index
          %get3A_130 = arith.constant 112 : index
          %get3A_131 = tpu.vector_load %arg13[%get3A_129, %get3A_130] {strides = array<i32>} : memref<128x144xf32, #tpu.memory_space<vmem>>, vector<16xf32>,
          %mul3A_132 = arith.mulf %get3A_131, %broadcast_in_dim3A : vector<16xf32>
          %swap3A_133 = arith.index_cast %add3A_80 : i32 to index
          %swap3A_134 = arith.constant 112 : index
          %swap3A_135 = tpu.vector_load %arg13[%swap3A_133, %swap3A_134] {strides = array<i32>} : memref<128x144xf32, #tpu.memory_space<vmem>>, vector<16xf32>,
          tpu.vector_store %arg13[%swap3A_133, %swap3A_134], %mul3A_132 {strides = array<i32>} : memref<128x144xf32, #tpu.memory_space<vmem>>, vector<16xf32>,
          %get3A_136 = arith.index_cast %add3A_80 : i32 to index
          %get3A_137 = arith.constant 128 : index
          %get3A_138 = tpu.vector_load %arg13[%get3A_136, %get3A_137] {strides = array<i32>} : memref<128x144xf32, #tpu.memory_space<vmem>>, vector<16xf32>,
          %mul3A_139 = arith.mulf %get3A_138, %broadcast_in_dim3A : vector<16xf32>
          %swap3A_140 = arith.index_cast %add3A_80 : i32 to index
          %swap3A_141 = arith.constant 128 : index
          %swap3A_142 = tpu.vector_load %arg13[%swap3A_140, %swap3A_141] {strides = array<i32>} : memref<128x144xf32, #tpu.memory_space<vmem>>, vector<16xf32>,
          tpu.vector_store %arg13[%swap3A_140, %swap3A_141], %mul3A_139 {strides = array<i32>} : memref<128x144xf32, #tpu.memory_space<vmem>>, vector<16xf32>,
          %slice3A_143 = vector.extract_strided_slice %exp3A {offsets = [1], sizes = [1], strides = [1]} : vector<16xf32> to vector<1xf32>
          %squeeze3A_144 = vector.extract %slice3A_143[0] : f32 from vector<1xf32>
          %broadcast_in_dim3A_145 = vector.broadcast %squeeze3A_144 : f32 to vector<16xf32>
          %mul3A_146 = arith.constant 16 : i32
          %mul3A_147 = arith.muli %scan3A_61, %mul3A_146 : i32
          %add3A_148 = arith.constant 1 : i32
          %add3A_149 = arith.addi %mul3A_147, %add3A_148 : i32
          %get3A_150 = arith.index_cast %add3A_149 : i32 to index
          %get3A_151 = arith.constant 0 : index
          %get3A_152 = tpu.vector_load %arg13[%get3A_150, %get3A_151] {strides = array<i32>} : memref<128x144xf32, #tpu.memory_space<vmem>>, vector<16xf32>,
          %mul3A_153 = arith.mulf %get3A_152, %broadcast_in_dim3A_145 : vector<16xf32>
          %swap3A_154 = arith.index_cast %add3A_149 : i32 to index
          %swap3A_155 = arith.constant 0 : index
          %swap3A_156 = tpu.vector_load %arg13[%swap3A_154, %swap3A_155] {strides = array<i32>} : memref<128x144xf32, #tpu.memory_space<vmem>>, vector<16xf32>,
          tpu.vector_store %arg13[%swap3A_154, %swap3A_155], %mul3A_153 {strides = array<i32>} : memref<128x144xf32, #tpu.memory_space<vmem>>, vector<16xf32>,
          %get3A_157 = arith.index_cast %add3A_149 : i32 to index
          %get3A_158 = arith.constant 16 : index
          %get3A_159 = tpu.vector_load %arg13[%get3A_157, %get3A_158] {strides = array<i32>} : memref<128x144xf32, #tpu.memory_space<vmem>>, vector<16xf32>,
          %mul3A_160 = arith.mulf %get3A_159, %broadcast_in_dim3A_145 : vector<16xf32>
          %swap3A_161 = arith.index_cast %add3A_149 : i32 to index
          %swap3A_162 = arith.constant 16 : index
          %swap3A_163 = tpu.vector_load %arg13[%swap3A_161, %swap3A_162] {strides = array<i32>} : memref<128x144xf32, #tpu.memory_space<vmem>>, vector<16xf32>,
          tpu.vector_store %arg13[%swap3A_161, %swap3A_162], %mul3A_160 {strides = array<i32>} : memref<128x144xf32, #tpu.memory_space<vmem>>, vector<16xf32>,
          %get3A_164 = arith.index_cast %add3A_149 : i32 to index
          %get3A_165 = arith.constant 32 : index
          %get3A_166 = tpu.vector_load %arg13[%get3A_164, %get3A_165] {strides = array<i32>} : memref<128x144xf32, #tpu.memory_space<vmem>>, vector<16xf32>,
          %mul3A_167 = arith.mulf %get3A_166, %broadcast_in_dim3A_145 : vector<16xf32>
          %swap3A_168 = arith.index_cast %add3A_149 : i32 to index
          %swap3A_169 = arith.constant 32 : index
          %swap3A_170 = tpu.vector_load %arg13[%swap3A_168, %swap3A_169] {strides = array<i32>} : memref<128x144xf32, #tpu.memory_space<vmem>>, vector<16xf32>,
          tpu.vector_store %arg13[%swap3A_168, %swap3A_169], %mul3A_167 {strides = array<i32>} : memref<128x144xf32, #tpu.memory_space<vmem>>, vector<16xf32>,
          %get3A_171 = arith.index_cast %add3A_149 : i32 to index
          %get3A_172 = arith.constant 48 : index
          %get3A_173 = tpu.vector_load %arg13[%get3A_171, %get3A_172] {strides = array<i32>} : memref<128x144xf32, #tpu.memory_space<vmem>>, vector<16xf32>,
          %mul3A_174 = arith.mulf %get3A_173, %broadcast_in_dim3A_145 : vector<16xf32>
          %swap3A_175 = arith.index_cast %add3A_149 : i32 to index
          %swap3A_176 = arith.constant 48 : index
          %swap3A_177 = tpu.vector_load %arg13[%swap3A_175, %swap3A_176] {strides = array<i32>} : memref<128x144xf32, #tpu.memory_space<vmem>>, vector<16xf32>,
          tpu.vector_store %arg13[%swap3A_175, %swap3A_176], %mul3A_174 {strides = array<i32>} : memref<128x144xf32, #tpu.memory_space<vmem>>, vector<16xf32>,
          %get3A_178 = arith.index_cast %add3A_149 : i32 to index
          %get3A_179 = arith.constant 64 : index
          %get3A_180 = tpu.vector_load %arg13[%get3A_178, %get3A_179] {strides = array<i32>} : memref<128x144xf32, #tpu.memory_space<vmem>>, vector<16xf32>,
          %mul3A_181 = arith.mulf %get3A_180, %broadcast_in_dim3A_145 : vector<16xf32>
          %swap3A_182 = arith.index_cast %add3A_149 : i32 to index
          %swap3A_183 = arith.constant 64 : index
          %swap3A_184 = tpu.vector_load %arg13[%swap3A_182, %swap3A_183] {strides = array<i32>} : memref<128x144xf32, #tpu.memory_space<vmem>>, vector<16xf32>,
          tpu.vector_store %arg13[%swap3A_182, %swap3A_183], %mul3A_181 {strides = array<i32>} : memref<128x144xf32, #tpu.memory_space<vmem>>, vector<16xf32>,
          %get3A_185 = arith.index_cast %add3A_149 : i32 to index
          %get3A_186 = arith.constant 80 : index
          %get3A_187 = tpu.vector_load %arg13[%get3A_185, %get3A_186] {strides = array<i32>} : memref<128x144xf32, #tpu.memory_space<vmem>>, vector<16xf32>,
          %mul3A_188 = arith.mulf %get3A_187, %broadcast_in_dim3A_145 : vector<16xf32>
          %swap3A_189 = arith.index_cast %add3A_149 : i32 to index
          %swap3A_190 = arith.constant 80 : index
          %swap3A_191 = tpu.vector_load %arg13[%swap3A_189, %swap3A_190] {strides = array<i32>} : memref<128x144xf32, #tpu.memory_space<vmem>>, vector<16xf32>,
          tpu.vector_store %arg13[%swap3A_189, %swap3A_190], %mul3A_188 {strides = array<i32>} : memref<128x144xf32, #tpu.memory_space<vmem>>, vector<16xf32>,
          %get3A_192 = arith.index_cast %add3A_149 : i32 to index
          %get3A_193 = arith.constant 96 : index
          %get3A_194 = tpu.vector_load %arg13[%get3A_192, %get3A_193] {strides = array<i32>} : memref<128x144xf32, #tpu.memory_space<vmem>>, vector<16xf32>,
          %mul3A_195 = arith.mulf %get3A_194, %broadcast_in_dim3A_145 : vector<16xf32>
          %swap3A_196 = arith.index_cast %add3A_149 : i32 to index
          %swap3A_197 = arith.constant 96 : index
          %swap3A_198 = tpu.vector_load %arg13[%swap3A_196, %swap3A_197] {strides = array<i32>} : memref<128x144xf32, #tpu.memory_space<vmem>>, vector<16xf32>,
          tpu.vector_store %arg13[%swap3A_196, %swap3A_197], %mul3A_195 {strides = array<i32>} : memref<128x144xf32, #tpu.memory_space<vmem>>, vector<16xf32>,
          %get3A_199 = arith.index_cast %add3A_149 : i32 to index
          %get3A_200 = arith.constant 112 : index
          %get3A_201 = tpu.vector_load %arg13[%get3A_199, %get3A_200] {strides = array<i32>} : memref<128x144xf32, #tpu.memory_space<vmem>>, vector<16xf32>,
          %mul3A_202 = arith.mulf %get3A_201, %broadcast_in_dim3A_145 : vector<16xf32>
          %swap3A_203 = arith.index_cast %add3A_149 : i32 to index
          %swap3A_204 = arith.constant 112 : index
          %swap3A_205 = tpu.vector_load %arg13[%swap3A_203, %swap3A_204] {strides = array<i32>} : memref<128x144xf32, #tpu.memory_space<vmem>>, vector<16xf32>,
          tpu.vector_store %arg13[%swap3A_203, %swap3A_204], %mul3A_202 {strides = array<i32>} : memref<128x144xf32, #tpu.memory_space<vmem>>, vector<16xf32>,
          %get3A_206 = arith.index_cast %add3A_149 : i32 to index
          %get3A_207 = arith.constant 128 : index
          %get3A_208 = tpu.vector_load %arg13[%get3A_206, %get3A_207] {strides = array<i32>} : memref<128x144xf32, #tpu.memory_space<vmem>>, vector<16xf32>,
          %mul3A_209 = arith.mulf %get3A_208, %broadcast_in_dim3A_145 : vector<16xf32>
          %swap3A_210 = arith.index_cast %add3A_149 : i32 to index
          %swap3A_211 = arith.constant 128 : index
          %swap3A_212 = tpu.vector_load %arg13[%swap3A_210, %swap3A_211] {strides = array<i32>} : memref<128x144xf32, #tpu.memory_space<vmem>>, vector<16xf32>,
          tpu.vector_store %arg13[%swap3A_210, %swap3A_211], %mul3A_209 {strides = array<i32>} : memref<128x144xf32, #tpu.memory_space<vmem>>, vector<16xf32>,
          %slice3A_213 = vector.extract_strided_slice %exp3A {offsets = [2], sizes = [1], strides = [1]} : vector<16xf32> to vector<1xf32>
          %squeeze3A_214 = vector.extract %slice3A_213[0] : f32 from vector<1xf32>
          %broadcast_in_dim3A_215 = vector.broadcast %squeeze3A_214 : f32 to vector<16xf32>
          %mul3A_216 = arith.constant 16 : i32
          %mul3A_217 = arith.muli %scan3A_61, %mul3A_216 : i32
          %add3A_218 = arith.constant 2 : i32
          %add3A_219 = arith.addi %mul3A_217, %add3A_218 : i32
          %get3A_220 = arith.index_cast %add3A_219 : i32 to index
          %get3A_221 = arith.constant 0 : index
          %get3A_222 = tpu.vector_load %arg13[%get3A_220, %get3A_221] {strides = array<i32>} : memref<128x144xf32, #tpu.memory_space<vmem>>, vector<16xf32>,
          %mul3A_223 = arith.mulf %get3A_222, %broadcast_in_dim3A_215 : vector<16xf32>
          %swap3A_224 = arith.index_cast %add3A_219 : i32 to index
          %swap3A_225 = arith.constant 0 : index
          %swap3A_226 = tpu.vector_load %arg13[%swap3A_224, %swap3A_225] {strides = array<i32>} : memref<128x144xf32, #tpu.memory_space<vmem>>, vector<16xf32>,
          tpu.vector_store %arg13[%swap3A_224, %swap3A_225], %mul3A_223 {strides = array<i32>} : memref<128x144xf32, #tpu.memory_space<vmem>>, vector<16xf32>,
          %get3A_227 = arith.index_cast %add3A_219 : i32 to index
          %get3A_228 = arith.constant 16 : index
          %get3A_229 = tpu.vector_load %arg13[%get3A_227, %get3A_228] {strides = array<i32>} : memref<128x144xf32, #tpu.memory_space<vmem>>, vector<16xf32>,
          %mul3A_230 = arith.mulf %get3A_229, %broadcast_in_dim3A_215 : vector<16xf32>
          %swap3A_231 = arith.index_cast %add3A_219 : i32 to index
          %swap3A_232 = arith.constant 16 : index
          %swap3A_233 = tpu.vector_load %arg13[%swap3A_231, %swap3A_232] {strides = array<i32>} : memref<128x144xf32, #tpu.memory_space<vmem>>, vector<16xf32>,
          tpu.vector_store %arg13[%swap3A_231, %swap3A_232], %mul3A_230 {strides = array<i32>} : memref<128x144xf32, #tpu.memory_space<vmem>>, vector<16xf32>,
          %get3A_234 = arith.index_cast %add3A_219 : i32 to index
          %get3A_235 = arith.constant 32 : index
          %get3A_236 = tpu.vector_load %arg13[%get3A_234, %get3A_235] {strides = array<i32>} : memref<128x144xf32, #tpu.memory_space<vmem>>, vector<16xf32>,
          %mul3A_237 = arith.mulf %get3A_236, %broadcast_in_dim3A_215 : vector<16xf32>
          %swap3A_238 = arith.index_cast %add3A_219 : i32 to index
          %swap3A_239 = arith.constant 32 : index
          %swap3A_240 = tpu.vector_load %arg13[%swap3A_238, %swap3A_239] {strides = array<i32>} : memref<128x144xf32, #tpu.memory_space<vmem>>, vector<16xf32>,
          tpu.vector_store %arg13[%swap3A_238, %swap3A_239], %mul3A_237 {strides = array<i32>} : memref<128x144xf32, #tpu.memory_space<vmem>>, vector<16xf32>,
          %get3A_241 = arith.index_cast %add3A_219 : i32 to index
          %get3A_242 = arith.constant 48 : index
          %get3A_243 = tpu.vector_load %arg13[%get3A_241, %get3A_242] {strides = array<i32>} : memref<128x144xf32, #tpu.memory_space<vmem>>, vector<16xf32>,
          %mul3A_244 = arith.mulf %get3A_243, %broadcast_in_dim3A_215 : vector<16xf32>
          %swap3A_245 = arith.index_cast %add3A_219 : i32 to index
          %swap3A_246 = arith.constant 48 : index
          %swap3A_247 = tpu.vector_load %arg13[%swap3A_245, %swap3A_246] {strides = array<i32>} : memref<128x144xf32, #tpu.memory_space<vmem>>, vector<16xf32>,
          tpu.vector_store %arg13[%swap3A_245, %swap3A_246], %mul3A_244 {strides = array<i32>} : memref<128x144xf32, #tpu.memory_space<vmem>>, vector<16xf32>,
          %get3A_248 = arith.index_cast %add3A_219 : i32 to index
          %get3A_249 = arith.constant 64 : index
          %get3A_250 = tpu.vector_load %arg13[%get3A_248, %get3A_249] {strides = array<i32>} : memref<128x144xf32, #tpu.memory_space<vmem>>, vector<16xf32>,
          %mul3A_251 = arith.mulf %get3A_250, %broadcast_in_dim3A_215 : vector<16xf32>
          %swap3A_252 = arith.index_cast %add3A_219 : i32 to index
          %swap3A_253 = arith.constant 64 : index
          %swap3A_254 = tpu.vector_load %arg13[%swap3A_252, %swap3A_253] {strides = array<i32>} : memref<128x144xf32, #tpu.memory_space<vmem>>, vector<16xf32>,
          tpu.vector_store %arg13[%swap3A_252, %swap3A_253], %mul3A_251 {strides = array<i32>} : memref<128x144xf32, #tpu.memory_space<vmem>>, vector<16xf32>,
          %get3A_255 = arith.index_cast %add3A_219 : i32 to index
          %get3A_256 = arith.constant 80 : index
          %get3A_257 = tpu.vector_load %arg13[%get3A_255, %get3A_256] {strides = array<i32>} : memref<128x144xf32, #tpu.memory_space<vmem>>, vector<16xf32>,
          %mul3A_258 = arith.mulf %get3A_257, %broadcast_in_dim3A_215 : vector<16xf32>
          %swap3A_259 = arith.index_cast %add3A_219 : i32 to index
          %swap3A_260 = arith.constant 80 : index
          %swap3A_261 = tpu.vector_load %arg13[%swap3A_259, %swap3A_260] {strides = array<i32>} : memref<128x144xf32, #tpu.memory_space<vmem>>, vector<16xf32>,
          tpu.vector_store %arg13[%swap3A_259, %swap3A_260], %mul3A_258 {strides = array<i32>} : memref<128x144xf32, #tpu.memory_space<vmem>>, vector<16xf32>,
          %get3A_262 = arith.index_cast %add3A_219 : i32 to index
          %get3A_263 = arith.constant 96 : index
          %get3A_264 = tpu.vector_load %arg13[%get3A_262, %get3A_263] {strides = array<i32>} : memref<128x144xf32, #tpu.memory_space<vmem>>, vector<16xf32>,
          %mul3A_265 = arith.mulf %get3A_264, %broadcast_in_dim3A_215 : vector<16xf32>
          %swap3A_266 = arith.index_cast %add3A_219 : i32 to index
          %swap3A_267 = arith.constant 96 : index
          %swap3A_268 = tpu.vector_load %arg13[%swap3A_266, %swap3A_267] {strides = array<i32>} : memref<128x144xf32, #tpu.memory_space<vmem>>, vector<16xf32>,
          tpu.vector_store %arg13[%swap3A_266, %swap3A_267], %mul3A_265 {strides = array<i32>} : memref<128x144xf32, #tpu.memory_space<vmem>>, vector<16xf32>,
          %get3A_269 = arith.index_cast %add3A_219 : i32 to index
          %get3A_270 = arith.constant 112 : index
          %get3A_271 = tpu.vector_load %arg13[%get3A_269, %get3A_270] {strides = array<i32>} : memref<128x144xf32, #tpu.memory_space<vmem>>, vector<16xf32>,
          %mul3A_272 = arith.mulf %get3A_271, %broadcast_in_dim3A_215 : vector<16xf32>
          %swap3A_273 = arith.index_cast %add3A_219 : i32 to index
          %swap3A_274 = arith.constant 112 : index
          %swap3A_275 = tpu.vector_load %arg13[%swap3A_273, %swap3A_274] {strides = array<i32>} : memref<128x144xf32, #tpu.memory_space<vmem>>, vector<16xf32>,
          tpu.vector_store %arg13[%swap3A_273, %swap3A_274], %mul3A_272 {strides = array<i32>} : memref<128x144xf32, #tpu.memory_space<vmem>>, vector<16xf32>,
          %get3A_276 = arith.index_cast %add3A_219 : i32 to index
          %get3A_277 = arith.constant 128 : index
          %get3A_278 = tpu.vector_load %arg13[%get3A_276, %get3A_277] {strides = array<i32>} : memref<128x144xf32, #tpu.memory_space<vmem>>, vector<16xf32>,
          %mul3A_279 = arith.mulf %get3A_278, %broadcast_in_dim3A_215 : vector<16xf32>
          %swap3A_280 = arith.index_cast %add3A_219 : i32 to index
          %swap3A_281 = arith.constant 128 : index
          %swap3A_282 = tpu.vector_load %arg13[%swap3A_280, %swap3A_281] {strides = array<i32>} : memref<128x144xf32, #tpu.memory_space<vmem>>, vector<16xf32>,
          tpu.vector_store %arg13[%swap3A_280, %swap3A_281], %mul3A_279 {strides = array<i32>} : memref<128x144xf32, #tpu.memory_space<vmem>>, vector<16xf32>,
          %slice3A_283 = vector.extract_strided_slice %exp3A {offsets = [3], sizes = [1], strides = [1]} : vector<16xf32> to vector<1xf32>
          %squeeze3A_284 = vector.extract %slice3A_283[0] : f32 from vector<1xf32>
          %broadcast_in_dim3A_285 = vector.broadcast %squeeze3A_284 : f32 to vector<16xf32>
          %mul3A_286 = arith.constant 16 : i32
          %mul3A_287 = arith.muli %scan3A_61, %mul3A_286 : i32
          %add3A_288 = arith.constant 3 : i32
          %add3A_289 = arith.addi %mul3A_287, %add3A_288 : i32
          %get3A_290 = arith.index_cast %add3A_289 : i32 to index
          %get3A_291 = arith.constant 0 : index
          %get3A_292 = tpu.vector_load %arg13[%get3A_290, %get3A_291] {strides = array<i32>} : memref<128x144xf32, #tpu.memory_space<vmem>>, vector<16xf32>,
          %mul3A_293 = arith.mulf %get3A_292, %broadcast_in_dim3A_285 : vector<16xf32>
          %swap3A_294 = arith.index_cast %add3A_289 : i32 to index
          %swap3A_295 = arith.constant 0 : index
          %swap3A_296 = tpu.vector_load %arg13[%swap3A_294, %swap3A_295] {strides = array<i32>} : memref<128x144xf32, #tpu.memory_space<vmem>>, vector<16xf32>,
          tpu.vector_store %arg13[%swap3A_294, %swap3A_295], %mul3A_293 {strides = array<i32>} : memref<128x144xf32, #tpu.memory_space<vmem>>, vector<16xf32>,
          %get3A_297 = arith.index_cast %add3A_289 : i32 to index
          %get3A_298 = arith.constant 16 : index
          %get3A_299 = tpu.vector_load %arg13[%get3A_297, %get3A_298] {strides = array<i32>} : memref<128x144xf32, #tpu.memory_space<vmem>>, vector<16xf32>,
          %mul3A_300 = arith.mulf %get3A_299, %broadcast_in_dim3A_285 : vector<16xf32>
          %swap3A_301 = arith.index_cast %add3A_289 : i32 to index
          %swap3A_302 = arith.constant 16 : index
          %swap3A_303 = tpu.vector_load %arg13[%swap3A_301, %swap3A_302] {strides = array<i32>} : memref<128x144xf32, #tpu.memory_space<vmem>>, vector<16xf32>,
          tpu.vector_store %arg13[%swap3A_301, %swap3A_302], %mul3A_300 {strides = array<i32>} : memref<128x144xf32, #tpu.memory_space<vmem>>, vector<16xf32>,
          %get3A_304 = arith.index_cast %add3A_289 : i32 to index
          %get3A_305 = arith.constant 32 : index
          %get3A_306 = tpu.vector_load %arg13[%get3A_304, %get3A_305] {strides = array<i32>} : memref<128x144xf32, #tpu.memory_space<vmem>>, vector<16xf32>,
          %mul3A_307 = arith.mulf %get3A_306, %broadcast_in_dim3A_285 : vector<16xf32>
          %swap3A_308 = arith.index_cast %add3A_289 : i32 to index
          %swap3A_309 = arith.constant 32 : index
          %swap3A_310 = tpu.vector_load %arg13[%swap3A_308, %swap3A_309] {strides = array<i32>} : memref<128x144xf32, #tpu.memory_space<vmem>>, vector<16xf32>,
          tpu.vector_store %arg13[%swap3A_308, %swap3A_309], %mul3A_307 {strides = array<i32>} : memref<128x144xf32, #tpu.memory_space<vmem>>, vector<16xf32>,
          %get3A_311 = arith.index_cast %add3A_289 : i32 to index
          %get3A_312 = arith.constant 48 : index
          %get3A_313 = tpu.vector_load %arg13[%get3A_311, %get3A_312] {strides = array<i32>} : memref<128x144xf32, #tpu.memory_space<vmem>>, vector<16xf32>,
          %mul3A_314 = arith.mulf %get3A_313, %broadcast_in_dim3A_285 : vector<16xf32>
          %swap3A_315 = arith.index_cast %add3A_289 : i32 to index
          %swap3A_316 = arith.constant 48 : index
          %swap3A_317 = tpu.vector_load %arg13[%swap3A_315, %swap3A_316] {strides = array<i32>} : memref<128x144xf32, #tpu.memory_space<vmem>>, vector<16xf32>,
          tpu.vector_store %arg13[%swap3A_315, %swap3A_316], %mul3A_314 {strides = array<i32>} : memref<128x144xf32, #tpu.memory_space<vmem>>, vector<16xf32>,
          %get3A_318 = arith.index_cast %add3A_289 : i32 to index
          %get3A_319 = arith.constant 64 : index
          %get3A_320 = tpu.vector_load %arg13[%get3A_318, %get3A_319] {strides = array<i32>} : memref<128x144xf32, #tpu.memory_space<vmem>>, vector<16xf32>,
          %mul3A_321 = arith.mulf %get3A_320, %broadcast_in_dim3A_285 : vector<16xf32>
          %swap3A_322 = arith.index_cast %add3A_289 : i32 to index
          %swap3A_323 = arith.constant 64 : index
          %swap3A_324 = tpu.vector_load %arg13[%swap3A_322, %swap3A_323] {strides = array<i32>} : memref<128x144xf32, #tpu.memory_space<vmem>>, vector<16xf32>,
          tpu.vector_store %arg13[%swap3A_322, %swap3A_323], %mul3A_321 {strides = array<i32>} : memref<128x144xf32, #tpu.memory_space<vmem>>, vector<16xf32>,
          %get3A_325 = arith.index_cast %add3A_289 : i32 to index
          %get3A_326 = arith.constant 80 : index
          %get3A_327 = tpu.vector_load %arg13[%get3A_325, %get3A_326] {strides = array<i32>} : memref<128x144xf32, #tpu.memory_space<vmem>>, vector<16xf32>,
          %mul3A_328 = arith.mulf %get3A_327, %broadcast_in_dim3A_285 : vector<16xf32>
          %swap3A_329 = arith.index_cast %add3A_289 : i32 to index
          %swap3A_330 = arith.constant 80 : index
          %swap3A_331 = tpu.vector_load %arg13[%swap3A_329, %swap3A_330] {strides = array<i32>} : memref<128x144xf32, #tpu.memory_space<vmem>>, vector<16xf32>,
          tpu.vector_store %arg13[%swap3A_329, %swap3A_330], %mul3A_328 {strides = array<i32>} : memref<128x144xf32, #tpu.memory_space<vmem>>, vector<16xf32>,
          %get3A_332 = arith.index_cast %add3A_289 : i32 to index
          %get3A_333 = arith.constant 96 : index
          %get3A_334 = tpu.vector_load %arg13[%get3A_332, %get3A_333] {strides = array<i32>} : memref<128x144xf32, #tpu.memory_space<vmem>>, vector<16xf32>,
          %mul3A_335 = arith.mulf %get3A_334, %broadcast_in_dim3A_285 : vector<16xf32>
          %swap3A_336 = arith.index_cast %add3A_289 : i32 to index
          %swap3A_337 = arith.constant 96 : index
          %swap3A_338 = tpu.vector_load %arg13[%swap3A_336, %swap3A_337] {strides = array<i32>} : memref<128x144xf32, #tpu.memory_space<vmem>>, vector<16xf32>,
          tpu.vector_store %arg13[%swap3A_336, %swap3A_337], %mul3A_335 {strides = array<i32>} : memref<128x144xf32, #tpu.memory_space<vmem>>, vector<16xf32>,
          %get3A_339 = arith.index_cast %add3A_289 : i32 to index
          %get3A_340 = arith.constant 112 : index
          %get3A_341 = tpu.vector_load %arg13[%get3A_339, %get3A_340] {strides = array<i32>} : memref<128x144xf32, #tpu.memory_space<vmem>>, vector<16xf32>,
          %mul3A_342 = arith.mulf %get3A_341, %broadcast_in_dim3A_285 : vector<16xf32>
          %swap3A_343 = arith.index_cast %add3A_289 : i32 to index
          %swap3A_344 = arith.constant 112 : index
          %swap3A_345 = tpu.vector_load %arg13[%swap3A_343, %swap3A_344] {strides = array<i32>} : memref<128x144xf32, #tpu.memory_space<vmem>>, vector<16xf32>,
          tpu.vector_store %arg13[%swap3A_343, %swap3A_344], %mul3A_342 {strides = array<i32>} : memref<128x144xf32, #tpu.memory_space<vmem>>, vector<16xf32>,
          %get3A_346 = arith.index_cast %add3A_289 : i32 to index
          %get3A_347 = arith.constant 128 : index
          %get3A_348 = tpu.vector_load %arg13[%get3A_346, %get3A_347] {strides = array<i32>} : memref<128x144xf32, #tpu.memory_space<vmem>>, vector<16xf32>,
          %mul3A_349 = arith.mulf %get3A_348, %broadcast_in_dim3A_285 : vector<16xf32>
          %swap3A_350 = arith.index_cast %add3A_289 : i32 to index
          %swap3A_351 = arith.constant 128 : index
          %swap3A_352 = tpu.vector_load %arg13[%swap3A_350, %swap3A_351] {strides = array<i32>} : memref<128x144xf32, #tpu.memory_space<vmem>>, vector<16xf32>,
          tpu.vector_store %arg13[%swap3A_350, %swap3A_351], %mul3A_349 {strides = array<i32>} : memref<128x144xf32, #tpu.memory_space<vmem>>, vector<16xf32>,
          %slice3A_353 = vector.extract_strided_slice %exp3A {offsets = [4], sizes = [1], strides = [1]} : vector<16xf32> to vector<1xf32>
          %squeeze3A_354 = vector.extract %slice3A_353[0] : f32 from vector<1xf32>
          %broadcast_in_dim3A_355 = vector.broadcast %squeeze3A_354 : f32 to vector<16xf32>
          %mul3A_356 = arith.constant 16 : i32
          %mul3A_357 = arith.muli %scan3A_61, %mul3A_356 : i32
          %add3A_358 = arith.constant 4 : i32
          %add3A_359 = arith.addi %mul3A_357, %add3A_358 : i32
          %get3A_360 = arith.index_cast %add3A_359 : i32 to index
          %get3A_361 = arith.constant 0 : index
          %get3A_362 = tpu.vector_load %arg13[%get3A_360, %get3A_361] {strides = array<i32>} : memref<128x144xf32, #tpu.memory_space<vmem>>, vector<16xf32>,
          %mul3A_363 = arith.mulf %get3A_362, %broadcast_in_dim3A_355 : vector<16xf32>
          %swap3A_364 = arith.index_cast %add3A_359 : i32 to index
          %swap3A_365 = arith.constant 0 : index
          %swap3A_366 = tpu.vector_load %arg13[%swap3A_364, %swap3A_365] {strides = array<i32>} : memref<128x144xf32, #tpu.memory_space<vmem>>, vector<16xf32>,
          tpu.vector_store %arg13[%swap3A_364, %swap3A_365], %mul3A_363 {strides = array<i32>} : memref<128x144xf32, #tpu.memory_space<vmem>>, vector<16xf32>,
          %get3A_367 = arith.index_cast %add3A_359 : i32 to index
          %get3A_368 = arith.constant 16 : index
          %get3A_369 = tpu.vector_load %arg13[%get3A_367, %get3A_368] {strides = array<i32>} : memref<128x144xf32, #tpu.memory_space<vmem>>, vector<16xf32>,
          %mul3A_370 = arith.mulf %get3A_369, %broadcast_in_dim3A_355 : vector<16xf32>
          %swap3A_371 = arith.index_cast %add3A_359 : i32 to index
          %swap3A_372 = arith.constant 16 : index
          %swap3A_373 = tpu.vector_load %arg13[%swap3A_371, %swap3A_372] {strides = array<i32>} : memref<128x144xf32, #tpu.memory_space<vmem>>, vector<16xf32>,
          tpu.vector_store %arg13[%swap3A_371, %swap3A_372], %mul3A_370 {strides = array<i32>} : memref<128x144xf32, #tpu.memory_space<vmem>>, vector<16xf32>,
          %get3A_374 = arith.index_cast %add3A_359 : i32 to index
          %get3A_375 = arith.constant 32 : index
          %get3A_376 = tpu.vector_load %arg13[%get3A_374, %get3A_375] {strides = array<i32>} : memref<128x144xf32, #tpu.memory_space<vmem>>, vector<16xf32>,
          %mul3A_377 = arith.mulf %get3A_376, %broadcast_in_dim3A_355 : vector<16xf32>
          %swap3A_378 = arith.index_cast %add3A_359 : i32 to index
          %swap3A_379 = arith.constant 32 : index
          %swap3A_380 = tpu.vector_load %arg13[%swap3A_378, %swap3A_379] {strides = array<i32>} : memref<128x144xf32, #tpu.memory_space<vmem>>, vector<16xf32>,
          tpu.vector_store %arg13[%swap3A_378, %swap3A_379], %mul3A_377 {strides = array<i32>} : memref<128x144xf32, #tpu.memory_space<vmem>>, vector<16xf32>,
          %get3A_381 = arith.index_cast %add3A_359 : i32 to index
          %get3A_382 = arith.constant 48 : index
          %get3A_383 = tpu.vector_load %arg13[%get3A_381, %get3A_382] {strides = array<i32>} : memref<128x144xf32, #tpu.memory_space<vmem>>, vector<16xf32>,
          %mul3A_384 = arith.mulf %get3A_383, %broadcast_in_dim3A_355 : vector<16xf32>
          %swap3A_385 = arith.index_cast %add3A_359 : i32 to index
          %swap3A_386 = arith.constant 48 : index
          %swap3A_387 = tpu.vector_load %arg13[%swap3A_385, %swap3A_386] {strides = array<i32>} : memref<128x144xf32, #tpu.memory_space<vmem>>, vector<16xf32>,
          tpu.vector_store %arg13[%swap3A_385, %swap3A_386], %mul3A_384 {strides = array<i32>} : memref<128x144xf32, #tpu.memory_space<vmem>>, vector<16xf32>,
          %get3A_388 = arith.index_cast %add3A_359 : i32 to index
          %get3A_389 = arith.constant 64 : index
          %get3A_390 = tpu.vector_load %arg13[%get3A_388, %get3A_389] {strides = array<i32>} : memref<128x144xf32, #tpu.memory_space<vmem>>, vector<16xf32>,
          %mul3A_391 = arith.mulf %get3A_390, %broadcast_in_dim3A_355 : vector<16xf32>
          %swap3A_392 = arith.index_cast %add3A_359 : i32 to index
          %swap3A_393 = arith.constant 64 : index
          %swap3A_394 = tpu.vector_load %arg13[%swap3A_392, %swap3A_393] {strides = array<i32>} : memref<128x144xf32, #tpu.memory_space<vmem>>, vector<16xf32>,
          tpu.vector_store %arg13[%swap3A_392, %swap3A_393], %mul3A_391 {strides = array<i32>} : memref<128x144xf32, #tpu.memory_space<vmem>>, vector<16xf32>,
          %get3A_395 = arith.index_cast %add3A_359 : i32 to index
          %get3A_396 = arith.constant 80 : index
          %get3A_397 = tpu.vector_load %arg13[%get3A_395, %get3A_396] {strides = array<i32>} : memref<128x144xf32, #tpu.memory_space<vmem>>, vector<16xf32>,
          %mul3A_398 = arith.mulf %get3A_397, %broadcast_in_dim3A_355 : vector<16xf32>
          %swap3A_399 = arith.index_cast %add3A_359 : i32 to index
          %swap3A_400 = arith.constant 80 : index
          %swap3A_401 = tpu.vector_load %arg13[%swap3A_399, %swap3A_400] {strides = array<i32>} : memref<128x144xf32, #tpu.memory_space<vmem>>, vector<16xf32>,
          tpu.vector_store %arg13[%swap3A_399, %swap3A_400], %mul3A_398 {strides = array<i32>} : memref<128x144xf32, #tpu.memory_space<vmem>>, vector<16xf32>,
          %get3A_402 = arith.index_cast %add3A_359 : i32 to index
          %get3A_403 = arith.constant 96 : index
          %get3A_404 = tpu.vector_load %arg13[%get3A_402, %get3A_403] {strides = array<i32>} : memref<128x144xf32, #tpu.memory_space<vmem>>, vector<16xf32>,
          %mul3A_405 = arith.mulf %get3A_404, %broadcast_in_dim3A_355 : vector<16xf32>
          %swap3A_406 = arith.index_cast %add3A_359 : i32 to index
          %swap3A_407 = arith.constant 96 : index
          %swap3A_408 = tpu.vector_load %arg13[%swap3A_406, %swap3A_407] {strides = array<i32>} : memref<128x144xf32, #tpu.memory_space<vmem>>, vector<16xf32>,
          tpu.vector_store %arg13[%swap3A_406, %swap3A_407], %mul3A_405 {strides = array<i32>} : memref<128x144xf32, #tpu.memory_space<vmem>>, vector<16xf32>,
          %get3A_409 = arith.index_cast %add3A_359 : i32 to index
          %get3A_410 = arith.constant 112 : index
          %get3A_411 = tpu.vector_load %arg13[%get3A_409, %get3A_410] {strides = array<i32>} : memref<128x144xf32, #tpu.memory_space<vmem>>, vector<16xf32>,
          %mul3A_412 = arith.mulf %get3A_411, %broadcast_in_dim3A_355 : vector<16xf32>
          %swap3A_413 = arith.index_cast %add3A_359 : i32 to index
          %swap3A_414 = arith.constant 112 : index
          %swap3A_415 = tpu.vector_load %arg13[%swap3A_413, %swap3A_414] {strides = array<i32>} : memref<128x144xf32, #tpu.memory_space<vmem>>, vector<16xf32>,
          tpu.vector_store %arg13[%swap3A_413, %swap3A_414], %mul3A_412 {strides = array<i32>} : memref<128x144xf32, #tpu.memory_space<vmem>>, vector<16xf32>,
          %get3A_416 = arith.index_cast %add3A_359 : i32 to index
          %get3A_417 = arith.constant 128 : index
          %get3A_418 = tpu.vector_load %arg13[%get3A_416, %get3A_417] {strides = array<i32>} : memref<128x144xf32, #tpu.memory_space<vmem>>, vector<16xf32>,
          %mul3A_419 = arith.mulf %get3A_418, %broadcast_in_dim3A_355 : vector<16xf32>
          %swap3A_420 = arith.index_cast %add3A_359 : i32 to index
          %swap3A_421 = arith.constant 128 : index
          %swap3A_422 = tpu.vector_load %arg13[%swap3A_420, %swap3A_421] {strides = array<i32>} : memref<128x144xf32, #tpu.memory_space<vmem>>, vector<16xf32>,
          tpu.vector_store %arg13[%swap3A_420, %swap3A_421], %mul3A_419 {strides = array<i32>} : memref<128x144xf32, #tpu.memory_space<vmem>>, vector<16xf32>,
          %slice3A_423 = vector.extract_strided_slice %exp3A {offsets = [5], sizes = [1], strides = [1]} : vector<16xf32> to vector<1xf32>
          %squeeze3A_424 = vector.extract %slice3A_423[0] : f32 from vector<1xf32>
          %broadcast_in_dim3A_425 = vector.broadcast %squeeze3A_424 : f32 to vector<16xf32>
          %mul3A_426 = arith.constant 16 : i32
          %mul3A_427 = arith.muli %scan3A_61, %mul3A_426 : i32
          %add3A_428 = arith.constant 5 : i32
          %add3A_429 = arith.addi %mul3A_427, %add3A_428 : i32
          %get3A_430 = arith.index_cast %add3A_429 : i32 to index
          %get3A_431 = arith.constant 0 : index
          %get3A_432 = tpu.vector_load %arg13[%get3A_430, %get3A_431] {strides = array<i32>} : memref<128x144xf32, #tpu.memory_space<vmem>>, vector<16xf32>,
          %mul3A_433 = arith.mulf %get3A_432, %broadcast_in_dim3A_425 : vector<16xf32>
          %swap3A_434 = arith.index_cast %add3A_429 : i32 to index
          %swap3A_435 = arith.constant 0 : index
          %swap3A_436 = tpu.vector_load %arg13[%swap3A_434, %swap3A_435] {strides = array<i32>} : memref<128x144xf32, #tpu.memory_space<vmem>>, vector<16xf32>,
          tpu.vector_store %arg13[%swap3A_434, %swap3A_435], %mul3A_433 {strides = array<i32>} : memref<128x144xf32, #tpu.memory_space<vmem>>, vector<16xf32>,
          %get3A_437 = arith.index_cast %add3A_429 : i32 to index
          %get3A_438 = arith.constant 16 : index
          %get3A_439 = tpu.vector_load %arg13[%get3A_437, %get3A_438] {strides = array<i32>} : memref<128x144xf32, #tpu.memory_space<vmem>>, vector<16xf32>,
          %mul3A_440 = arith.mulf %get3A_439, %broadcast_in_dim3A_425 : vector<16xf32>
          %swap3A_441 = arith.index_cast %add3A_429 : i32 to index
          %swap3A_442 = arith.constant 16 : index
          %swap3A_443 = tpu.vector_load %arg13[%swap3A_441, %swap3A_442] {strides = array<i32>} : memref<128x144xf32, #tpu.memory_space<vmem>>, vector<16xf32>,
          tpu.vector_store %arg13[%swap3A_441, %swap3A_442], %mul3A_440 {strides = array<i32>} : memref<128x144xf32, #tpu.memory_space<vmem>>, vector<16xf32>,
          %get3A_444 = arith.index_cast %add3A_429 : i32 to index
          %get3A_445 = arith.constant 32 : index
          %get3A_446 = tpu.vector_load %arg13[%get3A_444, %get3A_445] {strides = array<i32>} : memref<128x144xf32, #tpu.memory_space<vmem>>, vector<16xf32>,
          %mul3A_447 = arith.mulf %get3A_446, %broadcast_in_dim3A_425 : vector<16xf32>
          %swap3A_448 = arith.index_cast %add3A_429 : i32 to index
          %swap3A_449 = arith.constant 32 : index
          %swap3A_450 = tpu.vector_load %arg13[%swap3A_448, %swap3A_449] {strides = array<i32>} : memref<128x144xf32, #tpu.memory_space<vmem>>, vector<16xf32>,
          tpu.vector_store %arg13[%swap3A_448, %swap3A_449], %mul3A_447 {strides = array<i32>} : memref<128x144xf32, #tpu.memory_space<vmem>>, vector<16xf32>,
          %get3A_451 = arith.index_cast %add3A_429 : i32 to index
          %get3A_452 = arith.constant 48 : index
          %get3A_453 = tpu.vector_load %arg13[%get3A_451, %get3A_452] {strides = array<i32>} : memref<128x144xf32, #tpu.memory_space<vmem>>, vector<16xf32>,
          %mul3A_454 = arith.mulf %get3A_453, %broadcast_in_dim3A_425 : vector<16xf32>
          %swap3A_455 = arith.index_cast %add3A_429 : i32 to index
          %swap3A_456 = arith.constant 48 : index
          %swap3A_457 = tpu.vector_load %arg13[%swap3A_455, %swap3A_456] {strides = array<i32>} : memref<128x144xf32, #tpu.memory_space<vmem>>, vector<16xf32>,
          tpu.vector_store %arg13[%swap3A_455, %swap3A_456], %mul3A_454 {strides = array<i32>} : memref<128x144xf32, #tpu.memory_space<vmem>>, vector<16xf32>,
          %get3A_458 = arith.index_cast %add3A_429 : i32 to index
          %get3A_459 = arith.constant 64 : index
          %get3A_460 = tpu.vector_load %arg13[%get3A_458, %get3A_459] {strides = array<i32>} : memref<128x144xf32, #tpu.memory_space<vmem>>, vector<16xf32>,
          %mul3A_461 = arith.mulf %get3A_460, %broadcast_in_dim3A_425 : vector<16xf32>
          %swap3A_462 = arith.index_cast %add3A_429 : i32 to index
          %swap3A_463 = arith.constant 64 : index
          %swap3A_464 = tpu.vector_load %arg13[%swap3A_462, %swap3A_463] {strides = array<i32>} : memref<128x144xf32, #tpu.memory_space<vmem>>, vector<16xf32>,
          tpu.vector_store %arg13[%swap3A_462, %swap3A_463], %mul3A_461 {strides = array<i32>} : memref<128x144xf32, #tpu.memory_space<vmem>>, vector<16xf32>,
          %get3A_465 = arith.index_cast %add3A_429 : i32 to index
          %get3A_466 = arith.constant 80 : index
          %get3A_467 = tpu.vector_load %arg13[%get3A_465, %get3A_466] {strides = array<i32>} : memref<128x144xf32, #tpu.memory_space<vmem>>, vector<16xf32>,
          %mul3A_468 = arith.mulf %get3A_467, %broadcast_in_dim3A_425 : vector<16xf32>
          %swap3A_469 = arith.index_cast %add3A_429 : i32 to index
          %swap3A_470 = arith.constant 80 : index
          %swap3A_471 = tpu.vector_load %arg13[%swap3A_469, %swap3A_470] {strides = array<i32>} : memref<128x144xf32, #tpu.memory_space<vmem>>, vector<16xf32>,
          tpu.vector_store %arg13[%swap3A_469, %swap3A_470], %mul3A_468 {strides = array<i32>} : memref<128x144xf32, #tpu.memory_space<vmem>>, vector<16xf32>,
          %get3A_472 = arith.index_cast %add3A_429 : i32 to index
          %get3A_473 = arith.constant 96 : index
          %get3A_474 = tpu.vector_load %arg13[%get3A_472, %get3A_473] {strides = array<i32>} : memref<128x144xf32, #tpu.memory_space<vmem>>, vector<16xf32>,
          %mul3A_475 = arith.mulf %get3A_474, %broadcast_in_dim3A_425 : vector<16xf32>
          %swap3A_476 = arith.index_cast %add3A_429 : i32 to index
          %swap3A_477 = arith.constant 96 : index
          %swap3A_478 = tpu.vector_load %arg13[%swap3A_476, %swap3A_477] {strides = array<i32>} : memref<128x144xf32, #tpu.memory_space<vmem>>, vector<16xf32>,
          tpu.vector_store %arg13[%swap3A_476, %swap3A_477], %mul3A_475 {strides = array<i32>} : memref<128x144xf32, #tpu.memory_space<vmem>>, vector<16xf32>,
          %get3A_479 = arith.index_cast %add3A_429 : i32 to index
          %get3A_480 = arith.constant 112 : index
          %get3A_481 = tpu.vector_load %arg13[%get3A_479, %get3A_480] {strides = array<i32>} : memref<128x144xf32, #tpu.memory_space<vmem>>, vector<16xf32>,
          %mul3A_482 = arith.mulf %get3A_481, %broadcast_in_dim3A_425 : vector<16xf32>
          %swap3A_483 = arith.index_cast %add3A_429 : i32 to index
          %swap3A_484 = arith.constant 112 : index
          %swap3A_485 = tpu.vector_load %arg13[%swap3A_483, %swap3A_484] {strides = array<i32>} : memref<128x144xf32, #tpu.memory_space<vmem>>, vector<16xf32>,
          tpu.vector_store %arg13[%swap3A_483, %swap3A_484], %mul3A_482 {strides = array<i32>} : memref<128x144xf32, #tpu.memory_space<vmem>>, vector<16xf32>,
          %get3A_486 = arith.index_cast %add3A_429 : i32 to index
          %get3A_487 = arith.constant 128 : index
          %get3A_488 = tpu.vector_load %arg13[%get3A_486, %get3A_487] {strides = array<i32>} : memref<128x144xf32, #tpu.memory_space<vmem>>, vector<16xf32>,
          %mul3A_489 = arith.mulf %get3A_488, %broadcast_in_dim3A_425 : vector<16xf32>
          %swap3A_490 = arith.index_cast %add3A_429 : i32 to index
          %swap3A_491 = arith.constant 128 : index
          %swap3A_492 = tpu.vector_load %arg13[%swap3A_490, %swap3A_491] {strides = array<i32>} : memref<128x144xf32, #tpu.memory_space<vmem>>, vector<16xf32>,
          tpu.vector_store %arg13[%swap3A_490, %swap3A_491], %mul3A_489 {strides = array<i32>} : memref<128x144xf32, #tpu.memory_space<vmem>>, vector<16xf32>,
          %slice3A_493 = vector.extract_strided_slice %exp3A {offsets = [6], sizes = [1], strides = [1]} : vector<16xf32> to vector<1xf32>
          %squeeze3A_494 = vector.extract %slice3A_493[0] : f32 from vector<1xf32>
          %broadcast_in_dim3A_495 = vector.broadcast %squeeze3A_494 : f32 to vector<16xf32>
          %mul3A_496 = arith.constant 16 : i32
          %mul3A_497 = arith.muli %scan3A_61, %mul3A_496 : i32
          %add3A_498 = arith.constant 6 : i32
          %add3A_499 = arith.addi %mul3A_497, %add3A_498 : i32
          %get3A_500 = arith.index_cast %add3A_499 : i32 to index
          %get3A_501 = arith.constant 0 : index
          %get3A_502 = tpu.vector_load %arg13[%get3A_500, %get3A_501] {strides = array<i32>} : memref<128x144xf32, #tpu.memory_space<vmem>>, vector<16xf32>,
          %mul3A_503 = arith.mulf %get3A_502, %broadcast_in_dim3A_495 : vector<16xf32>
          %swap3A_504 = arith.index_cast %add3A_499 : i32 to index
          %swap3A_505 = arith.constant 0 : index
          %swap3A_506 = tpu.vector_load %arg13[%swap3A_504, %swap3A_505] {strides = array<i32>} : memref<128x144xf32, #tpu.memory_space<vmem>>, vector<16xf32>,
          tpu.vector_store %arg13[%swap3A_504, %swap3A_505], %mul3A_503 {strides = array<i32>} : memref<128x144xf32, #tpu.memory_space<vmem>>, vector<16xf32>,
          %get3A_507 = arith.index_cast %add3A_499 : i32 to index
          %get3A_508 = arith.constant 16 : index
          %get3A_509 = tpu.vector_load %arg13[%get3A_507, %get3A_508] {strides = array<i32>} : memref<128x144xf32, #tpu.memory_space<vmem>>, vector<16xf32>,
          %mul3A_510 = arith.mulf %get3A_509, %broadcast_in_dim3A_495 : vector<16xf32>
          %swap3A_511 = arith.index_cast %add3A_499 : i32 to index
          %swap3A_512 = arith.constant 16 : index
          %swap3A_513 = tpu.vector_load %arg13[%swap3A_511, %swap3A_512] {strides = array<i32>} : memref<128x144xf32, #tpu.memory_space<vmem>>, vector<16xf32>,
          tpu.vector_store %arg13[%swap3A_511, %swap3A_512], %mul3A_510 {strides = array<i32>} : memref<128x144xf32, #tpu.memory_space<vmem>>, vector<16xf32>,
          %get3A_514 = arith.index_cast %add3A_499 : i32 to index
          %get3A_515 = arith.constant 32 : index
          %get3A_516 = tpu.vector_load %arg13[%get3A_514, %get3A_515] {strides = array<i32>} : memref<128x144xf32, #tpu.memory_space<vmem>>, vector<16xf32>,
          %mul3A_517 = arith.mulf %get3A_516, %broadcast_in_dim3A_495 : vector<16xf32>
          %swap3A_518 = arith.index_cast %add3A_499 : i32 to index
          %swap3A_519 = arith.constant 32 : index
          %swap3A_520 = tpu.vector_load %arg13[%swap3A_518, %swap3A_519] {strides = array<i32>} : memref<128x144xf32, #tpu.memory_space<vmem>>, vector<16xf32>,
          tpu.vector_store %arg13[%swap3A_518, %swap3A_519], %mul3A_517 {strides = array<i32>} : memref<128x144xf32, #tpu.memory_space<vmem>>, vector<16xf32>,
          %get3A_521 = arith.index_cast %add3A_499 : i32 to index
          %get3A_522 = arith.constant 48 : index
          %get3A_523 = tpu.vector_load %arg13[%get3A_521, %get3A_522] {strides = array<i32>} : memref<128x144xf32, #tpu.memory_space<vmem>>, vector<16xf32>,
          %mul3A_524 = arith.mulf %get3A_523, %broadcast_in_dim3A_495 : vector<16xf32>
          %swap3A_525 = arith.index_cast %add3A_499 : i32 to index
          %swap3A_526 = arith.constant 48 : index
          %swap3A_527 = tpu.vector_load %arg13[%swap3A_525, %swap3A_526] {strides = array<i32>} : memref<128x144xf32, #tpu.memory_space<vmem>>, vector<16xf32>,
          tpu.vector_store %arg13[%swap3A_525, %swap3A_526], %mul3A_524 {strides = array<i32>} : memref<128x144xf32, #tpu.memory_space<vmem>>, vector<16xf32>,
          %get3A_528 = arith.index_cast %add3A_499 : i32 to index
          %get3A_529 = arith.constant 64 : index
          %get3A_530 = tpu.vector_load %arg13[%get3A_528, %get3A_529] {strides = array<i32>} : memref<128x144xf32, #tpu.memory_space<vmem>>, vector<16xf32>,
          %mul3A_531 = arith.mulf %get3A_530, %broadcast_in_dim3A_495 : vector<16xf32>
          %swap3A_532 = arith.index_cast %add3A_499 : i32 to index
          %swap3A_533 = arith.constant 64 : index
          %swap3A_534 = tpu.vector_load %arg13[%swap3A_532, %swap3A_533] {strides = array<i32>} : memref<128x144xf32, #tpu.memory_space<vmem>>, vector<16xf32>,
          tpu.vector_store %arg13[%swap3A_532, %swap3A_533], %mul3A_531 {strides = array<i32>} : memref<128x144xf32, #tpu.memory_space<vmem>>, vector<16xf32>,
          %get3A_535 = arith.index_cast %add3A_499 : i32 to index
          %get3A_536 = arith.constant 80 : index
          %get3A_537 = tpu.vector_load %arg13[%get3A_535, %get3A_536] {strides = array<i32>} : memref<128x144xf32, #tpu.memory_space<vmem>>, vector<16xf32>,
          %mul3A_538 = arith.mulf %get3A_537, %broadcast_in_dim3A_495 : vector<16xf32>
          %swap3A_539 = arith.index_cast %add3A_499 : i32 to index
          %swap3A_540 = arith.constant 80 : index
          %swap3A_541 = tpu.vector_load %arg13[%swap3A_539, %swap3A_540] {strides = array<i32>} : memref<128x144xf32, #tpu.memory_space<vmem>>, vector<16xf32>,
          tpu.vector_store %arg13[%swap3A_539, %swap3A_540], %mul3A_538 {strides = array<i32>} : memref<128x144xf32, #tpu.memory_space<vmem>>, vector<16xf32>,
          %get3A_542 = arith.index_cast %add3A_499 : i32 to index
          %get3A_543 = arith.constant 96 : index
          %get3A_544 = tpu.vector_load %arg13[%get3A_542, %get3A_543] {strides = array<i32>} : memref<128x144xf32, #tpu.memory_space<vmem>>, vector<16xf32>,
          %mul3A_545 = arith.mulf %get3A_544, %broadcast_in_dim3A_495 : vector<16xf32>
          %swap3A_546 = arith.index_cast %add3A_499 : i32 to index
          %swap3A_547 = arith.constant 96 : index
          %swap3A_548 = tpu.vector_load %arg13[%swap3A_546, %swap3A_547] {strides = array<i32>} : memref<128x144xf32, #tpu.memory_space<vmem>>, vector<16xf32>,
          tpu.vector_store %arg13[%swap3A_546, %swap3A_547], %mul3A_545 {strides = array<i32>} : memref<128x144xf32, #tpu.memory_space<vmem>>, vector<16xf32>,
          %get3A_549 = arith.index_cast %add3A_499 : i32 to index
          %get3A_550 = arith.constant 112 : index
          %get3A_551 = tpu.vector_load %arg13[%get3A_549, %get3A_550] {strides = array<i32>} : memref<128x144xf32, #tpu.memory_space<vmem>>, vector<16xf32>,
          %mul3A_552 = arith.mulf %get3A_551, %broadcast_in_dim3A_495 : vector<16xf32>
          %swap3A_553 = arith.index_cast %add3A_499 : i32 to index
          %swap3A_554 = arith.constant 112 : index
          %swap3A_555 = tpu.vector_load %arg13[%swap3A_553, %swap3A_554] {strides = array<i32>} : memref<128x144xf32, #tpu.memory_space<vmem>>, vector<16xf32>,
          tpu.vector_store %arg13[%swap3A_553, %swap3A_554], %mul3A_552 {strides = array<i32>} : memref<128x144xf32, #tpu.memory_space<vmem>>, vector<16xf32>,
          %get3A_556 = arith.index_cast %add3A_499 : i32 to index
          %get3A_557 = arith.constant 128 : index
          %get3A_558 = tpu.vector_load %arg13[%get3A_556, %get3A_557] {strides = array<i32>} : memref<128x144xf32, #tpu.memory_space<vmem>>, vector<16xf32>,
          %mul3A_559 = arith.mulf %get3A_558, %broadcast_in_dim3A_495 : vector<16xf32>
          %swap3A_560 = arith.index_cast %add3A_499 : i32 to index
          %swap3A_561 = arith.constant 128 : index
          %swap3A_562 = tpu.vector_load %arg13[%swap3A_560, %swap3A_561] {strides = array<i32>} : memref<128x144xf32, #tpu.memory_space<vmem>>, vector<16xf32>,
          tpu.vector_store %arg13[%swap3A_560, %swap3A_561], %mul3A_559 {strides = array<i32>} : memref<128x144xf32, #tpu.memory_space<vmem>>, vector<16xf32>,
          %slice3A_563 = vector.extract_strided_slice %exp3A {offsets = [7], sizes = [1], strides = [1]} : vector<16xf32> to vector<1xf32>
          %squeeze3A_564 = vector.extract %slice3A_563[0] : f32 from vector<1xf32>
          %broadcast_in_dim3A_565 = vector.broadcast %squeeze3A_564 : f32 to vector<16xf32>
          %mul3A_566 = arith.constant 16 : i32
          %mul3A_567 = arith.muli %scan3A_61, %mul3A_566 : i32
          %add3A_568 = arith.constant 7 : i32
          %add3A_569 = arith.addi %mul3A_567, %add3A_568 : i32
          %get3A_570 = arith.index_cast %add3A_569 : i32 to index
          %get3A_571 = arith.constant 0 : index
          %get3A_572 = tpu.vector_load %arg13[%get3A_570, %get3A_571] {strides = array<i32>} : memref<128x144xf32, #tpu.memory_space<vmem>>, vector<16xf32>,
          %mul3A_573 = arith.mulf %get3A_572, %broadcast_in_dim3A_565 : vector<16xf32>
          %swap3A_574 = arith.index_cast %add3A_569 : i32 to index
          %swap3A_575 = arith.constant 0 : index
          %swap3A_576 = tpu.vector_load %arg13[%swap3A_574, %swap3A_575] {strides = array<i32>} : memref<128x144xf32, #tpu.memory_space<vmem>>, vector<16xf32>,
          tpu.vector_store %arg13[%swap3A_574, %swap3A_575], %mul3A_573 {strides = array<i32>} : memref<128x144xf32, #tpu.memory_space<vmem>>, vector<16xf32>,
          %get3A_577 = arith.index_cast %add3A_569 : i32 to index
          %get3A_578 = arith.constant 16 : index
          %get3A_579 = tpu.vector_load %arg13[%get3A_577, %get3A_578] {strides = array<i32>} : memref<128x144xf32, #tpu.memory_space<vmem>>, vector<16xf32>,
          %mul3A_580 = arith.mulf %get3A_579, %broadcast_in_dim3A_565 : vector<16xf32>
          %swap3A_581 = arith.index_cast %add3A_569 : i32 to index
          %swap3A_582 = arith.constant 16 : index
          %swap3A_583 = tpu.vector_load %arg13[%swap3A_581, %swap3A_582] {strides = array<i32>} : memref<128x144xf32, #tpu.memory_space<vmem>>, vector<16xf32>,
          tpu.vector_store %arg13[%swap3A_581, %swap3A_582], %mul3A_580 {strides = array<i32>} : memref<128x144xf32, #tpu.memory_space<vmem>>, vector<16xf32>,
          %get3A_584 = arith.index_cast %add3A_569 : i32 to index
          %get3A_585 = arith.constant 32 : index
          %get3A_586 = tpu.vector_load %arg13[%get3A_584, %get3A_585] {strides = array<i32>} : memref<128x144xf32, #tpu.memory_space<vmem>>, vector<16xf32>,
          %mul3A_587 = arith.mulf %get3A_586, %broadcast_in_dim3A_565 : vector<16xf32>
          %swap3A_588 = arith.index_cast %add3A_569 : i32 to index
          %swap3A_589 = arith.constant 32 : index
          %swap3A_590 = tpu.vector_load %arg13[%swap3A_588, %swap3A_589] {strides = array<i32>} : memref<128x144xf32, #tpu.memory_space<vmem>>, vector<16xf32>,
          tpu.vector_store %arg13[%swap3A_588, %swap3A_589], %mul3A_587 {strides = array<i32>} : memref<128x144xf32, #tpu.memory_space<vmem>>, vector<16xf32>,
          %get3A_591 = arith.index_cast %add3A_569 : i32 to index
          %get3A_592 = arith.constant 48 : index
          %get3A_593 = tpu.vector_load %arg13[%get3A_591, %get3A_592] {strides = array<i32>} : memref<128x144xf32, #tpu.memory_space<vmem>>, vector<16xf32>,
          %mul3A_594 = arith.mulf %get3A_593, %broadcast_in_dim3A_565 : vector<16xf32>
          %swap3A_595 = arith.index_cast %add3A_569 : i32 to index
          %swap3A_596 = arith.constant 48 : index
          %swap3A_597 = tpu.vector_load %arg13[%swap3A_595, %swap3A_596] {strides = array<i32>} : memref<128x144xf32, #tpu.memory_space<vmem>>, vector<16xf32>,
          tpu.vector_store %arg13[%swap3A_595, %swap3A_596], %mul3A_594 {strides = array<i32>} : memref<128x144xf32, #tpu.memory_space<vmem>>, vector<16xf32>,
          %get3A_598 = arith.index_cast %add3A_569 : i32 to index
          %get3A_599 = arith.constant 64 : index
          %get3A_600 = tpu.vector_load %arg13[%get3A_598, %get3A_599] {strides = array<i32>} : memref<128x144xf32, #tpu.memory_space<vmem>>, vector<16xf32>,
          %mul3A_601 = arith.mulf %get3A_600, %broadcast_in_dim3A_565 : vector<16xf32>
          %swap3A_602 = arith.index_cast %add3A_569 : i32 to index
          %swap3A_603 = arith.constant 64 : index
          %swap3A_604 = tpu.vector_load %arg13[%swap3A_602, %swap3A_603] {strides = array<i32>} : memref<128x144xf32, #tpu.memory_space<vmem>>, vector<16xf32>,
          tpu.vector_store %arg13[%swap3A_602, %swap3A_603], %mul3A_601 {strides = array<i32>} : memref<128x144xf32, #tpu.memory_space<vmem>>, vector<16xf32>,
          %get3A_605 = arith.index_cast %add3A_569 : i32 to index
          %get3A_606 = arith.constant 80 : index
          %get3A_607 = tpu.vector_load %arg13[%get3A_605, %get3A_606] {strides = array<i32>} : memref<128x144xf32, #tpu.memory_space<vmem>>, vector<16xf32>,
          %mul3A_608 = arith.mulf %get3A_607, %broadcast_in_dim3A_565 : vector<16xf32>
          %swap3A_609 = arith.index_cast %add3A_569 : i32 to index
          %swap3A_610 = arith.constant 80 : index
          %swap3A_611 = tpu.vector_load %arg13[%swap3A_609, %swap3A_610] {strides = array<i32>} : memref<128x144xf32, #tpu.memory_space<vmem>>, vector<16xf32>,
          tpu.vector_store %arg13[%swap3A_609, %swap3A_610], %mul3A_608 {strides = array<i32>} : memref<128x144xf32, #tpu.memory_space<vmem>>, vector<16xf32>,
          %get3A_612 = arith.index_cast %add3A_569 : i32 to index
          %get3A_613 = arith.constant 96 : index
          %get3A_614 = tpu.vector_load %arg13[%get3A_612, %get3A_613] {strides = array<i32>} : memref<128x144xf32, #tpu.memory_space<vmem>>, vector<16xf32>,
          %mul3A_615 = arith.mulf %get3A_614, %broadcast_in_dim3A_565 : vector<16xf32>
          %swap3A_616 = arith.index_cast %add3A_569 : i32 to index
          %swap3A_617 = arith.constant 96 : index
          %swap3A_618 = tpu.vector_load %arg13[%swap3A_616, %swap3A_617] {strides = array<i32>} : memref<128x144xf32, #tpu.memory_space<vmem>>, vector<16xf32>,
          tpu.vector_store %arg13[%swap3A_616, %swap3A_617], %mul3A_615 {strides = array<i32>} : memref<128x144xf32, #tpu.memory_space<vmem>>, vector<16xf32>,
          %get3A_619 = arith.index_cast %add3A_569 : i32 to index
          %get3A_620 = arith.constant 112 : index
          %get3A_621 = tpu.vector_load %arg13[%get3A_619, %get3A_620] {strides = array<i32>} : memref<128x144xf32, #tpu.memory_space<vmem>>, vector<16xf32>,
          %mul3A_622 = arith.mulf %get3A_621, %broadcast_in_dim3A_565 : vector<16xf32>
          %swap3A_623 = arith.index_cast %add3A_569 : i32 to index
          %swap3A_624 = arith.constant 112 : index
          %swap3A_625 = tpu.vector_load %arg13[%swap3A_623, %swap3A_624] {strides = array<i32>} : memref<128x144xf32, #tpu.memory_space<vmem>>, vector<16xf32>,
          tpu.vector_store %arg13[%swap3A_623, %swap3A_624], %mul3A_622 {strides = array<i32>} : memref<128x144xf32, #tpu.memory_space<vmem>>, vector<16xf32>,
          %get3A_626 = arith.index_cast %add3A_569 : i32 to index
          %get3A_627 = arith.constant 128 : index
          %get3A_628 = tpu.vector_load %arg13[%get3A_626, %get3A_627] {strides = array<i32>} : memref<128x144xf32, #tpu.memory_space<vmem>>, vector<16xf32>,
          %mul3A_629 = arith.mulf %get3A_628, %broadcast_in_dim3A_565 : vector<16xf32>
          %swap3A_630 = arith.index_cast %add3A_569 : i32 to index
          %swap3A_631 = arith.constant 128 : index
          %swap3A_632 = tpu.vector_load %arg13[%swap3A_630, %swap3A_631] {strides = array<i32>} : memref<128x144xf32, #tpu.memory_space<vmem>>, vector<16xf32>,
          tpu.vector_store %arg13[%swap3A_630, %swap3A_631], %mul3A_629 {strides = array<i32>} : memref<128x144xf32, #tpu.memory_space<vmem>>, vector<16xf32>,
          %slice3A_633 = vector.extract_strided_slice %exp3A {offsets = [8], sizes = [1], strides = [1]} : vector<16xf32> to vector<1xf32>
          %squeeze3A_634 = vector.extract %slice3A_633[0] : f32 from vector<1xf32>
          %broadcast_in_dim3A_635 = vector.broadcast %squeeze3A_634 : f32 to vector<16xf32>
          %mul3A_636 = arith.constant 16 : i32
          %mul3A_637 = arith.muli %scan3A_61, %mul3A_636 : i32
          %add3A_638 = arith.constant 8 : i32
          %add3A_639 = arith.addi %mul3A_637, %add3A_638 : i32
          %get3A_640 = arith.index_cast %add3A_639 : i32 to index
          %get3A_641 = arith.constant 0 : index
          %get3A_642 = tpu.vector_load %arg13[%get3A_640, %get3A_641] {strides = array<i32>} : memref<128x144xf32, #tpu.memory_space<vmem>>, vector<16xf32>,
          %mul3A_643 = arith.mulf %get3A_642, %broadcast_in_dim3A_635 : vector<16xf32>
          %swap3A_644 = arith.index_cast %add3A_639 : i32 to index
          %swap3A_645 = arith.constant 0 : index
          %swap3A_646 = tpu.vector_load %arg13[%swap3A_644, %swap3A_645] {strides = array<i32>} : memref<128x144xf32, #tpu.memory_space<vmem>>, vector<16xf32>,
          tpu.vector_store %arg13[%swap3A_644, %swap3A_645], %mul3A_643 {strides = array<i32>} : memref<128x144xf32, #tpu.memory_space<vmem>>, vector<16xf32>,
          %get3A_647 = arith.index_cast %add3A_639 : i32 to index
          %get3A_648 = arith.constant 16 : index
          %get3A_649 = tpu.vector_load %arg13[%get3A_647, %get3A_648] {strides = array<i32>} : memref<128x144xf32, #tpu.memory_space<vmem>>, vector<16xf32>,
          %mul3A_650 = arith.mulf %get3A_649, %broadcast_in_dim3A_635 : vector<16xf32>
          %swap3A_651 = arith.index_cast %add3A_639 : i32 to index
          %swap3A_652 = arith.constant 16 : index
          %swap3A_653 = tpu.vector_load %arg13[%swap3A_651, %swap3A_652] {strides = array<i32>} : memref<128x144xf32, #tpu.memory_space<vmem>>, vector<16xf32>,
          tpu.vector_store %arg13[%swap3A_651, %swap3A_652], %mul3A_650 {strides = array<i32>} : memref<128x144xf32, #tpu.memory_space<vmem>>, vector<16xf32>,
          %get3A_654 = arith.index_cast %add3A_639 : i32 to index
          %get3A_655 = arith.constant 32 : index
          %get3A_656 = tpu.vector_load %arg13[%get3A_654, %get3A_655] {strides = array<i32>} : memref<128x144xf32, #tpu.memory_space<vmem>>, vector<16xf32>,
          %mul3A_657 = arith.mulf %get3A_656, %broadcast_in_dim3A_635 : vector<16xf32>
          %swap3A_658 = arith.index_cast %add3A_639 : i32 to index
          %swap3A_659 = arith.constant 32 : index
          %swap3A_660 = tpu.vector_load %arg13[%swap3A_658, %swap3A_659] {strides = array<i32>} : memref<128x144xf32, #tpu.memory_space<vmem>>, vector<16xf32>,
          tpu.vector_store %arg13[%swap3A_658, %swap3A_659], %mul3A_657 {strides = array<i32>} : memref<128x144xf32, #tpu.memory_space<vmem>>, vector<16xf32>,
          %get3A_661 = arith.index_cast %add3A_639 : i32 to index
          %get3A_662 = arith.constant 48 : index
          %get3A_663 = tpu.vector_load %arg13[%get3A_661, %get3A_662] {strides = array<i32>} : memref<128x144xf32, #tpu.memory_space<vmem>>, vector<16xf32>,
          %mul3A_664 = arith.mulf %get3A_663, %broadcast_in_dim3A_635 : vector<16xf32>
          %swap3A_665 = arith.index_cast %add3A_639 : i32 to index
          %swap3A_666 = arith.constant 48 : index
          %swap3A_667 = tpu.vector_load %arg13[%swap3A_665, %swap3A_666] {strides = array<i32>} : memref<128x144xf32, #tpu.memory_space<vmem>>, vector<16xf32>,
          tpu.vector_store %arg13[%swap3A_665, %swap3A_666], %mul3A_664 {strides = array<i32>} : memref<128x144xf32, #tpu.memory_space<vmem>>, vector<16xf32>,
          %get3A_668 = arith.index_cast %add3A_639 : i32 to index
          %get3A_669 = arith.constant 64 : index
          %get3A_670 = tpu.vector_load %arg13[%get3A_668, %get3A_669] {strides = array<i32>} : memref<128x144xf32, #tpu.memory_space<vmem>>, vector<16xf32>,
          %mul3A_671 = arith.mulf %get3A_670, %broadcast_in_dim3A_635 : vector<16xf32>
          %swap3A_672 = arith.index_cast %add3A_639 : i32 to index
          %swap3A_673 = arith.constant 64 : index
          %swap3A_674 = tpu.vector_load %arg13[%swap3A_672, %swap3A_673] {strides = array<i32>} : memref<128x144xf32, #tpu.memory_space<vmem>>, vector<16xf32>,
          tpu.vector_store %arg13[%swap3A_672, %swap3A_673], %mul3A_671 {strides = array<i32>} : memref<128x144xf32, #tpu.memory_space<vmem>>, vector<16xf32>,
          %get3A_675 = arith.index_cast %add3A_639 : i32 to index
          %get3A_676 = arith.constant 80 : index
          %get3A_677 = tpu.vector_load %arg13[%get3A_675, %get3A_676] {strides = array<i32>} : memref<128x144xf32, #tpu.memory_space<vmem>>, vector<16xf32>,
          %mul3A_678 = arith.mulf %get3A_677, %broadcast_in_dim3A_635 : vector<16xf32>
          %swap3A_679 = arith.index_cast %add3A_639 : i32 to index
          %swap3A_680 = arith.constant 80 : index
          %swap3A_681 = tpu.vector_load %arg13[%swap3A_679, %swap3A_680] {strides = array<i32>} : memref<128x144xf32, #tpu.memory_space<vmem>>, vector<16xf32>,
          tpu.vector_store %arg13[%swap3A_679, %swap3A_680], %mul3A_678 {strides = array<i32>} : memref<128x144xf32, #tpu.memory_space<vmem>>, vector<16xf32>,
          %get3A_682 = arith.index_cast %add3A_639 : i32 to index
          %get3A_683 = arith.constant 96 : index
          %get3A_684 = tpu.vector_load %arg13[%get3A_682, %get3A_683] {strides = array<i32>} : memref<128x144xf32, #tpu.memory_space<vmem>>, vector<16xf32>,
          %mul3A_685 = arith.mulf %get3A_684, %broadcast_in_dim3A_635 : vector<16xf32>
          %swap3A_686 = arith.index_cast %add3A_639 : i32 to index
          %swap3A_687 = arith.constant 96 : index
          %swap3A_688 = tpu.vector_load %arg13[%swap3A_686, %swap3A_687] {strides = array<i32>} : memref<128x144xf32, #tpu.memory_space<vmem>>, vector<16xf32>,
          tpu.vector_store %arg13[%swap3A_686, %swap3A_687], %mul3A_685 {strides = array<i32>} : memref<128x144xf32, #tpu.memory_space<vmem>>, vector<16xf32>,
          %get3A_689 = arith.index_cast %add3A_639 : i32 to index
          %get3A_690 = arith.constant 112 : index
          %get3A_691 = tpu.vector_load %arg13[%get3A_689, %get3A_690] {strides = array<i32>} : memref<128x144xf32, #tpu.memory_space<vmem>>, vector<16xf32>,
          %mul3A_692 = arith.mulf %get3A_691, %broadcast_in_dim3A_635 : vector<16xf32>
          %swap3A_693 = arith.index_cast %add3A_639 : i32 to index
          %swap3A_694 = arith.constant 112 : index
          %swap3A_695 = tpu.vector_load %arg13[%swap3A_693, %swap3A_694] {strides = array<i32>} : memref<128x144xf32, #tpu.memory_space<vmem>>, vector<16xf32>,
          tpu.vector_store %arg13[%swap3A_693, %swap3A_694], %mul3A_692 {strides = array<i32>} : memref<128x144xf32, #tpu.memory_space<vmem>>, vector<16xf32>,
          %get3A_696 = arith.index_cast %add3A_639 : i32 to index
          %get3A_697 = arith.constant 128 : index
          %get3A_698 = tpu.vector_load %arg13[%get3A_696, %get3A_697] {strides = array<i32>} : memref<128x144xf32, #tpu.memory_space<vmem>>, vector<16xf32>,
          %mul3A_699 = arith.mulf %get3A_698, %broadcast_in_dim3A_635 : vector<16xf32>
          %swap3A_700 = arith.index_cast %add3A_639 : i32 to index
          %swap3A_701 = arith.constant 128 : index
          %swap3A_702 = tpu.vector_load %arg13[%swap3A_700, %swap3A_701] {strides = array<i32>} : memref<128x144xf32, #tpu.memory_space<vmem>>, vector<16xf32>,
          tpu.vector_store %arg13[%swap3A_700, %swap3A_701], %mul3A_699 {strides = array<i32>} : memref<128x144xf32, #tpu.memory_space<vmem>>, vector<16xf32>,
          %slice3A_703 = vector.extract_strided_slice %exp3A {offsets = [9], sizes = [1], strides = [1]} : vector<16xf32> to vector<1xf32>
          %squeeze3A_704 = vector.extract %slice3A_703[0] : f32 from vector<1xf32>
          %broadcast_in_dim3A_705 = vector.broadcast %squeeze3A_704 : f32 to vector<16xf32>
          %mul3A_706 = arith.constant 16 : i32
          %mul3A_707 = arith.muli %scan3A_61, %mul3A_706 : i32
          %add3A_708 = arith.constant 9 : i32
          %add3A_709 = arith.addi %mul3A_707, %add3A_708 : i32
          %get3A_710 = arith.index_cast %add3A_709 : i32 to index
          %get3A_711 = arith.constant 0 : index
          %get3A_712 = tpu.vector_load %arg13[%get3A_710, %get3A_711] {strides = array<i32>} : memref<128x144xf32, #tpu.memory_space<vmem>>, vector<16xf32>,
          %mul3A_713 = arith.mulf %get3A_712, %broadcast_in_dim3A_705 : vector<16xf32>
          %swap3A_714 = arith.index_cast %add3A_709 : i32 to index
          %swap3A_715 = arith.constant 0 : index
          %swap3A_716 = tpu.vector_load %arg13[%swap3A_714, %swap3A_715] {strides = array<i32>} : memref<128x144xf32, #tpu.memory_space<vmem>>, vector<16xf32>,
          tpu.vector_store %arg13[%swap3A_714, %swap3A_715], %mul3A_713 {strides = array<i32>} : memref<128x144xf32, #tpu.memory_space<vmem>>, vector<16xf32>,
          %get3A_717 = arith.index_cast %add3A_709 : i32 to index
          %get3A_718 = arith.constant 16 : index
          %get3A_719 = tpu.vector_load %arg13[%get3A_717, %get3A_718] {strides = array<i32>} : memref<128x144xf32, #tpu.memory_space<vmem>>, vector<16xf32>,
          %mul3A_720 = arith.mulf %get3A_719, %broadcast_in_dim3A_705 : vector<16xf32>
          %swap3A_721 = arith.index_cast %add3A_709 : i32 to index
          %swap3A_722 = arith.constant 16 : index
          %swap3A_723 = tpu.vector_load %arg13[%swap3A_721, %swap3A_722] {strides = array<i32>} : memref<128x144xf32, #tpu.memory_space<vmem>>, vector<16xf32>,
          tpu.vector_store %arg13[%swap3A_721, %swap3A_722], %mul3A_720 {strides = array<i32>} : memref<128x144xf32, #tpu.memory_space<vmem>>, vector<16xf32>,
          %get3A_724 = arith.index_cast %add3A_709 : i32 to index
          %get3A_725 = arith.constant 32 : index
          %get3A_726 = tpu.vector_load %arg13[%get3A_724, %get3A_725] {strides = array<i32>} : memref<128x144xf32, #tpu.memory_space<vmem>>, vector<16xf32>,
          %mul3A_727 = arith.mulf %get3A_726, %broadcast_in_dim3A_705 : vector<16xf32>
          %swap3A_728 = arith.index_cast %add3A_709 : i32 to index
          %swap3A_729 = arith.constant 32 : index
          %swap3A_730 = tpu.vector_load %arg13[%swap3A_728, %swap3A_729] {strides = array<i32>} : memref<128x144xf32, #tpu.memory_space<vmem>>, vector<16xf32>,
          tpu.vector_store %arg13[%swap3A_728, %swap3A_729], %mul3A_727 {strides = array<i32>} : memref<128x144xf32, #tpu.memory_space<vmem>>, vector<16xf32>,
          %get3A_731 = arith.index_cast %add3A_709 : i32 to index
          %get3A_732 = arith.constant 48 : index
          %get3A_733 = tpu.vector_load %arg13[%get3A_731, %get3A_732] {strides = array<i32>} : memref<128x144xf32, #tpu.memory_space<vmem>>, vector<16xf32>,
          %mul3A_734 = arith.mulf %get3A_733, %broadcast_in_dim3A_705 : vector<16xf32>
          %swap3A_735 = arith.index_cast %add3A_709 : i32 to index
          %swap3A_736 = arith.constant 48 : index
          %swap3A_737 = tpu.vector_load %arg13[%swap3A_735, %swap3A_736] {strides = array<i32>} : memref<128x144xf32, #tpu.memory_space<vmem>>, vector<16xf32>,
          tpu.vector_store %arg13[%swap3A_735, %swap3A_736], %mul3A_734 {strides = array<i32>} : memref<128x144xf32, #tpu.memory_space<vmem>>, vector<16xf32>,
          %get3A_738 = arith.index_cast %add3A_709 : i32 to index
          %get3A_739 = arith.constant 64 : index
          %get3A_740 = tpu.vector_load %arg13[%get3A_738, %get3A_739] {strides = array<i32>} : memref<128x144xf32, #tpu.memory_space<vmem>>, vector<16xf32>,
          %mul3A_741 = arith.mulf %get3A_740, %broadcast_in_dim3A_705 : vector<16xf32>
          %swap3A_742 = arith.index_cast %add3A_709 : i32 to index
          %swap3A_743 = arith.constant 64 : index
          %swap3A_744 = tpu.vector_load %arg13[%swap3A_742, %swap3A_743] {strides = array<i32>} : memref<128x144xf32, #tpu.memory_space<vmem>>, vector<16xf32>,
          tpu.vector_store %arg13[%swap3A_742, %swap3A_743], %mul3A_741 {strides = array<i32>} : memref<128x144xf32, #tpu.memory_space<vmem>>, vector<16xf32>,
          %get3A_745 = arith.index_cast %add3A_709 : i32 to index
          %get3A_746 = arith.constant 80 : index
          %get3A_747 = tpu.vector_load %arg13[%get3A_745, %get3A_746] {strides = array<i32>} : memref<128x144xf32, #tpu.memory_space<vmem>>, vector<16xf32>,
          %mul3A_748 = arith.mulf %get3A_747, %broadcast_in_dim3A_705 : vector<16xf32>
          %swap3A_749 = arith.index_cast %add3A_709 : i32 to index
          %swap3A_750 = arith.constant 80 : index
          %swap3A_751 = tpu.vector_load %arg13[%swap3A_749, %swap3A_750] {strides = array<i32>} : memref<128x144xf32, #tpu.memory_space<vmem>>, vector<16xf32>,
          tpu.vector_store %arg13[%swap3A_749, %swap3A_750], %mul3A_748 {strides = array<i32>} : memref<128x144xf32, #tpu.memory_space<vmem>>, vector<16xf32>,
          %get3A_752 = arith.index_cast %add3A_709 : i32 to index
          %get3A_753 = arith.constant 96 : index
          %get3A_754 = tpu.vector_load %arg13[%get3A_752, %get3A_753] {strides = array<i32>} : memref<128x144xf32, #tpu.memory_space<vmem>>, vector<16xf32>,
          %mul3A_755 = arith.mulf %get3A_754, %broadcast_in_dim3A_705 : vector<16xf32>
          %swap3A_756 = arith.index_cast %add3A_709 : i32 to index
          %swap3A_757 = arith.constant 96 : index
          %swap3A_758 = tpu.vector_load %arg13[%swap3A_756, %swap3A_757] {strides = array<i32>} : memref<128x144xf32, #tpu.memory_space<vmem>>, vector<16xf32>,
          tpu.vector_store %arg13[%swap3A_756, %swap3A_757], %mul3A_755 {strides = array<i32>} : memref<128x144xf32, #tpu.memory_space<vmem>>, vector<16xf32>,
          %get3A_759 = arith.index_cast %add3A_709 : i32 to index
          %get3A_760 = arith.constant 112 : index
          %get3A_761 = tpu.vector_load %arg13[%get3A_759, %get3A_760] {strides = array<i32>} : memref<128x144xf32, #tpu.memory_space<vmem>>, vector<16xf32>,
          %mul3A_762 = arith.mulf %get3A_761, %broadcast_in_dim3A_705 : vector<16xf32>
          %swap3A_763 = arith.index_cast %add3A_709 : i32 to index
          %swap3A_764 = arith.constant 112 : index
          %swap3A_765 = tpu.vector_load %arg13[%swap3A_763, %swap3A_764] {strides = array<i32>} : memref<128x144xf32, #tpu.memory_space<vmem>>, vector<16xf32>,
          tpu.vector_store %arg13[%swap3A_763, %swap3A_764], %mul3A_762 {strides = array<i32>} : memref<128x144xf32, #tpu.memory_space<vmem>>, vector<16xf32>,
          %get3A_766 = arith.index_cast %add3A_709 : i32 to index
          %get3A_767 = arith.constant 128 : index
          %get3A_768 = tpu.vector_load %arg13[%get3A_766, %get3A_767] {strides = array<i32>} : memref<128x144xf32, #tpu.memory_space<vmem>>, vector<16xf32>,
          %mul3A_769 = arith.mulf %get3A_768, %broadcast_in_dim3A_705 : vector<16xf32>
          %swap3A_770 = arith.index_cast %add3A_709 : i32 to index
          %swap3A_771 = arith.constant 128 : index
          %swap3A_772 = tpu.vector_load %arg13[%swap3A_770, %swap3A_771] {strides = array<i32>} : memref<128x144xf32, #tpu.memory_space<vmem>>, vector<16xf32>,
          tpu.vector_store %arg13[%swap3A_770, %swap3A_771], %mul3A_769 {strides = array<i32>} : memref<128x144xf32, #tpu.memory_space<vmem>>, vector<16xf32>,
          %slice3A_773 = vector.extract_strided_slice %exp3A {offsets = [10], sizes = [1], strides = [1]} : vector<16xf32> to vector<1xf32>
          %squeeze3A_774 = vector.extract %slice3A_773[0] : f32 from vector<1xf32>
          %broadcast_in_dim3A_775 = vector.broadcast %squeeze3A_774 : f32 to vector<16xf32>
          %mul3A_776 = arith.constant 16 : i32
          %mul3A_777 = arith.muli %scan3A_61, %mul3A_776 : i32
          %add3A_778 = arith.constant 10 : i32
          %add3A_779 = arith.addi %mul3A_777, %add3A_778 : i32
          %get3A_780 = arith.index_cast %add3A_779 : i32 to index
          %get3A_781 = arith.constant 0 : index
          %get3A_782 = tpu.vector_load %arg13[%get3A_780, %get3A_781] {strides = array<i32>} : memref<128x144xf32, #tpu.memory_space<vmem>>, vector<16xf32>,
          %mul3A_783 = arith.mulf %get3A_782, %broadcast_in_dim3A_775 : vector<16xf32>
          %swap3A_784 = arith.index_cast %add3A_779 : i32 to index
          %swap3A_785 = arith.constant 0 : index
          %swap3A_786 = tpu.vector_load %arg13[%swap3A_784, %swap3A_785] {strides = array<i32>} : memref<128x144xf32, #tpu.memory_space<vmem>>, vector<16xf32>,
          tpu.vector_store %arg13[%swap3A_784, %swap3A_785], %mul3A_783 {strides = array<i32>} : memref<128x144xf32, #tpu.memory_space<vmem>>, vector<16xf32>,
          %get3A_787 = arith.index_cast %add3A_779 : i32 to index
          %get3A_788 = arith.constant 16 : index
          %get3A_789 = tpu.vector_load %arg13[%get3A_787, %get3A_788] {strides = array<i32>} : memref<128x144xf32, #tpu.memory_space<vmem>>, vector<16xf32>,
          %mul3A_790 = arith.mulf %get3A_789, %broadcast_in_dim3A_775 : vector<16xf32>
          %swap3A_791 = arith.index_cast %add3A_779 : i32 to index
          %swap3A_792 = arith.constant 16 : index
          %swap3A_793 = tpu.vector_load %arg13[%swap3A_791, %swap3A_792] {strides = array<i32>} : memref<128x144xf32, #tpu.memory_space<vmem>>, vector<16xf32>,
          tpu.vector_store %arg13[%swap3A_791, %swap3A_792], %mul3A_790 {strides = array<i32>} : memref<128x144xf32, #tpu.memory_space<vmem>>, vector<16xf32>,
          %get3A_794 = arith.index_cast %add3A_779 : i32 to index
          %get3A_795 = arith.constant 32 : index
          %get3A_796 = tpu.vector_load %arg13[%get3A_794, %get3A_795] {strides = array<i32>} : memref<128x144xf32, #tpu.memory_space<vmem>>, vector<16xf32>,
          %mul3A_797 = arith.mulf %get3A_796, %broadcast_in_dim3A_775 : vector<16xf32>
          %swap3A_798 = arith.index_cast %add3A_779 : i32 to index
          %swap3A_799 = arith.constant 32 : index
          %swap3A_800 = tpu.vector_load %arg13[%swap3A_798, %swap3A_799] {strides = array<i32>} : memref<128x144xf32, #tpu.memory_space<vmem>>, vector<16xf32>,
          tpu.vector_store %arg13[%swap3A_798, %swap3A_799], %mul3A_797 {strides = array<i32>} : memref<128x144xf32, #tpu.memory_space<vmem>>, vector<16xf32>,
          %get3A_801 = arith.index_cast %add3A_779 : i32 to index
          %get3A_802 = arith.constant 48 : index
          %get3A_803 = tpu.vector_load %arg13[%get3A_801, %get3A_802] {strides = array<i32>} : memref<128x144xf32, #tpu.memory_space<vmem>>, vector<16xf32>,
          %mul3A_804 = arith.mulf %get3A_803, %broadcast_in_dim3A_775 : vector<16xf32>
          %swap3A_805 = arith.index_cast %add3A_779 : i32 to index
          %swap3A_806 = arith.constant 48 : index
          %swap3A_807 = tpu.vector_load %arg13[%swap3A_805, %swap3A_806] {strides = array<i32>} : memref<128x144xf32, #tpu.memory_space<vmem>>, vector<16xf32>,
          tpu.vector_store %arg13[%swap3A_805, %swap3A_806], %mul3A_804 {strides = array<i32>} : memref<128x144xf32, #tpu.memory_space<vmem>>, vector<16xf32>,
          %get3A_808 = arith.index_cast %add3A_779 : i32 to index
          %get3A_809 = arith.constant 64 : index
          %get3A_810 = tpu.vector_load %arg13[%get3A_808, %get3A_809] {strides = array<i32>} : memref<128x144xf32, #tpu.memory_space<vmem>>, vector<16xf32>,
          %mul3A_811 = arith.mulf %get3A_810, %broadcast_in_dim3A_775 : vector<16xf32>
          %swap3A_812 = arith.index_cast %add3A_779 : i32 to index
          %swap3A_813 = arith.constant 64 : index
          %swap3A_814 = tpu.vector_load %arg13[%swap3A_812, %swap3A_813] {strides = array<i32>} : memref<128x144xf32, #tpu.memory_space<vmem>>, vector<16xf32>,
          tpu.vector_store %arg13[%swap3A_812, %swap3A_813], %mul3A_811 {strides = array<i32>} : memref<128x144xf32, #tpu.memory_space<vmem>>, vector<16xf32>,
          %get3A_815 = arith.index_cast %add3A_779 : i32 to index
          %get3A_816 = arith.constant 80 : index
          %get3A_817 = tpu.vector_load %arg13[%get3A_815, %get3A_816] {strides = array<i32>} : memref<128x144xf32, #tpu.memory_space<vmem>>, vector<16xf32>,
          %mul3A_818 = arith.mulf %get3A_817, %broadcast_in_dim3A_775 : vector<16xf32>
          %swap3A_819 = arith.index_cast %add3A_779 : i32 to index
          %swap3A_820 = arith.constant 80 : index
          %swap3A_821 = tpu.vector_load %arg13[%swap3A_819, %swap3A_820] {strides = array<i32>} : memref<128x144xf32, #tpu.memory_space<vmem>>, vector<16xf32>,
          tpu.vector_store %arg13[%swap3A_819, %swap3A_820], %mul3A_818 {strides = array<i32>} : memref<128x144xf32, #tpu.memory_space<vmem>>, vector<16xf32>,
          %get3A_822 = arith.index_cast %add3A_779 : i32 to index
          %get3A_823 = arith.constant 96 : index
          %get3A_824 = tpu.vector_load %arg13[%get3A_822, %get3A_823] {strides = array<i32>} : memref<128x144xf32, #tpu.memory_space<vmem>>, vector<16xf32>,
          %mul3A_825 = arith.mulf %get3A_824, %broadcast_in_dim3A_775 : vector<16xf32>
          %swap3A_826 = arith.index_cast %add3A_779 : i32 to index
          %swap3A_827 = arith.constant 96 : index
          %swap3A_828 = tpu.vector_load %arg13[%swap3A_826, %swap3A_827] {strides = array<i32>} : memref<128x144xf32, #tpu.memory_space<vmem>>, vector<16xf32>,
          tpu.vector_store %arg13[%swap3A_826, %swap3A_827], %mul3A_825 {strides = array<i32>} : memref<128x144xf32, #tpu.memory_space<vmem>>, vector<16xf32>,
          %get3A_829 = arith.index_cast %add3A_779 : i32 to index
          %get3A_830 = arith.constant 112 : index
          %get3A_831 = tpu.vector_load %arg13[%get3A_829, %get3A_830] {strides = array<i32>} : memref<128x144xf32, #tpu.memory_space<vmem>>, vector<16xf32>,
          %mul3A_832 = arith.mulf %get3A_831, %broadcast_in_dim3A_775 : vector<16xf32>
          %swap3A_833 = arith.index_cast %add3A_779 : i32 to index
          %swap3A_834 = arith.constant 112 : index
          %swap3A_835 = tpu.vector_load %arg13[%swap3A_833, %swap3A_834] {strides = array<i32>} : memref<128x144xf32, #tpu.memory_space<vmem>>, vector<16xf32>,
          tpu.vector_store %arg13[%swap3A_833, %swap3A_834], %mul3A_832 {strides = array<i32>} : memref<128x144xf32, #tpu.memory_space<vmem>>, vector<16xf32>,
          %get3A_836 = arith.index_cast %add3A_779 : i32 to index
          %get3A_837 = arith.constant 128 : index
          %get3A_838 = tpu.vector_load %arg13[%get3A_836, %get3A_837] {strides = array<i32>} : memref<128x144xf32, #tpu.memory_space<vmem>>, vector<16xf32>,
          %mul3A_839 = arith.mulf %get3A_838, %broadcast_in_dim3A_775 : vector<16xf32>
          %swap3A_840 = arith.index_cast %add3A_779 : i32 to index
          %swap3A_841 = arith.constant 128 : index
          %swap3A_842 = tpu.vector_load %arg13[%swap3A_840, %swap3A_841] {strides = array<i32>} : memref<128x144xf32, #tpu.memory_space<vmem>>, vector<16xf32>,
          tpu.vector_store %arg13[%swap3A_840, %swap3A_841], %mul3A_839 {strides = array<i32>} : memref<128x144xf32, #tpu.memory_space<vmem>>, vector<16xf32>,
          %slice3A_843 = vector.extract_strided_slice %exp3A {offsets = [11], sizes = [1], strides = [1]} : vector<16xf32> to vector<1xf32>
          %squeeze3A_844 = vector.extract %slice3A_843[0] : f32 from vector<1xf32>
          %broadcast_in_dim3A_845 = vector.broadcast %squeeze3A_844 : f32 to vector<16xf32>
          %mul3A_846 = arith.constant 16 : i32
          %mul3A_847 = arith.muli %scan3A_61, %mul3A_846 : i32
          %add3A_848 = arith.constant 11 : i32
          %add3A_849 = arith.addi %mul3A_847, %add3A_848 : i32
          %get3A_850 = arith.index_cast %add3A_849 : i32 to index
          %get3A_851 = arith.constant 0 : index
          %get3A_852 = tpu.vector_load %arg13[%get3A_850, %get3A_851] {strides = array<i32>} : memref<128x144xf32, #tpu.memory_space<vmem>>, vector<16xf32>,
          %mul3A_853 = arith.mulf %get3A_852, %broadcast_in_dim3A_845 : vector<16xf32>
          %swap3A_854 = arith.index_cast %add3A_849 : i32 to index
          %swap3A_855 = arith.constant 0 : index
          %swap3A_856 = tpu.vector_load %arg13[%swap3A_854, %swap3A_855] {strides = array<i32>} : memref<128x144xf32, #tpu.memory_space<vmem>>, vector<16xf32>,
          tpu.vector_store %arg13[%swap3A_854, %swap3A_855], %mul3A_853 {strides = array<i32>} : memref<128x144xf32, #tpu.memory_space<vmem>>, vector<16xf32>,
          %get3A_857 = arith.index_cast %add3A_849 : i32 to index
          %get3A_858 = arith.constant 16 : index
          %get3A_859 = tpu.vector_load %arg13[%get3A_857, %get3A_858] {strides = array<i32>} : memref<128x144xf32, #tpu.memory_space<vmem>>, vector<16xf32>,
          %mul3A_860 = arith.mulf %get3A_859, %broadcast_in_dim3A_845 : vector<16xf32>
          %swap3A_861 = arith.index_cast %add3A_849 : i32 to index
          %swap3A_862 = arith.constant 16 : index
          %swap3A_863 = tpu.vector_load %arg13[%swap3A_861, %swap3A_862] {strides = array<i32>} : memref<128x144xf32, #tpu.memory_space<vmem>>, vector<16xf32>,
          tpu.vector_store %arg13[%swap3A_861, %swap3A_862], %mul3A_860 {strides = array<i32>} : memref<128x144xf32, #tpu.memory_space<vmem>>, vector<16xf32>,
          %get3A_864 = arith.index_cast %add3A_849 : i32 to index
          %get3A_865 = arith.constant 32 : index
          %get3A_866 = tpu.vector_load %arg13[%get3A_864, %get3A_865] {strides = array<i32>} : memref<128x144xf32, #tpu.memory_space<vmem>>, vector<16xf32>,
          %mul3A_867 = arith.mulf %get3A_866, %broadcast_in_dim3A_845 : vector<16xf32>
          %swap3A_868 = arith.index_cast %add3A_849 : i32 to index
          %swap3A_869 = arith.constant 32 : index
          %swap3A_870 = tpu.vector_load %arg13[%swap3A_868, %swap3A_869] {strides = array<i32>} : memref<128x144xf32, #tpu.memory_space<vmem>>, vector<16xf32>,
          tpu.vector_store %arg13[%swap3A_868, %swap3A_869], %mul3A_867 {strides = array<i32>} : memref<128x144xf32, #tpu.memory_space<vmem>>, vector<16xf32>,
          %get3A_871 = arith.index_cast %add3A_849 : i32 to index
          %get3A_872 = arith.constant 48 : index
          %get3A_873 = tpu.vector_load %arg13[%get3A_871, %get3A_872] {strides = array<i32>} : memref<128x144xf32, #tpu.memory_space<vmem>>, vector<16xf32>,
          %mul3A_874 = arith.mulf %get3A_873, %broadcast_in_dim3A_845 : vector<16xf32>
          %swap3A_875 = arith.index_cast %add3A_849 : i32 to index
          %swap3A_876 = arith.constant 48 : index
          %swap3A_877 = tpu.vector_load %arg13[%swap3A_875, %swap3A_876] {strides = array<i32>} : memref<128x144xf32, #tpu.memory_space<vmem>>, vector<16xf32>,
          tpu.vector_store %arg13[%swap3A_875, %swap3A_876], %mul3A_874 {strides = array<i32>} : memref<128x144xf32, #tpu.memory_space<vmem>>, vector<16xf32>,
          %get3A_878 = arith.index_cast %add3A_849 : i32 to index
          %get3A_879 = arith.constant 64 : index
          %get3A_880 = tpu.vector_load %arg13[%get3A_878, %get3A_879] {strides = array<i32>} : memref<128x144xf32, #tpu.memory_space<vmem>>, vector<16xf32>,
          %mul3A_881 = arith.mulf %get3A_880, %broadcast_in_dim3A_845 : vector<16xf32>
          %swap3A_882 = arith.index_cast %add3A_849 : i32 to index
          %swap3A_883 = arith.constant 64 : index
          %swap3A_884 = tpu.vector_load %arg13[%swap3A_882, %swap3A_883] {strides = array<i32>} : memref<128x144xf32, #tpu.memory_space<vmem>>, vector<16xf32>,
          tpu.vector_store %arg13[%swap3A_882, %swap3A_883], %mul3A_881 {strides = array<i32>} : memref<128x144xf32, #tpu.memory_space<vmem>>, vector<16xf32>,
          %get3A_885 = arith.index_cast %add3A_849 : i32 to index
          %get3A_886 = arith.constant 80 : index
          %get3A_887 = tpu.vector_load %arg13[%get3A_885, %get3A_886] {strides = array<i32>} : memref<128x144xf32, #tpu.memory_space<vmem>>, vector<16xf32>,
          %mul3A_888 = arith.mulf %get3A_887, %broadcast_in_dim3A_845 : vector<16xf32>
          %swap3A_889 = arith.index_cast %add3A_849 : i32 to index
          %swap3A_890 = arith.constant 80 : index
          %swap3A_891 = tpu.vector_load %arg13[%swap3A_889, %swap3A_890] {strides = array<i32>} : memref<128x144xf32, #tpu.memory_space<vmem>>, vector<16xf32>,
          tpu.vector_store %arg13[%swap3A_889, %swap3A_890], %mul3A_888 {strides = array<i32>} : memref<128x144xf32, #tpu.memory_space<vmem>>, vector<16xf32>,
          %get3A_892 = arith.index_cast %add3A_849 : i32 to index
          %get3A_893 = arith.constant 96 : index
          %get3A_894 = tpu.vector_load %arg13[%get3A_892, %get3A_893] {strides = array<i32>} : memref<128x144xf32, #tpu.memory_space<vmem>>, vector<16xf32>,
          %mul3A_895 = arith.mulf %get3A_894, %broadcast_in_dim3A_845 : vector<16xf32>
          %swap3A_896 = arith.index_cast %add3A_849 : i32 to index
          %swap3A_897 = arith.constant 96 : index
          %swap3A_898 = tpu.vector_load %arg13[%swap3A_896, %swap3A_897] {strides = array<i32>} : memref<128x144xf32, #tpu.memory_space<vmem>>, vector<16xf32>,
          tpu.vector_store %arg13[%swap3A_896, %swap3A_897], %mul3A_895 {strides = array<i32>} : memref<128x144xf32, #tpu.memory_space<vmem>>, vector<16xf32>,
          %get3A_899 = arith.index_cast %add3A_849 : i32 to index
          %get3A_900 = arith.constant 112 : index
          %get3A_901 = tpu.vector_load %arg13[%get3A_899, %get3A_900] {strides = array<i32>} : memref<128x144xf32, #tpu.memory_space<vmem>>, vector<16xf32>,
          %mul3A_902 = arith.mulf %get3A_901, %broadcast_in_dim3A_845 : vector<16xf32>
          %swap3A_903 = arith.index_cast %add3A_849 : i32 to index
          %swap3A_904 = arith.constant 112 : index
          %swap3A_905 = tpu.vector_load %arg13[%swap3A_903, %swap3A_904] {strides = array<i32>} : memref<128x144xf32, #tpu.memory_space<vmem>>, vector<16xf32>,
          tpu.vector_store %arg13[%swap3A_903, %swap3A_904], %mul3A_902 {strides = array<i32>} : memref<128x144xf32, #tpu.memory_space<vmem>>, vector<16xf32>,
          %get3A_906 = arith.index_cast %add3A_849 : i32 to index
          %get3A_907 = arith.constant 128 : index
          %get3A_908 = tpu.vector_load %arg13[%get3A_906, %get3A_907] {strides = array<i32>} : memref<128x144xf32, #tpu.memory_space<vmem>>, vector<16xf32>,
          %mul3A_909 = arith.mulf %get3A_908, %broadcast_in_dim3A_845 : vector<16xf32>
          %swap3A_910 = arith.index_cast %add3A_849 : i32 to index
          %swap3A_911 = arith.constant 128 : index
          %swap3A_912 = tpu.vector_load %arg13[%swap3A_910, %swap3A_911] {strides = array<i32>} : memref<128x144xf32, #tpu.memory_space<vmem>>, vector<16xf32>,
          tpu.vector_store %arg13[%swap3A_910, %swap3A_911], %mul3A_909 {strides = array<i32>} : memref<128x144xf32, #tpu.memory_space<vmem>>, vector<16xf32>,
          %slice3A_913 = vector.extract_strided_slice %exp3A {offsets = [12], sizes = [1], strides = [1]} : vector<16xf32> to vector<1xf32>
          %squeeze3A_914 = vector.extract %slice3A_913[0] : f32 from vector<1xf32>
          %broadcast_in_dim3A_915 = vector.broadcast %squeeze3A_914 : f32 to vector<16xf32>
          %mul3A_916 = arith.constant 16 : i32
          %mul3A_917 = arith.muli %scan3A_61, %mul3A_916 : i32
          %add3A_918 = arith.constant 12 : i32
          %add3A_919 = arith.addi %mul3A_917, %add3A_918 : i32
          %get3A_920 = arith.index_cast %add3A_919 : i32 to index
          %get3A_921 = arith.constant 0 : index
          %get3A_922 = tpu.vector_load %arg13[%get3A_920, %get3A_921] {strides = array<i32>} : memref<128x144xf32, #tpu.memory_space<vmem>>, vector<16xf32>,
          %mul3A_923 = arith.mulf %get3A_922, %broadcast_in_dim3A_915 : vector<16xf32>
          %swap3A_924 = arith.index_cast %add3A_919 : i32 to index
          %swap3A_925 = arith.constant 0 : index
          %swap3A_926 = tpu.vector_load %arg13[%swap3A_924, %swap3A_925] {strides = array<i32>} : memref<128x144xf32, #tpu.memory_space<vmem>>, vector<16xf32>,
          tpu.vector_store %arg13[%swap3A_924, %swap3A_925], %mul3A_923 {strides = array<i32>} : memref<128x144xf32, #tpu.memory_space<vmem>>, vector<16xf32>,
          %get3A_927 = arith.index_cast %add3A_919 : i32 to index
          %get3A_928 = arith.constant 16 : index
          %get3A_929 = tpu.vector_load %arg13[%get3A_927, %get3A_928] {strides = array<i32>} : memref<128x144xf32, #tpu.memory_space<vmem>>, vector<16xf32>,
          %mul3A_930 = arith.mulf %get3A_929, %broadcast_in_dim3A_915 : vector<16xf32>
          %swap3A_931 = arith.index_cast %add3A_919 : i32 to index
          %swap3A_932 = arith.constant 16 : index
          %swap3A_933 = tpu.vector_load %arg13[%swap3A_931, %swap3A_932] {strides = array<i32>} : memref<128x144xf32, #tpu.memory_space<vmem>>, vector<16xf32>,
          tpu.vector_store %arg13[%swap3A_931, %swap3A_932], %mul3A_930 {strides = array<i32>} : memref<128x144xf32, #tpu.memory_space<vmem>>, vector<16xf32>,
          %get3A_934 = arith.index_cast %add3A_919 : i32 to index
          %get3A_935 = arith.constant 32 : index
          %get3A_936 = tpu.vector_load %arg13[%get3A_934, %get3A_935] {strides = array<i32>} : memref<128x144xf32, #tpu.memory_space<vmem>>, vector<16xf32>,
          %mul3A_937 = arith.mulf %get3A_936, %broadcast_in_dim3A_915 : vector<16xf32>
          %swap3A_938 = arith.index_cast %add3A_919 : i32 to index
          %swap3A_939 = arith.constant 32 : index
          %swap3A_940 = tpu.vector_load %arg13[%swap3A_938, %swap3A_939] {strides = array<i32>} : memref<128x144xf32, #tpu.memory_space<vmem>>, vector<16xf32>,
          tpu.vector_store %arg13[%swap3A_938, %swap3A_939], %mul3A_937 {strides = array<i32>} : memref<128x144xf32, #tpu.memory_space<vmem>>, vector<16xf32>,
          %get3A_941 = arith.index_cast %add3A_919 : i32 to index
          %get3A_942 = arith.constant 48 : index
          %get3A_943 = tpu.vector_load %arg13[%get3A_941, %get3A_942] {strides = array<i32>} : memref<128x144xf32, #tpu.memory_space<vmem>>, vector<16xf32>,
          %mul3A_944 = arith.mulf %get3A_943, %broadcast_in_dim3A_915 : vector<16xf32>
          %swap3A_945 = arith.index_cast %add3A_919 : i32 to index
          %swap3A_946 = arith.constant 48 : index
          %swap3A_947 = tpu.vector_load %arg13[%swap3A_945, %swap3A_946] {strides = array<i32>} : memref<128x144xf32, #tpu.memory_space<vmem>>, vector<16xf32>,
          tpu.vector_store %arg13[%swap3A_945, %swap3A_946], %mul3A_944 {strides = array<i32>} : memref<128x144xf32, #tpu.memory_space<vmem>>, vector<16xf32>,
          %get3A_948 = arith.index_cast %add3A_919 : i32 to index
          %get3A_949 = arith.constant 64 : index
          %get3A_950 = tpu.vector_load %arg13[%get3A_948, %get3A_949] {strides = array<i32>} : memref<128x144xf32, #tpu.memory_space<vmem>>, vector<16xf32>,
          %mul3A_951 = arith.mulf %get3A_950, %broadcast_in_dim3A_915 : vector<16xf32>
          %swap3A_952 = arith.index_cast %add3A_919 : i32 to index
          %swap3A_953 = arith.constant 64 : index
          %swap3A_954 = tpu.vector_load %arg13[%swap3A_952, %swap3A_953] {strides = array<i32>} : memref<128x144xf32, #tpu.memory_space<vmem>>, vector<16xf32>,
          tpu.vector_store %arg13[%swap3A_952, %swap3A_953], %mul3A_951 {strides = array<i32>} : memref<128x144xf32, #tpu.memory_space<vmem>>, vector<16xf32>,
          %get3A_955 = arith.index_cast %add3A_919 : i32 to index
          %get3A_956 = arith.constant 80 : index
          %get3A_957 = tpu.vector_load %arg13[%get3A_955, %get3A_956] {strides = array<i32>} : memref<128x144xf32, #tpu.memory_space<vmem>>, vector<16xf32>,
          %mul3A_958 = arith.mulf %get3A_957, %broadcast_in_dim3A_915 : vector<16xf32>
          %swap3A_959 = arith.index_cast %add3A_919 : i32 to index
          %swap3A_960 = arith.constant 80 : index
          %swap3A_961 = tpu.vector_load %arg13[%swap3A_959, %swap3A_960] {strides = array<i32>} : memref<128x144xf32, #tpu.memory_space<vmem>>, vector<16xf32>,
          tpu.vector_store %arg13[%swap3A_959, %swap3A_960], %mul3A_958 {strides = array<i32>} : memref<128x144xf32, #tpu.memory_space<vmem>>, vector<16xf32>,
          %get3A_962 = arith.index_cast %add3A_919 : i32 to index
          %get3A_963 = arith.constant 96 : index
          %get3A_964 = tpu.vector_load %arg13[%get3A_962, %get3A_963] {strides = array<i32>} : memref<128x144xf32, #tpu.memory_space<vmem>>, vector<16xf32>,
          %mul3A_965 = arith.mulf %get3A_964, %broadcast_in_dim3A_915 : vector<16xf32>
          %swap3A_966 = arith.index_cast %add3A_919 : i32 to index
          %swap3A_967 = arith.constant 96 : index
          %swap3A_968 = tpu.vector_load %arg13[%swap3A_966, %swap3A_967] {strides = array<i32>} : memref<128x144xf32, #tpu.memory_space<vmem>>, vector<16xf32>,
          tpu.vector_store %arg13[%swap3A_966, %swap3A_967], %mul3A_965 {strides = array<i32>} : memref<128x144xf32, #tpu.memory_space<vmem>>, vector<16xf32>,
          %get3A_969 = arith.index_cast %add3A_919 : i32 to index
          %get3A_970 = arith.constant 112 : index
          %get3A_971 = tpu.vector_load %arg13[%get3A_969, %get3A_970] {strides = array<i32>} : memref<128x144xf32, #tpu.memory_space<vmem>>, vector<16xf32>,
          %mul3A_972 = arith.mulf %get3A_971, %broadcast_in_dim3A_915 : vector<16xf32>
          %swap3A_973 = arith.index_cast %add3A_919 : i32 to index
          %swap3A_974 = arith.constant 112 : index
          %swap3A_975 = tpu.vector_load %arg13[%swap3A_973, %swap3A_974] {strides = array<i32>} : memref<128x144xf32, #tpu.memory_space<vmem>>, vector<16xf32>,
          tpu.vector_store %arg13[%swap3A_973, %swap3A_974], %mul3A_972 {strides = array<i32>} : memref<128x144xf32, #tpu.memory_space<vmem>>, vector<16xf32>,
          %get3A_976 = arith.index_cast %add3A_919 : i32 to index
          %get3A_977 = arith.constant 128 : index
          %get3A_978 = tpu.vector_load %arg13[%get3A_976, %get3A_977] {strides = array<i32>} : memref<128x144xf32, #tpu.memory_space<vmem>>, vector<16xf32>,
          %mul3A_979 = arith.mulf %get3A_978, %broadcast_in_dim3A_915 : vector<16xf32>
          %swap3A_980 = arith.index_cast %add3A_919 : i32 to index
          %swap3A_981 = arith.constant 128 : index
          %swap3A_982 = tpu.vector_load %arg13[%swap3A_980, %swap3A_981] {strides = array<i32>} : memref<128x144xf32, #tpu.memory_space<vmem>>, vector<16xf32>,
          tpu.vector_store %arg13[%swap3A_980, %swap3A_981], %mul3A_979 {strides = array<i32>} : memref<128x144xf32, #tpu.memory_space<vmem>>, vector<16xf32>,
          %slice3A_983 = vector.extract_strided_slice %exp3A {offsets = [13], sizes = [1], strides = [1]} : vector<16xf32> to vector<1xf32>
          %squeeze3A_984 = vector.extract %slice3A_983[0] : f32 from vector<1xf32>
          %broadcast_in_dim3A_985 = vector.broadcast %squeeze3A_984 : f32 to vector<16xf32>
          %mul3A_986 = arith.constant 16 : i32
          %mul3A_987 = arith.muli %scan3A_61, %mul3A_986 : i32
          %add3A_988 = arith.constant 13 : i32
          %add3A_989 = arith.addi %mul3A_987, %add3A_988 : i32
          %get3A_990 = arith.index_cast %add3A_989 : i32 to index
          %get3A_991 = arith.constant 0 : index
          %get3A_992 = tpu.vector_load %arg13[%get3A_990, %get3A_991] {strides = array<i32>} : memref<128x144xf32, #tpu.memory_space<vmem>>, vector<16xf32>,
          %mul3A_993 = arith.mulf %get3A_992, %broadcast_in_dim3A_985 : vector<16xf32>
          %swap3A_994 = arith.index_cast %add3A_989 : i32 to index
          %swap3A_995 = arith.constant 0 : index
          %swap3A_996 = tpu.vector_load %arg13[%swap3A_994, %swap3A_995] {strides = array<i32>} : memref<128x144xf32, #tpu.memory_space<vmem>>, vector<16xf32>,
          tpu.vector_store %arg13[%swap3A_994, %swap3A_995], %mul3A_993 {strides = array<i32>} : memref<128x144xf32, #tpu.memory_space<vmem>>, vector<16xf32>,
          %get3A_997 = arith.index_cast %add3A_989 : i32 to index
          %get3A_998 = arith.constant 16 : index
          %get3A_999 = tpu.vector_load %arg13[%get3A_997, %get3A_998] {strides = array<i32>} : memref<128x144xf32, #tpu.memory_space<vmem>>, vector<16xf32>,
          %mul3A_1000 = arith.mulf %get3A_999, %broadcast_in_dim3A_985 : vector<16xf32>
          %swap3A_1001 = arith.index_cast %add3A_989 : i32 to index
          %swap3A_1002 = arith.constant 16 : index
          %swap3A_1003 = tpu.vector_load %arg13[%swap3A_1001, %swap3A_1002] {strides = array<i32>} : memref<128x144xf32, #tpu.memory_space<vmem>>, vector<16xf32>,
          tpu.vector_store %arg13[%swap3A_1001, %swap3A_1002], %mul3A_1000 {strides = array<i32>} : memref<128x144xf32, #tpu.memory_space<vmem>>, vector<16xf32>,
          %get3A_1004 = arith.index_cast %add3A_989 : i32 to index
          %get3A_1005 = arith.constant 32 : index
          %get3A_1006 = tpu.vector_load %arg13[%get3A_1004, %get3A_1005] {strides = array<i32>} : memref<128x144xf32, #tpu.memory_space<vmem>>, vector<16xf32>,
          %mul3A_1007 = arith.mulf %get3A_1006, %broadcast_in_dim3A_985 : vector<16xf32>
          %swap3A_1008 = arith.index_cast %add3A_989 : i32 to index
          %swap3A_1009 = arith.constant 32 : index
          %swap3A_1010 = tpu.vector_load %arg13[%swap3A_1008, %swap3A_1009] {strides = array<i32>} : memref<128x144xf32, #tpu.memory_space<vmem>>, vector<16xf32>,
          tpu.vector_store %arg13[%swap3A_1008, %swap3A_1009], %mul3A_1007 {strides = array<i32>} : memref<128x144xf32, #tpu.memory_space<vmem>>, vector<16xf32>,
          %get3A_1011 = arith.index_cast %add3A_989 : i32 to index
          %get3A_1012 = arith.constant 48 : index
          %get3A_1013 = tpu.vector_load %arg13[%get3A_1011, %get3A_1012] {strides = array<i32>} : memref<128x144xf32, #tpu.memory_space<vmem>>, vector<16xf32>,
          %mul3A_1014 = arith.mulf %get3A_1013, %broadcast_in_dim3A_985 : vector<16xf32>
          %swap3A_1015 = arith.index_cast %add3A_989 : i32 to index
          %swap3A_1016 = arith.constant 48 : index
          %swap3A_1017 = tpu.vector_load %arg13[%swap3A_1015, %swap3A_1016] {strides = array<i32>} : memref<128x144xf32, #tpu.memory_space<vmem>>, vector<16xf32>,
          tpu.vector_store %arg13[%swap3A_1015, %swap3A_1016], %mul3A_1014 {strides = array<i32>} : memref<128x144xf32, #tpu.memory_space<vmem>>, vector<16xf32>,
          %get3A_1018 = arith.index_cast %add3A_989 : i32 to index
          %get3A_1019 = arith.constant 64 : index
          %get3A_1020 = tpu.vector_load %arg13[%get3A_1018, %get3A_1019] {strides = array<i32>} : memref<128x144xf32, #tpu.memory_space<vmem>>, vector<16xf32>,
          %mul3A_1021 = arith.mulf %get3A_1020, %broadcast_in_dim3A_985 : vector<16xf32>
          %swap3A_1022 = arith.index_cast %add3A_989 : i32 to index
          %swap3A_1023 = arith.constant 64 : index
          %swap3A_1024 = tpu.vector_load %arg13[%swap3A_1022, %swap3A_1023] {strides = array<i32>} : memref<128x144xf32, #tpu.memory_space<vmem>>, vector<16xf32>,
          tpu.vector_store %arg13[%swap3A_1022, %swap3A_1023], %mul3A_1021 {strides = array<i32>} : memref<128x144xf32, #tpu.memory_space<vmem>>, vector<16xf32>,
          %get3A_1025 = arith.index_cast %add3A_989 : i32 to index
          %get3A_1026 = arith.constant 80 : index
          %get3A_1027 = tpu.vector_load %arg13[%get3A_1025, %get3A_1026] {strides = array<i32>} : memref<128x144xf32, #tpu.memory_space<vmem>>, vector<16xf32>,
          %mul3A_1028 = arith.mulf %get3A_1027, %broadcast_in_dim3A_985 : vector<16xf32>
          %swap3A_1029 = arith.index_cast %add3A_989 : i32 to index
          %swap3A_1030 = arith.constant 80 : index
          %swap3A_1031 = tpu.vector_load %arg13[%swap3A_1029, %swap3A_1030] {strides = array<i32>} : memref<128x144xf32, #tpu.memory_space<vmem>>, vector<16xf32>,
          tpu.vector_store %arg13[%swap3A_1029, %swap3A_1030], %mul3A_1028 {strides = array<i32>} : memref<128x144xf32, #tpu.memory_space<vmem>>, vector<16xf32>,
          %get3A_1032 = arith.index_cast %add3A_989 : i32 to index
          %get3A_1033 = arith.constant 96 : index
          %get3A_1034 = tpu.vector_load %arg13[%get3A_1032, %get3A_1033] {strides = array<i32>} : memref<128x144xf32, #tpu.memory_space<vmem>>, vector<16xf32>,
          %mul3A_1035 = arith.mulf %get3A_1034, %broadcast_in_dim3A_985 : vector<16xf32>
          %swap3A_1036 = arith.index_cast %add3A_989 : i32 to index
          %swap3A_1037 = arith.constant 96 : index
          %swap3A_1038 = tpu.vector_load %arg13[%swap3A_1036, %swap3A_1037] {strides = array<i32>} : memref<128x144xf32, #tpu.memory_space<vmem>>, vector<16xf32>,
          tpu.vector_store %arg13[%swap3A_1036, %swap3A_1037], %mul3A_1035 {strides = array<i32>} : memref<128x144xf32, #tpu.memory_space<vmem>>, vector<16xf32>,
          %get3A_1039 = arith.index_cast %add3A_989 : i32 to index
          %get3A_1040 = arith.constant 112 : index
          %get3A_1041 = tpu.vector_load %arg13[%get3A_1039, %get3A_1040] {strides = array<i32>} : memref<128x144xf32, #tpu.memory_space<vmem>>, vector<16xf32>,
          %mul3A_1042 = arith.mulf %get3A_1041, %broadcast_in_dim3A_985 : vector<16xf32>
          %swap3A_1043 = arith.index_cast %add3A_989 : i32 to index
          %swap3A_1044 = arith.constant 112 : index
          %swap3A_1045 = tpu.vector_load %arg13[%swap3A_1043, %swap3A_1044] {strides = array<i32>} : memref<128x144xf32, #tpu.memory_space<vmem>>, vector<16xf32>,
          tpu.vector_store %arg13[%swap3A_1043, %swap3A_1044], %mul3A_1042 {strides = array<i32>} : memref<128x144xf32, #tpu.memory_space<vmem>>, vector<16xf32>,
          %get3A_1046 = arith.index_cast %add3A_989 : i32 to index
          %get3A_1047 = arith.constant 128 : index
          %get3A_1048 = tpu.vector_load %arg13[%get3A_1046, %get3A_1047] {strides = array<i32>} : memref<128x144xf32, #tpu.memory_space<vmem>>, vector<16xf32>,
          %mul3A_1049 = arith.mulf %get3A_1048, %broadcast_in_dim3A_985 : vector<16xf32>
          %swap3A_1050 = arith.index_cast %add3A_989 : i32 to index
          %swap3A_1051 = arith.constant 128 : index
          %swap3A_1052 = tpu.vector_load %arg13[%swap3A_1050, %swap3A_1051] {strides = array<i32>} : memref<128x144xf32, #tpu.memory_space<vmem>>, vector<16xf32>,
          tpu.vector_store %arg13[%swap3A_1050, %swap3A_1051], %mul3A_1049 {strides = array<i32>} : memref<128x144xf32, #tpu.memory_space<vmem>>, vector<16xf32>,
          %slice3A_1053 = vector.extract_strided_slice %exp3A {offsets = [14], sizes = [1], strides = [1]} : vector<16xf32> to vector<1xf32>
          %squeeze3A_1054 = vector.extract %slice3A_1053[0] : f32 from vector<1xf32>
          %broadcast_in_dim3A_1055 = vector.broadcast %squeeze3A_1054 : f32 to vector<16xf32>
          %mul3A_1056 = arith.constant 16 : i32
          %mul3A_1057 = arith.muli %scan3A_61, %mul3A_1056 : i32
          %add3A_1058 = arith.constant 14 : i32
          %add3A_1059 = arith.addi %mul3A_1057, %add3A_1058 : i32
          %get3A_1060 = arith.index_cast %add3A_1059 : i32 to index
          %get3A_1061 = arith.constant 0 : index
          %get3A_1062 = tpu.vector_load %arg13[%get3A_1060, %get3A_1061] {strides = array<i32>} : memref<128x144xf32, #tpu.memory_space<vmem>>, vector<16xf32>,
          %mul3A_1063 = arith.mulf %get3A_1062, %broadcast_in_dim3A_1055 : vector<16xf32>
          %swap3A_1064 = arith.index_cast %add3A_1059 : i32 to index
          %swap3A_1065 = arith.constant 0 : index
          %swap3A_1066 = tpu.vector_load %arg13[%swap3A_1064, %swap3A_1065] {strides = array<i32>} : memref<128x144xf32, #tpu.memory_space<vmem>>, vector<16xf32>,
          tpu.vector_store %arg13[%swap3A_1064, %swap3A_1065], %mul3A_1063 {strides = array<i32>} : memref<128x144xf32, #tpu.memory_space<vmem>>, vector<16xf32>,
          %get3A_1067 = arith.index_cast %add3A_1059 : i32 to index
          %get3A_1068 = arith.constant 16 : index
          %get3A_1069 = tpu.vector_load %arg13[%get3A_1067, %get3A_1068] {strides = array<i32>} : memref<128x144xf32, #tpu.memory_space<vmem>>, vector<16xf32>,
          %mul3A_1070 = arith.mulf %get3A_1069, %broadcast_in_dim3A_1055 : vector<16xf32>
          %swap3A_1071 = arith.index_cast %add3A_1059 : i32 to index
          %swap3A_1072 = arith.constant 16 : index
          %swap3A_1073 = tpu.vector_load %arg13[%swap3A_1071, %swap3A_1072] {strides = array<i32>} : memref<128x144xf32, #tpu.memory_space<vmem>>, vector<16xf32>,
          tpu.vector_store %arg13[%swap3A_1071, %swap3A_1072], %mul3A_1070 {strides = array<i32>} : memref<128x144xf32, #tpu.memory_space<vmem>>, vector<16xf32>,
          %get3A_1074 = arith.index_cast %add3A_1059 : i32 to index
          %get3A_1075 = arith.constant 32 : index
          %get3A_1076 = tpu.vector_load %arg13[%get3A_1074, %get3A_1075] {strides = array<i32>} : memref<128x144xf32, #tpu.memory_space<vmem>>, vector<16xf32>,
          %mul3A_1077 = arith.mulf %get3A_1076, %broadcast_in_dim3A_1055 : vector<16xf32>
          %swap3A_1078 = arith.index_cast %add3A_1059 : i32 to index
          %swap3A_1079 = arith.constant 32 : index
          %swap3A_1080 = tpu.vector_load %arg13[%swap3A_1078, %swap3A_1079] {strides = array<i32>} : memref<128x144xf32, #tpu.memory_space<vmem>>, vector<16xf32>,
          tpu.vector_store %arg13[%swap3A_1078, %swap3A_1079], %mul3A_1077 {strides = array<i32>} : memref<128x144xf32, #tpu.memory_space<vmem>>, vector<16xf32>,
          %get3A_1081 = arith.index_cast %add3A_1059 : i32 to index
          %get3A_1082 = arith.constant 48 : index
          %get3A_1083 = tpu.vector_load %arg13[%get3A_1081, %get3A_1082] {strides = array<i32>} : memref<128x144xf32, #tpu.memory_space<vmem>>, vector<16xf32>,
          %mul3A_1084 = arith.mulf %get3A_1083, %broadcast_in_dim3A_1055 : vector<16xf32>
          %swap3A_1085 = arith.index_cast %add3A_1059 : i32 to index
          %swap3A_1086 = arith.constant 48 : index
          %swap3A_1087 = tpu.vector_load %arg13[%swap3A_1085, %swap3A_1086] {strides = array<i32>} : memref<128x144xf32, #tpu.memory_space<vmem>>, vector<16xf32>,
          tpu.vector_store %arg13[%swap3A_1085, %swap3A_1086], %mul3A_1084 {strides = array<i32>} : memref<128x144xf32, #tpu.memory_space<vmem>>, vector<16xf32>,
          %get3A_1088 = arith.index_cast %add3A_1059 : i32 to index
          %get3A_1089 = arith.constant 64 : index
          %get3A_1090 = tpu.vector_load %arg13[%get3A_1088, %get3A_1089] {strides = array<i32>} : memref<128x144xf32, #tpu.memory_space<vmem>>, vector<16xf32>,
          %mul3A_1091 = arith.mulf %get3A_1090, %broadcast_in_dim3A_1055 : vector<16xf32>
          %swap3A_1092 = arith.index_cast %add3A_1059 : i32 to index
          %swap3A_1093 = arith.constant 64 : index
          %swap3A_1094 = tpu.vector_load %arg13[%swap3A_1092, %swap3A_1093] {strides = array<i32>} : memref<128x144xf32, #tpu.memory_space<vmem>>, vector<16xf32>,
          tpu.vector_store %arg13[%swap3A_1092, %swap3A_1093], %mul3A_1091 {strides = array<i32>} : memref<128x144xf32, #tpu.memory_space<vmem>>, vector<16xf32>,
          %get3A_1095 = arith.index_cast %add3A_1059 : i32 to index
          %get3A_1096 = arith.constant 80 : index
          %get3A_1097 = tpu.vector_load %arg13[%get3A_1095, %get3A_1096] {strides = array<i32>} : memref<128x144xf32, #tpu.memory_space<vmem>>, vector<16xf32>,
          %mul3A_1098 = arith.mulf %get3A_1097, %broadcast_in_dim3A_1055 : vector<16xf32>
          %swap3A_1099 = arith.index_cast %add3A_1059 : i32 to index
          %swap3A_1100 = arith.constant 80 : index
          %swap3A_1101 = tpu.vector_load %arg13[%swap3A_1099, %swap3A_1100] {strides = array<i32>} : memref<128x144xf32, #tpu.memory_space<vmem>>, vector<16xf32>,
          tpu.vector_store %arg13[%swap3A_1099, %swap3A_1100], %mul3A_1098 {strides = array<i32>} : memref<128x144xf32, #tpu.memory_space<vmem>>, vector<16xf32>,
          %get3A_1102 = arith.index_cast %add3A_1059 : i32 to index
          %get3A_1103 = arith.constant 96 : index
          %get3A_1104 = tpu.vector_load %arg13[%get3A_1102, %get3A_1103] {strides = array<i32>} : memref<128x144xf32, #tpu.memory_space<vmem>>, vector<16xf32>,
          %mul3A_1105 = arith.mulf %get3A_1104, %broadcast_in_dim3A_1055 : vector<16xf32>
          %swap3A_1106 = arith.index_cast %add3A_1059 : i32 to index
          %swap3A_1107 = arith.constant 96 : index
          %swap3A_1108 = tpu.vector_load %arg13[%swap3A_1106, %swap3A_1107] {strides = array<i32>} : memref<128x144xf32, #tpu.memory_space<vmem>>, vector<16xf32>,
          tpu.vector_store %arg13[%swap3A_1106, %swap3A_1107], %mul3A_1105 {strides = array<i32>} : memref<128x144xf32, #tpu.memory_space<vmem>>, vector<16xf32>,
          %get3A_1109 = arith.index_cast %add3A_1059 : i32 to index
          %get3A_1110 = arith.constant 112 : index
          %get3A_1111 = tpu.vector_load %arg13[%get3A_1109, %get3A_1110] {strides = array<i32>} : memref<128x144xf32, #tpu.memory_space<vmem>>, vector<16xf32>,
          %mul3A_1112 = arith.mulf %get3A_1111, %broadcast_in_dim3A_1055 : vector<16xf32>
          %swap3A_1113 = arith.index_cast %add3A_1059 : i32 to index
          %swap3A_1114 = arith.constant 112 : index
          %swap3A_1115 = tpu.vector_load %arg13[%swap3A_1113, %swap3A_1114] {strides = array<i32>} : memref<128x144xf32, #tpu.memory_space<vmem>>, vector<16xf32>,
          tpu.vector_store %arg13[%swap3A_1113, %swap3A_1114], %mul3A_1112 {strides = array<i32>} : memref<128x144xf32, #tpu.memory_space<vmem>>, vector<16xf32>,
          %get3A_1116 = arith.index_cast %add3A_1059 : i32 to index
          %get3A_1117 = arith.constant 128 : index
          %get3A_1118 = tpu.vector_load %arg13[%get3A_1116, %get3A_1117] {strides = array<i32>} : memref<128x144xf32, #tpu.memory_space<vmem>>, vector<16xf32>,
          %mul3A_1119 = arith.mulf %get3A_1118, %broadcast_in_dim3A_1055 : vector<16xf32>
          %swap3A_1120 = arith.index_cast %add3A_1059 : i32 to index
          %swap3A_1121 = arith.constant 128 : index
          %swap3A_1122 = tpu.vector_load %arg13[%swap3A_1120, %swap3A_1121] {strides = array<i32>} : memref<128x144xf32, #tpu.memory_space<vmem>>, vector<16xf32>,
          tpu.vector_store %arg13[%swap3A_1120, %swap3A_1121], %mul3A_1119 {strides = array<i32>} : memref<128x144xf32, #tpu.memory_space<vmem>>, vector<16xf32>,
          %slice3A_1123 = vector.extract_strided_slice %exp3A {offsets = [15], sizes = [1], strides = [1]} : vector<16xf32> to vector<1xf32>
          %squeeze3A_1124 = vector.extract %slice3A_1123[0] : f32 from vector<1xf32>
          %broadcast_in_dim3A_1125 = vector.broadcast %squeeze3A_1124 : f32 to vector<16xf32>
          %mul3A_1126 = arith.constant 16 : i32
          %mul3A_1127 = arith.muli %scan3A_61, %mul3A_1126 : i32
          %add3A_1128 = arith.constant 15 : i32
          %add3A_1129 = arith.addi %mul3A_1127, %add3A_1128 : i32
          %get3A_1130 = arith.index_cast %add3A_1129 : i32 to index
          %get3A_1131 = arith.constant 0 : index
          %get3A_1132 = tpu.vector_load %arg13[%get3A_1130, %get3A_1131] {strides = array<i32>} : memref<128x144xf32, #tpu.memory_space<vmem>>, vector<16xf32>,
          %mul3A_1133 = arith.mulf %get3A_1132, %broadcast_in_dim3A_1125 : vector<16xf32>
          %swap3A_1134 = arith.index_cast %add3A_1129 : i32 to index
          %swap3A_1135 = arith.constant 0 : index
          %swap3A_1136 = tpu.vector_load %arg13[%swap3A_1134, %swap3A_1135] {strides = array<i32>} : memref<128x144xf32, #tpu.memory_space<vmem>>, vector<16xf32>,
          tpu.vector_store %arg13[%swap3A_1134, %swap3A_1135], %mul3A_1133 {strides = array<i32>} : memref<128x144xf32, #tpu.memory_space<vmem>>, vector<16xf32>,
          %get3A_1137 = arith.index_cast %add3A_1129 : i32 to index
          %get3A_1138 = arith.constant 16 : index
          %get3A_1139 = tpu.vector_load %arg13[%get3A_1137, %get3A_1138] {strides = array<i32>} : memref<128x144xf32, #tpu.memory_space<vmem>>, vector<16xf32>,
          %mul3A_1140 = arith.mulf %get3A_1139, %broadcast_in_dim3A_1125 : vector<16xf32>
          %swap3A_1141 = arith.index_cast %add3A_1129 : i32 to index
          %swap3A_1142 = arith.constant 16 : index
          %swap3A_1143 = tpu.vector_load %arg13[%swap3A_1141, %swap3A_1142] {strides = array<i32>} : memref<128x144xf32, #tpu.memory_space<vmem>>, vector<16xf32>,
          tpu.vector_store %arg13[%swap3A_1141, %swap3A_1142], %mul3A_1140 {strides = array<i32>} : memref<128x144xf32, #tpu.memory_space<vmem>>, vector<16xf32>,
          %get3A_1144 = arith.index_cast %add3A_1129 : i32 to index
          %get3A_1145 = arith.constant 32 : index
          %get3A_1146 = tpu.vector_load %arg13[%get3A_1144, %get3A_1145] {strides = array<i32>} : memref<128x144xf32, #tpu.memory_space<vmem>>, vector<16xf32>,
          %mul3A_1147 = arith.mulf %get3A_1146, %broadcast_in_dim3A_1125 : vector<16xf32>
          %swap3A_1148 = arith.index_cast %add3A_1129 : i32 to index
          %swap3A_1149 = arith.constant 32 : index
          %swap3A_1150 = tpu.vector_load %arg13[%swap3A_1148, %swap3A_1149] {strides = array<i32>} : memref<128x144xf32, #tpu.memory_space<vmem>>, vector<16xf32>,
          tpu.vector_store %arg13[%swap3A_1148, %swap3A_1149], %mul3A_1147 {strides = array<i32>} : memref<128x144xf32, #tpu.memory_space<vmem>>, vector<16xf32>,
          %get3A_1151 = arith.index_cast %add3A_1129 : i32 to index
          %get3A_1152 = arith.constant 48 : index
          %get3A_1153 = tpu.vector_load %arg13[%get3A_1151, %get3A_1152] {strides = array<i32>} : memref<128x144xf32, #tpu.memory_space<vmem>>, vector<16xf32>,
          %mul3A_1154 = arith.mulf %get3A_1153, %broadcast_in_dim3A_1125 : vector<16xf32>
          %swap3A_1155 = arith.index_cast %add3A_1129 : i32 to index
          %swap3A_1156 = arith.constant 48 : index
          %swap3A_1157 = tpu.vector_load %arg13[%swap3A_1155, %swap3A_1156] {strides = array<i32>} : memref<128x144xf32, #tpu.memory_space<vmem>>, vector<16xf32>,
          tpu.vector_store %arg13[%swap3A_1155, %swap3A_1156], %mul3A_1154 {strides = array<i32>} : memref<128x144xf32, #tpu.memory_space<vmem>>, vector<16xf32>,
          %get3A_1158 = arith.index_cast %add3A_1129 : i32 to index
          %get3A_1159 = arith.constant 64 : index
          %get3A_1160 = tpu.vector_load %arg13[%get3A_1158, %get3A_1159] {strides = array<i32>} : memref<128x144xf32, #tpu.memory_space<vmem>>, vector<16xf32>,
          %mul3A_1161 = arith.mulf %get3A_1160, %broadcast_in_dim3A_1125 : vector<16xf32>
          %swap3A_1162 = arith.index_cast %add3A_1129 : i32 to index
          %swap3A_1163 = arith.constant 64 : index
          %swap3A_1164 = tpu.vector_load %arg13[%swap3A_1162, %swap3A_1163] {strides = array<i32>} : memref<128x144xf32, #tpu.memory_space<vmem>>, vector<16xf32>,
          tpu.vector_store %arg13[%swap3A_1162, %swap3A_1163], %mul3A_1161 {strides = array<i32>} : memref<128x144xf32, #tpu.memory_space<vmem>>, vector<16xf32>,
          %get3A_1165 = arith.index_cast %add3A_1129 : i32 to index
          %get3A_1166 = arith.constant 80 : index
          %get3A_1167 = tpu.vector_load %arg13[%get3A_1165, %get3A_1166] {strides = array<i32>} : memref<128x144xf32, #tpu.memory_space<vmem>>, vector<16xf32>,
          %mul3A_1168 = arith.mulf %get3A_1167, %broadcast_in_dim3A_1125 : vector<16xf32>
          %swap3A_1169 = arith.index_cast %add3A_1129 : i32 to index
          %swap3A_1170 = arith.constant 80 : index
          %swap3A_1171 = tpu.vector_load %arg13[%swap3A_1169, %swap3A_1170] {strides = array<i32>} : memref<128x144xf32, #tpu.memory_space<vmem>>, vector<16xf32>,
          tpu.vector_store %arg13[%swap3A_1169, %swap3A_1170], %mul3A_1168 {strides = array<i32>} : memref<128x144xf32, #tpu.memory_space<vmem>>, vector<16xf32>,
          %get3A_1172 = arith.index_cast %add3A_1129 : i32 to index
          %get3A_1173 = arith.constant 96 : index
          %get3A_1174 = tpu.vector_load %arg13[%get3A_1172, %get3A_1173] {strides = array<i32>} : memref<128x144xf32, #tpu.memory_space<vmem>>, vector<16xf32>,
          %mul3A_1175 = arith.mulf %get3A_1174, %broadcast_in_dim3A_1125 : vector<16xf32>
          %swap3A_1176 = arith.index_cast %add3A_1129 : i32 to index
          %swap3A_1177 = arith.constant 96 : index
          %swap3A_1178 = tpu.vector_load %arg13[%swap3A_1176, %swap3A_1177] {strides = array<i32>} : memref<128x144xf32, #tpu.memory_space<vmem>>, vector<16xf32>,
          tpu.vector_store %arg13[%swap3A_1176, %swap3A_1177], %mul3A_1175 {strides = array<i32>} : memref<128x144xf32, #tpu.memory_space<vmem>>, vector<16xf32>,
          %get3A_1179 = arith.index_cast %add3A_1129 : i32 to index
          %get3A_1180 = arith.constant 112 : index
          %get3A_1181 = tpu.vector_load %arg13[%get3A_1179, %get3A_1180] {strides = array<i32>} : memref<128x144xf32, #tpu.memory_space<vmem>>, vector<16xf32>,
          %mul3A_1182 = arith.mulf %get3A_1181, %broadcast_in_dim3A_1125 : vector<16xf32>
          %swap3A_1183 = arith.index_cast %add3A_1129 : i32 to index
          %swap3A_1184 = arith.constant 112 : index
          %swap3A_1185 = tpu.vector_load %arg13[%swap3A_1183, %swap3A_1184] {strides = array<i32>} : memref<128x144xf32, #tpu.memory_space<vmem>>, vector<16xf32>,
          tpu.vector_store %arg13[%swap3A_1183, %swap3A_1184], %mul3A_1182 {strides = array<i32>} : memref<128x144xf32, #tpu.memory_space<vmem>>, vector<16xf32>,
          %get3A_1186 = arith.index_cast %add3A_1129 : i32 to index
          %get3A_1187 = arith.constant 128 : index
          %get3A_1188 = tpu.vector_load %arg13[%get3A_1186, %get3A_1187] {strides = array<i32>} : memref<128x144xf32, #tpu.memory_space<vmem>>, vector<16xf32>,
          %mul3A_1189 = arith.mulf %get3A_1188, %broadcast_in_dim3A_1125 : vector<16xf32>
          %swap3A_1190 = arith.index_cast %add3A_1129 : i32 to index
          %swap3A_1191 = arith.constant 128 : index
          %swap3A_1192 = tpu.vector_load %arg13[%swap3A_1190, %swap3A_1191] {strides = array<i32>} : memref<128x144xf32, #tpu.memory_space<vmem>>, vector<16xf32>,
          tpu.vector_store %arg13[%swap3A_1190, %swap3A_1191], %mul3A_1189 {strides = array<i32>} : memref<128x144xf32, #tpu.memory_space<vmem>>, vector<16xf32>,
          %scan3A_1193 = arith.constant 0 : i32
          scf.yield %scan3A_1193 : i32
        }
        %scan3A_59 = arith.constant 8 : i32
        "tpu.region"() ({
          %run_scoped3A = tpu.sem_alloc : memref<!tpu.dma_semaphore, #tpu.memory_space<semaphore_mem>>
          %dma_start3A_61 = arith.constant 0 : i32
          %dma_start3A_62 = arith.constant 0 : i32
          %dma_start3A_63 = tpu.memref_slice %arg14[%dma_start3A_61, %dma_start3A_62] : memref<10080x144xf32, #tpu.memory_space<vmem_shared>> -> memref<10080x144xf32, #tpu.memory_space<vmem_shared>>
          tpu.enqueue_indirect_dma source(%arg13 : memref<128x144xf32, #tpu.memory_space<vmem>>) target(%dma_start3A_63 : memref<10080x144xf32, #tpu.memory_space<vmem_shared>>) offsets(%arg10 : memref<128xi32, #tpu.memory_space<vmem>>) semaphore(%run_scoped3A : memref<!tpu.dma_semaphore, #tpu.memory_space<semaphore_mem>>) {add = true}
          %dma_wait3A_64 = arith.constant 0 : i32
          %dma_wait3A_65 = arith.constant 0 : i32
          %dma_wait3A_66 = tpu.memref_slice %arg14[%dma_wait3A_64, %dma_wait3A_65] : memref<10080x144xf32, #tpu.memory_space<vmem_shared>> -> memref<10080x144xf32, #tpu.memory_space<vmem_shared>>
          tpu.wait_indirect_dma semaphore(%run_scoped3A : memref<!tpu.dma_semaphore, #tpu.memory_space<semaphore_mem>>) src(%arg13 : memref<128x144xf32, #tpu.memory_space<vmem>>) dst(%dma_wait3A_66 : memref<10080x144xf32, #tpu.memory_space<vmem_shared>>)
          tpu.yield
        }) : () -> ()
        %scan3A_60 = arith.constant 0 : i32
        scf.yield %scan3A_60 : i32
      }
      %scan3A_25 = arith.constant 42 : i32
      %barrier3A_26 = arith.constant 0 : index
      tpu.barrier barrier_id(%barrier3A_26)
      %mul3A_27 = arith.constant 630 : i32
      %mul3A_28 = arith.muli %arg1, %mul3A_27 : i32
      %mul3A_29 = arith.constant 630 : i32
      %mul3A_30 = arith.muli %arg1, %mul3A_29 : i32
      "tpu.region"() ({
        %run_scoped3A = tpu.sem_alloc : memref<!tpu.dma_semaphore, #tpu.memory_space<semaphore_mem>>
        %dma_start3A = arith.constant 0 : i32
        %dma_start3A_33 = tpu.memref_slice %arg7[%arg0, %scan3A_7, %mul3A_30, %dma_start3A] : memref<2x4x10080x144xf32, #tpu.memory_space<hbm>> -> memref<1x1x630x144xf32, #tpu.memory_space<hbm>>
        %dma_start3A_34 = tpu.memref_squeeze %dma_start3A_33 : memref<1x1x630x144xf32, #tpu.memory_space<hbm>> -> memref<630x144xf32, #tpu.memory_space<hbm>>
        %dma_start3A_35 = arith.constant 0 : i32
        %dma_start3A_36 = tpu.memref_slice %arg14[%mul3A_28, %dma_start3A_35] : memref<10080x144xf32, #tpu.memory_space<vmem_shared>> -> memref<630x144xf32, #tpu.memory_space<vmem_shared>>
        tpu.enqueue_dma source(%dma_start3A_36 : memref<630x144xf32, #tpu.memory_space<vmem_shared>>) target(%dma_start3A_34 : memref<630x144xf32, #tpu.memory_space<hbm>>) target_semaphore(%run_scoped3A : memref<!tpu.dma_semaphore, #tpu.memory_space<semaphore_mem>>)
        %dma_wait3A = arith.constant 0 : i32
        %dma_wait3A_37 = tpu.memref_slice %arg7[%arg0, %scan3A_7, %mul3A_30, %dma_wait3A] : memref<2x4x10080x144xf32, #tpu.memory_space<hbm>> -> memref<1x1x630x144xf32, #tpu.memory_space<hbm>>
        %dma_wait3A_38 = tpu.memref_squeeze %dma_wait3A_37 : memref<1x1x630x144xf32, #tpu.memory_space<hbm>> -> memref<630x144xf32, #tpu.memory_space<hbm>>
        %dma_wait3A_39 = arith.constant 0 : i32
        %dma_wait3A_40 = tpu.memref_slice %arg14[%mul3A_28, %dma_wait3A_39] : memref<10080x144xf32, #tpu.memory_space<vmem_shared>> -> memref<630x144xf32, #tpu.memory_space<vmem_shared>>
        tpu.wait_dma2 semaphore(%run_scoped3A : memref<!tpu.dma_semaphore, #tpu.memory_space<semaphore_mem>>) src(%dma_wait3A_40 : memref<630x144xf32, #tpu.memory_space<vmem_shared>>) dst(%dma_wait3A_38 : memref<630x144xf32, #tpu.memory_space<hbm>>)
        tpu.yield
      }) : () -> ()
      %barrier3A_31 = arith.constant 0 : index
      tpu.barrier barrier_id(%barrier3A_31)
      %scan3A_32 = arith.constant 0 : i32
      scf.yield %scan3A_32 : i32
    }
    %scan3A_6 = arith.constant 4 : i32
    return
  }
}

#map = affine_map<(d0, d1) -> (0)>
#map1 = affine_map<(d0, d1) -> (0, 0)>
#map2 = affine_map<(d0, d1) -> (0, 0, 0, 0)>
module attributes {stable_mosaic.version = 14 : i64} {
  func.func @body(%arg0: i32, %arg1: i32, %arg2: memref<172032xi32, #tpu.memory_space<hbm>>, %arg3: memref<172032xi32, #tpu.memory_space<hbm>>, %arg4: memref<20160xf32, #tpu.memory_space<hbm>>, %arg5: memref<10080x80xf32, #tpu.memory_space<hbm>>, %arg6: memref<10080x80xf32, #tpu.memory_space<hbm>>, %arg7: memref<2x1x10080x80xf32, #tpu.memory_space<hbm>>, %arg8: memref<128xi32, #tpu.memory_space<vmem>>, %arg9: memref<128xi32, #tpu.memory_space<vmem>>, %arg10: memref<128xi32, #tpu.memory_space<vmem>>, %arg11: memref<10080xf32, #tpu.memory_space<vmem>>, %arg12: memref<10080xf32, #tpu.memory_space<vmem>>, %arg13: memref<128x80xf32, #tpu.memory_space<vmem>>, %arg14: memref<10080x80xf32, #tpu.memory_space<vmem_shared>>, %arg15: memref<!tpu.dma_semaphore, #tpu.memory_space<semaphore_mem>>) attributes {dimension_semantics = [#tpu.dimension_semantics<core_parallel>, #tpu.dimension_semantics<subcore_parallel>], iteration_bounds = array<i64: 2, 16>, scalar_prefetch = 0 : i64, scratch_operands = 8 : i64, tpu.core_type = #tpu.core_type<sc_vector_subcore>, window_params = [{transform_indices = #map}, {transform_indices = #map}, {transform_indices = #map}, {transform_indices = #map1}, {transform_indices = #map1}, {transform_indices = #map2}]} {
    %mul3A = arith.constant 16 : i32
    %mul3A_0 = arith.muli %arg0, %mul3A : i32
    %add3A = arith.addi %mul3A_0, %arg1 : i32
    %scan3A = arith.constant 0 : i32
    %scan3A_1 = arith.constant 0 : i32
    %mul3A_2 = arith.constant 10080 : i32
    %mul3A_3 = arith.muli %scan3A_1, %mul3A_2 : i32
    "tpu.region"() ({
      %run_scoped3A = tpu.sem_alloc : memref<!tpu.dma_semaphore, #tpu.memory_space<semaphore_mem>>
      %dma_start3A = tpu.memref_slice %arg4[%mul3A_3] : memref<20160xf32, #tpu.memory_space<hbm>> -> memref<10080xf32, #tpu.memory_space<hbm>>
      %dma_start3A_27 = tpu.memref_slice %arg4[%mul3A_3] : memref<20160xf32, #tpu.memory_space<hbm>> -> memref<10080xf32, #tpu.memory_space<hbm>>
      tpu.enqueue_dma source(%dma_start3A_27 : memref<10080xf32, #tpu.memory_space<hbm>>) target(%arg11 : memref<10080xf32, #tpu.memory_space<vmem>>) target_semaphore(%run_scoped3A : memref<!tpu.dma_semaphore, #tpu.memory_space<semaphore_mem>>)
      %dma_wait3A = tpu.memref_slice %arg4[%mul3A_3] : memref<20160xf32, #tpu.memory_space<hbm>> -> memref<10080xf32, #tpu.memory_space<hbm>>
      %dma_wait3A_28 = tpu.memref_slice %arg4[%mul3A_3] : memref<20160xf32, #tpu.memory_space<hbm>> -> memref<10080xf32, #tpu.memory_space<hbm>>
      tpu.wait_dma2 semaphore(%run_scoped3A : memref<!tpu.dma_semaphore, #tpu.memory_space<semaphore_mem>>) src(%dma_wait3A_28 : memref<10080xf32, #tpu.memory_space<hbm>>) dst(%arg11 : memref<10080xf32, #tpu.memory_space<vmem>>)
      tpu.yield
    }) : () -> ()
    %add3A_4 = arith.constant 1 : i32
    %add3A_5 = arith.addi %add3A_4, %scan3A_1 : i32
    %mul3A_6 = arith.constant 10080 : i32
    %mul3A_7 = arith.muli %add3A_5, %mul3A_6 : i32
    "tpu.region"() ({
      %run_scoped3A = tpu.sem_alloc : memref<!tpu.dma_semaphore, #tpu.memory_space<semaphore_mem>>
      %dma_start3A = tpu.memref_slice %arg4[%mul3A_7] : memref<20160xf32, #tpu.memory_space<hbm>> -> memref<10080xf32, #tpu.memory_space<hbm>>
      %dma_start3A_27 = tpu.memref_slice %arg4[%mul3A_7] : memref<20160xf32, #tpu.memory_space<hbm>> -> memref<10080xf32, #tpu.memory_space<hbm>>
      tpu.enqueue_dma source(%dma_start3A_27 : memref<10080xf32, #tpu.memory_space<hbm>>) target(%arg12 : memref<10080xf32, #tpu.memory_space<vmem>>) target_semaphore(%run_scoped3A : memref<!tpu.dma_semaphore, #tpu.memory_space<semaphore_mem>>)
      %dma_wait3A = tpu.memref_slice %arg4[%mul3A_7] : memref<20160xf32, #tpu.memory_space<hbm>> -> memref<10080xf32, #tpu.memory_space<hbm>>
      %dma_wait3A_28 = tpu.memref_slice %arg4[%mul3A_7] : memref<20160xf32, #tpu.memory_space<hbm>> -> memref<10080xf32, #tpu.memory_space<hbm>>
      tpu.wait_dma2 semaphore(%run_scoped3A : memref<!tpu.dma_semaphore, #tpu.memory_space<semaphore_mem>>) src(%dma_wait3A_28 : memref<10080xf32, #tpu.memory_space<hbm>>) dst(%arg12 : memref<10080xf32, #tpu.memory_space<vmem>>)
      tpu.yield
    }) : () -> ()
    %mul3A_8 = arith.constant 630 : i32
    %mul3A_9 = arith.muli %arg1, %mul3A_8 : i32
    %mul3A_10 = arith.constant 630 : i32
    %mul3A_11 = arith.muli %arg1, %mul3A_10 : i32
    "tpu.region"() ({
      %run_scoped3A = tpu.sem_alloc : memref<!tpu.dma_semaphore, #tpu.memory_space<semaphore_mem>>
      %dma_start3A = arith.constant 0 : i32
      %dma_start3A_27 = tpu.memref_slice %arg14[%mul3A_11, %dma_start3A] : memref<10080x80xf32, #tpu.memory_space<vmem_shared>> -> memref<630x80xf32, #tpu.memory_space<vmem_shared>>
      %dma_start3A_28 = arith.constant 0 : i32
      %dma_start3A_29 = tpu.memref_slice %arg6[%mul3A_9, %dma_start3A_28] : memref<10080x80xf32, #tpu.memory_space<hbm>> -> memref<630x80xf32, #tpu.memory_space<hbm>>
      tpu.enqueue_dma source(%dma_start3A_29 : memref<630x80xf32, #tpu.memory_space<hbm>>) target(%dma_start3A_27 : memref<630x80xf32, #tpu.memory_space<vmem_shared>>) target_semaphore(%run_scoped3A : memref<!tpu.dma_semaphore, #tpu.memory_space<semaphore_mem>>)
      %dma_wait3A = arith.constant 0 : i32
      %dma_wait3A_30 = tpu.memref_slice %arg14[%mul3A_11, %dma_wait3A] : memref<10080x80xf32, #tpu.memory_space<vmem_shared>> -> memref<630x80xf32, #tpu.memory_space<vmem_shared>>
      %dma_wait3A_31 = arith.constant 0 : i32
      %dma_wait3A_32 = tpu.memref_slice %arg6[%mul3A_9, %dma_wait3A_31] : memref<10080x80xf32, #tpu.memory_space<hbm>> -> memref<630x80xf32, #tpu.memory_space<hbm>>
      tpu.wait_dma2 semaphore(%run_scoped3A : memref<!tpu.dma_semaphore, #tpu.memory_space<semaphore_mem>>) src(%dma_wait3A_32 : memref<630x80xf32, #tpu.memory_space<hbm>>) dst(%dma_wait3A_30 : memref<630x80xf32, #tpu.memory_space<vmem_shared>>)
      tpu.yield
    }) : () -> ()
    %barrier3A = arith.constant 0 : index
    tpu.barrier barrier_id(%barrier3A)
    %scan3A_12 = arith.constant 0 : i32
    %scan3A_13 = arith.constant 0 : i32
    %scan3A_14 = arith.constant 42 : i32
    %scan3A_15 = arith.addi %scan3A_13, %scan3A_14 : i32
    %scan3A_16 = arith.constant 1 : i32
    %scan3A_17 = scf.for %scan3A_27 = %scan3A_13 to %scan3A_15 step %scan3A_16 iter_args(%scan3A_28 = %scan3A_12) -> (i32)  : i32 {
      %mul3A_29 = arith.constant 5376 : i32
      %mul3A_30 = arith.muli %add3A, %mul3A_29 : i32
      %mul3A_31 = arith.constant 128 : i32
      %mul3A_32 = arith.muli %scan3A_27, %mul3A_31 : i32
      %add3A_33 = arith.addi %mul3A_30, %mul3A_32 : i32
      "tpu.region"() ({
        %run_scoped3A = tpu.sem_alloc : memref<!tpu.dma_semaphore, #tpu.memory_space<semaphore_mem>>
        %dma_start3A_55 = tpu.memref_slice %arg2[%add3A_33] : memref<172032xi32, #tpu.memory_space<hbm>> -> memref<128xi32, #tpu.memory_space<hbm>>
        %dma_start3A_56 = tpu.memref_slice %arg2[%add3A_33] : memref<172032xi32, #tpu.memory_space<hbm>> -> memref<128xi32, #tpu.memory_space<hbm>>
        tpu.enqueue_dma source(%dma_start3A_56 : memref<128xi32, #tpu.memory_space<hbm>>) target(%arg8 : memref<128xi32, #tpu.memory_space<vmem>>) target_semaphore(%run_scoped3A : memref<!tpu.dma_semaphore, #tpu.memory_space<semaphore_mem>>)
        %dma_wait3A_57 = tpu.memref_slice %arg2[%add3A_33] : memref<172032xi32, #tpu.memory_space<hbm>> -> memref<128xi32, #tpu.memory_space<hbm>>
        %dma_wait3A_58 = tpu.memref_slice %arg2[%add3A_33] : memref<172032xi32, #tpu.memory_space<hbm>> -> memref<128xi32, #tpu.memory_space<hbm>>
        tpu.wait_dma2 semaphore(%run_scoped3A : memref<!tpu.dma_semaphore, #tpu.memory_space<semaphore_mem>>) src(%dma_wait3A_58 : memref<128xi32, #tpu.memory_space<hbm>>) dst(%arg8 : memref<128xi32, #tpu.memory_space<vmem>>)
        tpu.yield
      }) : () -> ()
      "tpu.region"() ({
        %run_scoped3A = tpu.sem_alloc : memref<!tpu.dma_semaphore, #tpu.memory_space<semaphore_mem>>
        %dma_start3A_55 = tpu.memref_slice %arg3[%add3A_33] : memref<172032xi32, #tpu.memory_space<hbm>> -> memref<128xi32, #tpu.memory_space<hbm>>
        %dma_start3A_56 = tpu.memref_slice %arg3[%add3A_33] : memref<172032xi32, #tpu.memory_space<hbm>> -> memref<128xi32, #tpu.memory_space<hbm>>
        tpu.enqueue_dma source(%dma_start3A_56 : memref<128xi32, #tpu.memory_space<hbm>>) target(%arg10 : memref<128xi32, #tpu.memory_space<vmem>>) target_semaphore(%run_scoped3A : memref<!tpu.dma_semaphore, #tpu.memory_space<semaphore_mem>>)
        %dma_wait3A_57 = tpu.memref_slice %arg3[%add3A_33] : memref<172032xi32, #tpu.memory_space<hbm>> -> memref<128xi32, #tpu.memory_space<hbm>>
        %dma_wait3A_58 = tpu.memref_slice %arg3[%add3A_33] : memref<172032xi32, #tpu.memory_space<hbm>> -> memref<128xi32, #tpu.memory_space<hbm>>
        tpu.wait_dma2 semaphore(%run_scoped3A : memref<!tpu.dma_semaphore, #tpu.memory_space<semaphore_mem>>) src(%dma_wait3A_58 : memref<128xi32, #tpu.memory_space<hbm>>) dst(%arg10 : memref<128xi32, #tpu.memory_space<vmem>>)
        tpu.yield
      }) : () -> ()
      %mul3A_34 = arith.constant 10080 : i32
      %mul3A_35 = arith.muli %scan3A_1, %mul3A_34 : i32
      %scan3A_36 = arith.constant 0 : i32
      %scan3A_37 = arith.constant 0 : i32
      %scan3A_38 = arith.constant 8 : i32
      %scan3A_39 = arith.addi %scan3A_37, %scan3A_38 : i32
      %scan3A_40 = arith.constant 1 : i32
      %scan3A_41 = scf.for %scan3A_55 = %scan3A_37 to %scan3A_39 step %scan3A_40 iter_args(%scan3A_56 = %scan3A_36) -> (i32)  : i32 {
        %mul3A_57 = arith.constant 16 : i32
        %mul3A_58 = arith.muli %scan3A_55, %mul3A_57 : i32
        %get3A = arith.index_cast %mul3A_58 : i32 to index
        %get3A_59 = tpu.vector_load %arg8[%get3A] {strides = array<i32>} : memref<128xi32, #tpu.memory_space<vmem>>, vector<16xi32>,
        %add3A_60 = vector.broadcast %mul3A_35 : i32 to vector<16xi32>
        %add3A_61 = arith.addi %get3A_59, %add3A_60 : vector<16xi32>
        %swap3A = arith.index_cast %mul3A_58 : i32 to index
        %swap3A_62 = tpu.vector_load %arg9[%swap3A] {strides = array<i32>} : memref<128xi32, #tpu.memory_space<vmem>>, vector<16xi32>,
        tpu.vector_store %arg9[%swap3A], %add3A_61 {strides = array<i32>} : memref<128xi32, #tpu.memory_space<vmem>>, vector<16xi32>,
        %scan3A_63 = arith.constant 0 : i32
        scf.yield %scan3A_63 : i32
      }
      %scan3A_42 = arith.constant 8 : i32
      %dma_start3A = arith.constant 0 : i32
      %dma_start3A_43 = arith.constant 0 : i32
      %dma_start3A_44 = tpu.memref_slice %arg5[%dma_start3A, %dma_start3A_43] : memref<10080x80xf32, #tpu.memory_space<hbm>> -> memref<10080x80xf32, #tpu.memory_space<hbm>>
      tpu.enqueue_indirect_dma source(%dma_start3A_44 : memref<10080x80xf32, #tpu.memory_space<hbm>>) target(%arg13 : memref<128x80xf32, #tpu.memory_space<vmem>>) offsets(%arg9 : memref<128xi32, #tpu.memory_space<vmem>>) semaphore(%arg15 : memref<!tpu.dma_semaphore, #tpu.memory_space<semaphore_mem>>)
      %dma_wait3A = arith.constant 0 : i32
      %dma_wait3A_45 = arith.constant 0 : i32
      %dma_wait3A_46 = tpu.memref_slice %arg5[%dma_wait3A, %dma_wait3A_45] : memref<10080x80xf32, #tpu.memory_space<hbm>> -> memref<10080x80xf32, #tpu.memory_space<hbm>>
      tpu.wait_indirect_dma semaphore(%arg15 : memref<!tpu.dma_semaphore, #tpu.memory_space<semaphore_mem>>) src(%dma_wait3A_46 : memref<10080x80xf32, #tpu.memory_space<hbm>>) dst(%arg13 : memref<128x80xf32, #tpu.memory_space<vmem>>)
      %scan3A_47 = arith.constant 0 : i32
      %scan3A_48 = arith.constant 0 : i32
      %scan3A_49 = arith.constant 8 : i32
      %scan3A_50 = arith.addi %scan3A_48, %scan3A_49 : i32
      %scan3A_51 = arith.constant 1 : i32
      %scan3A_52 = scf.for %scan3A_55 = %scan3A_48 to %scan3A_50 step %scan3A_51 iter_args(%scan3A_56 = %scan3A_47) -> (i32)  : i32 {
        %mul3A_57 = arith.constant 16 : i32
        %mul3A_58 = arith.muli %scan3A_55, %mul3A_57 : i32
        %get3A = arith.index_cast %mul3A_58 : i32 to index
        %get3A_59 = tpu.vector_load %arg8[%get3A] {strides = array<i32>} : memref<128xi32, #tpu.memory_space<vmem>>, vector<16xi32>,
        %mul3A_60 = arith.constant 16 : i32
        %mul3A_61 = arith.muli %scan3A_55, %mul3A_60 : i32
        %get3A_62 = arith.index_cast %mul3A_61 : i32 to index
        %get3A_63 = tpu.vector_load %arg10[%get3A_62] {strides = array<i32>} : memref<128xi32, #tpu.memory_space<vmem>>, vector<16xi32>,
        %gather3A = tpu.vector_load_idx %arg11[%get3A_59] : memref<10080xf32, #tpu.memory_space<vmem>>[vector<16xi32>], vector<16xf32>,
        %gather3A_64 = tpu.vector_load_idx %arg12[%get3A_63] : memref<10080xf32, #tpu.memory_space<vmem>>[vector<16xi32>], vector<16xf32>,
        %add3A_65 = arith.addf %gather3A, %gather3A_64 : vector<16xf32>
        %ge3A = arith.constant 0.000000e+00 : f32
        %ge3A_66 = vector.broadcast %ge3A : f32 to vector<16xf32>
        %ge3A_67 = arith.cmpf oge, %add3A_65, %ge3A_66 : vector<16xf32>
        %mul3A_68 = arith.constant 2.000000e-01 : f32
        %mul3A_69 = vector.broadcast %mul3A_68 : f32 to vector<16xf32>
        %mul3A_70 = arith.mulf %add3A_65, %mul3A_69 : vector<16xf32>
        %select_n3A = arith.select %ge3A_67, %add3A_65, %mul3A_70 : vector<16xi1>, vector<16xf32>
        %exp3A = math.exp %select_n3A : vector<16xf32>
        %slice3A = vector.extract_strided_slice %exp3A {offsets = [0], sizes = [1], strides = [1]} : vector<16xf32> to vector<1xf32>
        %squeeze3A = vector.extract %slice3A[0] : f32 from vector<1xf32>
        %broadcast_in_dim3A = vector.broadcast %squeeze3A : f32 to vector<16xf32>
        %mul3A_71 = arith.constant 16 : i32
        %mul3A_72 = arith.muli %scan3A_55, %mul3A_71 : i32
        %add3A_73 = arith.constant 0 : i32
        %add3A_74 = arith.addi %mul3A_72, %add3A_73 : i32
        %get3A_75 = arith.index_cast %add3A_74 : i32 to index
        %get3A_76 = arith.constant 0 : index
        %get3A_77 = tpu.vector_load %arg13[%get3A_75, %get3A_76] {strides = array<i32>} : memref<128x80xf32, #tpu.memory_space<vmem>>, vector<16xf32>,
        %mul3A_78 = arith.mulf %get3A_77, %broadcast_in_dim3A : vector<16xf32>
        %swap3A = arith.index_cast %add3A_74 : i32 to index
        %swap3A_79 = arith.constant 0 : index
        %swap3A_80 = tpu.vector_load %arg13[%swap3A, %swap3A_79] {strides = array<i32>} : memref<128x80xf32, #tpu.memory_space<vmem>>, vector<16xf32>,
        tpu.vector_store %arg13[%swap3A, %swap3A_79], %mul3A_78 {strides = array<i32>} : memref<128x80xf32, #tpu.memory_space<vmem>>, vector<16xf32>,
        %get3A_81 = arith.index_cast %add3A_74 : i32 to index
        %get3A_82 = arith.constant 16 : index
        %get3A_83 = tpu.vector_load %arg13[%get3A_81, %get3A_82] {strides = array<i32>} : memref<128x80xf32, #tpu.memory_space<vmem>>, vector<16xf32>,
        %mul3A_84 = arith.mulf %get3A_83, %broadcast_in_dim3A : vector<16xf32>
        %swap3A_85 = arith.index_cast %add3A_74 : i32 to index
        %swap3A_86 = arith.constant 16 : index
        %swap3A_87 = tpu.vector_load %arg13[%swap3A_85, %swap3A_86] {strides = array<i32>} : memref<128x80xf32, #tpu.memory_space<vmem>>, vector<16xf32>,
        tpu.vector_store %arg13[%swap3A_85, %swap3A_86], %mul3A_84 {strides = array<i32>} : memref<128x80xf32, #tpu.memory_space<vmem>>, vector<16xf32>,
        %get3A_88 = arith.index_cast %add3A_74 : i32 to index
        %get3A_89 = arith.constant 32 : index
        %get3A_90 = tpu.vector_load %arg13[%get3A_88, %get3A_89] {strides = array<i32>} : memref<128x80xf32, #tpu.memory_space<vmem>>, vector<16xf32>,
        %mul3A_91 = arith.mulf %get3A_90, %broadcast_in_dim3A : vector<16xf32>
        %swap3A_92 = arith.index_cast %add3A_74 : i32 to index
        %swap3A_93 = arith.constant 32 : index
        %swap3A_94 = tpu.vector_load %arg13[%swap3A_92, %swap3A_93] {strides = array<i32>} : memref<128x80xf32, #tpu.memory_space<vmem>>, vector<16xf32>,
        tpu.vector_store %arg13[%swap3A_92, %swap3A_93], %mul3A_91 {strides = array<i32>} : memref<128x80xf32, #tpu.memory_space<vmem>>, vector<16xf32>,
        %get3A_95 = arith.index_cast %add3A_74 : i32 to index
        %get3A_96 = arith.constant 48 : index
        %get3A_97 = tpu.vector_load %arg13[%get3A_95, %get3A_96] {strides = array<i32>} : memref<128x80xf32, #tpu.memory_space<vmem>>, vector<16xf32>,
        %mul3A_98 = arith.mulf %get3A_97, %broadcast_in_dim3A : vector<16xf32>
        %swap3A_99 = arith.index_cast %add3A_74 : i32 to index
        %swap3A_100 = arith.constant 48 : index
        %swap3A_101 = tpu.vector_load %arg13[%swap3A_99, %swap3A_100] {strides = array<i32>} : memref<128x80xf32, #tpu.memory_space<vmem>>, vector<16xf32>,
        tpu.vector_store %arg13[%swap3A_99, %swap3A_100], %mul3A_98 {strides = array<i32>} : memref<128x80xf32, #tpu.memory_space<vmem>>, vector<16xf32>,
        %get3A_102 = arith.index_cast %add3A_74 : i32 to index
        %get3A_103 = arith.constant 64 : index
        %get3A_104 = tpu.vector_load %arg13[%get3A_102, %get3A_103] {strides = array<i32>} : memref<128x80xf32, #tpu.memory_space<vmem>>, vector<16xf32>,
        %mul3A_105 = arith.mulf %get3A_104, %broadcast_in_dim3A : vector<16xf32>
        %swap3A_106 = arith.index_cast %add3A_74 : i32 to index
        %swap3A_107 = arith.constant 64 : index
        %swap3A_108 = tpu.vector_load %arg13[%swap3A_106, %swap3A_107] {strides = array<i32>} : memref<128x80xf32, #tpu.memory_space<vmem>>, vector<16xf32>,
        tpu.vector_store %arg13[%swap3A_106, %swap3A_107], %mul3A_105 {strides = array<i32>} : memref<128x80xf32, #tpu.memory_space<vmem>>, vector<16xf32>,
        %slice3A_109 = vector.extract_strided_slice %exp3A {offsets = [1], sizes = [1], strides = [1]} : vector<16xf32> to vector<1xf32>
        %squeeze3A_110 = vector.extract %slice3A_109[0] : f32 from vector<1xf32>
        %broadcast_in_dim3A_111 = vector.broadcast %squeeze3A_110 : f32 to vector<16xf32>
        %mul3A_112 = arith.constant 16 : i32
        %mul3A_113 = arith.muli %scan3A_55, %mul3A_112 : i32
        %add3A_114 = arith.constant 1 : i32
        %add3A_115 = arith.addi %mul3A_113, %add3A_114 : i32
        %get3A_116 = arith.index_cast %add3A_115 : i32 to index
        %get3A_117 = arith.constant 0 : index
        %get3A_118 = tpu.vector_load %arg13[%get3A_116, %get3A_117] {strides = array<i32>} : memref<128x80xf32, #tpu.memory_space<vmem>>, vector<16xf32>,
        %mul3A_119 = arith.mulf %get3A_118, %broadcast_in_dim3A_111 : vector<16xf32>
        %swap3A_120 = arith.index_cast %add3A_115 : i32 to index
        %swap3A_121 = arith.constant 0 : index
        %swap3A_122 = tpu.vector_load %arg13[%swap3A_120, %swap3A_121] {strides = array<i32>} : memref<128x80xf32, #tpu.memory_space<vmem>>, vector<16xf32>,
        tpu.vector_store %arg13[%swap3A_120, %swap3A_121], %mul3A_119 {strides = array<i32>} : memref<128x80xf32, #tpu.memory_space<vmem>>, vector<16xf32>,
        %get3A_123 = arith.index_cast %add3A_115 : i32 to index
        %get3A_124 = arith.constant 16 : index
        %get3A_125 = tpu.vector_load %arg13[%get3A_123, %get3A_124] {strides = array<i32>} : memref<128x80xf32, #tpu.memory_space<vmem>>, vector<16xf32>,
        %mul3A_126 = arith.mulf %get3A_125, %broadcast_in_dim3A_111 : vector<16xf32>
        %swap3A_127 = arith.index_cast %add3A_115 : i32 to index
        %swap3A_128 = arith.constant 16 : index
        %swap3A_129 = tpu.vector_load %arg13[%swap3A_127, %swap3A_128] {strides = array<i32>} : memref<128x80xf32, #tpu.memory_space<vmem>>, vector<16xf32>,
        tpu.vector_store %arg13[%swap3A_127, %swap3A_128], %mul3A_126 {strides = array<i32>} : memref<128x80xf32, #tpu.memory_space<vmem>>, vector<16xf32>,
        %get3A_130 = arith.index_cast %add3A_115 : i32 to index
        %get3A_131 = arith.constant 32 : index
        %get3A_132 = tpu.vector_load %arg13[%get3A_130, %get3A_131] {strides = array<i32>} : memref<128x80xf32, #tpu.memory_space<vmem>>, vector<16xf32>,
        %mul3A_133 = arith.mulf %get3A_132, %broadcast_in_dim3A_111 : vector<16xf32>
        %swap3A_134 = arith.index_cast %add3A_115 : i32 to index
        %swap3A_135 = arith.constant 32 : index
        %swap3A_136 = tpu.vector_load %arg13[%swap3A_134, %swap3A_135] {strides = array<i32>} : memref<128x80xf32, #tpu.memory_space<vmem>>, vector<16xf32>,
        tpu.vector_store %arg13[%swap3A_134, %swap3A_135], %mul3A_133 {strides = array<i32>} : memref<128x80xf32, #tpu.memory_space<vmem>>, vector<16xf32>,
        %get3A_137 = arith.index_cast %add3A_115 : i32 to index
        %get3A_138 = arith.constant 48 : index
        %get3A_139 = tpu.vector_load %arg13[%get3A_137, %get3A_138] {strides = array<i32>} : memref<128x80xf32, #tpu.memory_space<vmem>>, vector<16xf32>,
        %mul3A_140 = arith.mulf %get3A_139, %broadcast_in_dim3A_111 : vector<16xf32>
        %swap3A_141 = arith.index_cast %add3A_115 : i32 to index
        %swap3A_142 = arith.constant 48 : index
        %swap3A_143 = tpu.vector_load %arg13[%swap3A_141, %swap3A_142] {strides = array<i32>} : memref<128x80xf32, #tpu.memory_space<vmem>>, vector<16xf32>,
        tpu.vector_store %arg13[%swap3A_141, %swap3A_142], %mul3A_140 {strides = array<i32>} : memref<128x80xf32, #tpu.memory_space<vmem>>, vector<16xf32>,
        %get3A_144 = arith.index_cast %add3A_115 : i32 to index
        %get3A_145 = arith.constant 64 : index
        %get3A_146 = tpu.vector_load %arg13[%get3A_144, %get3A_145] {strides = array<i32>} : memref<128x80xf32, #tpu.memory_space<vmem>>, vector<16xf32>,
        %mul3A_147 = arith.mulf %get3A_146, %broadcast_in_dim3A_111 : vector<16xf32>
        %swap3A_148 = arith.index_cast %add3A_115 : i32 to index
        %swap3A_149 = arith.constant 64 : index
        %swap3A_150 = tpu.vector_load %arg13[%swap3A_148, %swap3A_149] {strides = array<i32>} : memref<128x80xf32, #tpu.memory_space<vmem>>, vector<16xf32>,
        tpu.vector_store %arg13[%swap3A_148, %swap3A_149], %mul3A_147 {strides = array<i32>} : memref<128x80xf32, #tpu.memory_space<vmem>>, vector<16xf32>,
        %slice3A_151 = vector.extract_strided_slice %exp3A {offsets = [2], sizes = [1], strides = [1]} : vector<16xf32> to vector<1xf32>
        %squeeze3A_152 = vector.extract %slice3A_151[0] : f32 from vector<1xf32>
        %broadcast_in_dim3A_153 = vector.broadcast %squeeze3A_152 : f32 to vector<16xf32>
        %mul3A_154 = arith.constant 16 : i32
        %mul3A_155 = arith.muli %scan3A_55, %mul3A_154 : i32
        %add3A_156 = arith.constant 2 : i32
        %add3A_157 = arith.addi %mul3A_155, %add3A_156 : i32
        %get3A_158 = arith.index_cast %add3A_157 : i32 to index
        %get3A_159 = arith.constant 0 : index
        %get3A_160 = tpu.vector_load %arg13[%get3A_158, %get3A_159] {strides = array<i32>} : memref<128x80xf32, #tpu.memory_space<vmem>>, vector<16xf32>,
        %mul3A_161 = arith.mulf %get3A_160, %broadcast_in_dim3A_153 : vector<16xf32>
        %swap3A_162 = arith.index_cast %add3A_157 : i32 to index
        %swap3A_163 = arith.constant 0 : index
        %swap3A_164 = tpu.vector_load %arg13[%swap3A_162, %swap3A_163] {strides = array<i32>} : memref<128x80xf32, #tpu.memory_space<vmem>>, vector<16xf32>,
        tpu.vector_store %arg13[%swap3A_162, %swap3A_163], %mul3A_161 {strides = array<i32>} : memref<128x80xf32, #tpu.memory_space<vmem>>, vector<16xf32>,
        %get3A_165 = arith.index_cast %add3A_157 : i32 to index
        %get3A_166 = arith.constant 16 : index
        %get3A_167 = tpu.vector_load %arg13[%get3A_165, %get3A_166] {strides = array<i32>} : memref<128x80xf32, #tpu.memory_space<vmem>>, vector<16xf32>,
        %mul3A_168 = arith.mulf %get3A_167, %broadcast_in_dim3A_153 : vector<16xf32>
        %swap3A_169 = arith.index_cast %add3A_157 : i32 to index
        %swap3A_170 = arith.constant 16 : index
        %swap3A_171 = tpu.vector_load %arg13[%swap3A_169, %swap3A_170] {strides = array<i32>} : memref<128x80xf32, #tpu.memory_space<vmem>>, vector<16xf32>,
        tpu.vector_store %arg13[%swap3A_169, %swap3A_170], %mul3A_168 {strides = array<i32>} : memref<128x80xf32, #tpu.memory_space<vmem>>, vector<16xf32>,
        %get3A_172 = arith.index_cast %add3A_157 : i32 to index
        %get3A_173 = arith.constant 32 : index
        %get3A_174 = tpu.vector_load %arg13[%get3A_172, %get3A_173] {strides = array<i32>} : memref<128x80xf32, #tpu.memory_space<vmem>>, vector<16xf32>,
        %mul3A_175 = arith.mulf %get3A_174, %broadcast_in_dim3A_153 : vector<16xf32>
        %swap3A_176 = arith.index_cast %add3A_157 : i32 to index
        %swap3A_177 = arith.constant 32 : index
        %swap3A_178 = tpu.vector_load %arg13[%swap3A_176, %swap3A_177] {strides = array<i32>} : memref<128x80xf32, #tpu.memory_space<vmem>>, vector<16xf32>,
        tpu.vector_store %arg13[%swap3A_176, %swap3A_177], %mul3A_175 {strides = array<i32>} : memref<128x80xf32, #tpu.memory_space<vmem>>, vector<16xf32>,
        %get3A_179 = arith.index_cast %add3A_157 : i32 to index
        %get3A_180 = arith.constant 48 : index
        %get3A_181 = tpu.vector_load %arg13[%get3A_179, %get3A_180] {strides = array<i32>} : memref<128x80xf32, #tpu.memory_space<vmem>>, vector<16xf32>,
        %mul3A_182 = arith.mulf %get3A_181, %broadcast_in_dim3A_153 : vector<16xf32>
        %swap3A_183 = arith.index_cast %add3A_157 : i32 to index
        %swap3A_184 = arith.constant 48 : index
        %swap3A_185 = tpu.vector_load %arg13[%swap3A_183, %swap3A_184] {strides = array<i32>} : memref<128x80xf32, #tpu.memory_space<vmem>>, vector<16xf32>,
        tpu.vector_store %arg13[%swap3A_183, %swap3A_184], %mul3A_182 {strides = array<i32>} : memref<128x80xf32, #tpu.memory_space<vmem>>, vector<16xf32>,
        %get3A_186 = arith.index_cast %add3A_157 : i32 to index
        %get3A_187 = arith.constant 64 : index
        %get3A_188 = tpu.vector_load %arg13[%get3A_186, %get3A_187] {strides = array<i32>} : memref<128x80xf32, #tpu.memory_space<vmem>>, vector<16xf32>,
        %mul3A_189 = arith.mulf %get3A_188, %broadcast_in_dim3A_153 : vector<16xf32>
        %swap3A_190 = arith.index_cast %add3A_157 : i32 to index
        %swap3A_191 = arith.constant 64 : index
        %swap3A_192 = tpu.vector_load %arg13[%swap3A_190, %swap3A_191] {strides = array<i32>} : memref<128x80xf32, #tpu.memory_space<vmem>>, vector<16xf32>,
        tpu.vector_store %arg13[%swap3A_190, %swap3A_191], %mul3A_189 {strides = array<i32>} : memref<128x80xf32, #tpu.memory_space<vmem>>, vector<16xf32>,
        %slice3A_193 = vector.extract_strided_slice %exp3A {offsets = [3], sizes = [1], strides = [1]} : vector<16xf32> to vector<1xf32>
        %squeeze3A_194 = vector.extract %slice3A_193[0] : f32 from vector<1xf32>
        %broadcast_in_dim3A_195 = vector.broadcast %squeeze3A_194 : f32 to vector<16xf32>
        %mul3A_196 = arith.constant 16 : i32
        %mul3A_197 = arith.muli %scan3A_55, %mul3A_196 : i32
        %add3A_198 = arith.constant 3 : i32
        %add3A_199 = arith.addi %mul3A_197, %add3A_198 : i32
        %get3A_200 = arith.index_cast %add3A_199 : i32 to index
        %get3A_201 = arith.constant 0 : index
        %get3A_202 = tpu.vector_load %arg13[%get3A_200, %get3A_201] {strides = array<i32>} : memref<128x80xf32, #tpu.memory_space<vmem>>, vector<16xf32>,
        %mul3A_203 = arith.mulf %get3A_202, %broadcast_in_dim3A_195 : vector<16xf32>
        %swap3A_204 = arith.index_cast %add3A_199 : i32 to index
        %swap3A_205 = arith.constant 0 : index
        %swap3A_206 = tpu.vector_load %arg13[%swap3A_204, %swap3A_205] {strides = array<i32>} : memref<128x80xf32, #tpu.memory_space<vmem>>, vector<16xf32>,
        tpu.vector_store %arg13[%swap3A_204, %swap3A_205], %mul3A_203 {strides = array<i32>} : memref<128x80xf32, #tpu.memory_space<vmem>>, vector<16xf32>,
        %get3A_207 = arith.index_cast %add3A_199 : i32 to index
        %get3A_208 = arith.constant 16 : index
        %get3A_209 = tpu.vector_load %arg13[%get3A_207, %get3A_208] {strides = array<i32>} : memref<128x80xf32, #tpu.memory_space<vmem>>, vector<16xf32>,
        %mul3A_210 = arith.mulf %get3A_209, %broadcast_in_dim3A_195 : vector<16xf32>
        %swap3A_211 = arith.index_cast %add3A_199 : i32 to index
        %swap3A_212 = arith.constant 16 : index
        %swap3A_213 = tpu.vector_load %arg13[%swap3A_211, %swap3A_212] {strides = array<i32>} : memref<128x80xf32, #tpu.memory_space<vmem>>, vector<16xf32>,
        tpu.vector_store %arg13[%swap3A_211, %swap3A_212], %mul3A_210 {strides = array<i32>} : memref<128x80xf32, #tpu.memory_space<vmem>>, vector<16xf32>,
        %get3A_214 = arith.index_cast %add3A_199 : i32 to index
        %get3A_215 = arith.constant 32 : index
        %get3A_216 = tpu.vector_load %arg13[%get3A_214, %get3A_215] {strides = array<i32>} : memref<128x80xf32, #tpu.memory_space<vmem>>, vector<16xf32>,
        %mul3A_217 = arith.mulf %get3A_216, %broadcast_in_dim3A_195 : vector<16xf32>
        %swap3A_218 = arith.index_cast %add3A_199 : i32 to index
        %swap3A_219 = arith.constant 32 : index
        %swap3A_220 = tpu.vector_load %arg13[%swap3A_218, %swap3A_219] {strides = array<i32>} : memref<128x80xf32, #tpu.memory_space<vmem>>, vector<16xf32>,
        tpu.vector_store %arg13[%swap3A_218, %swap3A_219], %mul3A_217 {strides = array<i32>} : memref<128x80xf32, #tpu.memory_space<vmem>>, vector<16xf32>,
        %get3A_221 = arith.index_cast %add3A_199 : i32 to index
        %get3A_222 = arith.constant 48 : index
        %get3A_223 = tpu.vector_load %arg13[%get3A_221, %get3A_222] {strides = array<i32>} : memref<128x80xf32, #tpu.memory_space<vmem>>, vector<16xf32>,
        %mul3A_224 = arith.mulf %get3A_223, %broadcast_in_dim3A_195 : vector<16xf32>
        %swap3A_225 = arith.index_cast %add3A_199 : i32 to index
        %swap3A_226 = arith.constant 48 : index
        %swap3A_227 = tpu.vector_load %arg13[%swap3A_225, %swap3A_226] {strides = array<i32>} : memref<128x80xf32, #tpu.memory_space<vmem>>, vector<16xf32>,
        tpu.vector_store %arg13[%swap3A_225, %swap3A_226], %mul3A_224 {strides = array<i32>} : memref<128x80xf32, #tpu.memory_space<vmem>>, vector<16xf32>,
        %get3A_228 = arith.index_cast %add3A_199 : i32 to index
        %get3A_229 = arith.constant 64 : index
        %get3A_230 = tpu.vector_load %arg13[%get3A_228, %get3A_229] {strides = array<i32>} : memref<128x80xf32, #tpu.memory_space<vmem>>, vector<16xf32>,
        %mul3A_231 = arith.mulf %get3A_230, %broadcast_in_dim3A_195 : vector<16xf32>
        %swap3A_232 = arith.index_cast %add3A_199 : i32 to index
        %swap3A_233 = arith.constant 64 : index
        %swap3A_234 = tpu.vector_load %arg13[%swap3A_232, %swap3A_233] {strides = array<i32>} : memref<128x80xf32, #tpu.memory_space<vmem>>, vector<16xf32>,
        tpu.vector_store %arg13[%swap3A_232, %swap3A_233], %mul3A_231 {strides = array<i32>} : memref<128x80xf32, #tpu.memory_space<vmem>>, vector<16xf32>,
        %slice3A_235 = vector.extract_strided_slice %exp3A {offsets = [4], sizes = [1], strides = [1]} : vector<16xf32> to vector<1xf32>
        %squeeze3A_236 = vector.extract %slice3A_235[0] : f32 from vector<1xf32>
        %broadcast_in_dim3A_237 = vector.broadcast %squeeze3A_236 : f32 to vector<16xf32>
        %mul3A_238 = arith.constant 16 : i32
        %mul3A_239 = arith.muli %scan3A_55, %mul3A_238 : i32
        %add3A_240 = arith.constant 4 : i32
        %add3A_241 = arith.addi %mul3A_239, %add3A_240 : i32
        %get3A_242 = arith.index_cast %add3A_241 : i32 to index
        %get3A_243 = arith.constant 0 : index
        %get3A_244 = tpu.vector_load %arg13[%get3A_242, %get3A_243] {strides = array<i32>} : memref<128x80xf32, #tpu.memory_space<vmem>>, vector<16xf32>,
        %mul3A_245 = arith.mulf %get3A_244, %broadcast_in_dim3A_237 : vector<16xf32>
        %swap3A_246 = arith.index_cast %add3A_241 : i32 to index
        %swap3A_247 = arith.constant 0 : index
        %swap3A_248 = tpu.vector_load %arg13[%swap3A_246, %swap3A_247] {strides = array<i32>} : memref<128x80xf32, #tpu.memory_space<vmem>>, vector<16xf32>,
        tpu.vector_store %arg13[%swap3A_246, %swap3A_247], %mul3A_245 {strides = array<i32>} : memref<128x80xf32, #tpu.memory_space<vmem>>, vector<16xf32>,
        %get3A_249 = arith.index_cast %add3A_241 : i32 to index
        %get3A_250 = arith.constant 16 : index
        %get3A_251 = tpu.vector_load %arg13[%get3A_249, %get3A_250] {strides = array<i32>} : memref<128x80xf32, #tpu.memory_space<vmem>>, vector<16xf32>,
        %mul3A_252 = arith.mulf %get3A_251, %broadcast_in_dim3A_237 : vector<16xf32>
        %swap3A_253 = arith.index_cast %add3A_241 : i32 to index
        %swap3A_254 = arith.constant 16 : index
        %swap3A_255 = tpu.vector_load %arg13[%swap3A_253, %swap3A_254] {strides = array<i32>} : memref<128x80xf32, #tpu.memory_space<vmem>>, vector<16xf32>,
        tpu.vector_store %arg13[%swap3A_253, %swap3A_254], %mul3A_252 {strides = array<i32>} : memref<128x80xf32, #tpu.memory_space<vmem>>, vector<16xf32>,
        %get3A_256 = arith.index_cast %add3A_241 : i32 to index
        %get3A_257 = arith.constant 32 : index
        %get3A_258 = tpu.vector_load %arg13[%get3A_256, %get3A_257] {strides = array<i32>} : memref<128x80xf32, #tpu.memory_space<vmem>>, vector<16xf32>,
        %mul3A_259 = arith.mulf %get3A_258, %broadcast_in_dim3A_237 : vector<16xf32>
        %swap3A_260 = arith.index_cast %add3A_241 : i32 to index
        %swap3A_261 = arith.constant 32 : index
        %swap3A_262 = tpu.vector_load %arg13[%swap3A_260, %swap3A_261] {strides = array<i32>} : memref<128x80xf32, #tpu.memory_space<vmem>>, vector<16xf32>,
        tpu.vector_store %arg13[%swap3A_260, %swap3A_261], %mul3A_259 {strides = array<i32>} : memref<128x80xf32, #tpu.memory_space<vmem>>, vector<16xf32>,
        %get3A_263 = arith.index_cast %add3A_241 : i32 to index
        %get3A_264 = arith.constant 48 : index
        %get3A_265 = tpu.vector_load %arg13[%get3A_263, %get3A_264] {strides = array<i32>} : memref<128x80xf32, #tpu.memory_space<vmem>>, vector<16xf32>,
        %mul3A_266 = arith.mulf %get3A_265, %broadcast_in_dim3A_237 : vector<16xf32>
        %swap3A_267 = arith.index_cast %add3A_241 : i32 to index
        %swap3A_268 = arith.constant 48 : index
        %swap3A_269 = tpu.vector_load %arg13[%swap3A_267, %swap3A_268] {strides = array<i32>} : memref<128x80xf32, #tpu.memory_space<vmem>>, vector<16xf32>,
        tpu.vector_store %arg13[%swap3A_267, %swap3A_268], %mul3A_266 {strides = array<i32>} : memref<128x80xf32, #tpu.memory_space<vmem>>, vector<16xf32>,
        %get3A_270 = arith.index_cast %add3A_241 : i32 to index
        %get3A_271 = arith.constant 64 : index
        %get3A_272 = tpu.vector_load %arg13[%get3A_270, %get3A_271] {strides = array<i32>} : memref<128x80xf32, #tpu.memory_space<vmem>>, vector<16xf32>,
        %mul3A_273 = arith.mulf %get3A_272, %broadcast_in_dim3A_237 : vector<16xf32>
        %swap3A_274 = arith.index_cast %add3A_241 : i32 to index
        %swap3A_275 = arith.constant 64 : index
        %swap3A_276 = tpu.vector_load %arg13[%swap3A_274, %swap3A_275] {strides = array<i32>} : memref<128x80xf32, #tpu.memory_space<vmem>>, vector<16xf32>,
        tpu.vector_store %arg13[%swap3A_274, %swap3A_275], %mul3A_273 {strides = array<i32>} : memref<128x80xf32, #tpu.memory_space<vmem>>, vector<16xf32>,
        %slice3A_277 = vector.extract_strided_slice %exp3A {offsets = [5], sizes = [1], strides = [1]} : vector<16xf32> to vector<1xf32>
        %squeeze3A_278 = vector.extract %slice3A_277[0] : f32 from vector<1xf32>
        %broadcast_in_dim3A_279 = vector.broadcast %squeeze3A_278 : f32 to vector<16xf32>
        %mul3A_280 = arith.constant 16 : i32
        %mul3A_281 = arith.muli %scan3A_55, %mul3A_280 : i32
        %add3A_282 = arith.constant 5 : i32
        %add3A_283 = arith.addi %mul3A_281, %add3A_282 : i32
        %get3A_284 = arith.index_cast %add3A_283 : i32 to index
        %get3A_285 = arith.constant 0 : index
        %get3A_286 = tpu.vector_load %arg13[%get3A_284, %get3A_285] {strides = array<i32>} : memref<128x80xf32, #tpu.memory_space<vmem>>, vector<16xf32>,
        %mul3A_287 = arith.mulf %get3A_286, %broadcast_in_dim3A_279 : vector<16xf32>
        %swap3A_288 = arith.index_cast %add3A_283 : i32 to index
        %swap3A_289 = arith.constant 0 : index
        %swap3A_290 = tpu.vector_load %arg13[%swap3A_288, %swap3A_289] {strides = array<i32>} : memref<128x80xf32, #tpu.memory_space<vmem>>, vector<16xf32>,
        tpu.vector_store %arg13[%swap3A_288, %swap3A_289], %mul3A_287 {strides = array<i32>} : memref<128x80xf32, #tpu.memory_space<vmem>>, vector<16xf32>,
        %get3A_291 = arith.index_cast %add3A_283 : i32 to index
        %get3A_292 = arith.constant 16 : index
        %get3A_293 = tpu.vector_load %arg13[%get3A_291, %get3A_292] {strides = array<i32>} : memref<128x80xf32, #tpu.memory_space<vmem>>, vector<16xf32>,
        %mul3A_294 = arith.mulf %get3A_293, %broadcast_in_dim3A_279 : vector<16xf32>
        %swap3A_295 = arith.index_cast %add3A_283 : i32 to index
        %swap3A_296 = arith.constant 16 : index
        %swap3A_297 = tpu.vector_load %arg13[%swap3A_295, %swap3A_296] {strides = array<i32>} : memref<128x80xf32, #tpu.memory_space<vmem>>, vector<16xf32>,
        tpu.vector_store %arg13[%swap3A_295, %swap3A_296], %mul3A_294 {strides = array<i32>} : memref<128x80xf32, #tpu.memory_space<vmem>>, vector<16xf32>,
        %get3A_298 = arith.index_cast %add3A_283 : i32 to index
        %get3A_299 = arith.constant 32 : index
        %get3A_300 = tpu.vector_load %arg13[%get3A_298, %get3A_299] {strides = array<i32>} : memref<128x80xf32, #tpu.memory_space<vmem>>, vector<16xf32>,
        %mul3A_301 = arith.mulf %get3A_300, %broadcast_in_dim3A_279 : vector<16xf32>
        %swap3A_302 = arith.index_cast %add3A_283 : i32 to index
        %swap3A_303 = arith.constant 32 : index
        %swap3A_304 = tpu.vector_load %arg13[%swap3A_302, %swap3A_303] {strides = array<i32>} : memref<128x80xf32, #tpu.memory_space<vmem>>, vector<16xf32>,
        tpu.vector_store %arg13[%swap3A_302, %swap3A_303], %mul3A_301 {strides = array<i32>} : memref<128x80xf32, #tpu.memory_space<vmem>>, vector<16xf32>,
        %get3A_305 = arith.index_cast %add3A_283 : i32 to index
        %get3A_306 = arith.constant 48 : index
        %get3A_307 = tpu.vector_load %arg13[%get3A_305, %get3A_306] {strides = array<i32>} : memref<128x80xf32, #tpu.memory_space<vmem>>, vector<16xf32>,
        %mul3A_308 = arith.mulf %get3A_307, %broadcast_in_dim3A_279 : vector<16xf32>
        %swap3A_309 = arith.index_cast %add3A_283 : i32 to index
        %swap3A_310 = arith.constant 48 : index
        %swap3A_311 = tpu.vector_load %arg13[%swap3A_309, %swap3A_310] {strides = array<i32>} : memref<128x80xf32, #tpu.memory_space<vmem>>, vector<16xf32>,
        tpu.vector_store %arg13[%swap3A_309, %swap3A_310], %mul3A_308 {strides = array<i32>} : memref<128x80xf32, #tpu.memory_space<vmem>>, vector<16xf32>,
        %get3A_312 = arith.index_cast %add3A_283 : i32 to index
        %get3A_313 = arith.constant 64 : index
        %get3A_314 = tpu.vector_load %arg13[%get3A_312, %get3A_313] {strides = array<i32>} : memref<128x80xf32, #tpu.memory_space<vmem>>, vector<16xf32>,
        %mul3A_315 = arith.mulf %get3A_314, %broadcast_in_dim3A_279 : vector<16xf32>
        %swap3A_316 = arith.index_cast %add3A_283 : i32 to index
        %swap3A_317 = arith.constant 64 : index
        %swap3A_318 = tpu.vector_load %arg13[%swap3A_316, %swap3A_317] {strides = array<i32>} : memref<128x80xf32, #tpu.memory_space<vmem>>, vector<16xf32>,
        tpu.vector_store %arg13[%swap3A_316, %swap3A_317], %mul3A_315 {strides = array<i32>} : memref<128x80xf32, #tpu.memory_space<vmem>>, vector<16xf32>,
        %slice3A_319 = vector.extract_strided_slice %exp3A {offsets = [6], sizes = [1], strides = [1]} : vector<16xf32> to vector<1xf32>
        %squeeze3A_320 = vector.extract %slice3A_319[0] : f32 from vector<1xf32>
        %broadcast_in_dim3A_321 = vector.broadcast %squeeze3A_320 : f32 to vector<16xf32>
        %mul3A_322 = arith.constant 16 : i32
        %mul3A_323 = arith.muli %scan3A_55, %mul3A_322 : i32
        %add3A_324 = arith.constant 6 : i32
        %add3A_325 = arith.addi %mul3A_323, %add3A_324 : i32
        %get3A_326 = arith.index_cast %add3A_325 : i32 to index
        %get3A_327 = arith.constant 0 : index
        %get3A_328 = tpu.vector_load %arg13[%get3A_326, %get3A_327] {strides = array<i32>} : memref<128x80xf32, #tpu.memory_space<vmem>>, vector<16xf32>,
        %mul3A_329 = arith.mulf %get3A_328, %broadcast_in_dim3A_321 : vector<16xf32>
        %swap3A_330 = arith.index_cast %add3A_325 : i32 to index
        %swap3A_331 = arith.constant 0 : index
        %swap3A_332 = tpu.vector_load %arg13[%swap3A_330, %swap3A_331] {strides = array<i32>} : memref<128x80xf32, #tpu.memory_space<vmem>>, vector<16xf32>,
        tpu.vector_store %arg13[%swap3A_330, %swap3A_331], %mul3A_329 {strides = array<i32>} : memref<128x80xf32, #tpu.memory_space<vmem>>, vector<16xf32>,
        %get3A_333 = arith.index_cast %add3A_325 : i32 to index
        %get3A_334 = arith.constant 16 : index
        %get3A_335 = tpu.vector_load %arg13[%get3A_333, %get3A_334] {strides = array<i32>} : memref<128x80xf32, #tpu.memory_space<vmem>>, vector<16xf32>,
        %mul3A_336 = arith.mulf %get3A_335, %broadcast_in_dim3A_321 : vector<16xf32>
        %swap3A_337 = arith.index_cast %add3A_325 : i32 to index
        %swap3A_338 = arith.constant 16 : index
        %swap3A_339 = tpu.vector_load %arg13[%swap3A_337, %swap3A_338] {strides = array<i32>} : memref<128x80xf32, #tpu.memory_space<vmem>>, vector<16xf32>,
        tpu.vector_store %arg13[%swap3A_337, %swap3A_338], %mul3A_336 {strides = array<i32>} : memref<128x80xf32, #tpu.memory_space<vmem>>, vector<16xf32>,
        %get3A_340 = arith.index_cast %add3A_325 : i32 to index
        %get3A_341 = arith.constant 32 : index
        %get3A_342 = tpu.vector_load %arg13[%get3A_340, %get3A_341] {strides = array<i32>} : memref<128x80xf32, #tpu.memory_space<vmem>>, vector<16xf32>,
        %mul3A_343 = arith.mulf %get3A_342, %broadcast_in_dim3A_321 : vector<16xf32>
        %swap3A_344 = arith.index_cast %add3A_325 : i32 to index
        %swap3A_345 = arith.constant 32 : index
        %swap3A_346 = tpu.vector_load %arg13[%swap3A_344, %swap3A_345] {strides = array<i32>} : memref<128x80xf32, #tpu.memory_space<vmem>>, vector<16xf32>,
        tpu.vector_store %arg13[%swap3A_344, %swap3A_345], %mul3A_343 {strides = array<i32>} : memref<128x80xf32, #tpu.memory_space<vmem>>, vector<16xf32>,
        %get3A_347 = arith.index_cast %add3A_325 : i32 to index
        %get3A_348 = arith.constant 48 : index
        %get3A_349 = tpu.vector_load %arg13[%get3A_347, %get3A_348] {strides = array<i32>} : memref<128x80xf32, #tpu.memory_space<vmem>>, vector<16xf32>,
        %mul3A_350 = arith.mulf %get3A_349, %broadcast_in_dim3A_321 : vector<16xf32>
        %swap3A_351 = arith.index_cast %add3A_325 : i32 to index
        %swap3A_352 = arith.constant 48 : index
        %swap3A_353 = tpu.vector_load %arg13[%swap3A_351, %swap3A_352] {strides = array<i32>} : memref<128x80xf32, #tpu.memory_space<vmem>>, vector<16xf32>,
        tpu.vector_store %arg13[%swap3A_351, %swap3A_352], %mul3A_350 {strides = array<i32>} : memref<128x80xf32, #tpu.memory_space<vmem>>, vector<16xf32>,
        %get3A_354 = arith.index_cast %add3A_325 : i32 to index
        %get3A_355 = arith.constant 64 : index
        %get3A_356 = tpu.vector_load %arg13[%get3A_354, %get3A_355] {strides = array<i32>} : memref<128x80xf32, #tpu.memory_space<vmem>>, vector<16xf32>,
        %mul3A_357 = arith.mulf %get3A_356, %broadcast_in_dim3A_321 : vector<16xf32>
        %swap3A_358 = arith.index_cast %add3A_325 : i32 to index
        %swap3A_359 = arith.constant 64 : index
        %swap3A_360 = tpu.vector_load %arg13[%swap3A_358, %swap3A_359] {strides = array<i32>} : memref<128x80xf32, #tpu.memory_space<vmem>>, vector<16xf32>,
        tpu.vector_store %arg13[%swap3A_358, %swap3A_359], %mul3A_357 {strides = array<i32>} : memref<128x80xf32, #tpu.memory_space<vmem>>, vector<16xf32>,
        %slice3A_361 = vector.extract_strided_slice %exp3A {offsets = [7], sizes = [1], strides = [1]} : vector<16xf32> to vector<1xf32>
        %squeeze3A_362 = vector.extract %slice3A_361[0] : f32 from vector<1xf32>
        %broadcast_in_dim3A_363 = vector.broadcast %squeeze3A_362 : f32 to vector<16xf32>
        %mul3A_364 = arith.constant 16 : i32
        %mul3A_365 = arith.muli %scan3A_55, %mul3A_364 : i32
        %add3A_366 = arith.constant 7 : i32
        %add3A_367 = arith.addi %mul3A_365, %add3A_366 : i32
        %get3A_368 = arith.index_cast %add3A_367 : i32 to index
        %get3A_369 = arith.constant 0 : index
        %get3A_370 = tpu.vector_load %arg13[%get3A_368, %get3A_369] {strides = array<i32>} : memref<128x80xf32, #tpu.memory_space<vmem>>, vector<16xf32>,
        %mul3A_371 = arith.mulf %get3A_370, %broadcast_in_dim3A_363 : vector<16xf32>
        %swap3A_372 = arith.index_cast %add3A_367 : i32 to index
        %swap3A_373 = arith.constant 0 : index
        %swap3A_374 = tpu.vector_load %arg13[%swap3A_372, %swap3A_373] {strides = array<i32>} : memref<128x80xf32, #tpu.memory_space<vmem>>, vector<16xf32>,
        tpu.vector_store %arg13[%swap3A_372, %swap3A_373], %mul3A_371 {strides = array<i32>} : memref<128x80xf32, #tpu.memory_space<vmem>>, vector<16xf32>,
        %get3A_375 = arith.index_cast %add3A_367 : i32 to index
        %get3A_376 = arith.constant 16 : index
        %get3A_377 = tpu.vector_load %arg13[%get3A_375, %get3A_376] {strides = array<i32>} : memref<128x80xf32, #tpu.memory_space<vmem>>, vector<16xf32>,
        %mul3A_378 = arith.mulf %get3A_377, %broadcast_in_dim3A_363 : vector<16xf32>
        %swap3A_379 = arith.index_cast %add3A_367 : i32 to index
        %swap3A_380 = arith.constant 16 : index
        %swap3A_381 = tpu.vector_load %arg13[%swap3A_379, %swap3A_380] {strides = array<i32>} : memref<128x80xf32, #tpu.memory_space<vmem>>, vector<16xf32>,
        tpu.vector_store %arg13[%swap3A_379, %swap3A_380], %mul3A_378 {strides = array<i32>} : memref<128x80xf32, #tpu.memory_space<vmem>>, vector<16xf32>,
        %get3A_382 = arith.index_cast %add3A_367 : i32 to index
        %get3A_383 = arith.constant 32 : index
        %get3A_384 = tpu.vector_load %arg13[%get3A_382, %get3A_383] {strides = array<i32>} : memref<128x80xf32, #tpu.memory_space<vmem>>, vector<16xf32>,
        %mul3A_385 = arith.mulf %get3A_384, %broadcast_in_dim3A_363 : vector<16xf32>
        %swap3A_386 = arith.index_cast %add3A_367 : i32 to index
        %swap3A_387 = arith.constant 32 : index
        %swap3A_388 = tpu.vector_load %arg13[%swap3A_386, %swap3A_387] {strides = array<i32>} : memref<128x80xf32, #tpu.memory_space<vmem>>, vector<16xf32>,
        tpu.vector_store %arg13[%swap3A_386, %swap3A_387], %mul3A_385 {strides = array<i32>} : memref<128x80xf32, #tpu.memory_space<vmem>>, vector<16xf32>,
        %get3A_389 = arith.index_cast %add3A_367 : i32 to index
        %get3A_390 = arith.constant 48 : index
        %get3A_391 = tpu.vector_load %arg13[%get3A_389, %get3A_390] {strides = array<i32>} : memref<128x80xf32, #tpu.memory_space<vmem>>, vector<16xf32>,
        %mul3A_392 = arith.mulf %get3A_391, %broadcast_in_dim3A_363 : vector<16xf32>
        %swap3A_393 = arith.index_cast %add3A_367 : i32 to index
        %swap3A_394 = arith.constant 48 : index
        %swap3A_395 = tpu.vector_load %arg13[%swap3A_393, %swap3A_394] {strides = array<i32>} : memref<128x80xf32, #tpu.memory_space<vmem>>, vector<16xf32>,
        tpu.vector_store %arg13[%swap3A_393, %swap3A_394], %mul3A_392 {strides = array<i32>} : memref<128x80xf32, #tpu.memory_space<vmem>>, vector<16xf32>,
        %get3A_396 = arith.index_cast %add3A_367 : i32 to index
        %get3A_397 = arith.constant 64 : index
        %get3A_398 = tpu.vector_load %arg13[%get3A_396, %get3A_397] {strides = array<i32>} : memref<128x80xf32, #tpu.memory_space<vmem>>, vector<16xf32>,
        %mul3A_399 = arith.mulf %get3A_398, %broadcast_in_dim3A_363 : vector<16xf32>
        %swap3A_400 = arith.index_cast %add3A_367 : i32 to index
        %swap3A_401 = arith.constant 64 : index
        %swap3A_402 = tpu.vector_load %arg13[%swap3A_400, %swap3A_401] {strides = array<i32>} : memref<128x80xf32, #tpu.memory_space<vmem>>, vector<16xf32>,
        tpu.vector_store %arg13[%swap3A_400, %swap3A_401], %mul3A_399 {strides = array<i32>} : memref<128x80xf32, #tpu.memory_space<vmem>>, vector<16xf32>,
        %slice3A_403 = vector.extract_strided_slice %exp3A {offsets = [8], sizes = [1], strides = [1]} : vector<16xf32> to vector<1xf32>
        %squeeze3A_404 = vector.extract %slice3A_403[0] : f32 from vector<1xf32>
        %broadcast_in_dim3A_405 = vector.broadcast %squeeze3A_404 : f32 to vector<16xf32>
        %mul3A_406 = arith.constant 16 : i32
        %mul3A_407 = arith.muli %scan3A_55, %mul3A_406 : i32
        %add3A_408 = arith.constant 8 : i32
        %add3A_409 = arith.addi %mul3A_407, %add3A_408 : i32
        %get3A_410 = arith.index_cast %add3A_409 : i32 to index
        %get3A_411 = arith.constant 0 : index
        %get3A_412 = tpu.vector_load %arg13[%get3A_410, %get3A_411] {strides = array<i32>} : memref<128x80xf32, #tpu.memory_space<vmem>>, vector<16xf32>,
        %mul3A_413 = arith.mulf %get3A_412, %broadcast_in_dim3A_405 : vector<16xf32>
        %swap3A_414 = arith.index_cast %add3A_409 : i32 to index
        %swap3A_415 = arith.constant 0 : index
        %swap3A_416 = tpu.vector_load %arg13[%swap3A_414, %swap3A_415] {strides = array<i32>} : memref<128x80xf32, #tpu.memory_space<vmem>>, vector<16xf32>,
        tpu.vector_store %arg13[%swap3A_414, %swap3A_415], %mul3A_413 {strides = array<i32>} : memref<128x80xf32, #tpu.memory_space<vmem>>, vector<16xf32>,
        %get3A_417 = arith.index_cast %add3A_409 : i32 to index
        %get3A_418 = arith.constant 16 : index
        %get3A_419 = tpu.vector_load %arg13[%get3A_417, %get3A_418] {strides = array<i32>} : memref<128x80xf32, #tpu.memory_space<vmem>>, vector<16xf32>,
        %mul3A_420 = arith.mulf %get3A_419, %broadcast_in_dim3A_405 : vector<16xf32>
        %swap3A_421 = arith.index_cast %add3A_409 : i32 to index
        %swap3A_422 = arith.constant 16 : index
        %swap3A_423 = tpu.vector_load %arg13[%swap3A_421, %swap3A_422] {strides = array<i32>} : memref<128x80xf32, #tpu.memory_space<vmem>>, vector<16xf32>,
        tpu.vector_store %arg13[%swap3A_421, %swap3A_422], %mul3A_420 {strides = array<i32>} : memref<128x80xf32, #tpu.memory_space<vmem>>, vector<16xf32>,
        %get3A_424 = arith.index_cast %add3A_409 : i32 to index
        %get3A_425 = arith.constant 32 : index
        %get3A_426 = tpu.vector_load %arg13[%get3A_424, %get3A_425] {strides = array<i32>} : memref<128x80xf32, #tpu.memory_space<vmem>>, vector<16xf32>,
        %mul3A_427 = arith.mulf %get3A_426, %broadcast_in_dim3A_405 : vector<16xf32>
        %swap3A_428 = arith.index_cast %add3A_409 : i32 to index
        %swap3A_429 = arith.constant 32 : index
        %swap3A_430 = tpu.vector_load %arg13[%swap3A_428, %swap3A_429] {strides = array<i32>} : memref<128x80xf32, #tpu.memory_space<vmem>>, vector<16xf32>,
        tpu.vector_store %arg13[%swap3A_428, %swap3A_429], %mul3A_427 {strides = array<i32>} : memref<128x80xf32, #tpu.memory_space<vmem>>, vector<16xf32>,
        %get3A_431 = arith.index_cast %add3A_409 : i32 to index
        %get3A_432 = arith.constant 48 : index
        %get3A_433 = tpu.vector_load %arg13[%get3A_431, %get3A_432] {strides = array<i32>} : memref<128x80xf32, #tpu.memory_space<vmem>>, vector<16xf32>,
        %mul3A_434 = arith.mulf %get3A_433, %broadcast_in_dim3A_405 : vector<16xf32>
        %swap3A_435 = arith.index_cast %add3A_409 : i32 to index
        %swap3A_436 = arith.constant 48 : index
        %swap3A_437 = tpu.vector_load %arg13[%swap3A_435, %swap3A_436] {strides = array<i32>} : memref<128x80xf32, #tpu.memory_space<vmem>>, vector<16xf32>,
        tpu.vector_store %arg13[%swap3A_435, %swap3A_436], %mul3A_434 {strides = array<i32>} : memref<128x80xf32, #tpu.memory_space<vmem>>, vector<16xf32>,
        %get3A_438 = arith.index_cast %add3A_409 : i32 to index
        %get3A_439 = arith.constant 64 : index
        %get3A_440 = tpu.vector_load %arg13[%get3A_438, %get3A_439] {strides = array<i32>} : memref<128x80xf32, #tpu.memory_space<vmem>>, vector<16xf32>,
        %mul3A_441 = arith.mulf %get3A_440, %broadcast_in_dim3A_405 : vector<16xf32>
        %swap3A_442 = arith.index_cast %add3A_409 : i32 to index
        %swap3A_443 = arith.constant 64 : index
        %swap3A_444 = tpu.vector_load %arg13[%swap3A_442, %swap3A_443] {strides = array<i32>} : memref<128x80xf32, #tpu.memory_space<vmem>>, vector<16xf32>,
        tpu.vector_store %arg13[%swap3A_442, %swap3A_443], %mul3A_441 {strides = array<i32>} : memref<128x80xf32, #tpu.memory_space<vmem>>, vector<16xf32>,
        %slice3A_445 = vector.extract_strided_slice %exp3A {offsets = [9], sizes = [1], strides = [1]} : vector<16xf32> to vector<1xf32>
        %squeeze3A_446 = vector.extract %slice3A_445[0] : f32 from vector<1xf32>
        %broadcast_in_dim3A_447 = vector.broadcast %squeeze3A_446 : f32 to vector<16xf32>
        %mul3A_448 = arith.constant 16 : i32
        %mul3A_449 = arith.muli %scan3A_55, %mul3A_448 : i32
        %add3A_450 = arith.constant 9 : i32
        %add3A_451 = arith.addi %mul3A_449, %add3A_450 : i32
        %get3A_452 = arith.index_cast %add3A_451 : i32 to index
        %get3A_453 = arith.constant 0 : index
        %get3A_454 = tpu.vector_load %arg13[%get3A_452, %get3A_453] {strides = array<i32>} : memref<128x80xf32, #tpu.memory_space<vmem>>, vector<16xf32>,
        %mul3A_455 = arith.mulf %get3A_454, %broadcast_in_dim3A_447 : vector<16xf32>
        %swap3A_456 = arith.index_cast %add3A_451 : i32 to index
        %swap3A_457 = arith.constant 0 : index
        %swap3A_458 = tpu.vector_load %arg13[%swap3A_456, %swap3A_457] {strides = array<i32>} : memref<128x80xf32, #tpu.memory_space<vmem>>, vector<16xf32>,
        tpu.vector_store %arg13[%swap3A_456, %swap3A_457], %mul3A_455 {strides = array<i32>} : memref<128x80xf32, #tpu.memory_space<vmem>>, vector<16xf32>,
        %get3A_459 = arith.index_cast %add3A_451 : i32 to index
        %get3A_460 = arith.constant 16 : index
        %get3A_461 = tpu.vector_load %arg13[%get3A_459, %get3A_460] {strides = array<i32>} : memref<128x80xf32, #tpu.memory_space<vmem>>, vector<16xf32>,
        %mul3A_462 = arith.mulf %get3A_461, %broadcast_in_dim3A_447 : vector<16xf32>
        %swap3A_463 = arith.index_cast %add3A_451 : i32 to index
        %swap3A_464 = arith.constant 16 : index
        %swap3A_465 = tpu.vector_load %arg13[%swap3A_463, %swap3A_464] {strides = array<i32>} : memref<128x80xf32, #tpu.memory_space<vmem>>, vector<16xf32>,
        tpu.vector_store %arg13[%swap3A_463, %swap3A_464], %mul3A_462 {strides = array<i32>} : memref<128x80xf32, #tpu.memory_space<vmem>>, vector<16xf32>,
        %get3A_466 = arith.index_cast %add3A_451 : i32 to index
        %get3A_467 = arith.constant 32 : index
        %get3A_468 = tpu.vector_load %arg13[%get3A_466, %get3A_467] {strides = array<i32>} : memref<128x80xf32, #tpu.memory_space<vmem>>, vector<16xf32>,
        %mul3A_469 = arith.mulf %get3A_468, %broadcast_in_dim3A_447 : vector<16xf32>
        %swap3A_470 = arith.index_cast %add3A_451 : i32 to index
        %swap3A_471 = arith.constant 32 : index
        %swap3A_472 = tpu.vector_load %arg13[%swap3A_470, %swap3A_471] {strides = array<i32>} : memref<128x80xf32, #tpu.memory_space<vmem>>, vector<16xf32>,
        tpu.vector_store %arg13[%swap3A_470, %swap3A_471], %mul3A_469 {strides = array<i32>} : memref<128x80xf32, #tpu.memory_space<vmem>>, vector<16xf32>,
        %get3A_473 = arith.index_cast %add3A_451 : i32 to index
        %get3A_474 = arith.constant 48 : index
        %get3A_475 = tpu.vector_load %arg13[%get3A_473, %get3A_474] {strides = array<i32>} : memref<128x80xf32, #tpu.memory_space<vmem>>, vector<16xf32>,
        %mul3A_476 = arith.mulf %get3A_475, %broadcast_in_dim3A_447 : vector<16xf32>
        %swap3A_477 = arith.index_cast %add3A_451 : i32 to index
        %swap3A_478 = arith.constant 48 : index
        %swap3A_479 = tpu.vector_load %arg13[%swap3A_477, %swap3A_478] {strides = array<i32>} : memref<128x80xf32, #tpu.memory_space<vmem>>, vector<16xf32>,
        tpu.vector_store %arg13[%swap3A_477, %swap3A_478], %mul3A_476 {strides = array<i32>} : memref<128x80xf32, #tpu.memory_space<vmem>>, vector<16xf32>,
        %get3A_480 = arith.index_cast %add3A_451 : i32 to index
        %get3A_481 = arith.constant 64 : index
        %get3A_482 = tpu.vector_load %arg13[%get3A_480, %get3A_481] {strides = array<i32>} : memref<128x80xf32, #tpu.memory_space<vmem>>, vector<16xf32>,
        %mul3A_483 = arith.mulf %get3A_482, %broadcast_in_dim3A_447 : vector<16xf32>
        %swap3A_484 = arith.index_cast %add3A_451 : i32 to index
        %swap3A_485 = arith.constant 64 : index
        %swap3A_486 = tpu.vector_load %arg13[%swap3A_484, %swap3A_485] {strides = array<i32>} : memref<128x80xf32, #tpu.memory_space<vmem>>, vector<16xf32>,
        tpu.vector_store %arg13[%swap3A_484, %swap3A_485], %mul3A_483 {strides = array<i32>} : memref<128x80xf32, #tpu.memory_space<vmem>>, vector<16xf32>,
        %slice3A_487 = vector.extract_strided_slice %exp3A {offsets = [10], sizes = [1], strides = [1]} : vector<16xf32> to vector<1xf32>
        %squeeze3A_488 = vector.extract %slice3A_487[0] : f32 from vector<1xf32>
        %broadcast_in_dim3A_489 = vector.broadcast %squeeze3A_488 : f32 to vector<16xf32>
        %mul3A_490 = arith.constant 16 : i32
        %mul3A_491 = arith.muli %scan3A_55, %mul3A_490 : i32
        %add3A_492 = arith.constant 10 : i32
        %add3A_493 = arith.addi %mul3A_491, %add3A_492 : i32
        %get3A_494 = arith.index_cast %add3A_493 : i32 to index
        %get3A_495 = arith.constant 0 : index
        %get3A_496 = tpu.vector_load %arg13[%get3A_494, %get3A_495] {strides = array<i32>} : memref<128x80xf32, #tpu.memory_space<vmem>>, vector<16xf32>,
        %mul3A_497 = arith.mulf %get3A_496, %broadcast_in_dim3A_489 : vector<16xf32>
        %swap3A_498 = arith.index_cast %add3A_493 : i32 to index
        %swap3A_499 = arith.constant 0 : index
        %swap3A_500 = tpu.vector_load %arg13[%swap3A_498, %swap3A_499] {strides = array<i32>} : memref<128x80xf32, #tpu.memory_space<vmem>>, vector<16xf32>,
        tpu.vector_store %arg13[%swap3A_498, %swap3A_499], %mul3A_497 {strides = array<i32>} : memref<128x80xf32, #tpu.memory_space<vmem>>, vector<16xf32>,
        %get3A_501 = arith.index_cast %add3A_493 : i32 to index
        %get3A_502 = arith.constant 16 : index
        %get3A_503 = tpu.vector_load %arg13[%get3A_501, %get3A_502] {strides = array<i32>} : memref<128x80xf32, #tpu.memory_space<vmem>>, vector<16xf32>,
        %mul3A_504 = arith.mulf %get3A_503, %broadcast_in_dim3A_489 : vector<16xf32>
        %swap3A_505 = arith.index_cast %add3A_493 : i32 to index
        %swap3A_506 = arith.constant 16 : index
        %swap3A_507 = tpu.vector_load %arg13[%swap3A_505, %swap3A_506] {strides = array<i32>} : memref<128x80xf32, #tpu.memory_space<vmem>>, vector<16xf32>,
        tpu.vector_store %arg13[%swap3A_505, %swap3A_506], %mul3A_504 {strides = array<i32>} : memref<128x80xf32, #tpu.memory_space<vmem>>, vector<16xf32>,
        %get3A_508 = arith.index_cast %add3A_493 : i32 to index
        %get3A_509 = arith.constant 32 : index
        %get3A_510 = tpu.vector_load %arg13[%get3A_508, %get3A_509] {strides = array<i32>} : memref<128x80xf32, #tpu.memory_space<vmem>>, vector<16xf32>,
        %mul3A_511 = arith.mulf %get3A_510, %broadcast_in_dim3A_489 : vector<16xf32>
        %swap3A_512 = arith.index_cast %add3A_493 : i32 to index
        %swap3A_513 = arith.constant 32 : index
        %swap3A_514 = tpu.vector_load %arg13[%swap3A_512, %swap3A_513] {strides = array<i32>} : memref<128x80xf32, #tpu.memory_space<vmem>>, vector<16xf32>,
        tpu.vector_store %arg13[%swap3A_512, %swap3A_513], %mul3A_511 {strides = array<i32>} : memref<128x80xf32, #tpu.memory_space<vmem>>, vector<16xf32>,
        %get3A_515 = arith.index_cast %add3A_493 : i32 to index
        %get3A_516 = arith.constant 48 : index
        %get3A_517 = tpu.vector_load %arg13[%get3A_515, %get3A_516] {strides = array<i32>} : memref<128x80xf32, #tpu.memory_space<vmem>>, vector<16xf32>,
        %mul3A_518 = arith.mulf %get3A_517, %broadcast_in_dim3A_489 : vector<16xf32>
        %swap3A_519 = arith.index_cast %add3A_493 : i32 to index
        %swap3A_520 = arith.constant 48 : index
        %swap3A_521 = tpu.vector_load %arg13[%swap3A_519, %swap3A_520] {strides = array<i32>} : memref<128x80xf32, #tpu.memory_space<vmem>>, vector<16xf32>,
        tpu.vector_store %arg13[%swap3A_519, %swap3A_520], %mul3A_518 {strides = array<i32>} : memref<128x80xf32, #tpu.memory_space<vmem>>, vector<16xf32>,
        %get3A_522 = arith.index_cast %add3A_493 : i32 to index
        %get3A_523 = arith.constant 64 : index
        %get3A_524 = tpu.vector_load %arg13[%get3A_522, %get3A_523] {strides = array<i32>} : memref<128x80xf32, #tpu.memory_space<vmem>>, vector<16xf32>,
        %mul3A_525 = arith.mulf %get3A_524, %broadcast_in_dim3A_489 : vector<16xf32>
        %swap3A_526 = arith.index_cast %add3A_493 : i32 to index
        %swap3A_527 = arith.constant 64 : index
        %swap3A_528 = tpu.vector_load %arg13[%swap3A_526, %swap3A_527] {strides = array<i32>} : memref<128x80xf32, #tpu.memory_space<vmem>>, vector<16xf32>,
        tpu.vector_store %arg13[%swap3A_526, %swap3A_527], %mul3A_525 {strides = array<i32>} : memref<128x80xf32, #tpu.memory_space<vmem>>, vector<16xf32>,
        %slice3A_529 = vector.extract_strided_slice %exp3A {offsets = [11], sizes = [1], strides = [1]} : vector<16xf32> to vector<1xf32>
        %squeeze3A_530 = vector.extract %slice3A_529[0] : f32 from vector<1xf32>
        %broadcast_in_dim3A_531 = vector.broadcast %squeeze3A_530 : f32 to vector<16xf32>
        %mul3A_532 = arith.constant 16 : i32
        %mul3A_533 = arith.muli %scan3A_55, %mul3A_532 : i32
        %add3A_534 = arith.constant 11 : i32
        %add3A_535 = arith.addi %mul3A_533, %add3A_534 : i32
        %get3A_536 = arith.index_cast %add3A_535 : i32 to index
        %get3A_537 = arith.constant 0 : index
        %get3A_538 = tpu.vector_load %arg13[%get3A_536, %get3A_537] {strides = array<i32>} : memref<128x80xf32, #tpu.memory_space<vmem>>, vector<16xf32>,
        %mul3A_539 = arith.mulf %get3A_538, %broadcast_in_dim3A_531 : vector<16xf32>
        %swap3A_540 = arith.index_cast %add3A_535 : i32 to index
        %swap3A_541 = arith.constant 0 : index
        %swap3A_542 = tpu.vector_load %arg13[%swap3A_540, %swap3A_541] {strides = array<i32>} : memref<128x80xf32, #tpu.memory_space<vmem>>, vector<16xf32>,
        tpu.vector_store %arg13[%swap3A_540, %swap3A_541], %mul3A_539 {strides = array<i32>} : memref<128x80xf32, #tpu.memory_space<vmem>>, vector<16xf32>,
        %get3A_543 = arith.index_cast %add3A_535 : i32 to index
        %get3A_544 = arith.constant 16 : index
        %get3A_545 = tpu.vector_load %arg13[%get3A_543, %get3A_544] {strides = array<i32>} : memref<128x80xf32, #tpu.memory_space<vmem>>, vector<16xf32>,
        %mul3A_546 = arith.mulf %get3A_545, %broadcast_in_dim3A_531 : vector<16xf32>
        %swap3A_547 = arith.index_cast %add3A_535 : i32 to index
        %swap3A_548 = arith.constant 16 : index
        %swap3A_549 = tpu.vector_load %arg13[%swap3A_547, %swap3A_548] {strides = array<i32>} : memref<128x80xf32, #tpu.memory_space<vmem>>, vector<16xf32>,
        tpu.vector_store %arg13[%swap3A_547, %swap3A_548], %mul3A_546 {strides = array<i32>} : memref<128x80xf32, #tpu.memory_space<vmem>>, vector<16xf32>,
        %get3A_550 = arith.index_cast %add3A_535 : i32 to index
        %get3A_551 = arith.constant 32 : index
        %get3A_552 = tpu.vector_load %arg13[%get3A_550, %get3A_551] {strides = array<i32>} : memref<128x80xf32, #tpu.memory_space<vmem>>, vector<16xf32>,
        %mul3A_553 = arith.mulf %get3A_552, %broadcast_in_dim3A_531 : vector<16xf32>
        %swap3A_554 = arith.index_cast %add3A_535 : i32 to index
        %swap3A_555 = arith.constant 32 : index
        %swap3A_556 = tpu.vector_load %arg13[%swap3A_554, %swap3A_555] {strides = array<i32>} : memref<128x80xf32, #tpu.memory_space<vmem>>, vector<16xf32>,
        tpu.vector_store %arg13[%swap3A_554, %swap3A_555], %mul3A_553 {strides = array<i32>} : memref<128x80xf32, #tpu.memory_space<vmem>>, vector<16xf32>,
        %get3A_557 = arith.index_cast %add3A_535 : i32 to index
        %get3A_558 = arith.constant 48 : index
        %get3A_559 = tpu.vector_load %arg13[%get3A_557, %get3A_558] {strides = array<i32>} : memref<128x80xf32, #tpu.memory_space<vmem>>, vector<16xf32>,
        %mul3A_560 = arith.mulf %get3A_559, %broadcast_in_dim3A_531 : vector<16xf32>
        %swap3A_561 = arith.index_cast %add3A_535 : i32 to index
        %swap3A_562 = arith.constant 48 : index
        %swap3A_563 = tpu.vector_load %arg13[%swap3A_561, %swap3A_562] {strides = array<i32>} : memref<128x80xf32, #tpu.memory_space<vmem>>, vector<16xf32>,
        tpu.vector_store %arg13[%swap3A_561, %swap3A_562], %mul3A_560 {strides = array<i32>} : memref<128x80xf32, #tpu.memory_space<vmem>>, vector<16xf32>,
        %get3A_564 = arith.index_cast %add3A_535 : i32 to index
        %get3A_565 = arith.constant 64 : index
        %get3A_566 = tpu.vector_load %arg13[%get3A_564, %get3A_565] {strides = array<i32>} : memref<128x80xf32, #tpu.memory_space<vmem>>, vector<16xf32>,
        %mul3A_567 = arith.mulf %get3A_566, %broadcast_in_dim3A_531 : vector<16xf32>
        %swap3A_568 = arith.index_cast %add3A_535 : i32 to index
        %swap3A_569 = arith.constant 64 : index
        %swap3A_570 = tpu.vector_load %arg13[%swap3A_568, %swap3A_569] {strides = array<i32>} : memref<128x80xf32, #tpu.memory_space<vmem>>, vector<16xf32>,
        tpu.vector_store %arg13[%swap3A_568, %swap3A_569], %mul3A_567 {strides = array<i32>} : memref<128x80xf32, #tpu.memory_space<vmem>>, vector<16xf32>,
        %slice3A_571 = vector.extract_strided_slice %exp3A {offsets = [12], sizes = [1], strides = [1]} : vector<16xf32> to vector<1xf32>
        %squeeze3A_572 = vector.extract %slice3A_571[0] : f32 from vector<1xf32>
        %broadcast_in_dim3A_573 = vector.broadcast %squeeze3A_572 : f32 to vector<16xf32>
        %mul3A_574 = arith.constant 16 : i32
        %mul3A_575 = arith.muli %scan3A_55, %mul3A_574 : i32
        %add3A_576 = arith.constant 12 : i32
        %add3A_577 = arith.addi %mul3A_575, %add3A_576 : i32
        %get3A_578 = arith.index_cast %add3A_577 : i32 to index
        %get3A_579 = arith.constant 0 : index
        %get3A_580 = tpu.vector_load %arg13[%get3A_578, %get3A_579] {strides = array<i32>} : memref<128x80xf32, #tpu.memory_space<vmem>>, vector<16xf32>,
        %mul3A_581 = arith.mulf %get3A_580, %broadcast_in_dim3A_573 : vector<16xf32>
        %swap3A_582 = arith.index_cast %add3A_577 : i32 to index
        %swap3A_583 = arith.constant 0 : index
        %swap3A_584 = tpu.vector_load %arg13[%swap3A_582, %swap3A_583] {strides = array<i32>} : memref<128x80xf32, #tpu.memory_space<vmem>>, vector<16xf32>,
        tpu.vector_store %arg13[%swap3A_582, %swap3A_583], %mul3A_581 {strides = array<i32>} : memref<128x80xf32, #tpu.memory_space<vmem>>, vector<16xf32>,
        %get3A_585 = arith.index_cast %add3A_577 : i32 to index
        %get3A_586 = arith.constant 16 : index
        %get3A_587 = tpu.vector_load %arg13[%get3A_585, %get3A_586] {strides = array<i32>} : memref<128x80xf32, #tpu.memory_space<vmem>>, vector<16xf32>,
        %mul3A_588 = arith.mulf %get3A_587, %broadcast_in_dim3A_573 : vector<16xf32>
        %swap3A_589 = arith.index_cast %add3A_577 : i32 to index
        %swap3A_590 = arith.constant 16 : index
        %swap3A_591 = tpu.vector_load %arg13[%swap3A_589, %swap3A_590] {strides = array<i32>} : memref<128x80xf32, #tpu.memory_space<vmem>>, vector<16xf32>,
        tpu.vector_store %arg13[%swap3A_589, %swap3A_590], %mul3A_588 {strides = array<i32>} : memref<128x80xf32, #tpu.memory_space<vmem>>, vector<16xf32>,
        %get3A_592 = arith.index_cast %add3A_577 : i32 to index
        %get3A_593 = arith.constant 32 : index
        %get3A_594 = tpu.vector_load %arg13[%get3A_592, %get3A_593] {strides = array<i32>} : memref<128x80xf32, #tpu.memory_space<vmem>>, vector<16xf32>,
        %mul3A_595 = arith.mulf %get3A_594, %broadcast_in_dim3A_573 : vector<16xf32>
        %swap3A_596 = arith.index_cast %add3A_577 : i32 to index
        %swap3A_597 = arith.constant 32 : index
        %swap3A_598 = tpu.vector_load %arg13[%swap3A_596, %swap3A_597] {strides = array<i32>} : memref<128x80xf32, #tpu.memory_space<vmem>>, vector<16xf32>,
        tpu.vector_store %arg13[%swap3A_596, %swap3A_597], %mul3A_595 {strides = array<i32>} : memref<128x80xf32, #tpu.memory_space<vmem>>, vector<16xf32>,
        %get3A_599 = arith.index_cast %add3A_577 : i32 to index
        %get3A_600 = arith.constant 48 : index
        %get3A_601 = tpu.vector_load %arg13[%get3A_599, %get3A_600] {strides = array<i32>} : memref<128x80xf32, #tpu.memory_space<vmem>>, vector<16xf32>,
        %mul3A_602 = arith.mulf %get3A_601, %broadcast_in_dim3A_573 : vector<16xf32>
        %swap3A_603 = arith.index_cast %add3A_577 : i32 to index
        %swap3A_604 = arith.constant 48 : index
        %swap3A_605 = tpu.vector_load %arg13[%swap3A_603, %swap3A_604] {strides = array<i32>} : memref<128x80xf32, #tpu.memory_space<vmem>>, vector<16xf32>,
        tpu.vector_store %arg13[%swap3A_603, %swap3A_604], %mul3A_602 {strides = array<i32>} : memref<128x80xf32, #tpu.memory_space<vmem>>, vector<16xf32>,
        %get3A_606 = arith.index_cast %add3A_577 : i32 to index
        %get3A_607 = arith.constant 64 : index
        %get3A_608 = tpu.vector_load %arg13[%get3A_606, %get3A_607] {strides = array<i32>} : memref<128x80xf32, #tpu.memory_space<vmem>>, vector<16xf32>,
        %mul3A_609 = arith.mulf %get3A_608, %broadcast_in_dim3A_573 : vector<16xf32>
        %swap3A_610 = arith.index_cast %add3A_577 : i32 to index
        %swap3A_611 = arith.constant 64 : index
        %swap3A_612 = tpu.vector_load %arg13[%swap3A_610, %swap3A_611] {strides = array<i32>} : memref<128x80xf32, #tpu.memory_space<vmem>>, vector<16xf32>,
        tpu.vector_store %arg13[%swap3A_610, %swap3A_611], %mul3A_609 {strides = array<i32>} : memref<128x80xf32, #tpu.memory_space<vmem>>, vector<16xf32>,
        %slice3A_613 = vector.extract_strided_slice %exp3A {offsets = [13], sizes = [1], strides = [1]} : vector<16xf32> to vector<1xf32>
        %squeeze3A_614 = vector.extract %slice3A_613[0] : f32 from vector<1xf32>
        %broadcast_in_dim3A_615 = vector.broadcast %squeeze3A_614 : f32 to vector<16xf32>
        %mul3A_616 = arith.constant 16 : i32
        %mul3A_617 = arith.muli %scan3A_55, %mul3A_616 : i32
        %add3A_618 = arith.constant 13 : i32
        %add3A_619 = arith.addi %mul3A_617, %add3A_618 : i32
        %get3A_620 = arith.index_cast %add3A_619 : i32 to index
        %get3A_621 = arith.constant 0 : index
        %get3A_622 = tpu.vector_load %arg13[%get3A_620, %get3A_621] {strides = array<i32>} : memref<128x80xf32, #tpu.memory_space<vmem>>, vector<16xf32>,
        %mul3A_623 = arith.mulf %get3A_622, %broadcast_in_dim3A_615 : vector<16xf32>
        %swap3A_624 = arith.index_cast %add3A_619 : i32 to index
        %swap3A_625 = arith.constant 0 : index
        %swap3A_626 = tpu.vector_load %arg13[%swap3A_624, %swap3A_625] {strides = array<i32>} : memref<128x80xf32, #tpu.memory_space<vmem>>, vector<16xf32>,
        tpu.vector_store %arg13[%swap3A_624, %swap3A_625], %mul3A_623 {strides = array<i32>} : memref<128x80xf32, #tpu.memory_space<vmem>>, vector<16xf32>,
        %get3A_627 = arith.index_cast %add3A_619 : i32 to index
        %get3A_628 = arith.constant 16 : index
        %get3A_629 = tpu.vector_load %arg13[%get3A_627, %get3A_628] {strides = array<i32>} : memref<128x80xf32, #tpu.memory_space<vmem>>, vector<16xf32>,
        %mul3A_630 = arith.mulf %get3A_629, %broadcast_in_dim3A_615 : vector<16xf32>
        %swap3A_631 = arith.index_cast %add3A_619 : i32 to index
        %swap3A_632 = arith.constant 16 : index
        %swap3A_633 = tpu.vector_load %arg13[%swap3A_631, %swap3A_632] {strides = array<i32>} : memref<128x80xf32, #tpu.memory_space<vmem>>, vector<16xf32>,
        tpu.vector_store %arg13[%swap3A_631, %swap3A_632], %mul3A_630 {strides = array<i32>} : memref<128x80xf32, #tpu.memory_space<vmem>>, vector<16xf32>,
        %get3A_634 = arith.index_cast %add3A_619 : i32 to index
        %get3A_635 = arith.constant 32 : index
        %get3A_636 = tpu.vector_load %arg13[%get3A_634, %get3A_635] {strides = array<i32>} : memref<128x80xf32, #tpu.memory_space<vmem>>, vector<16xf32>,
        %mul3A_637 = arith.mulf %get3A_636, %broadcast_in_dim3A_615 : vector<16xf32>
        %swap3A_638 = arith.index_cast %add3A_619 : i32 to index
        %swap3A_639 = arith.constant 32 : index
        %swap3A_640 = tpu.vector_load %arg13[%swap3A_638, %swap3A_639] {strides = array<i32>} : memref<128x80xf32, #tpu.memory_space<vmem>>, vector<16xf32>,
        tpu.vector_store %arg13[%swap3A_638, %swap3A_639], %mul3A_637 {strides = array<i32>} : memref<128x80xf32, #tpu.memory_space<vmem>>, vector<16xf32>,
        %get3A_641 = arith.index_cast %add3A_619 : i32 to index
        %get3A_642 = arith.constant 48 : index
        %get3A_643 = tpu.vector_load %arg13[%get3A_641, %get3A_642] {strides = array<i32>} : memref<128x80xf32, #tpu.memory_space<vmem>>, vector<16xf32>,
        %mul3A_644 = arith.mulf %get3A_643, %broadcast_in_dim3A_615 : vector<16xf32>
        %swap3A_645 = arith.index_cast %add3A_619 : i32 to index
        %swap3A_646 = arith.constant 48 : index
        %swap3A_647 = tpu.vector_load %arg13[%swap3A_645, %swap3A_646] {strides = array<i32>} : memref<128x80xf32, #tpu.memory_space<vmem>>, vector<16xf32>,
        tpu.vector_store %arg13[%swap3A_645, %swap3A_646], %mul3A_644 {strides = array<i32>} : memref<128x80xf32, #tpu.memory_space<vmem>>, vector<16xf32>,
        %get3A_648 = arith.index_cast %add3A_619 : i32 to index
        %get3A_649 = arith.constant 64 : index
        %get3A_650 = tpu.vector_load %arg13[%get3A_648, %get3A_649] {strides = array<i32>} : memref<128x80xf32, #tpu.memory_space<vmem>>, vector<16xf32>,
        %mul3A_651 = arith.mulf %get3A_650, %broadcast_in_dim3A_615 : vector<16xf32>
        %swap3A_652 = arith.index_cast %add3A_619 : i32 to index
        %swap3A_653 = arith.constant 64 : index
        %swap3A_654 = tpu.vector_load %arg13[%swap3A_652, %swap3A_653] {strides = array<i32>} : memref<128x80xf32, #tpu.memory_space<vmem>>, vector<16xf32>,
        tpu.vector_store %arg13[%swap3A_652, %swap3A_653], %mul3A_651 {strides = array<i32>} : memref<128x80xf32, #tpu.memory_space<vmem>>, vector<16xf32>,
        %slice3A_655 = vector.extract_strided_slice %exp3A {offsets = [14], sizes = [1], strides = [1]} : vector<16xf32> to vector<1xf32>
        %squeeze3A_656 = vector.extract %slice3A_655[0] : f32 from vector<1xf32>
        %broadcast_in_dim3A_657 = vector.broadcast %squeeze3A_656 : f32 to vector<16xf32>
        %mul3A_658 = arith.constant 16 : i32
        %mul3A_659 = arith.muli %scan3A_55, %mul3A_658 : i32
        %add3A_660 = arith.constant 14 : i32
        %add3A_661 = arith.addi %mul3A_659, %add3A_660 : i32
        %get3A_662 = arith.index_cast %add3A_661 : i32 to index
        %get3A_663 = arith.constant 0 : index
        %get3A_664 = tpu.vector_load %arg13[%get3A_662, %get3A_663] {strides = array<i32>} : memref<128x80xf32, #tpu.memory_space<vmem>>, vector<16xf32>,
        %mul3A_665 = arith.mulf %get3A_664, %broadcast_in_dim3A_657 : vector<16xf32>
        %swap3A_666 = arith.index_cast %add3A_661 : i32 to index
        %swap3A_667 = arith.constant 0 : index
        %swap3A_668 = tpu.vector_load %arg13[%swap3A_666, %swap3A_667] {strides = array<i32>} : memref<128x80xf32, #tpu.memory_space<vmem>>, vector<16xf32>,
        tpu.vector_store %arg13[%swap3A_666, %swap3A_667], %mul3A_665 {strides = array<i32>} : memref<128x80xf32, #tpu.memory_space<vmem>>, vector<16xf32>,
        %get3A_669 = arith.index_cast %add3A_661 : i32 to index
        %get3A_670 = arith.constant 16 : index
        %get3A_671 = tpu.vector_load %arg13[%get3A_669, %get3A_670] {strides = array<i32>} : memref<128x80xf32, #tpu.memory_space<vmem>>, vector<16xf32>,
        %mul3A_672 = arith.mulf %get3A_671, %broadcast_in_dim3A_657 : vector<16xf32>
        %swap3A_673 = arith.index_cast %add3A_661 : i32 to index
        %swap3A_674 = arith.constant 16 : index
        %swap3A_675 = tpu.vector_load %arg13[%swap3A_673, %swap3A_674] {strides = array<i32>} : memref<128x80xf32, #tpu.memory_space<vmem>>, vector<16xf32>,
        tpu.vector_store %arg13[%swap3A_673, %swap3A_674], %mul3A_672 {strides = array<i32>} : memref<128x80xf32, #tpu.memory_space<vmem>>, vector<16xf32>,
        %get3A_676 = arith.index_cast %add3A_661 : i32 to index
        %get3A_677 = arith.constant 32 : index
        %get3A_678 = tpu.vector_load %arg13[%get3A_676, %get3A_677] {strides = array<i32>} : memref<128x80xf32, #tpu.memory_space<vmem>>, vector<16xf32>,
        %mul3A_679 = arith.mulf %get3A_678, %broadcast_in_dim3A_657 : vector<16xf32>
        %swap3A_680 = arith.index_cast %add3A_661 : i32 to index
        %swap3A_681 = arith.constant 32 : index
        %swap3A_682 = tpu.vector_load %arg13[%swap3A_680, %swap3A_681] {strides = array<i32>} : memref<128x80xf32, #tpu.memory_space<vmem>>, vector<16xf32>,
        tpu.vector_store %arg13[%swap3A_680, %swap3A_681], %mul3A_679 {strides = array<i32>} : memref<128x80xf32, #tpu.memory_space<vmem>>, vector<16xf32>,
        %get3A_683 = arith.index_cast %add3A_661 : i32 to index
        %get3A_684 = arith.constant 48 : index
        %get3A_685 = tpu.vector_load %arg13[%get3A_683, %get3A_684] {strides = array<i32>} : memref<128x80xf32, #tpu.memory_space<vmem>>, vector<16xf32>,
        %mul3A_686 = arith.mulf %get3A_685, %broadcast_in_dim3A_657 : vector<16xf32>
        %swap3A_687 = arith.index_cast %add3A_661 : i32 to index
        %swap3A_688 = arith.constant 48 : index
        %swap3A_689 = tpu.vector_load %arg13[%swap3A_687, %swap3A_688] {strides = array<i32>} : memref<128x80xf32, #tpu.memory_space<vmem>>, vector<16xf32>,
        tpu.vector_store %arg13[%swap3A_687, %swap3A_688], %mul3A_686 {strides = array<i32>} : memref<128x80xf32, #tpu.memory_space<vmem>>, vector<16xf32>,
        %get3A_690 = arith.index_cast %add3A_661 : i32 to index
        %get3A_691 = arith.constant 64 : index
        %get3A_692 = tpu.vector_load %arg13[%get3A_690, %get3A_691] {strides = array<i32>} : memref<128x80xf32, #tpu.memory_space<vmem>>, vector<16xf32>,
        %mul3A_693 = arith.mulf %get3A_692, %broadcast_in_dim3A_657 : vector<16xf32>
        %swap3A_694 = arith.index_cast %add3A_661 : i32 to index
        %swap3A_695 = arith.constant 64 : index
        %swap3A_696 = tpu.vector_load %arg13[%swap3A_694, %swap3A_695] {strides = array<i32>} : memref<128x80xf32, #tpu.memory_space<vmem>>, vector<16xf32>,
        tpu.vector_store %arg13[%swap3A_694, %swap3A_695], %mul3A_693 {strides = array<i32>} : memref<128x80xf32, #tpu.memory_space<vmem>>, vector<16xf32>,
        %slice3A_697 = vector.extract_strided_slice %exp3A {offsets = [15], sizes = [1], strides = [1]} : vector<16xf32> to vector<1xf32>
        %squeeze3A_698 = vector.extract %slice3A_697[0] : f32 from vector<1xf32>
        %broadcast_in_dim3A_699 = vector.broadcast %squeeze3A_698 : f32 to vector<16xf32>
        %mul3A_700 = arith.constant 16 : i32
        %mul3A_701 = arith.muli %scan3A_55, %mul3A_700 : i32
        %add3A_702 = arith.constant 15 : i32
        %add3A_703 = arith.addi %mul3A_701, %add3A_702 : i32
        %get3A_704 = arith.index_cast %add3A_703 : i32 to index
        %get3A_705 = arith.constant 0 : index
        %get3A_706 = tpu.vector_load %arg13[%get3A_704, %get3A_705] {strides = array<i32>} : memref<128x80xf32, #tpu.memory_space<vmem>>, vector<16xf32>,
        %mul3A_707 = arith.mulf %get3A_706, %broadcast_in_dim3A_699 : vector<16xf32>
        %swap3A_708 = arith.index_cast %add3A_703 : i32 to index
        %swap3A_709 = arith.constant 0 : index
        %swap3A_710 = tpu.vector_load %arg13[%swap3A_708, %swap3A_709] {strides = array<i32>} : memref<128x80xf32, #tpu.memory_space<vmem>>, vector<16xf32>,
        tpu.vector_store %arg13[%swap3A_708, %swap3A_709], %mul3A_707 {strides = array<i32>} : memref<128x80xf32, #tpu.memory_space<vmem>>, vector<16xf32>,
        %get3A_711 = arith.index_cast %add3A_703 : i32 to index
        %get3A_712 = arith.constant 16 : index
        %get3A_713 = tpu.vector_load %arg13[%get3A_711, %get3A_712] {strides = array<i32>} : memref<128x80xf32, #tpu.memory_space<vmem>>, vector<16xf32>,
        %mul3A_714 = arith.mulf %get3A_713, %broadcast_in_dim3A_699 : vector<16xf32>
        %swap3A_715 = arith.index_cast %add3A_703 : i32 to index
        %swap3A_716 = arith.constant 16 : index
        %swap3A_717 = tpu.vector_load %arg13[%swap3A_715, %swap3A_716] {strides = array<i32>} : memref<128x80xf32, #tpu.memory_space<vmem>>, vector<16xf32>,
        tpu.vector_store %arg13[%swap3A_715, %swap3A_716], %mul3A_714 {strides = array<i32>} : memref<128x80xf32, #tpu.memory_space<vmem>>, vector<16xf32>,
        %get3A_718 = arith.index_cast %add3A_703 : i32 to index
        %get3A_719 = arith.constant 32 : index
        %get3A_720 = tpu.vector_load %arg13[%get3A_718, %get3A_719] {strides = array<i32>} : memref<128x80xf32, #tpu.memory_space<vmem>>, vector<16xf32>,
        %mul3A_721 = arith.mulf %get3A_720, %broadcast_in_dim3A_699 : vector<16xf32>
        %swap3A_722 = arith.index_cast %add3A_703 : i32 to index
        %swap3A_723 = arith.constant 32 : index
        %swap3A_724 = tpu.vector_load %arg13[%swap3A_722, %swap3A_723] {strides = array<i32>} : memref<128x80xf32, #tpu.memory_space<vmem>>, vector<16xf32>,
        tpu.vector_store %arg13[%swap3A_722, %swap3A_723], %mul3A_721 {strides = array<i32>} : memref<128x80xf32, #tpu.memory_space<vmem>>, vector<16xf32>,
        %get3A_725 = arith.index_cast %add3A_703 : i32 to index
        %get3A_726 = arith.constant 48 : index
        %get3A_727 = tpu.vector_load %arg13[%get3A_725, %get3A_726] {strides = array<i32>} : memref<128x80xf32, #tpu.memory_space<vmem>>, vector<16xf32>,
        %mul3A_728 = arith.mulf %get3A_727, %broadcast_in_dim3A_699 : vector<16xf32>
        %swap3A_729 = arith.index_cast %add3A_703 : i32 to index
        %swap3A_730 = arith.constant 48 : index
        %swap3A_731 = tpu.vector_load %arg13[%swap3A_729, %swap3A_730] {strides = array<i32>} : memref<128x80xf32, #tpu.memory_space<vmem>>, vector<16xf32>,
        tpu.vector_store %arg13[%swap3A_729, %swap3A_730], %mul3A_728 {strides = array<i32>} : memref<128x80xf32, #tpu.memory_space<vmem>>, vector<16xf32>,
        %get3A_732 = arith.index_cast %add3A_703 : i32 to index
        %get3A_733 = arith.constant 64 : index
        %get3A_734 = tpu.vector_load %arg13[%get3A_732, %get3A_733] {strides = array<i32>} : memref<128x80xf32, #tpu.memory_space<vmem>>, vector<16xf32>,
        %mul3A_735 = arith.mulf %get3A_734, %broadcast_in_dim3A_699 : vector<16xf32>
        %swap3A_736 = arith.index_cast %add3A_703 : i32 to index
        %swap3A_737 = arith.constant 64 : index
        %swap3A_738 = tpu.vector_load %arg13[%swap3A_736, %swap3A_737] {strides = array<i32>} : memref<128x80xf32, #tpu.memory_space<vmem>>, vector<16xf32>,
        tpu.vector_store %arg13[%swap3A_736, %swap3A_737], %mul3A_735 {strides = array<i32>} : memref<128x80xf32, #tpu.memory_space<vmem>>, vector<16xf32>,
        %scan3A_739 = arith.constant 0 : i32
        scf.yield %scan3A_739 : i32
      }
      %scan3A_53 = arith.constant 8 : i32
      "tpu.region"() ({
        %run_scoped3A = tpu.sem_alloc : memref<!tpu.dma_semaphore, #tpu.memory_space<semaphore_mem>>
        %dma_start3A_55 = arith.constant 0 : i32
        %dma_start3A_56 = arith.constant 0 : i32
        %dma_start3A_57 = tpu.memref_slice %arg14[%dma_start3A_55, %dma_start3A_56] : memref<10080x80xf32, #tpu.memory_space<vmem_shared>> -> memref<10080x80xf32, #tpu.memory_space<vmem_shared>>
        tpu.enqueue_indirect_dma source(%arg13 : memref<128x80xf32, #tpu.memory_space<vmem>>) target(%dma_start3A_57 : memref<10080x80xf32, #tpu.memory_space<vmem_shared>>) offsets(%arg10 : memref<128xi32, #tpu.memory_space<vmem>>) semaphore(%run_scoped3A : memref<!tpu.dma_semaphore, #tpu.memory_space<semaphore_mem>>) {add = true}
        %dma_wait3A_58 = arith.constant 0 : i32
        %dma_wait3A_59 = arith.constant 0 : i32
        %dma_wait3A_60 = tpu.memref_slice %arg14[%dma_wait3A_58, %dma_wait3A_59] : memref<10080x80xf32, #tpu.memory_space<vmem_shared>> -> memref<10080x80xf32, #tpu.memory_space<vmem_shared>>
        tpu.wait_indirect_dma semaphore(%run_scoped3A : memref<!tpu.dma_semaphore, #tpu.memory_space<semaphore_mem>>) src(%arg13 : memref<128x80xf32, #tpu.memory_space<vmem>>) dst(%dma_wait3A_60 : memref<10080x80xf32, #tpu.memory_space<vmem_shared>>)
        tpu.yield
      }) : () -> ()
      %scan3A_54 = arith.constant 0 : i32
      scf.yield %scan3A_54 : i32
    }
    %scan3A_18 = arith.constant 42 : i32
    %barrier3A_19 = arith.constant 0 : index
    tpu.barrier barrier_id(%barrier3A_19)
    %mul3A_20 = arith.constant 630 : i32
    %mul3A_21 = arith.muli %arg1, %mul3A_20 : i32
    %mul3A_22 = arith.constant 630 : i32
    %mul3A_23 = arith.muli %arg1, %mul3A_22 : i32
    "tpu.region"() ({
      %run_scoped3A = tpu.sem_alloc : memref<!tpu.dma_semaphore, #tpu.memory_space<semaphore_mem>>
      %dma_start3A = arith.constant 0 : i32
      %dma_start3A_27 = tpu.memref_slice %arg7[%arg0, %scan3A_1, %mul3A_23, %dma_start3A] : memref<2x1x10080x80xf32, #tpu.memory_space<hbm>> -> memref<1x1x630x80xf32, #tpu.memory_space<hbm>>
      %dma_start3A_28 = tpu.memref_squeeze %dma_start3A_27 : memref<1x1x630x80xf32, #tpu.memory_space<hbm>> -> memref<630x80xf32, #tpu.memory_space<hbm>>
      %dma_start3A_29 = arith.constant 0 : i32
      %dma_start3A_30 = tpu.memref_slice %arg14[%mul3A_21, %dma_start3A_29] : memref<10080x80xf32, #tpu.memory_space<vmem_shared>> -> memref<630x80xf32, #tpu.memory_space<vmem_shared>>
      tpu.enqueue_dma source(%dma_start3A_30 : memref<630x80xf32, #tpu.memory_space<vmem_shared>>) target(%dma_start3A_28 : memref<630x80xf32, #tpu.memory_space<hbm>>) target_semaphore(%run_scoped3A : memref<!tpu.dma_semaphore, #tpu.memory_space<semaphore_mem>>)
      %dma_wait3A = arith.constant 0 : i32
      %dma_wait3A_31 = tpu.memref_slice %arg7[%arg0, %scan3A_1, %mul3A_23, %dma_wait3A] : memref<2x1x10080x80xf32, #tpu.memory_space<hbm>> -> memref<1x1x630x80xf32, #tpu.memory_space<hbm>>
      %dma_wait3A_32 = tpu.memref_squeeze %dma_wait3A_31 : memref<1x1x630x80xf32, #tpu.memory_space<hbm>> -> memref<630x80xf32, #tpu.memory_space<hbm>>
      %dma_wait3A_33 = arith.constant 0 : i32
      %dma_wait3A_34 = tpu.memref_slice %arg14[%mul3A_21, %dma_wait3A_33] : memref<10080x80xf32, #tpu.memory_space<vmem_shared>> -> memref<630x80xf32, #tpu.memory_space<vmem_shared>>
      tpu.wait_dma2 semaphore(%run_scoped3A : memref<!tpu.dma_semaphore, #tpu.memory_space<semaphore_mem>>) src(%dma_wait3A_34 : memref<630x80xf32, #tpu.memory_space<vmem_shared>>) dst(%dma_wait3A_32 : memref<630x80xf32, #tpu.memory_space<hbm>>)
      tpu.yield
    }) : () -> ()
    %barrier3A_24 = arith.constant 0 : index
    tpu.barrier barrier_id(%barrier3A_24)
    %scan3A_25 = arith.constant 0 : i32
    %scan3A_26 = arith.constant 1 : i32
    return
  }
}

module attributes {stable_mosaic.version = 14 : i64} {
  func.func @_stageA_body(%arg0: i32, %arg1: memref<1000x2100xf32, #tpu.memory_space<vmem>>, %arg2: memref<2000x128xf32, #tpu.memory_space<vmem>>, %arg3: memref<1x128xf32, #tpu.memory_space<vmem>>, %arg4: memref<100x64xf32, #tpu.memory_space<vmem>>, %arg5: memref<1x64xf32, #tpu.memory_space<vmem>>, %arg6: memref<128x128xf32, #tpu.memory_space<vmem>>, %arg7: memref<64x128xf32, #tpu.memory_space<vmem>>, %arg8: memref<128x128xf32, #tpu.memory_space<vmem>>, %arg9: memref<128x128xf32, #tpu.memory_space<vmem>>, %arg10: memref<1x128xf32, #tpu.memory_space<vmem>>, %arg11: memref<128x512xf32, #tpu.memory_space<vmem>>, %arg12: memref<512x8xf32, #tpu.memory_space<vmem>>, %arg13: memref<128x512xf32, #tpu.memory_space<vmem>>, %arg14: memref<1x512xf32, #tpu.memory_space<vmem>>, %arg15: memref<1000x512xf32, #tpu.memory_space<vmem>>, %arg16: memref<1000x8xf32, #tpu.memory_space<vmem>>, %arg17: memref<1000x512xf32, #tpu.memory_space<vmem>>) attributes {dimension_semantics = [#tpu.dimension_semantics<parallel>], iteration_bounds = array<i64: 10>, scalar_prefetch = 0 : i64, scratch_operands = 0 : i64, tpu.core_type = #tpu.core_type<tc>, window_params = [{transform_indices = @transform_0, window_bounds = array<i64: 1000, 2100>}, {pipeline_mode = #tpu.pipeline_mode<synchronous>, transform_indices = @transform_1, window_bounds = array<i64: 2000, 128>}, {pipeline_mode = #tpu.pipeline_mode<synchronous>, transform_indices = @transform_2, window_bounds = array<i64: 1, 128>}, {pipeline_mode = #tpu.pipeline_mode<synchronous>, transform_indices = @transform_3, window_bounds = array<i64: 100, 64>}, {pipeline_mode = #tpu.pipeline_mode<synchronous>, transform_indices = @transform_4, window_bounds = array<i64: 1, 64>}, {pipeline_mode = #tpu.pipeline_mode<synchronous>, transform_indices = @transform_5, window_bounds = array<i64: 128, 128>}, {pipeline_mode = #tpu.pipeline_mode<synchronous>, transform_indices = @transform_6, window_bounds = array<i64: 64, 128>}, {pipeline_mode = #tpu.pipeline_mode<synchronous>, transform_indices = @transform_7, window_bounds = array<i64: 128, 128>}, {pipeline_mode = #tpu.pipeline_mode<synchronous>, transform_indices = @transform_8, window_bounds = array<i64: 128, 128>}, {pipeline_mode = #tpu.pipeline_mode<synchronous>, transform_indices = @transform_9, window_bounds = array<i64: 1, 128>}, {pipeline_mode = #tpu.pipeline_mode<synchronous>, transform_indices = @transform_10, window_bounds = array<i64: 128, 512>}, {pipeline_mode = #tpu.pipeline_mode<synchronous>, transform_indices = @transform_11, window_bounds = array<i64: 512, 8>}, {pipeline_mode = #tpu.pipeline_mode<synchronous>, transform_indices = @transform_12, window_bounds = array<i64: 128, 512>}, {pipeline_mode = #tpu.pipeline_mode<synchronous>, transform_indices = @transform_13, window_bounds = array<i64: 1, 512>}, {transform_indices = @transform_14, window_bounds = array<i64: 1000, 512>}, {transform_indices = @transform_15, window_bounds = array<i64: 1000, 8>}, {transform_indices = @transform_16, window_bounds = array<i64: 1000, 512>}]} {
    %get3A = arith.constant 0 : index
    %get3A_0 = arith.constant 0 : index
    %get3A_1 = vector.load %arg1[%get3A, %get3A_0] : memref<1000x2100xf32, #tpu.memory_space<vmem>>, vector<1000x2000xf32>
    %get3A_2 = arith.constant 0 : index
    %get3A_3 = arith.constant 0 : index
    %get3A_4 = vector.load %arg2[%get3A_2, %get3A_3] : memref<2000x128xf32, #tpu.memory_space<vmem>>, vector<2000x128xf32>
    %dot_general3A = arith.constant dense<0.000000e+00> : vector<1000x128xf32>
    %dot_general3A_5 = tpu.matmul %get3A_1, %get3A_4, %dot_general3A {dimension_numbers = #tpu.dot_dimension_numbers<[1], [0], [0], [1], [0, 0, 1, 1], [], []>, transpose_lhs_hint = false} : vector<1000x2000xf32>, vector<2000x128xf32>, vector<1000x128xf32> -> vector<1000x128xf32>
    %get3A_6 = arith.constant 0 : index
    %get3A_7 = arith.constant 0 : index
    %get3A_8 = vector.load %arg3[%get3A_6, %get3A_7] : memref<1x128xf32, #tpu.memory_space<vmem>>, vector<1x128xf32>
    %add3A = vector.broadcast %get3A_8 : vector<1x128xf32> to vector<1000x128xf32>
    %add3A_9 = arith.addf %dot_general3A_5, %add3A : vector<1000x128xf32>
    %max3A = arith.constant 0.000000e+00 : f32
    %max3A_10 = vector.broadcast %max3A : f32 to vector<1000x128xf32>
    %max3A_11 = arith.maximumf %add3A_9, %max3A_10 : vector<1000x128xf32>
    %get3A_12 = arith.constant 0 : index
    %get3A_13 = arith.constant 2000 : index
    %get3A_14 = vector.load %arg1[%get3A_12, %get3A_13] : memref<1000x2100xf32, #tpu.memory_space<vmem>>, vector<1000x100xf32>
    %get3A_15 = arith.constant 0 : index
    %get3A_16 = arith.constant 0 : index
    %get3A_17 = vector.load %arg4[%get3A_15, %get3A_16] : memref<100x64xf32, #tpu.memory_space<vmem>>, vector<100x64xf32>
    %dot_general3A_18 = arith.constant dense<0.000000e+00> : vector<1000x64xf32>
    %dot_general3A_19 = tpu.matmul %get3A_14, %get3A_17, %dot_general3A_18 {dimension_numbers = #tpu.dot_dimension_numbers<[1], [0], [0], [1], [0, 0, 1, 1], [], []>, transpose_lhs_hint = false} : vector<1000x100xf32>, vector<100x64xf32>, vector<1000x64xf32> -> vector<1000x64xf32>
    %get3A_20 = arith.constant 0 : index
    %get3A_21 = arith.constant 0 : index
    %get3A_22 = vector.load %arg5[%get3A_20, %get3A_21] : memref<1x64xf32, #tpu.memory_space<vmem>>, vector<1x64xf32>
    %add3A_23 = vector.broadcast %get3A_22 : vector<1x64xf32> to vector<1000x64xf32>
    %add3A_24 = arith.addf %dot_general3A_19, %add3A_23 : vector<1000x64xf32>
    %max3A_25 = arith.constant 0.000000e+00 : f32
    %max3A_26 = vector.broadcast %max3A_25 : f32 to vector<1000x64xf32>
    %max3A_27 = arith.maximumf %add3A_24, %max3A_26 : vector<1000x64xf32>
    %get3A_28 = arith.constant 0 : index
    %get3A_29 = arith.constant 0 : index
    %get3A_30 = vector.load %arg6[%get3A_28, %get3A_29] : memref<128x128xf32, #tpu.memory_space<vmem>>, vector<128x128xf32>
    %dot_general3A_31 = arith.constant dense<0.000000e+00> : vector<1000x128xf32>
    %dot_general3A_32 = tpu.matmul %max3A_11, %get3A_30, %dot_general3A_31 {dimension_numbers = #tpu.dot_dimension_numbers<[1], [0], [0], [1], [0, 0, 1, 1], [], []>, transpose_lhs_hint = false} : vector<1000x128xf32>, vector<128x128xf32>, vector<1000x128xf32> -> vector<1000x128xf32>
    %get3A_33 = arith.constant 0 : index
    %get3A_34 = arith.constant 0 : index
    %get3A_35 = vector.load %arg7[%get3A_33, %get3A_34] : memref<64x128xf32, #tpu.memory_space<vmem>>, vector<64x128xf32>
    %dot_general3A_36 = arith.constant dense<0.000000e+00> : vector<1000x128xf32>
    %dot_general3A_37 = tpu.matmul %max3A_27, %get3A_35, %dot_general3A_36 {dimension_numbers = #tpu.dot_dimension_numbers<[1], [0], [0], [1], [0, 0, 1, 1], [], []>, transpose_lhs_hint = false} : vector<1000x64xf32>, vector<64x128xf32>, vector<1000x128xf32> -> vector<1000x128xf32>
    %sqrt3A = arith.constant 1.280000e+02 : f32
    %sqrt3A_38 = math.sqrt %sqrt3A : f32
    %div3A = arith.constant 1.000000e+00 : f32
    %div3A_39 = arith.divf %div3A, %sqrt3A_38 : f32
    %mul3A = arith.mulf %dot_general3A_32, %dot_general3A_32 : vector<1000x128xf32>
    %reduce_sum3A = arith.constant dense<0.000000e+00> : vector<1000xf32>
    %reduce_sum3A_40 = vector.multi_reduction <add>, %mul3A, %reduce_sum3A [1] : vector<1000x128xf32> to vector<1000xf32>
    %broadcast_in_dim3A = vector.shape_cast %reduce_sum3A_40 : vector<1000xf32> to vector<1000x1xf32>
    %mul3A_41 = vector.broadcast %div3A_39 : f32 to vector<1000x1xf32>
    %mul3A_42 = arith.mulf %broadcast_in_dim3A, %mul3A_41 : vector<1000x1xf32>
    %mul3A_43 = arith.mulf %dot_general3A_32, %dot_general3A_37 : vector<1000x128xf32>
    %reduce_sum3A_44 = arith.constant dense<0.000000e+00> : vector<1000xf32>
    %reduce_sum3A_45 = vector.multi_reduction <add>, %mul3A_43, %reduce_sum3A_44 [1] : vector<1000x128xf32> to vector<1000xf32>
    %broadcast_in_dim3A_46 = vector.shape_cast %reduce_sum3A_45 : vector<1000xf32> to vector<1000x1xf32>
    %mul3A_47 = vector.broadcast %div3A_39 : f32 to vector<1000x1xf32>
    %mul3A_48 = arith.mulf %broadcast_in_dim3A_46, %mul3A_47 : vector<1000x1xf32>
    %mul3A_49 = arith.mulf %dot_general3A_37, %dot_general3A_37 : vector<1000x128xf32>
    %reduce_sum3A_50 = arith.constant dense<0.000000e+00> : vector<1000xf32>
    %reduce_sum3A_51 = vector.multi_reduction <add>, %mul3A_49, %reduce_sum3A_50 [1] : vector<1000x128xf32> to vector<1000xf32>
    %broadcast_in_dim3A_52 = vector.shape_cast %reduce_sum3A_51 : vector<1000xf32> to vector<1000x1xf32>
    %mul3A_53 = vector.broadcast %div3A_39 : f32 to vector<1000x1xf32>
    %mul3A_54 = arith.mulf %broadcast_in_dim3A_52, %mul3A_53 : vector<1000x1xf32>
    %max3A_55 = arith.maximumf %mul3A_42, %mul3A_48 : vector<1000x1xf32>
    %sub3A = arith.subf %mul3A_42, %max3A_55 : vector<1000x1xf32>
    %exp3A = math.exp %sub3A : vector<1000x1xf32>
    %sub3A_56 = arith.subf %mul3A_48, %max3A_55 : vector<1000x1xf32>
    %exp3A_57 = math.exp %sub3A_56 : vector<1000x1xf32>
    %max3A_58 = arith.maximumf %mul3A_48, %mul3A_54 : vector<1000x1xf32>
    %sub3A_59 = arith.subf %mul3A_48, %max3A_58 : vector<1000x1xf32>
    %exp3A_60 = math.exp %sub3A_59 : vector<1000x1xf32>
    %sub3A_61 = arith.subf %mul3A_54, %max3A_58 : vector<1000x1xf32>
    %exp3A_62 = math.exp %sub3A_61 : vector<1000x1xf32>
    %mul3A_63 = vector.broadcast %exp3A : vector<1000x1xf32> to vector<1000x128xf32>
    %mul3A_64 = arith.mulf %mul3A_63, %dot_general3A_32 : vector<1000x128xf32>
    %mul3A_65 = vector.broadcast %exp3A_57 : vector<1000x1xf32> to vector<1000x128xf32>
    %mul3A_66 = arith.mulf %mul3A_65, %dot_general3A_37 : vector<1000x128xf32>
    %add3A_67 = arith.addf %mul3A_64, %mul3A_66 : vector<1000x128xf32>
    %add3A_68 = arith.addf %exp3A, %exp3A_57 : vector<1000x1xf32>
    %div3A_69 = vector.broadcast %add3A_68 : vector<1000x1xf32> to vector<1000x128xf32>
    %div3A_70 = arith.divf %add3A_67, %div3A_69 : vector<1000x128xf32>
    %mul3A_71 = vector.broadcast %exp3A_60 : vector<1000x1xf32> to vector<1000x128xf32>
    %mul3A_72 = arith.mulf %mul3A_71, %dot_general3A_32 : vector<1000x128xf32>
    %mul3A_73 = vector.broadcast %exp3A_62 : vector<1000x1xf32> to vector<1000x128xf32>
    %mul3A_74 = arith.mulf %mul3A_73, %dot_general3A_37 : vector<1000x128xf32>
    %add3A_75 = arith.addf %mul3A_72, %mul3A_74 : vector<1000x128xf32>
    %add3A_76 = arith.addf %exp3A_60, %exp3A_62 : vector<1000x1xf32>
    %div3A_77 = vector.broadcast %add3A_76 : vector<1000x1xf32> to vector<1000x128xf32>
    %div3A_78 = arith.divf %add3A_75, %div3A_77 : vector<1000x128xf32>
    %get3A_79 = arith.constant 0 : index
    %get3A_80 = arith.constant 0 : index
    %get3A_81 = vector.load %arg8[%get3A_79, %get3A_80] : memref<128x128xf32, #tpu.memory_space<vmem>>, vector<128x128xf32>
    %dot_general3A_82 = arith.constant dense<0.000000e+00> : vector<1000x128xf32>
    %dot_general3A_83 = tpu.matmul %div3A_70, %get3A_81, %dot_general3A_82 {dimension_numbers = #tpu.dot_dimension_numbers<[1], [0], [0], [1], [0, 0, 1, 1], [], []>, transpose_lhs_hint = false} : vector<1000x128xf32>, vector<128x128xf32>, vector<1000x128xf32> -> vector<1000x128xf32>
    %get3A_84 = arith.constant 0 : index
    %get3A_85 = arith.constant 0 : index
    %get3A_86 = vector.load %arg9[%get3A_84, %get3A_85] : memref<128x128xf32, #tpu.memory_space<vmem>>, vector<128x128xf32>
    %dot_general3A_87 = arith.constant dense<0.000000e+00> : vector<1000x128xf32>
    %dot_general3A_88 = tpu.matmul %div3A_78, %get3A_86, %dot_general3A_87 {dimension_numbers = #tpu.dot_dimension_numbers<[1], [0], [0], [1], [0, 0, 1, 1], [], []>, transpose_lhs_hint = false} : vector<1000x128xf32>, vector<128x128xf32>, vector<1000x128xf32> -> vector<1000x128xf32>
    %add3A_89 = arith.addf %dot_general3A_83, %dot_general3A_88 : vector<1000x128xf32>
    %get3A_90 = arith.constant 0 : index
    %get3A_91 = arith.constant 0 : index
    %get3A_92 = vector.load %arg10[%get3A_90, %get3A_91] : memref<1x128xf32, #tpu.memory_space<vmem>>, vector<1x128xf32>
    %add3A_93 = vector.broadcast %get3A_92 : vector<1x128xf32> to vector<1000x128xf32>
    %add3A_94 = arith.addf %add3A_89, %add3A_93 : vector<1000x128xf32>
    %max3A_95 = arith.constant 0.000000e+00 : f32
    %max3A_96 = vector.broadcast %max3A_95 : f32 to vector<1000x128xf32>
    %max3A_97 = arith.maximumf %add3A_94, %max3A_96 : vector<1000x128xf32>
    %get3A_98 = arith.constant 0 : index
    %get3A_99 = arith.constant 0 : index
    %get3A_100 = vector.load %arg11[%get3A_98, %get3A_99] : memref<128x512xf32, #tpu.memory_space<vmem>>, vector<128x512xf32>
    %dot_general3A_101 = arith.constant dense<0.000000e+00> : vector<1000x512xf32>
    %dot_general3A_102 = tpu.matmul %max3A_97, %get3A_100, %dot_general3A_101 {dimension_numbers = #tpu.dot_dimension_numbers<[1], [0], [0], [1], [0, 0, 1, 1], [], []>, transpose_lhs_hint = false} : vector<1000x128xf32>, vector<128x512xf32>, vector<1000x512xf32> -> vector<1000x512xf32>
    %swap3A = arith.constant 0 : index
    %swap3A_103 = arith.constant 0 : index
    %swap3A_104 = vector.load %arg15[%swap3A, %swap3A_103] : memref<1000x512xf32, #tpu.memory_space<vmem>>, vector<1000x512xf32>
    tpu.vector_store %arg15[%swap3A, %swap3A_103], %dot_general3A_102 {strides = array<i32>} : memref<1000x512xf32, #tpu.memory_space<vmem>>, vector<1000x512xf32>,
    %get3A_105 = arith.constant 0 : index
    %get3A_106 = arith.constant 0 : index
    %get3A_107 = vector.load %arg12[%get3A_105, %get3A_106] : memref<512x8xf32, #tpu.memory_space<vmem>>, vector<512x8xf32>
    %dot_general3A_108 = arith.constant dense<0.000000e+00> : vector<1000x8xf32>
    %dot_general3A_109 = tpu.matmul %dot_general3A_102, %get3A_107, %dot_general3A_108 {dimension_numbers = #tpu.dot_dimension_numbers<[1], [0], [0], [1], [0, 0, 1, 1], [], []>, transpose_lhs_hint = false} : vector<1000x512xf32>, vector<512x8xf32>, vector<1000x8xf32> -> vector<1000x8xf32>
    %swap3A_110 = arith.constant 0 : index
    %swap3A_111 = arith.constant 0 : index
    %swap3A_112 = vector.load %arg16[%swap3A_110, %swap3A_111] : memref<1000x8xf32, #tpu.memory_space<vmem>>, vector<1000x8xf32>
    tpu.vector_store %arg16[%swap3A_110, %swap3A_111], %dot_general3A_109 {strides = array<i32>} : memref<1000x8xf32, #tpu.memory_space<vmem>>, vector<1000x8xf32>,
    %get3A_113 = arith.constant 0 : index
    %get3A_114 = arith.constant 0 : index
    %get3A_115 = vector.load %arg13[%get3A_113, %get3A_114] : memref<128x512xf32, #tpu.memory_space<vmem>>, vector<128x512xf32>
    %dot_general3A_116 = arith.constant dense<0.000000e+00> : vector<1000x512xf32>
    %dot_general3A_117 = tpu.matmul %max3A_97, %get3A_115, %dot_general3A_116 {dimension_numbers = #tpu.dot_dimension_numbers<[1], [0], [0], [1], [0, 0, 1, 1], [], []>, transpose_lhs_hint = false} : vector<1000x128xf32>, vector<128x512xf32>, vector<1000x512xf32> -> vector<1000x512xf32>
    %get3A_118 = arith.constant 0 : index
    %get3A_119 = arith.constant 0 : index
    %get3A_120 = vector.load %arg14[%get3A_118, %get3A_119] : memref<1x512xf32, #tpu.memory_space<vmem>>, vector<1x512xf32>
    %add3A_121 = vector.broadcast %get3A_120 : vector<1x512xf32> to vector<1000x512xf32>
    %add3A_122 = arith.addf %dot_general3A_117, %add3A_121 : vector<1000x512xf32>
    %swap3A_123 = arith.constant 0 : index
    %swap3A_124 = arith.constant 0 : index
    %swap3A_125 = vector.load %arg17[%swap3A_123, %swap3A_124] : memref<1000x512xf32, #tpu.memory_space<vmem>>, vector<1000x512xf32>
    tpu.vector_store %arg17[%swap3A_123, %swap3A_124], %add3A_122 {strides = array<i32>} : memref<1000x512xf32, #tpu.memory_space<vmem>>, vector<1000x512xf32>,
    return
  }
  func.func @transform_0(%arg0: i32) -> (i32, i32) {
    %c0_i32 = arith.constant 0 : i32
    %c0_i32_0 = arith.constant 0 : i32
    return %arg0, %c0_i32 : i32, i32
  }
  func.func @transform_1(%arg0: i32) -> (i32, i32) {
    %c0_i32 = arith.constant 0 : i32
    %c0_i32_0 = arith.constant 0 : i32
    %c0_i32_1 = arith.constant 0 : i32
    return %c0_i32, %c0_i32_0 : i32, i32
  }
  func.func @transform_2(%arg0: i32) -> (i32, i32) {
    %c0_i32 = arith.constant 0 : i32
    %c0_i32_0 = arith.constant 0 : i32
    %c0_i32_1 = arith.constant 0 : i32
    return %c0_i32, %c0_i32_0 : i32, i32
  }
  func.func @transform_3(%arg0: i32) -> (i32, i32) {
    %c0_i32 = arith.constant 0 : i32
    %c0_i32_0 = arith.constant 0 : i32
    %c0_i32_1 = arith.constant 0 : i32
    return %c0_i32, %c0_i32_0 : i32, i32
  }
  func.func @transform_4(%arg0: i32) -> (i32, i32) {
    %c0_i32 = arith.constant 0 : i32
    %c0_i32_0 = arith.constant 0 : i32
    %c0_i32_1 = arith.constant 0 : i32
    return %c0_i32, %c0_i32_0 : i32, i32
  }
  func.func @transform_5(%arg0: i32) -> (i32, i32) {
    %c0_i32 = arith.constant 0 : i32
    %c0_i32_0 = arith.constant 0 : i32
    %c0_i32_1 = arith.constant 0 : i32
    return %c0_i32, %c0_i32_0 : i32, i32
  }
  func.func @transform_6(%arg0: i32) -> (i32, i32) {
    %c0_i32 = arith.constant 0 : i32
    %c0_i32_0 = arith.constant 0 : i32
    %c0_i32_1 = arith.constant 0 : i32
    return %c0_i32, %c0_i32_0 : i32, i32
  }
  func.func @transform_7(%arg0: i32) -> (i32, i32) {
    %c0_i32 = arith.constant 0 : i32
    %c0_i32_0 = arith.constant 0 : i32
    %c0_i32_1 = arith.constant 0 : i32
    return %c0_i32, %c0_i32_0 : i32, i32
  }
  func.func @transform_8(%arg0: i32) -> (i32, i32) {
    %c0_i32 = arith.constant 0 : i32
    %c0_i32_0 = arith.constant 0 : i32
    %c0_i32_1 = arith.constant 0 : i32
    return %c0_i32, %c0_i32_0 : i32, i32
  }
  func.func @transform_9(%arg0: i32) -> (i32, i32) {
    %c0_i32 = arith.constant 0 : i32
    %c0_i32_0 = arith.constant 0 : i32
    %c0_i32_1 = arith.constant 0 : i32
    return %c0_i32, %c0_i32_0 : i32, i32
  }
  func.func @transform_10(%arg0: i32) -> (i32, i32) {
    %c0_i32 = arith.constant 0 : i32
    %c0_i32_0 = arith.constant 0 : i32
    %c0_i32_1 = arith.constant 0 : i32
    return %c0_i32, %c0_i32_0 : i32, i32
  }
  func.func @transform_11(%arg0: i32) -> (i32, i32) {
    %c0_i32 = arith.constant 0 : i32
    %c0_i32_0 = arith.constant 0 : i32
    %c0_i32_1 = arith.constant 0 : i32
    return %c0_i32, %c0_i32_0 : i32, i32
  }
  func.func @transform_12(%arg0: i32) -> (i32, i32) {
    %c0_i32 = arith.constant 0 : i32
    %c0_i32_0 = arith.constant 0 : i32
    %c0_i32_1 = arith.constant 0 : i32
    return %c0_i32, %c0_i32_0 : i32, i32
  }
  func.func @transform_13(%arg0: i32) -> (i32, i32) {
    %c0_i32 = arith.constant 0 : i32
    %c0_i32_0 = arith.constant 0 : i32
    %c0_i32_1 = arith.constant 0 : i32
    return %c0_i32, %c0_i32_0 : i32, i32
  }
  func.func @transform_14(%arg0: i32) -> (i32, i32) {
    %c0_i32 = arith.constant 0 : i32
    %c0_i32_0 = arith.constant 0 : i32
    return %arg0, %c0_i32 : i32, i32
  }
  func.func @transform_15(%arg0: i32) -> (i32, i32) {
    %c0_i32 = arith.constant 0 : i32
    %c0_i32_0 = arith.constant 0 : i32
    return %arg0, %c0_i32 : i32, i32
  }
  func.func @transform_16(%arg0: i32) -> (i32, i32) {
    %c0_i32 = arith.constant 0 : i32
    %c0_i32_0 = arith.constant 0 : i32
    return %arg0, %c0_i32 : i32, i32
  }
}

module attributes {stable_mosaic.version = 14 : i64} {
  func.func @_stageC_body(%arg0: i32, %arg1: memref<2x4x1000x144xf32, #tpu.memory_space<vmem>>, %arg2: memref<1000x512xf32, #tpu.memory_space<vmem>>, %arg3: memref<1x512xf32, #tpu.memory_space<vmem>>, %arg4: memref<512x64xf32, #tpu.memory_space<vmem>>, %arg5: memref<64x2xf32, #tpu.memory_space<vmem>>, %arg6: memref<512x64xf32, #tpu.memory_space<vmem>>, %arg7: memref<1x64xf32, #tpu.memory_space<vmem>>, %arg8: memref<1000x64xf32, #tpu.memory_space<vmem>>, %arg9: memref<1000x2xf32, #tpu.memory_space<vmem>>, %arg10: memref<1000x64xf32, #tpu.memory_space<vmem>>) attributes {dimension_semantics = [#tpu.dimension_semantics<parallel>], iteration_bounds = array<i64: 10>, scalar_prefetch = 0 : i64, scratch_operands = 0 : i64, tpu.core_type = #tpu.core_type<tc>, window_params = [{transform_indices = @transform_0, window_bounds = array<i64: 2, 4, 1000, 144>}, {transform_indices = @transform_1, window_bounds = array<i64: 1000, 512>}, {pipeline_mode = #tpu.pipeline_mode<synchronous>, transform_indices = @transform_2, window_bounds = array<i64: 1, 512>}, {pipeline_mode = #tpu.pipeline_mode<synchronous>, transform_indices = @transform_3, window_bounds = array<i64: 512, 64>}, {pipeline_mode = #tpu.pipeline_mode<synchronous>, transform_indices = @transform_4, window_bounds = array<i64: 64, 2>}, {pipeline_mode = #tpu.pipeline_mode<synchronous>, transform_indices = @transform_5, window_bounds = array<i64: 512, 64>}, {pipeline_mode = #tpu.pipeline_mode<synchronous>, transform_indices = @transform_6, window_bounds = array<i64: 1, 64>}, {transform_indices = @transform_7, window_bounds = array<i64: 1000, 64>}, {transform_indices = @transform_8, window_bounds = array<i64: 1000, 2>}, {transform_indices = @transform_9, window_bounds = array<i64: 1000, 64>}]} {
    %get3A = arith.constant 0 : index
    %get3A_0 = arith.constant 0 : index
    %get3A_1 = arith.constant 0 : index
    %get3A_2 = arith.constant 0 : index
    %get3A_3 = vector.load %arg1[%get3A, %get3A_0, %get3A_1, %get3A_2] : memref<2x4x1000x144xf32, #tpu.memory_space<vmem>>, vector<1x1x1000x144xf32>
    %get3A_4 = vector.shape_cast %get3A_3 : vector<1x1x1000x144xf32> to vector<1000x144xf32>
    %get3A_5 = arith.constant 1 : index
    %get3A_6 = arith.constant 0 : index
    %get3A_7 = arith.constant 0 : index
    %get3A_8 = arith.constant 0 : index
    %get3A_9 = vector.load %arg1[%get3A_5, %get3A_6, %get3A_7, %get3A_8] : memref<2x4x1000x144xf32, #tpu.memory_space<vmem>>, vector<1x1x1000x144xf32>
    %get3A_10 = vector.shape_cast %get3A_9 : vector<1x1x1000x144xf32> to vector<1000x144xf32>
    %add3A = arith.addf %get3A_4, %get3A_10 : vector<1000x144xf32>
    %slice3A = vector.extract_strided_slice %add3A {offsets = [0, 0], sizes = [1000, 128], strides = [1, 1]} : vector<1000x144xf32> to vector<1000x128xf32>
    %slice3A_11 = vector.extract_strided_slice %add3A {offsets = [0, 128], sizes = [1000, 1], strides = [1, 1]} : vector<1000x144xf32> to vector<1000x1xf32>
    %div3A = vector.broadcast %slice3A_11 : vector<1000x1xf32> to vector<1000x128xf32>
    %div3A_12 = arith.divf %slice3A, %div3A : vector<1000x128xf32>
    %get3A_13 = arith.constant 0 : index
    %get3A_14 = arith.constant 1 : index
    %get3A_15 = arith.constant 0 : index
    %get3A_16 = arith.constant 0 : index
    %get3A_17 = vector.load %arg1[%get3A_13, %get3A_14, %get3A_15, %get3A_16] : memref<2x4x1000x144xf32, #tpu.memory_space<vmem>>, vector<1x1x1000x144xf32>
    %get3A_18 = vector.shape_cast %get3A_17 : vector<1x1x1000x144xf32> to vector<1000x144xf32>
    %get3A_19 = arith.constant 1 : index
    %get3A_20 = arith.constant 1 : index
    %get3A_21 = arith.constant 0 : index
    %get3A_22 = arith.constant 0 : index
    %get3A_23 = vector.load %arg1[%get3A_19, %get3A_20, %get3A_21, %get3A_22] : memref<2x4x1000x144xf32, #tpu.memory_space<vmem>>, vector<1x1x1000x144xf32>
    %get3A_24 = vector.shape_cast %get3A_23 : vector<1x1x1000x144xf32> to vector<1000x144xf32>
    %add3A_25 = arith.addf %get3A_18, %get3A_24 : vector<1000x144xf32>
    %slice3A_26 = vector.extract_strided_slice %add3A_25 {offsets = [0, 0], sizes = [1000, 128], strides = [1, 1]} : vector<1000x144xf32> to vector<1000x128xf32>
    %slice3A_27 = vector.extract_strided_slice %add3A_25 {offsets = [0, 128], sizes = [1000, 1], strides = [1, 1]} : vector<1000x144xf32> to vector<1000x1xf32>
    %div3A_28 = vector.broadcast %slice3A_27 : vector<1000x1xf32> to vector<1000x128xf32>
    %div3A_29 = arith.divf %slice3A_26, %div3A_28 : vector<1000x128xf32>
    %get3A_30 = arith.constant 0 : index
    %get3A_31 = arith.constant 2 : index
    %get3A_32 = arith.constant 0 : index
    %get3A_33 = arith.constant 0 : index
    %get3A_34 = vector.load %arg1[%get3A_30, %get3A_31, %get3A_32, %get3A_33] : memref<2x4x1000x144xf32, #tpu.memory_space<vmem>>, vector<1x1x1000x144xf32>
    %get3A_35 = vector.shape_cast %get3A_34 : vector<1x1x1000x144xf32> to vector<1000x144xf32>
    %get3A_36 = arith.constant 1 : index
    %get3A_37 = arith.constant 2 : index
    %get3A_38 = arith.constant 0 : index
    %get3A_39 = arith.constant 0 : index
    %get3A_40 = vector.load %arg1[%get3A_36, %get3A_37, %get3A_38, %get3A_39] : memref<2x4x1000x144xf32, #tpu.memory_space<vmem>>, vector<1x1x1000x144xf32>
    %get3A_41 = vector.shape_cast %get3A_40 : vector<1x1x1000x144xf32> to vector<1000x144xf32>
    %add3A_42 = arith.addf %get3A_35, %get3A_41 : vector<1000x144xf32>
    %slice3A_43 = vector.extract_strided_slice %add3A_42 {offsets = [0, 0], sizes = [1000, 128], strides = [1, 1]} : vector<1000x144xf32> to vector<1000x128xf32>
    %slice3A_44 = vector.extract_strided_slice %add3A_42 {offsets = [0, 128], sizes = [1000, 1], strides = [1, 1]} : vector<1000x144xf32> to vector<1000x1xf32>
    %div3A_45 = vector.broadcast %slice3A_44 : vector<1000x1xf32> to vector<1000x128xf32>
    %div3A_46 = arith.divf %slice3A_43, %div3A_45 : vector<1000x128xf32>
    %get3A_47 = arith.constant 0 : index
    %get3A_48 = arith.constant 3 : index
    %get3A_49 = arith.constant 0 : index
    %get3A_50 = arith.constant 0 : index
    %get3A_51 = vector.load %arg1[%get3A_47, %get3A_48, %get3A_49, %get3A_50] : memref<2x4x1000x144xf32, #tpu.memory_space<vmem>>, vector<1x1x1000x144xf32>
    %get3A_52 = vector.shape_cast %get3A_51 : vector<1x1x1000x144xf32> to vector<1000x144xf32>
    %get3A_53 = arith.constant 1 : index
    %get3A_54 = arith.constant 3 : index
    %get3A_55 = arith.constant 0 : index
    %get3A_56 = arith.constant 0 : index
    %get3A_57 = vector.load %arg1[%get3A_53, %get3A_54, %get3A_55, %get3A_56] : memref<2x4x1000x144xf32, #tpu.memory_space<vmem>>, vector<1x1x1000x144xf32>
    %get3A_58 = vector.shape_cast %get3A_57 : vector<1x1x1000x144xf32> to vector<1000x144xf32>
    %add3A_59 = arith.addf %get3A_52, %get3A_58 : vector<1000x144xf32>
    %slice3A_60 = vector.extract_strided_slice %add3A_59 {offsets = [0, 0], sizes = [1000, 128], strides = [1, 1]} : vector<1000x144xf32> to vector<1000x128xf32>
    %slice3A_61 = vector.extract_strided_slice %add3A_59 {offsets = [0, 128], sizes = [1000, 1], strides = [1, 1]} : vector<1000x144xf32> to vector<1000x1xf32>
    %div3A_62 = vector.broadcast %slice3A_61 : vector<1000x1xf32> to vector<1000x128xf32>
    %div3A_63 = arith.divf %slice3A_60, %div3A_62 : vector<1000x128xf32>
    %concatenate3A = tpu.concatenate %div3A_12, %div3A_29, %div3A_46, %div3A_63 in 1 : vector<1000x128xf32>, vector<1000x128xf32>, vector<1000x128xf32>, vector<1000x128xf32> -> vector<1000x512xf32>
    %get3A_64 = arith.constant 0 : index
    %get3A_65 = arith.constant 0 : index
    %get3A_66 = vector.load %arg3[%get3A_64, %get3A_65] : memref<1x512xf32, #tpu.memory_space<vmem>>, vector<1x512xf32>
    %add3A_67 = vector.broadcast %get3A_66 : vector<1x512xf32> to vector<1000x512xf32>
    %add3A_68 = arith.addf %concatenate3A, %add3A_67 : vector<1000x512xf32>
    %gt3A = arith.constant 0.000000e+00 : f32
    %gt3A_69 = vector.broadcast %gt3A : f32 to vector<1000x512xf32>
    %gt3A_70 = arith.cmpf ogt, %add3A_68, %gt3A_69 : vector<1000x512xf32>
    %exp3A = math.exp %add3A_68 : vector<1000x512xf32>
    %sub3A = arith.constant 1.000000e+00 : f32
    %sub3A_71 = vector.broadcast %sub3A : f32 to vector<1000x512xf32>
    %sub3A_72 = arith.subf %exp3A, %sub3A_71 : vector<1000x512xf32>
    %select_n3A = arith.select %gt3A_70, %add3A_68, %sub3A_72 : vector<1000x512xi1>, vector<1000x512xf32>
    %get3A_73 = arith.constant 0 : index
    %get3A_74 = arith.constant 0 : index
    %get3A_75 = vector.load %arg2[%get3A_73, %get3A_74] : memref<1000x512xf32, #tpu.memory_space<vmem>>, vector<1000x512xf32>
    %add3A_76 = arith.addf %select_n3A, %get3A_75 : vector<1000x512xf32>
    %get3A_77 = arith.constant 0 : index
    %get3A_78 = arith.constant 0 : index
    %get3A_79 = vector.load %arg4[%get3A_77, %get3A_78] : memref<512x64xf32, #tpu.memory_space<vmem>>, vector<512x64xf32>
    %dot_general3A = arith.constant dense<0.000000e+00> : vector<1000x64xf32>
    %dot_general3A_80 = tpu.matmul %add3A_76, %get3A_79, %dot_general3A {dimension_numbers = #tpu.dot_dimension_numbers<[1], [0], [0], [1], [0, 0, 1, 1], [], []>, transpose_lhs_hint = false} : vector<1000x512xf32>, vector<512x64xf32>, vector<1000x64xf32> -> vector<1000x64xf32>
    %swap3A = arith.constant 0 : index
    %swap3A_81 = arith.constant 0 : index
    %swap3A_82 = vector.load %arg8[%swap3A, %swap3A_81] : memref<1000x64xf32, #tpu.memory_space<vmem>>, vector<1000x64xf32>
    tpu.vector_store %arg8[%swap3A, %swap3A_81], %dot_general3A_80 {strides = array<i32>} : memref<1000x64xf32, #tpu.memory_space<vmem>>, vector<1000x64xf32>,
    %get3A_83 = arith.constant 0 : index
    %get3A_84 = arith.constant 0 : index
    %get3A_85 = vector.load %arg5[%get3A_83, %get3A_84] : memref<64x2xf32, #tpu.memory_space<vmem>>, vector<64x2xf32>
    %dot_general3A_86 = arith.constant dense<0.000000e+00> : vector<1000x2xf32>
    %dot_general3A_87 = tpu.matmul %dot_general3A_80, %get3A_85, %dot_general3A_86 {dimension_numbers = #tpu.dot_dimension_numbers<[1], [0], [0], [1], [0, 0, 1, 1], [], []>, transpose_lhs_hint = false} : vector<1000x64xf32>, vector<64x2xf32>, vector<1000x2xf32> -> vector<1000x2xf32>
    %swap3A_88 = arith.constant 0 : index
    %swap3A_89 = arith.constant 0 : index
    %swap3A_90 = vector.load %arg9[%swap3A_88, %swap3A_89] : memref<1000x2xf32, #tpu.memory_space<vmem>>, vector<1000x2xf32>
    tpu.vector_store %arg9[%swap3A_88, %swap3A_89], %dot_general3A_87 {strides = array<i32>} : memref<1000x2xf32, #tpu.memory_space<vmem>>, vector<1000x2xf32>,
    %get3A_91 = arith.constant 0 : index
    %get3A_92 = arith.constant 0 : index
    %get3A_93 = vector.load %arg6[%get3A_91, %get3A_92] : memref<512x64xf32, #tpu.memory_space<vmem>>, vector<512x64xf32>
    %dot_general3A_94 = arith.constant dense<0.000000e+00> : vector<1000x64xf32>
    %dot_general3A_95 = tpu.matmul %add3A_76, %get3A_93, %dot_general3A_94 {dimension_numbers = #tpu.dot_dimension_numbers<[1], [0], [0], [1], [0, 0, 1, 1], [], []>, transpose_lhs_hint = false} : vector<1000x512xf32>, vector<512x64xf32>, vector<1000x64xf32> -> vector<1000x64xf32>
    %get3A_96 = arith.constant 0 : index
    %get3A_97 = arith.constant 0 : index
    %get3A_98 = vector.load %arg7[%get3A_96, %get3A_97] : memref<1x64xf32, #tpu.memory_space<vmem>>, vector<1x64xf32>
    %add3A_99 = vector.broadcast %get3A_98 : vector<1x64xf32> to vector<1000x64xf32>
    %add3A_100 = arith.addf %dot_general3A_95, %add3A_99 : vector<1000x64xf32>
    %swap3A_101 = arith.constant 0 : index
    %swap3A_102 = arith.constant 0 : index
    %swap3A_103 = vector.load %arg10[%swap3A_101, %swap3A_102] : memref<1000x64xf32, #tpu.memory_space<vmem>>, vector<1000x64xf32>
    tpu.vector_store %arg10[%swap3A_101, %swap3A_102], %add3A_100 {strides = array<i32>} : memref<1000x64xf32, #tpu.memory_space<vmem>>, vector<1000x64xf32>,
    return
  }
  func.func @transform_0(%arg0: i32) -> (i32, i32, i32, i32) {
    %c0_i32 = arith.constant 0 : i32
    %c0_i32_0 = arith.constant 0 : i32
    %c0_i32_1 = arith.constant 0 : i32
    %c0_i32_2 = arith.constant 0 : i32
    return %c0_i32, %c0_i32_0, %arg0, %c0_i32_1 : i32, i32, i32, i32
  }
  func.func @transform_1(%arg0: i32) -> (i32, i32) {
    %c0_i32 = arith.constant 0 : i32
    %c0_i32_0 = arith.constant 0 : i32
    return %arg0, %c0_i32 : i32, i32
  }
  func.func @transform_2(%arg0: i32) -> (i32, i32) {
    %c0_i32 = arith.constant 0 : i32
    %c0_i32_0 = arith.constant 0 : i32
    %c0_i32_1 = arith.constant 0 : i32
    return %c0_i32, %c0_i32_0 : i32, i32
  }
  func.func @transform_3(%arg0: i32) -> (i32, i32) {
    %c0_i32 = arith.constant 0 : i32
    %c0_i32_0 = arith.constant 0 : i32
    %c0_i32_1 = arith.constant 0 : i32
    return %c0_i32, %c0_i32_0 : i32, i32
  }
  func.func @transform_4(%arg0: i32) -> (i32, i32) {
    %c0_i32 = arith.constant 0 : i32
    %c0_i32_0 = arith.constant 0 : i32
    %c0_i32_1 = arith.constant 0 : i32
    return %c0_i32, %c0_i32_0 : i32, i32
  }
  func.func @transform_5(%arg0: i32) -> (i32, i32) {
    %c0_i32 = arith.constant 0 : i32
    %c0_i32_0 = arith.constant 0 : i32
    %c0_i32_1 = arith.constant 0 : i32
    return %c0_i32, %c0_i32_0 : i32, i32
  }
  func.func @transform_6(%arg0: i32) -> (i32, i32) {
    %c0_i32 = arith.constant 0 : i32
    %c0_i32_0 = arith.constant 0 : i32
    %c0_i32_1 = arith.constant 0 : i32
    return %c0_i32, %c0_i32_0 : i32, i32
  }
  func.func @transform_7(%arg0: i32) -> (i32, i32) {
    %c0_i32 = arith.constant 0 : i32
    %c0_i32_0 = arith.constant 0 : i32
    return %arg0, %c0_i32 : i32, i32
  }
  func.func @transform_8(%arg0: i32) -> (i32, i32) {
    %c0_i32 = arith.constant 0 : i32
    %c0_i32_0 = arith.constant 0 : i32
    return %arg0, %c0_i32 : i32, i32
  }
  func.func @transform_9(%arg0: i32) -> (i32, i32) {
    %c0_i32 = arith.constant 0 : i32
    %c0_i32_0 = arith.constant 0 : i32
    return %arg0, %c0_i32 : i32, i32
  }
}

module attributes {stable_mosaic.version = 14 : i64} {
  func.func @_stageD_body(%arg0: i32, %arg1: memref<2x1x1000x80xf32, #tpu.memory_space<vmem>>, %arg2: memref<1000x64xf32, #tpu.memory_space<vmem>>, %arg3: memref<1x64xf32, #tpu.memory_space<vmem>>, %arg4: memref<64x32xf32, #tpu.memory_space<vmem>>, %arg5: memref<1x32xf32, #tpu.memory_space<vmem>>, %arg6: memref<1x32xf32, #tpu.memory_space<vmem>>, %arg7: memref<1x32xf32, #tpu.memory_space<vmem>>, %arg8: memref<32x16xf32, #tpu.memory_space<vmem>>, %arg9: memref<1x16xf32, #tpu.memory_space<vmem>>, %arg10: memref<1000x16xf32, #tpu.memory_space<vmem>>) attributes {dimension_semantics = [#tpu.dimension_semantics<parallel>], iteration_bounds = array<i64: 10>, scalar_prefetch = 0 : i64, scratch_operands = 0 : i64, tpu.core_type = #tpu.core_type<tc>, window_params = [{transform_indices = @transform_0, window_bounds = array<i64: 2, 1, 1000, 80>}, {transform_indices = @transform_1, window_bounds = array<i64: 1000, 64>}, {pipeline_mode = #tpu.pipeline_mode<synchronous>, transform_indices = @transform_2, window_bounds = array<i64: 1, 64>}, {pipeline_mode = #tpu.pipeline_mode<synchronous>, transform_indices = @transform_3, window_bounds = array<i64: 64, 32>}, {pipeline_mode = #tpu.pipeline_mode<synchronous>, transform_indices = @transform_4, window_bounds = array<i64: 1, 32>}, {pipeline_mode = #tpu.pipeline_mode<synchronous>, transform_indices = @transform_5, window_bounds = array<i64: 1, 32>}, {pipeline_mode = #tpu.pipeline_mode<synchronous>, transform_indices = @transform_6, window_bounds = array<i64: 1, 32>}, {pipeline_mode = #tpu.pipeline_mode<synchronous>, transform_indices = @transform_7, window_bounds = array<i64: 32, 16>}, {pipeline_mode = #tpu.pipeline_mode<synchronous>, transform_indices = @transform_8, window_bounds = array<i64: 1, 16>}, {transform_indices = @transform_9, window_bounds = array<i64: 1000, 16>}]} {
    %get3A = arith.constant 0 : index
    %get3A_0 = arith.constant 0 : index
    %get3A_1 = arith.constant 0 : index
    %get3A_2 = arith.constant 0 : index
    %get3A_3 = vector.load %arg1[%get3A, %get3A_0, %get3A_1, %get3A_2] : memref<2x1x1000x80xf32, #tpu.memory_space<vmem>>, vector<1x1x1000x80xf32>
    %get3A_4 = vector.shape_cast %get3A_3 : vector<1x1x1000x80xf32> to vector<1000x80xf32>
    %get3A_5 = arith.constant 1 : index
    %get3A_6 = arith.constant 0 : index
    %get3A_7 = arith.constant 0 : index
    %get3A_8 = arith.constant 0 : index
    %get3A_9 = vector.load %arg1[%get3A_5, %get3A_6, %get3A_7, %get3A_8] : memref<2x1x1000x80xf32, #tpu.memory_space<vmem>>, vector<1x1x1000x80xf32>
    %get3A_10 = vector.shape_cast %get3A_9 : vector<1x1x1000x80xf32> to vector<1000x80xf32>
    %add3A = arith.addf %get3A_4, %get3A_10 : vector<1000x80xf32>
    %slice3A = vector.extract_strided_slice %add3A {offsets = [0, 0], sizes = [1000, 64], strides = [1, 1]} : vector<1000x80xf32> to vector<1000x64xf32>
    %slice3A_11 = vector.extract_strided_slice %add3A {offsets = [0, 64], sizes = [1000, 1], strides = [1, 1]} : vector<1000x80xf32> to vector<1000x1xf32>
    %div3A = vector.broadcast %slice3A_11 : vector<1000x1xf32> to vector<1000x64xf32>
    %div3A_12 = arith.divf %slice3A, %div3A : vector<1000x64xf32>
    %get3A_13 = arith.constant 0 : index
    %get3A_14 = arith.constant 0 : index
    %get3A_15 = vector.load %arg3[%get3A_13, %get3A_14] : memref<1x64xf32, #tpu.memory_space<vmem>>, vector<1x64xf32>
    %add3A_16 = vector.broadcast %get3A_15 : vector<1x64xf32> to vector<1000x64xf32>
    %add3A_17 = arith.addf %div3A_12, %add3A_16 : vector<1000x64xf32>
    %gt3A = arith.constant 0.000000e+00 : f32
    %gt3A_18 = vector.broadcast %gt3A : f32 to vector<1000x64xf32>
    %gt3A_19 = arith.cmpf ogt, %add3A_17, %gt3A_18 : vector<1000x64xf32>
    %exp3A = math.exp %add3A_17 : vector<1000x64xf32>
    %sub3A = arith.constant 1.000000e+00 : f32
    %sub3A_20 = vector.broadcast %sub3A : f32 to vector<1000x64xf32>
    %sub3A_21 = arith.subf %exp3A, %sub3A_20 : vector<1000x64xf32>
    %select_n3A = arith.select %gt3A_19, %add3A_17, %sub3A_21 : vector<1000x64xi1>, vector<1000x64xf32>
    %get3A_22 = arith.constant 0 : index
    %get3A_23 = arith.constant 0 : index
    %get3A_24 = vector.load %arg2[%get3A_22, %get3A_23] : memref<1000x64xf32, #tpu.memory_space<vmem>>, vector<1000x64xf32>
    %add3A_25 = arith.addf %select_n3A, %get3A_24 : vector<1000x64xf32>
    %get3A_26 = arith.constant 0 : index
    %get3A_27 = arith.constant 0 : index
    %get3A_28 = vector.load %arg4[%get3A_26, %get3A_27] : memref<64x32xf32, #tpu.memory_space<vmem>>, vector<64x32xf32>
    %dot_general3A = arith.constant dense<0.000000e+00> : vector<1000x32xf32>
    %dot_general3A_29 = tpu.matmul %add3A_25, %get3A_28, %dot_general3A {dimension_numbers = #tpu.dot_dimension_numbers<[1], [0], [0], [1], [0, 0, 1, 1], [], []>, transpose_lhs_hint = false} : vector<1000x64xf32>, vector<64x32xf32>, vector<1000x32xf32> -> vector<1000x32xf32>
    %get3A_30 = arith.constant 0 : index
    %get3A_31 = arith.constant 0 : index
    %get3A_32 = vector.load %arg5[%get3A_30, %get3A_31] : memref<1x32xf32, #tpu.memory_space<vmem>>, vector<1x32xf32>
    %add3A_33 = vector.broadcast %get3A_32 : vector<1x32xf32> to vector<1000x32xf32>
    %add3A_34 = arith.addf %dot_general3A_29, %add3A_33 : vector<1000x32xf32>
    %reduce_sum3A = arith.constant dense<0.000000e+00> : vector<1000xf32>
    %reduce_sum3A_35 = vector.multi_reduction <add>, %add3A_34, %reduce_sum3A [1] : vector<1000x32xf32> to vector<1000xf32>
    %broadcast_in_dim3A = vector.shape_cast %reduce_sum3A_35 : vector<1000xf32> to vector<1000x1xf32>
    %div3A_36 = arith.constant 3.200000e+01 : f32
    %div3A_37 = vector.broadcast %div3A_36 : f32 to vector<1000x1xf32>
    %div3A_38 = arith.divf %broadcast_in_dim3A, %div3A_37 : vector<1000x1xf32>
    %sub3A_39 = vector.broadcast %div3A_38 : vector<1000x1xf32> to vector<1000x32xf32>
    %sub3A_40 = arith.subf %add3A_34, %sub3A_39 : vector<1000x32xf32>
    %integer_pow3A = arith.mulf %sub3A_40, %sub3A_40 : vector<1000x32xf32>
    %reduce_sum3A_41 = arith.constant dense<0.000000e+00> : vector<1000xf32>
    %reduce_sum3A_42 = vector.multi_reduction <add>, %integer_pow3A, %reduce_sum3A_41 [1] : vector<1000x32xf32> to vector<1000xf32>
    %broadcast_in_dim3A_43 = vector.shape_cast %reduce_sum3A_42 : vector<1000xf32> to vector<1000x1xf32>
    %div3A_44 = arith.constant 3.200000e+01 : f32
    %div3A_45 = vector.broadcast %div3A_44 : f32 to vector<1000x1xf32>
    %div3A_46 = arith.divf %broadcast_in_dim3A_43, %div3A_45 : vector<1000x1xf32>
    %sub3A_47 = vector.broadcast %div3A_38 : vector<1000x1xf32> to vector<1000x32xf32>
    %sub3A_48 = arith.subf %add3A_34, %sub3A_47 : vector<1000x32xf32>
    %add3A_49 = arith.constant 9.99999974E-6 : f32
    %add3A_50 = vector.broadcast %add3A_49 : f32 to vector<1000x1xf32>
    %add3A_51 = arith.addf %div3A_46, %add3A_50 : vector<1000x1xf32>
    %sqrt3A = math.sqrt %add3A_51 : vector<1000x1xf32>
    %div3A_52 = vector.broadcast %sqrt3A : vector<1000x1xf32> to vector<1000x32xf32>
    %div3A_53 = arith.divf %sub3A_48, %div3A_52 : vector<1000x32xf32>
    %get3A_54 = arith.constant 0 : index
    %get3A_55 = arith.constant 0 : index
    %get3A_56 = vector.load %arg6[%get3A_54, %get3A_55] : memref<1x32xf32, #tpu.memory_space<vmem>>, vector<1x32xf32>
    %mul3A = vector.broadcast %get3A_56 : vector<1x32xf32> to vector<1000x32xf32>
    %mul3A_57 = arith.mulf %div3A_53, %mul3A : vector<1000x32xf32>
    %get3A_58 = arith.constant 0 : index
    %get3A_59 = arith.constant 0 : index
    %get3A_60 = vector.load %arg7[%get3A_58, %get3A_59] : memref<1x32xf32, #tpu.memory_space<vmem>>, vector<1x32xf32>
    %add3A_61 = vector.broadcast %get3A_60 : vector<1x32xf32> to vector<1000x32xf32>
    %add3A_62 = arith.addf %mul3A_57, %add3A_61 : vector<1000x32xf32>
    %max3A = arith.constant 0.000000e+00 : f32
    %max3A_63 = vector.broadcast %max3A : f32 to vector<1000x32xf32>
    %max3A_64 = arith.maximumf %add3A_62, %max3A_63 : vector<1000x32xf32>
    %get3A_65 = arith.constant 0 : index
    %get3A_66 = arith.constant 0 : index
    %get3A_67 = vector.load %arg8[%get3A_65, %get3A_66] : memref<32x16xf32, #tpu.memory_space<vmem>>, vector<32x16xf32>
    %dot_general3A_68 = arith.constant dense<0.000000e+00> : vector<1000x16xf32>
    %dot_general3A_69 = tpu.matmul %max3A_64, %get3A_67, %dot_general3A_68 {dimension_numbers = #tpu.dot_dimension_numbers<[1], [0], [0], [1], [0, 0, 1, 1], [], []>, transpose_lhs_hint = false} : vector<1000x32xf32>, vector<32x16xf32>, vector<1000x16xf32> -> vector<1000x16xf32>
    %get3A_70 = arith.constant 0 : index
    %get3A_71 = arith.constant 0 : index
    %get3A_72 = vector.load %arg9[%get3A_70, %get3A_71] : memref<1x16xf32, #tpu.memory_space<vmem>>, vector<1x16xf32>
    %add3A_73 = vector.broadcast %get3A_72 : vector<1x16xf32> to vector<1000x16xf32>
    %add3A_74 = arith.addf %dot_general3A_69, %add3A_73 : vector<1000x16xf32>
    %swap3A = arith.constant 0 : index
    %swap3A_75 = arith.constant 0 : index
    %swap3A_76 = vector.load %arg10[%swap3A, %swap3A_75] : memref<1000x16xf32, #tpu.memory_space<vmem>>, vector<1000x16xf32>
    tpu.vector_store %arg10[%swap3A, %swap3A_75], %add3A_74 {strides = array<i32>} : memref<1000x16xf32, #tpu.memory_space<vmem>>, vector<1000x16xf32>,
    return
  }
  func.func @transform_0(%arg0: i32) -> (i32, i32, i32, i32) {
    %c0_i32 = arith.constant 0 : i32
    %c0_i32_0 = arith.constant 0 : i32
    %c0_i32_1 = arith.constant 0 : i32
    %c0_i32_2 = arith.constant 0 : i32
    return %c0_i32, %c0_i32_0, %arg0, %c0_i32_1 : i32, i32, i32, i32
  }
  func.func @transform_1(%arg0: i32) -> (i32, i32) {
    %c0_i32 = arith.constant 0 : i32
    %c0_i32_0 = arith.constant 0 : i32
    return %arg0, %c0_i32 : i32, i32
  }
  func.func @transform_2(%arg0: i32) -> (i32, i32) {
    %c0_i32 = arith.constant 0 : i32
    %c0_i32_0 = arith.constant 0 : i32
    %c0_i32_1 = arith.constant 0 : i32
    return %c0_i32, %c0_i32_0 : i32, i32
  }
  func.func @transform_3(%arg0: i32) -> (i32, i32) {
    %c0_i32 = arith.constant 0 : i32
    %c0_i32_0 = arith.constant 0 : i32
    %c0_i32_1 = arith.constant 0 : i32
    return %c0_i32, %c0_i32_0 : i32, i32
  }
  func.func @transform_4(%arg0: i32) -> (i32, i32) {
    %c0_i32 = arith.constant 0 : i32
    %c0_i32_0 = arith.constant 0 : i32
    %c0_i32_1 = arith.constant 0 : i32
    return %c0_i32, %c0_i32_0 : i32, i32
  }
  func.func @transform_5(%arg0: i32) -> (i32, i32) {
    %c0_i32 = arith.constant 0 : i32
    %c0_i32_0 = arith.constant 0 : i32
    %c0_i32_1 = arith.constant 0 : i32
    return %c0_i32, %c0_i32_0 : i32, i32
  }
  func.func @transform_6(%arg0: i32) -> (i32, i32) {
    %c0_i32 = arith.constant 0 : i32
    %c0_i32_0 = arith.constant 0 : i32
    %c0_i32_1 = arith.constant 0 : i32
    return %c0_i32, %c0_i32_0 : i32, i32
  }
  func.func @transform_7(%arg0: i32) -> (i32, i32) {
    %c0_i32 = arith.constant 0 : i32
    %c0_i32_0 = arith.constant 0 : i32
    %c0_i32_1 = arith.constant 0 : i32
    return %c0_i32, %c0_i32_0 : i32, i32
  }
  func.func @transform_8(%arg0: i32) -> (i32, i32) {
    %c0_i32 = arith.constant 0 : i32
    %c0_i32_0 = arith.constant 0 : i32
    %c0_i32_1 = arith.constant 0 : i32
    return %c0_i32, %c0_i32_0 : i32, i32
  }
  func.func @transform_9(%arg0: i32) -> (i32, i32) {
    %c0_i32 = arith.constant 0 : i32
    %c0_i32_0 = arith.constant 0 : i32
    return %arg0, %c0_i32 : i32, i32
  }
}

</mosaic_0001>

<sc_bundles>
// kernel: kernel.10.cloned.1.call-start
scs
__scs_entry_jumppad:
0x0: {  	(pc) =	sbr.rel $0x88, $3  }
0x1: {  	(tag) =	ssettag $0x0;
	lr =	simm.s32 $0x1  }
0x2: {  	[smem:$0x3F85] =	sst lr;
	_ =	strace $0xD0000000  }
0x3: {  	_ = 	snop  }
0x4: {  	_ = 	snop  }
0x5: {  	_ = 	snop  }
0x6: {  	_ = 	snop  }
0x7: {  	_ = 	snop  }
__scs_overlays_trampoline_lowered:
0x8: {  	[smem:$0x3F94] =	sst s0  }
0x9: {  	[smem:$0x3F95] =	sst s1  }
0xa: {  	[smem:$0x3F96] =	sst s2  }
0xb: {  	[smem:$0x3F97] =	sst s3  }
0xc: {  	[smem:$0x3F98] =	sst s4  }
0xd: {  	[smem:$0x3F99] =	sst s5  }
0xe: {  	[smem:$0x3F9A] =	sst s6  }
0xf: {  	[smem:$0x3F9B] =	sst s7  }
0x10: {  	[smem:$0x3F9C] =	sst s8  }
0x11: {  	[smem:$0x3F9D] =	sst s9;
	s0 =	simm.s32 @!p0 $0x0  }
0x12: {  	s1 =	sld [smem:$0x3F83];
	s0 =	simm.s32 @p0 $0x1  }
0x13: {  	[smem:$0x3F9E] =	sst s0;
	s0 =	simm.s32 @!p1 $0x0  }
0x14: {  	s2 =	sld [smem:$0x3F82];
	s0 =	simm.s32 @p1 $0x1  }
0x15: {  	[smem:$0x3F9F] =	sst s0;
	s0 =	simm.s32 @!p2 $0x0  }
0x16: {  	s3 =	sld [smem:$0x3FDB];
	s0 =	simm.s32 @p2 $0x1  }
0x17: {  	s4 =	simm.s32 $0x1BF5;
	[smem:$0x3FA1] =	sst s0  }
0x18: {  	s0 =	sld [smem:$0x3F84];
	_ =	swait.ge [sflag:s4], $0x0  }
0x19: {  	s7 =	sld [smem:$0x3F85]  }
0x1a: {  	s8 =	sadd.s32 $0xFFFFE003, lr  }
0x1b: {  	s9 =	sadd.s32 $0xFFFFFEF7, lr;
	s5 =	simm.s32 $0xFFFFFFFF;
	p2 =	slt.u32 s8, $0xFFFFF086  }
0x1c: {  	p1 =	slt.u32 s9, $0xF7A;
	s5 =	simm.s32 @!p2 $0x0  }
0x1d: {  	s5 =	simm.s32 @p1 $0x1;
	p0 =	seq.s32 s7, s2  }
0x1e: {  	s7 =	smul.u32 @!p0 $0xF7A, s2;
	p2 =	seq.s32 @!p0 s5, $0x0  }
0x1f: {  	s9 =	smul.u32 $0xF7A, s1;
	s8 =	simm.s32 @!p0 $0x1BF5;
	p2 =	por !p2, p0  }
0x20: {  	[sflag:s8] =	ssyncset.s32 @!p0 $0xFFFFF086;
	s6 =	sadd.s32 @!p0 s3, s7;
	s7 =	simm.s32 @!p0 $0x108  }
0x21: {  	s3 =	sadd.s32 s3, s9;
	s6 =	sadd.s32 @!p0 $0x88, s6;
	s7 =	simm.s32 @p2 $0x1082  }
0x22: {  	[simem:s7], [sflag:s8] =	dma.local @!p0 [hbm:s6], $0xF7A  }
0x23: {  	s9 =	sor.u32 $0xD0000000, s2;
	s6 =	simm.s32 $0x108;
	_ =	swait.ge @!p0 [sflag:s8], $0x0  }
0x24: {  	s3 =	sadd.s32 $0x88, s3;
	s6 =	simm.s32 @!p1 $0x1082;
	[sflag:s4] =	ssyncset.s32 $0xFFFFF086  }
0x25: {  	[simem:s6], [sflag:s4] =	dma.local [hbm:s3], $0xF7A  }
0x26: {  	[smem:$0x3F85] =	sst s1;
	(tag) =	ssettag s2;
	_ =	strace s9  }
0x27: {  	s1 =	sld [smem:$0x3F95]  }
0x28: {  	s2 =	sld [smem:$0x3F96]  }
0x29: {  	s4 =	sld [smem:$0x3F98]  }
0x2a: {  	p0 =	seq.s32 s5, $0x0;
	s5 =	sld [smem:$0x3F99]  }
0x2b: {  	s6 =	sld [smem:$0x3F9A]  }
0x2c: {  	s7 =	sld [smem:$0x3F9B]  }
0x2d: {  	s3 =	simm.s32 $0x108;
	s8 =	sld [smem:$0x3F9C]  }
0x2e: {  	s3 =	simm.s32 @!p0 $0x1082;
	s9 =	sld [smem:$0x3F9D]  }
0x2f: {  	lr =	sadd.s32 s0, s3;
	s0 =	sld [smem:$0x3F94]  }
0x30: {  	s3 =	sld [smem:$0x3F97]  }
0x31: {  	[smem:$0x3FA0] =	sst s10  }
0x32: {  	s10 =	sld [smem:$0x3F9E];
	_ =	sdelay $0x3  }
0x33: {  	p0 =	seq.s32 s10, $0x1;
	s10 =	sld [smem:$0x3FA0];
	_ =	sdelay $0x3  }
0x34: {  	[smem:$0x3FA0] =	sst s10  }
0x35: {  	s10 =	sld [smem:$0x3F9F];
	_ =	sdelay $0x3  }
0x36: {  	p1 =	seq.s32 s10, $0x1;
	s10 =	sld [smem:$0x3FA0];
	_ =	sdelay $0x3  }
0x37: {  	[smem:$0x3FA0] =	sst s10  }
0x38: {  	s10 =	sld [smem:$0x3FA1]  }
0x39: {  	_ = 	snop;
	(pc) =	sbr.ind lr, $3  }
0x3a: {  	_ = 	snop  }
0x3b: {  	_ = 	snop  }
0x3c: {  	p2 =	seq.s32 s10, $0x1;
	s10 =	sld [smem:$0x3FA0]  }
0x3d: {  	_ =	shalt  }
0x3e: {  	_ =	shalt  }
0x3f: {  	_ =	shalt  }
0x40: {  	_ =	shalt  }
0x41: {  	_ =	shalt  }
0x42: {  	_ =	shalt  }
0x43: {  	_ =	shalt  }
0x44: {  	_ =	shalt  }
0x45: {  	_ =	shalt  }
0x46: {  	_ =	shalt  }
0x47: {  	_ =	shalt  }
0x48: {  	_ =	shalt  }
0x49: {  	_ =	shalt  }
0x4a: {  	_ =	shalt  }
0x4b: {  	_ =	shalt  }
0x4c: {  	_ =	shalt  }
0x4d: {  	_ =	shalt  }
0x4e: {  	_ =	shalt  }
0x4f: {  	_ =	shalt  }
0x50: {  	_ =	shalt  }
0x51: {  	_ =	shalt  }
0x52: {  	_ =	shalt  }
0x53: {  	_ =	shalt  }
0x54: {  	_ =	shalt  }
0x55: {  	_ =	shalt  }
0x56: {  	_ =	shalt  }
0x57: {  	_ =	shalt  }
0x58: {  	_ =	shalt  }
0x59: {  	_ =	shalt  }
0x5a: {  	_ =	shalt  }
0x5b: {  	_ =	shalt  }
0x5c: {  	_ =	shalt  }
0x5d: {  	_ =	shalt  }
0x5e: {  	_ =	shalt  }
0x5f: {  	_ =	shalt  }
0x60: {  	_ =	shalt  }
0x61: {  	_ =	shalt  }
0x62: {  	_ =	shalt  }
0x63: {  	_ =	shalt  }
0x64: {  	_ =	shalt  }
0x65: {  	_ =	shalt  }
0x66: {  	_ =	shalt  }
0x67: {  	_ =	shalt  }
0x68: {  	_ =	shalt  }
0x69: {  	_ =	shalt  }
0x6a: {  	_ =	shalt  }
0x6b: {  	_ =	shalt  }
0x6c: {  	_ =	shalt  }
0x6d: {  	_ =	shalt  }
0x6e: {  	_ =	shalt  }
0x6f: {  	_ =	shalt  }
0x70: {  	_ =	shalt  }
0x71: {  	_ =	shalt  }
0x72: {  	_ =	shalt  }
0x73: {  	_ =	shalt  }
0x74: {  	_ =	shalt  }
0x75: {  	_ =	shalt  }
0x76: {  	_ =	shalt  }
0x77: {  	_ =	shalt  }
0x78: {  	_ =	shalt  }
0x79: {  	_ =	shalt  }
0x7a: {  	_ =	shalt  }
0x7b: {  	_ =	shalt  }
0x7c: {  	_ =	shalt  }
0x7d: {  	_ =	shalt  }
0x7e: {  	_ =	shalt  }
0x7f: {  	_ =	shalt  }
0x80: {  	_ =	shalt  }
0x81: {  	_ =	shalt  }
0x82: {  	_ =	shalt  }
0x83: {  	_ =	shalt  }
0x84: {  	_ =	shalt  }
0x85: {  	_ =	shalt  }
0x86: {  	_ =	shalt  }
0x87: {  	_ =	shalt  }
.Lfunc_end0:
.L_simem_size_0:
called_computation.1_lowered:
.L_overlay_start_0:
0x88: {  	s2 =	sld [smem:$0x3FD9]  }
0x89: {  	s3 =	sld [smem:$0x3FFE];
	_ =	sdelay $0x1  }
0x8a: {  	s1 =	srdreg.scid  }
0x8b: {  	s0 =	sand.u32 $0x1, s1  }
0x8c: {  	s17 =	sshll.u32 s0, $0xA;
	s2 =	sadd.s32 s3, s2  }
0x8d: {  	s2 =	sadd.s32 s2, s17  }
0x8e: {  	[smem:$0x3FAC] =	sst s2  }
0x8f: {  	_ = 	snop  }
0x90: {  	s2 =	sld [smem:$0x3FD0];
	(tm) =	ssettm $0x1  }
0x91: {  	s18 =	sld [smem:$0x3FFB];
	_ =	sdelay $0x3  }
0x92: {  	_ =	strace s18  }
0x93: {  	s3 =	sld [smem:$0x3FFC];
	_ =	sdelay $0x3  }
0x94: {  	_ =	strace s3  }
0x95: {  	s3 =	sld [smem:$0x3FFD];
	_ =	sdelay $0x3  }
0x96: {  	_ =	strace s3  }
0x97: {  	_ =	strace $0x8FFFFFFF  }
0x98: {  	s19 =	sld [smem:$0x3FDB];
	_ =	sdelay $0x1  }
0x99: {  	s4 =	simm.s32 $_scs_section_size  }
0x9a: {  	s5 =	simm.s32 $_size__tile_overlayer_lowered;
	s6 =	simm.s32 $_tile_overlayer_lowered  }
0x9b: {  	s22 =	simm.s32 $0x1BFF;
	s21 =	sshll.u32 s6, $0x1;
	s3 =	sadd.s32 s4, s19  }
0x9c: {  	s7 =	simm.s32 $0x0;
	s20 =	sshll.u32 s5, $0x1;
	s5 =	sadd.s32 s21, s3  }
0x9d: {  	[timem:s7], [sflag:s22] =	dma.local [hbm:s5], s20  }
0x9e: {  	_ =	swait.ge [sflag:s22], s20  }
0x9f: {  	s4 =	ssub.s32 $0x0, s20;
	[sflag:s22] =	ssyncset.done $0x0  }
0xa0: {  	[sflag:s22] =	ssyncadd.s32 s4;
	_ =	sdelay $0x1  }
0xa1: {  	s23 =	simm.s32 $0x1B8B  }
0xa2: {  	_ =	swait.ge [sflag:s23], $0x1  }
0xa3: {  	[sflag:s23] =	ssyncset.done $0x0  }
0xa4: {  	s25 =	simm.s32 $0x1B8E;
	s24 =	sld [smem:$0x3FFE];
	[sflag:s23] =	ssyncadd.s32 $0xFFFFFFFF  }
0xa5: {  	s26 =	simm.s32 $execute0_lowered;
	[smem:$0x3FD2] =	sst s25  }
0xa6: {  	s5 =	sshll.u32 s26, $0x1;
	_ =	strace $0x80000049;
	[dreg:$0x1] =	wrdreg $0xFFFFFFFF  }
0xa7: {  	s28 =	simm.s32 $_size_execute0_lowered;
	s3 =	sadd.s32 s3, s5;
	[dreg:$0x0] =	wrdreg $0x0  }
0xa8: {  	s5 =	sshll.u32 s28, $0x1;
	[dreg:$0x2] =	wrdreg s3  }
0xa9: {  	[dreg:$0x3] =	wrdreg s5  }
0xaa: {  	[dreg:$0x4] =	wrdreg $0xC0  }
0xab: {  	_ =	task [dreg:s7], $0x5FFFF  }
0xac: {  	[dreg:$0x1] =	wrdreg $0xFFFFFFFF  }
0xad: {  	[dreg:$0x0] =	wrdreg $0x60  }
0xae: {  	[dreg:$0x2] =	wrdreg s24  }
0xaf: {  	[dreg:$0x3] =	wrdreg s2  }
0xb0: {  	[dreg:$0x4] =	wrdreg $0x78400  }
0xb1: {  	[dreg:$0x5] =	wrdreg $0x9  }
0xb2: {  	_ =	task.clear_ibuf [dreg:s7], $0x6FFFF;
	_ =	strace $0x90000049  }
0xb3: {  	s29 =	simm.s32 $0x9;
	_ =	strace $0x8000004B  }
0xb4: {  	_ =	swait.ge [sflag:s29], $0x1  }
0xb5: {  	[sflag:s29] =	ssyncadd.s32 $0xFFFFFFFF  }
0xb6: {  	_ =	strace $0x9000004B  }
0xb7: {  	_ =	sfence  }
0xb8: {  	s30 =	sld [smem:$0x0];
	_ =	sdelay $0x2  }
0xb9: {  	s31 =	sshll.u32 s1, $0xD;
	s1 =	sshrl.u32 s1, $0x2  }
0xba: {  	s3 =	sand.u32 $0x4000, s31;
	s1 =	sadd.s32 s1, s30  }
0xbb: {  	s0 =	sor.u32 s3, s0;
	s1 =	sshll.u32 s1, $0x11  }
0xbc: {  	s0 =	sor.u32 s1, s0  }
0xbd: {  	s0 =	sadd.s32 $0x8F2B, s0  }
0xbe: {  	[sflag:s0] =	ssyncadd.remote.s32 $0x1  }
0xbf: {  	_ =	sfence.sel $0xFFFF  }
0xc0: {  	[dreg:$0x0] =	wrdreg $0xFFFFFFFF;
	(pc) =	sbr.abs _section_cstart, $3  }
0xc1: {  	[dreg:$0x1] =	wrdreg $0xFFFFFFFF  }
0xc2: {  	_ =	task.clear_ibuf [dreg:s7], $0x2FFFF;
	_ =	strace $0x9FFFFFFF  }
0xc3: {  	(tm) =	ssettm $0x7FFFFFFF  }
tec
execute0_lowered:
.L_overlay_start_1:
0x0: {  	(tag) =	ssettag $0x1  }
0x1: {  	s8 =	rddreg [dreg:$0x0]  }
0x2: {  	s2 =	rddreg [dreg:$0x1]  }
0x3: {  	s3 =	rddreg [dreg:$0x2]  }
0x4: {  	s0 =	rddreg [dreg:$0x3];
	s4 =	simm.s32 $0x0;
	s1 =	stileid.u32  }
0x5: {  	s5 =	srdreg.scid;
	s15 =	simm.s32 $0x28E0;
	s18 =	simm.s32 $0x100  }
0x6: {  	s19 =	simm.s32 $0x80;
	s20 =	simm.s32 $0x5040;
	s21 =	simm.s32 $0x1  }
0x7: {  	s22 =	simm.s32 $0x0;
	[smem:$0x7FF] =	sst s4;
	s9 =	smul.u32 $0xC4E0, s1  }
0x8: {  	s10 =	sand.u32 $0x1, s5;
	s5 =	sadd.s32 $0x8E00, s8;
	s6 =	sadd.s32 $0x3A00, s8  }
0x9: {  	s7 =	sadd.s32 $0xE200, s8;
	s16 =	sshll.u32 s1, $0x6;
	_ =	strace $0x8000004A  }
0xa: {  	s11 =	smul.u32 $0xC4E00, s10;
	s13 =	ssub.s32 $0x2, s10;
	s31 =	sshll.u32 s10, $0x4  }
0xb: {  	s16 =	sor.u32 $0x1C02, s16;
	s12 =	sshrl.u32 s9, $0x3;
	s14 =	sshrl.u32 s13, $0x1  }
0xc: {  	s10 =	sor.u32 s1, s31;
	s17 =	sadd.s32 s9, s3;
	s11 =	sadd.s32 s9, s11  }
0xd: {  	s12 =	sadd.s32 s12, s8;
	s13 =	ssub.s32 s13, s14;
	s10 =	smul.u32 $0x1500, s10  }
0xe: {  	s14 =	simm.s32 $0x2;
	s17 =	sshrl.u32 s17, $0x3;
	s11 =	sshrl.u32 s11, $0x3  }
0xf: {  	s9 =	sadd.s32 $0x26C00, s12;
	s12 =	smax.u32 s13, $0x1;
	s11 =	sadd.s32 s11, s8  }
0x10: {  	s13 =	simm.s32 $0x180;
	s8 =	sadd.s32 $0x4EC, s2;
	s11 =	sadd.s32 $0x3F600, s11  }
.LBB2_1:
0x11: {  	[tilespmem:s13], [sflag:$0x2] =	stream.linear.gather [hbm4b:s2+s4], $0x2760, $0x38;
	[tilespmem:$0x13D20] =	vst v63  }
0x12: {  	_ =	swait.ge [sflag:s14], $0x2760  }
0x13: {  	[sflag:s14] =	ssyncset.done $0x0  }
0x14: {  	[sflag:s14] =	ssyncadd.s32 $0xFFFFD8A0  }
0x15: {  	[tilespmem:s15], [sflag:$0x2] =	stream.linear.gather [hbm4b:s8+s4], $0x2760, $0x38;
	[tilespmem:$0x13D20] =	vst v63  }
0x16: {  	_ =	swait.ge [sflag:s14], $0x2760  }
0x17: {  	[sflag:s14] =	ssyncset.done $0x0  }
0x18: {  	[sflag:s14] =	ssyncadd.s32 $0xFFFFD8A0  }
0x19: {  	[spmem:s17], [sflag:s16] =	dma.local [hbm:s9], $0x189C  }
0x1a: {  	_ =	swait.ge [sflag:s14], $0x189C  }
0x1b: {  	[sflag:s14] =	ssyncset.done $0x0  }
0x1c: {  	[sflag:s14] =	ssyncadd.s32 $0xFFFFE764  }
0x1d: {  	s23 =	simm.s32 $0x0;
	[bflag:$0x0] =	sbarrier.arrive $0xFFFF  }
.LBB2_2:
0x1e: {  	s24 =	sshll.u32 s23, $0x7  }
0x1f: {  	s24 =	sadd.s32 s10, s24  }
0x20: {  	s25 =	sshrl.u32 s24, $0x3  }
0x21: {  	s24 =	simm.s32 $0x0;
	s26 =	sadd.s32 s5, s25  }
0x22: {  	[tilespmem:s24], [sflag:$0x2] =	stream.linear.gather [hbm4b:s26+s24], $0x80, $0x38;
	[tilespmem:$0x13D20] =	vst v63  }
0x23: {  	_ =	swait.ge [sflag:s14], $0x80  }
0x24: {  	[sflag:s14] =	ssyncset.done $0x0  }
0x25: {  	s25 =	sadd.s32 s6, s25;
	[sflag:s14] =	ssyncadd.s32 $0xFFFFFF80  }
0x26: {  	[tilespmem:s18], [sflag:$0x2] =	stream.linear.gather [hbm4b:s25+s24], $0x80, $0x38;
	[tilespmem:$0x13D20] =	vst v63  }
0x27: {  	_ =	swait.ge [sflag:s14], $0x80  }
0x28: {  	[sflag:s14] =	ssyncset.done $0x0  }
0x29: {  	[sflag:s14] =	ssyncadd.s32 $0xFFFFFF80  }
0x2a: {  	v0 =	vld [tilespmem:$0x0]  }
0x2b: {  	v1 =	vld [tilespmem:$0x10]  }
0x2c: {  	v2 =	vld [tilespmem:$0x20]  }
0x2d: {  	v3 =	vld [tilespmem:$0x30]  }
0x2e: {  	v4 =	vld [tilespmem:$0x40]  }
0x2f: {  	v61 =	vld [tilespmem:$0x50];
	[tilespmem:$0x80] =	vst v0  }
0x30: {  	v62 =	vld [tilespmem:$0x60];
	[tilespmem:$0x90] =	vst v1  }
0x31: {  	v63 =	vld [tilespmem:$0x70];
	[tilespmem:$0xA0] =	vst v2  }
0x32: {  	[tilespmem:$0xB0] =	vst v3  }
0x33: {  	[tilespmem:$0xC0] =	vst v4  }
0x34: {  	[tilespmem:$0xD0] =	vst v61  }
0x35: {  	[tilespmem:$0xE0] =	vst v62  }
0x36: {  	[tilespmem:$0xF0] =	vst v63  }
0x37: {  	[tilespmem:s20], [sflag:$0x1] =	stream.indirect.gather [hbm4b:s7+s19], $0x50, s19, s19, $0xb8;
	[tilespmem:$0x13D20] =	vst v63  }
0x38: {  	_ =	swait.ge [sflag:s21], $0x2800  }
0x39: {  	[sflag:s21] =	ssyncset.done $0x0  }
0x3a: {  	s25 =	simm.s32 $0x52C0;
	[sflag:s21] =	ssyncadd.s32 $0xFFFFD800  }
.LBB2_3:
0x3b: {  	s26 =	sshra.s32 s24, $0x2  }
0x3c: {  	v0 =	vld [tilespmem:s26+$0x0]  }
0x3d: {  	v1 =	vld [tilespmem:s26+$0x100];
	_ =	sdelay $0x6  }
0x3e: {  	v0 =	vld.idx.msk [tilespmem:v0+s13+$0x0], $0xffff  }
0x3f: {  	v1 =	vld.idx.msk [tilespmem:v1+s15+$0x0], $0xffff;
	_ =	sdelay $0x4  }
0x40: {  	v0 =	vadd.f32 v1, v0;
	_ =	sdelay $0x1  }
0x41: {  	v1 =	vmul.f32 $2.000000030e-01, v0  }
0x42: {  	vm0 =	vge.f32 v0, $0.0e+00  }
0x43: {  	v0 =	vsel vm0, v0, v1  }
0x44: {  	v0 =	vmul.f32 $1.442695020e+00, v0;
	_ =	sdelay $0x1  }
0x45: {  	(erf) = vpow2.f32 v0;
	_ =	sdelay $0x6  }
0x46: {  	v30 =	vld [tilespmem:s25+$0xFFFFFD80];
	_ =	sdelay $0x1  }
0x47: {  	v31 =	vld [tilespmem:s25+$0xFFFFFD90];
	v0 =	vpop (erf)  }
0x48: {  	v2 =	vbroadcast v0, $0x0  }
0x49: {  	v32 =	vld [tilespmem:s25+$0xFFFFFDA0]  }
0x4a: {  	v1 =	vmul.f32 v2, v30  }
0x4b: {  	v33 =	vld [tilespmem:s25+$0xFFFFFDB0]  }
0x4c: {  	[tilespmem:s25+$0xFFFFFD80] =	vst v1;
	v1 =	vmul.f32 v2, v31  }
0x4d: {  	v34 =	vld [tilespmem:s25+$0xFFFFFDC0]  }
0x4e: {  	[tilespmem:s25+$0xFFFFFD90] =	vst v1;
	v1 =	vmul.f32 v2, v32  }
0x4f: {  	v35 =	vld [tilespmem:s25+$0xFFFFFDD0]  }
0x50: {  	[tilespmem:s25+$0xFFFFFDA0] =	vst v1;
	v1 =	vmul.f32 v33, v2  }
0x51: {  	v37 =	vld [tilespmem:s25+$0xFFFFFDE0]  }
0x52: {  	v36 =	vbroadcast v0, $0x1;
	[tilespmem:s25+$0xFFFFFDB0] =	vst v1;
	v1 =	vmul.f32 v34, v2  }
0x53: {  	v38 =	vld [tilespmem:s25+$0xFFFFFDF0]  }
0x54: {  	[tilespmem:s25+$0xFFFFFDC0] =	vst v1;
	v1 =	vmul.f32 v35, v36  }
0x55: {  	v39 =	vld [tilespmem:s25+$0xFFFFFE00]  }
0x56: {  	[tilespmem:s25+$0xFFFFFDD0] =	vst v1;
	v1 =	vmul.f32 v37, v36  }
0x57: {  	v40 =	vld [tilespmem:s25+$0xFFFFFE10]  }
0x58: {  	[tilespmem:s25+$0xFFFFFDE0] =	vst v1;
	v1 =	vmul.f32 v38, v36  }
0x59: {  	v41 =	vld [tilespmem:s25+$0xFFFFFE20]  }
0x5a: {  	[tilespmem:s25+$0xFFFFFDF0] =	vst v1;
	v1 =	vmul.f32 v39, v36  }
0x5b: {  	v43 =	vld [tilespmem:s25+$0xFFFFFE30]  }
0x5c: {  	v42 =	vbroadcast v0, $0x2;
	[tilespmem:s25+$0xFFFFFE00] =	vst v1;
	v1 =	vmul.f32 v40, v36  }
0x5d: {  	v44 =	vld [tilespmem:s25+$0xFFFFFE40]  }
0x5e: {  	[tilespmem:s25+$0xFFFFFE10] =	vst v1;
	v1 =	vmul.f32 v41, v42  }
0x5f: {  	v45 =	vld [tilespmem:s25+$0xFFFFFE50]  }
0x60: {  	[tilespmem:s25+$0xFFFFFE20] =	vst v1;
	v1 =	vmul.f32 v43, v42  }
0x61: {  	v46 =	vld [tilespmem:s25+$0xFFFFFE60]  }
0x62: {  	[tilespmem:s25+$0xFFFFFE30] =	vst v1;
	v1 =	vmul.f32 v44, v42  }
0x63: {  	v47 =	vld [tilespmem:s25+$0xFFFFFE70]  }
0x64: {  	[tilespmem:s25+$0xFFFFFE40] =	vst v1;
	v1 =	vmul.f32 v45, v42  }
0x65: {  	v49 =	vld [tilespmem:s25+$0xFFFFFE80]  }
0x66: {  	v48 =	vbroadcast v0, $0x3;
	[tilespmem:s25+$0xFFFFFE50] =	vst v1;
	v1 =	vmul.f32 v46, v42  }
0x67: {  	v50 =	vld [tilespmem:s25+$0xFFFFFE90]  }
0x68: {  	[tilespmem:s25+$0xFFFFFE60] =	vst v1;
	v1 =	vmul.f32 v47, v48  }
0x69: {  	v51 =	vld [tilespmem:s25+$0xFFFFFEA0]  }
0x6a: {  	[tilespmem:s25+$0xFFFFFE70] =	vst v1;
	v1 =	vmul.f32 v49, v48  }
0x6b: {  	v52 =	vld [tilespmem:s25+$0xFFFFFEB0]  }
0x6c: {  	[tilespmem:s25+$0xFFFFFE80] =	vst v1;
	v1 =	vmul.f32 v50, v48  }
0x6d: {  	v53 =	vld [tilespmem:s25+$0xFFFFFEC0]  }
0x6e: {  	[tilespmem:s25+$0xFFFFFE90] =	vst v1;
	v1 =	vmul.f32 v51, v48  }
0x6f: {  	v55 =	vld [tilespmem:s25+$0xFFFFFED0]  }
0x70: {  	v54 =	vbroadcast v0, $0x4;
	[tilespmem:s25+$0xFFFFFEA0] =	vst v1;
	v1 =	vmul.f32 v52, v48  }
0x71: {  	v56 =	vld [tilespmem:s25+$0xFFFFFEE0]  }
0x72: {  	[tilespmem:s25+$0xFFFFFEB0] =	vst v1;
	v1 =	vmul.f32 v53, v54  }
0x73: {  	v57 =	vld [tilespmem:s25+$0xFFFFFEF0]  }
0x74: {  	[tilespmem:s25+$0xFFFFFEC0] =	vst v1;
	v1 =	vmul.f32 v55, v54  }
0x75: {  	v58 =	vld [tilespmem:s25+$0xFFFFFF00]  }
0x76: {  	[tilespmem:s25+$0xFFFFFED0] =	vst v1;
	v1 =	vmul.f32 v56, v54  }
0x77: {  	v59 =	vld [tilespmem:s25+$0xFFFFFF10]  }
0x78: {  	[tilespmem:s25+$0xFFFFFEE0] =	vst v1;
	v1 =	vmul.f32 v57, v54  }
0x79: {  	v61 =	vld [tilespmem:s25+$0xFFFFFF20]  }
0x7a: {  	v60 =	vbroadcast v0, $0x5;
	[tilespmem:s25+$0xFFFFFEF0] =	vst v1;
	v1 =	vmul.f32 v58, v54  }
0x7b: {  	v62 =	vld [tilespmem:s25+$0xFFFFFF30]  }
0x7c: {  	[tilespmem:s25+$0xFFFFFF00] =	vst v1;
	v1 =	vmul.f32 v59, v60  }
0x7d: {  	v63 =	vld [tilespmem:s25+$0xFFFFFF40]  }
0x7e: {  	[tilespmem:s25+$0xFFFFFF10] =	vst v1;
	v1 =	vmul.f32 v61, v60  }
0x7f: {  	v4 =	vld [tilespmem:s25+$0xFFFFFF50]  }
0x80: {  	[tilespmem:s25+$0xFFFFFF20] =	vst v1;
	v1 =	vmul.f32 v62, v60  }
0x81: {  	v5 =	vld [tilespmem:s25+$0xFFFFFF60]  }
0x82: {  	[tilespmem:s25+$0xFFFFFF30] =	vst v1;
	v1 =	vmul.f32 v63, v60  }
0x83: {  	v7 =	vld [tilespmem:s25+$0xFFFFFF70]  }
0x84: {  	v6 =	vbroadcast v0, $0x6;
	[tilespmem:s25+$0xFFFFFF40] =	vst v1;
	v1 =	vmul.f32 v4, v60  }
0x85: {  	v8 =	vld [tilespmem:s25+$0xFFFFFF80]  }
0x86: {  	[tilespmem:s25+$0xFFFFFF50] =	vst v1;
	v1 =	vmul.f32 v5, v6  }
0x87: {  	v9 =	vld [tilespmem:s25+$0xFFFFFF90]  }
0x88: {  	[tilespmem:s25+$0xFFFFFF60] =	vst v1;
	v1 =	vmul.f32 v7, v6  }
0x89: {  	v10 =	vld [tilespmem:s25+$0xFFFFFFA0]  }
0x8a: {  	[tilespmem:s25+$0xFFFFFF70] =	vst v1;
	v1 =	vmul.f32 v8, v6  }
0x8b: {  	v11 =	vld [tilespmem:s25+$0xFFFFFFB0]  }
0x8c: {  	[tilespmem:s25+$0xFFFFFF80] =	vst v1;
	v1 =	vmul.f32 v9, v6  }
0x8d: {  	v13 =	vld [tilespmem:s25+$0xFFFFFFC0]  }
0x8e: {  	v12 =	vbroadcast v0, $0x7;
	[tilespmem:s25+$0xFFFFFF90] =	vst v1;
	v1 =	vmul.f32 v10, v6  }
0x8f: {  	v14 =	vld [tilespmem:s25+$0xFFFFFFD0]  }
0x90: {  	[tilespmem:s25+$0xFFFFFFA0] =	vst v1;
	v1 =	vmul.f32 v11, v12  }
0x91: {  	v15 =	vld [tilespmem:s25+$0xFFFFFFE0]  }
0x92: {  	[tilespmem:s25+$0xFFFFFFB0] =	vst v1;
	v1 =	vmul.f32 v13, v12  }
0x93: {  	v16 =	vld [tilespmem:s25+$0xFFFFFFF0]  }
0x94: {  	[tilespmem:s25+$0xFFFFFFC0] =	vst v1;
	v1 =	vmul.f32 v14, v12  }
0x95: {  	v17 =	vld [tilespmem:s25+$0x0]  }
0x96: {  	[tilespmem:s25+$0xFFFFFFD0] =	vst v1;
	v1 =	vmul.f32 v15, v12  }
0x97: {  	v19 =	vld [tilespmem:s25+$0x10]  }
0x98: {  	v18 =	vbroadcast v0, $0x8;
	[tilespmem:s25+$0xFFFFFFE0] =	vst v1;
	v1 =	vmul.f32 v16, v12  }
0x99: {  	v20 =	vld [tilespmem:s25+$0x20]  }
0x9a: {  	[tilespmem:s25+$0xFFFFFFF0] =	vst v1;
	v1 =	vmul.f32 v17, v18  }
0x9b: {  	v21 =	vld [tilespmem:s25+$0x30]  }
0x9c: {  	[tilespmem:s25+$0x0] =	vst v1;
	v1 =	vmul.f32 v19, v18  }
0x9d: {  	v22 =	vld [tilespmem:s25+$0x40]  }
0x9e: {  	[tilespmem:s25+$0x10] =	vst v1;
	v1 =	vmul.f32 v20, v18  }
0x9f: {  	v23 =	vld [tilespmem:s25+$0x50]  }
0xa0: {  	[tilespmem:s25+$0x20] =	vst v1;
	v1 =	vmul.f32 v21, v18  }
0xa1: {  	v25 =	vld [tilespmem:s25+$0x60]  }
0xa2: {  	v24 =	vbroadcast v0, $0x9;
	[tilespmem:s25+$0x30] =	vst v1;
	v1 =	vmul.f32 v22, v18  }
0xa3: {  	v26 =	vld [tilespmem:s25+$0x70]  }
0xa4: {  	[tilespmem:s25+$0x40] =	vst v1;
	v1 =	vmul.f32 v23, v24  }
0xa5: {  	v27 =	vld [tilespmem:s25+$0x80]  }
0xa6: {  	[tilespmem:s25+$0x50] =	vst v1;
	v1 =	vmul.f32 v25, v24  }
0xa7: {  	v28 =	vld [tilespmem:s25+$0x90]  }
0xa8: {  	[tilespmem:s25+$0x60] =	vst v1;
	v1 =	vmul.f32 v26, v24  }
0xa9: {  	v29 =	vld [tilespmem:s25+$0xA0]  }
0xaa: {  	[tilespmem:s25+$0x70] =	vst v1;
	v1 =	vmul.f32 v27, v24  }
0xab: {  	v31 =	vld [tilespmem:s25+$0xB0]  }
0xac: {  	v30 =	vbroadcast v0, $0xA;
	[tilespmem:s25+$0x80] =	vst v1;
	v1 =	vmul.f32 v28, v24  }
0xad: {  	v32 =	vld [tilespmem:s25+$0xC0]  }
0xae: {  	[tilespmem:s25+$0x90] =	vst v1;
	v1 =	vmul.f32 v29, v30  }
0xaf: {  	v33 =	vld [tilespmem:s25+$0xD0]  }
0xb0: {  	[tilespmem:s25+$0xA0] =	vst v1;
	v1 =	vmul.f32 v31, v30  }
0xb1: {  	v34 =	vld [tilespmem:s25+$0xE0]  }
0xb2: {  	[tilespmem:s25+$0xB0] =	vst v1;
	v1 =	vmul.f32 v32, v30  }
0xb3: {  	v35 =	vld [tilespmem:s25+$0xF0]  }
0xb4: {  	[tilespmem:s25+$0xC0] =	vst v1;
	v1 =	vmul.f32 v33, v30  }
0xb5: {  	v37 =	vld [tilespmem:s25+$0x100]  }
0xb6: {  	v36 =	vbroadcast v0, $0xB;
	[tilespmem:s25+$0xD0] =	vst v1;
	v1 =	vmul.f32 v34, v30  }
0xb7: {  	v38 =	vld [tilespmem:s25+$0x110]  }
0xb8: {  	[tilespmem:s25+$0xE0] =	vst v1;
	v1 =	vmul.f32 v35, v36  }
0xb9: {  	v39 =	vld [tilespmem:s25+$0x120]  }
0xba: {  	[tilespmem:s25+$0xF0] =	vst v1;
	v1 =	vmul.f32 v37, v36  }
0xbb: {  	v40 =	vld [tilespmem:s25+$0x130]  }
0xbc: {  	[tilespmem:s25+$0x100] =	vst v1;
	v1 =	vmul.f32 v38, v36  }
0xbd: {  	v41 =	vld [tilespmem:s25+$0x140]  }
0xbe: {  	[tilespmem:s25+$0x110] =	vst v1;
	v1 =	vmul.f32 v39, v36  }
0xbf: {  	v43 =	vld [tilespmem:s25+$0x150]  }
0xc0: {  	v42 =	vbroadcast v0, $0xC;
	[tilespmem:s25+$0x120] =	vst v1;
	v1 =	vmul.f32 v40, v36  }
0xc1: {  	v44 =	vld [tilespmem:s25+$0x160]  }
0xc2: {  	[tilespmem:s25+$0x130] =	vst v1;
	v1 =	vmul.f32 v41, v42  }
0xc3: {  	v45 =	vld [tilespmem:s25+$0x170]  }
0xc4: {  	[tilespmem:s25+$0x140] =	vst v1;
	v1 =	vmul.f32 v43, v42  }
0xc5: {  	v46 =	vld [tilespmem:s25+$0x180]  }
0xc6: {  	[tilespmem:s25+$0x150] =	vst v1;
	v1 =	vmul.f32 v44, v42  }
0xc7: {  	v47 =	vld [tilespmem:s25+$0x190]  }
0xc8: {  	[tilespmem:s25+$0x160] =	vst v1;
	v1 =	vmul.f32 v45, v42  }
0xc9: {  	v49 =	vld [tilespmem:s25+$0x1A0]  }
0xca: {  	v48 =	vbroadcast v0, $0xD;
	[tilespmem:s25+$0x170] =	vst v1;
	v1 =	vmul.f32 v46, v42  }
0xcb: {  	v50 =	vld [tilespmem:s25+$0x1B0]  }
0xcc: {  	[tilespmem:s25+$0x180] =	vst v1;
	v1 =	vmul.f32 v47, v48  }
0xcd: {  	v51 =	vld [tilespmem:s25+$0x1C0]  }
0xce: {  	[tilespmem:s25+$0x190] =	vst v1;
	v1 =	vmul.f32 v49, v48  }
0xcf: {  	v52 =	vld [tilespmem:s25+$0x1D0]  }
0xd0: {  	[tilespmem:s25+$0x1A0] =	vst v1;
	v1 =	vmul.f32 v50, v48  }
0xd1: {  	v53 =	vld [tilespmem:s25+$0x1E0]  }
0xd2: {  	[tilespmem:s25+$0x1B0] =	vst v1;
	v1 =	vmul.f32 v51, v48  }
0xd3: {  	v55 =	vld [tilespmem:s25+$0x1F0]  }
0xd4: {  	v54 =	vbroadcast v0, $0xE;
	[tilespmem:s25+$0x1C0] =	vst v1;
	v1 =	vmul.f32 v52, v48  }
0xd5: {  	v56 =	vld [tilespmem:s25+$0x200]  }
0xd6: {  	[tilespmem:s25+$0x1D0] =	vst v1;
	v1 =	vmul.f32 v53, v54  }
0xd7: {  	v57 =	vld [tilespmem:s25+$0x210]  }
0xd8: {  	[tilespmem:s25+$0x1E0] =	vst v1;
	v1 =	vmul.f32 v55, v54  }
0xd9: {  	v58 =	vld [tilespmem:s25+$0x220]  }
0xda: {  	[tilespmem:s25+$0x1F0] =	vst v1;
	v1 =	vmul.f32 v56, v54  }
0xdb: {  	v59 =	vld [tilespmem:s25+$0x230]  }
0xdc: {  	[tilespmem:s25+$0x200] =	vst v1;
	v1 =	vmul.f32 v57, v54  }
0xdd: {  	v60 =	vld [tilespmem:s25+$0x240]  }
0xde: {  	v0 =	vbroadcast v0, $0xF;
	[tilespmem:s25+$0x210] =	vst v1;
	v1 =	vmul.f32 v58, v54  }
0xdf: {  	v61 =	vld [tilespmem:s25+$0x250]  }
0xe0: {  	[tilespmem:s25+$0x220] =	vst v1;
	v1 =	vmul.f32 v59, v0  }
0xe1: {  	v62 =	vld [tilespmem:s25+$0x260]  }
0xe2: {  	v63 =	vld [tilespmem:s25+$0x270];
	[tilespmem:s25+$0x230] =	vst v1;
	v1 =	vmul.f32 v60, v0;
	_ =	sdelay $0x1  }
0xe3: {  	p0 =	sne.s32 s24, $0x1C0;
	[tilespmem:s25+$0x240] =	vst v1;
	v1 =	vmul.f32 v61, v0  }
.Ltmp0:
0xe4: {  	_ = 	snop;
	(pc) =	sbr.rel @p0 .LBB2_3-.Ltmp0, $4  }
0xe5: {  	[tilespmem:s25+$0x250] =	vst v1;
	v1 =	vmul.f32 v62, v0  }
0xe6: {  	v0 =	vmul.f32 v63, v0  }
0xe7: {  	[tilespmem:s25+$0x260] =	vst v1  }
0xe8: {  	s24 =	sadd.s32 $0x40, s24;
	[tilespmem:s25+$0x270] =	vst v0;
	s25 =	sadd.s32 $0x500, s25  }
0xe9: {  	s23 =	sadd.s32 $0x1, s23  }
0xea: {  	p0 =	sne.s32 s23, $0x2A  }
.Ltmp1:
0xeb: {  	_ = 	snop;
	(pc) =	sbr.rel @p0 .LBB2_2-.Ltmp1, $4  }
0xec: {  	[spmem:s3] =	stream.indirect.scatter.add.f32 [tilespmem:s20], [sflag:$0x2], $0x50, s18, s19, $0xb8;
	[tilespmem:$0x13D20] =	vst v63  }
0xed: {  	_ =	swait.ge [sflag:s14], $0x2800  }
0xee: {  	[sflag:s14] =	ssyncset.done $0x0  }
0xef: {  	[sflag:s14] =	ssyncadd.s32 $0xFFFFD800  }
0xf0: {  	[bflag:$0x0] =	sbarrier.arrive $0xFFFF;
	s22 =	sadd.s32 $0x1, s22  }
0xf1: {  	[hbm:s11], [sflag:s16] =	dma.local [spmem:s17], $0x189C  }
0xf2: {  	p0 =	sne.s32 s22, s12  }
.Ltmp2:
0xf3: {  	_ =	swait.ge [sflag:s14], $0x189C;
	(pc) =	sbr.rel @p0 .LBB2_1-.Ltmp2, $3  }
0xf4: {  	[sflag:s14] =	ssyncset.done $0x0  }
0xf5: {  	[sflag:s14] =	ssyncadd.s32 $0xFFFFE764  }
0xf6: {  	[bflag:$0x0] =	sbarrier.arrive $0xFFFF;
	_ =	sdelay $0x1  }
0xf7: {  	_ =	sfence.sel $0x180000  }
0xf8: {  	[bflag:$0x0] =	sbarrier.arrive $0xFFFF  }
0xf9: {  	p0 =	sne.s32 s1, $0x0;
	_ =	strace $0x9000004A  }
0xfa: {  	s0 =	sadd.s32 @!p0 $0x100000, s0;
	[bflag:$0x2] =	sbarrier.arrive $0xFFFF  }
0xfb: {  	[sflag:s0] =	ssyncadd.tile.s32 @!p0 $0x1;
	_ =	shalt  }
.Lfunc_end2:
_tile_overlayer_lowered:
.L_overlay_start_2:
0xfc: {  	(tag) =	ssettag $0x2  }
0xfd: {  	s0 =	rddreg [dreg:$0x0];
	s2 =	stileid.u32  }
0xfe: {  	s1 =	rddreg [dreg:$0x1];
	p0 =	sne.s32 s2, $0x0  }
0xff: {  	s3 =	rddreg [dreg:$0x2];
	[bflag:$0x3] =	sbarrier.arrive $0xFFFF;
	s2 =	simm.s32 @!p0 $0x1C02  }
0x100: {  	[timem:s3], [sflag:s2] =	dma.local @!p0 [hbm:s0], s1  }
0x101: {  	s0 =	simm.s32 @!p0 $0x2  }
0x102: {  	_ =	swait.ge @!p0 [sflag:s0], s1  }
0x103: {  	s1 =	ssub.s32 @!p0 $0x0, s1;
	[sflag:s0] =	ssyncset.done @!p0 $0x0  }
0x104: {  	[sflag:s0] =	ssyncadd.s32 @!p0 s1  }
0x105: {  	[bflag:$0x3] =	sbarrier.arrive $0xFFFF  }
0x106: {  	_ =	shalt  }

// kernel: kernel.7.cloned.1.call-start
scs
__scs_entry_jumppad:
0x0: {  	(pc) =	sbr.rel $0x88, $3  }
0x1: {  	(tag) =	ssettag $0x0;
	lr =	simm.s32 $0x1  }
0x2: {  	[smem:$0x3F85] =	sst lr;
	_ =	strace $0xD0000000  }
0x3: {  	_ = 	snop  }
0x4: {  	_ = 	snop  }
0x5: {  	_ = 	snop  }
0x6: {  	_ = 	snop  }
0x7: {  	_ = 	snop  }
__scs_overlays_trampoline_lowered:
0x8: {  	[smem:$0x3F94] =	sst s0  }
0x9: {  	[smem:$0x3F95] =	sst s1  }
0xa: {  	[smem:$0x3F96] =	sst s2  }
0xb: {  	[smem:$0x3F97] =	sst s3  }
0xc: {  	[smem:$0x3F98] =	sst s4  }
0xd: {  	[smem:$0x3F99] =	sst s5  }
0xe: {  	[smem:$0x3F9A] =	sst s6  }
0xf: {  	[smem:$0x3F9B] =	sst s7  }
0x10: {  	[smem:$0x3F9C] =	sst s8  }
0x11: {  	[smem:$0x3F9D] =	sst s9;
	s0 =	simm.s32 @!p0 $0x0  }
0x12: {  	s1 =	sld [smem:$0x3F83];
	s0 =	simm.s32 @p0 $0x1  }
0x13: {  	[smem:$0x3F9E] =	sst s0;
	s0 =	simm.s32 @!p1 $0x0  }
0x14: {  	s2 =	sld [smem:$0x3F82];
	s0 =	simm.s32 @p1 $0x1  }
0x15: {  	[smem:$0x3F9F] =	sst s0;
	s0 =	simm.s32 @!p2 $0x0  }
0x16: {  	s3 =	sld [smem:$0x3FDB];
	s0 =	simm.s32 @p2 $0x1  }
0x17: {  	s4 =	simm.s32 $0x1BF5;
	[smem:$0x3FA1] =	sst s0  }
0x18: {  	s0 =	sld [smem:$0x3F84];
	_ =	swait.ge [sflag:s4], $0x0  }
0x19: {  	s7 =	sld [smem:$0x3F85]  }
0x1a: {  	s8 =	sadd.s32 $0xFFFFE003, lr  }
0x1b: {  	s9 =	sadd.s32 $0xFFFFFEF7, lr;
	s5 =	simm.s32 $0xFFFFFFFF;
	p2 =	slt.u32 s8, $0xFFFFF086  }
0x1c: {  	p1 =	slt.u32 s9, $0xF7A;
	s5 =	simm.s32 @!p2 $0x0  }
0x1d: {  	s5 =	simm.s32 @p1 $0x1;
	p0 =	seq.s32 s7, s2  }
0x1e: {  	s7 =	smul.u32 @!p0 $0xF7A, s2;
	p2 =	seq.s32 @!p0 s5, $0x0  }
0x1f: {  	s9 =	smul.u32 $0xF7A, s1;
	s8 =	simm.s32 @!p0 $0x1BF5;
	p2 =	por !p2, p0  }
0x20: {  	[sflag:s8] =	ssyncset.s32 @!p0 $0xFFFFF086;
	s6 =	sadd.s32 @!p0 s3, s7;
	s7 =	simm.s32 @!p0 $0x108  }
0x21: {  	s3 =	sadd.s32 s3, s9;
	s6 =	sadd.s32 @!p0 $0x88, s6;
	s7 =	simm.s32 @p2 $0x1082  }
0x22: {  	[simem:s7], [sflag:s8] =	dma.local @!p0 [hbm:s6], $0xF7A  }
0x23: {  	s9 =	sor.u32 $0xD0000000, s2;
	s6 =	simm.s32 $0x108;
	_ =	swait.ge @!p0 [sflag:s8], $0x0  }
0x24: {  	s3 =	sadd.s32 $0x88, s3;
	s6 =	simm.s32 @!p1 $0x1082;
	[sflag:s4] =	ssyncset.s32 $0xFFFFF086  }
0x25: {  	[simem:s6], [sflag:s4] =	dma.local [hbm:s3], $0xF7A  }
0x26: {  	[smem:$0x3F85] =	sst s1;
	(tag) =	ssettag s2;
	_ =	strace s9  }
0x27: {  	s1 =	sld [smem:$0x3F95]  }
0x28: {  	s2 =	sld [smem:$0x3F96]  }
0x29: {  	s4 =	sld [smem:$0x3F98]  }
0x2a: {  	p0 =	seq.s32 s5, $0x0;
	s5 =	sld [smem:$0x3F99]  }
0x2b: {  	s6 =	sld [smem:$0x3F9A]  }
0x2c: {  	s7 =	sld [smem:$0x3F9B]  }
0x2d: {  	s3 =	simm.s32 $0x108;
	s8 =	sld [smem:$0x3F9C]  }
0x2e: {  	s3 =	simm.s32 @!p0 $0x1082;
	s9 =	sld [smem:$0x3F9D]  }
0x2f: {  	lr =	sadd.s32 s0, s3;
	s0 =	sld [smem:$0x3F94]  }
0x30: {  	s3 =	sld [smem:$0x3F97]  }
0x31: {  	[smem:$0x3FA0] =	sst s10  }
0x32: {  	s10 =	sld [smem:$0x3F9E];
	_ =	sdelay $0x3  }
0x33: {  	p0 =	seq.s32 s10, $0x1;
	s10 =	sld [smem:$0x3FA0];
	_ =	sdelay $0x3  }
0x34: {  	[smem:$0x3FA0] =	sst s10  }
0x35: {  	s10 =	sld [smem:$0x3F9F];
	_ =	sdelay $0x3  }
0x36: {  	p1 =	seq.s32 s10, $0x1;
	s10 =	sld [smem:$0x3FA0];
	_ =	sdelay $0x3  }
0x37: {  	[smem:$0x3FA0] =	sst s10  }
0x38: {  	s10 =	sld [smem:$0x3FA1]  }
0x39: {  	_ = 	snop;
	(pc) =	sbr.ind lr, $3  }
0x3a: {  	_ = 	snop  }
0x3b: {  	_ = 	snop  }
0x3c: {  	p2 =	seq.s32 s10, $0x1;
	s10 =	sld [smem:$0x3FA0]  }
0x3d: {  	_ =	shalt  }
0x3e: {  	_ =	shalt  }
0x3f: {  	_ =	shalt  }
0x40: {  	_ =	shalt  }
0x41: {  	_ =	shalt  }
0x42: {  	_ =	shalt  }
0x43: {  	_ =	shalt  }
0x44: {  	_ =	shalt  }
0x45: {  	_ =	shalt  }
0x46: {  	_ =	shalt  }
0x47: {  	_ =	shalt  }
0x48: {  	_ =	shalt  }
0x49: {  	_ =	shalt  }
0x4a: {  	_ =	shalt  }
0x4b: {  	_ =	shalt  }
0x4c: {  	_ =	shalt  }
0x4d: {  	_ =	shalt  }
0x4e: {  	_ =	shalt  }
0x4f: {  	_ =	shalt  }
0x50: {  	_ =	shalt  }
0x51: {  	_ =	shalt  }
0x52: {  	_ =	shalt  }
0x53: {  	_ =	shalt  }
0x54: {  	_ =	shalt  }
0x55: {  	_ =	shalt  }
0x56: {  	_ =	shalt  }
0x57: {  	_ =	shalt  }
0x58: {  	_ =	shalt  }
0x59: {  	_ =	shalt  }
0x5a: {  	_ =	shalt  }
0x5b: {  	_ =	shalt  }
0x5c: {  	_ =	shalt  }
0x5d: {  	_ =	shalt  }
0x5e: {  	_ =	shalt  }
0x5f: {  	_ =	shalt  }
0x60: {  	_ =	shalt  }
0x61: {  	_ =	shalt  }
0x62: {  	_ =	shalt  }
0x63: {  	_ =	shalt  }
0x64: {  	_ =	shalt  }
0x65: {  	_ =	shalt  }
0x66: {  	_ =	shalt  }
0x67: {  	_ =	shalt  }
0x68: {  	_ =	shalt  }
0x69: {  	_ =	shalt  }
0x6a: {  	_ =	shalt  }
0x6b: {  	_ =	shalt  }
0x6c: {  	_ =	shalt  }
0x6d: {  	_ =	shalt  }
0x6e: {  	_ =	shalt  }
0x6f: {  	_ =	shalt  }
0x70: {  	_ =	shalt  }
0x71: {  	_ =	shalt  }
0x72: {  	_ =	shalt  }
0x73: {  	_ =	shalt  }
0x74: {  	_ =	shalt  }
0x75: {  	_ =	shalt  }
0x76: {  	_ =	shalt  }
0x77: {  	_ =	shalt  }
0x78: {  	_ =	shalt  }
0x79: {  	_ =	shalt  }
0x7a: {  	_ =	shalt  }
0x7b: {  	_ =	shalt  }
0x7c: {  	_ =	shalt  }
0x7d: {  	_ =	shalt  }
0x7e: {  	_ =	shalt  }
0x7f: {  	_ =	shalt  }
0x80: {  	_ =	shalt  }
0x81: {  	_ =	shalt  }
0x82: {  	_ =	shalt  }
0x83: {  	_ =	shalt  }
0x84: {  	_ =	shalt  }
0x85: {  	_ =	shalt  }
0x86: {  	_ =	shalt  }
0x87: {  	_ =	shalt  }
.Lfunc_end0:
.L_simem_size_0:
called_computation_lowered:
.L_overlay_start_0:
0x88: {  	s2 =	sld [smem:$0x3FD9]  }
0x89: {  	s3 =	sld [smem:$0x3FFE];
	_ =	sdelay $0x1  }
0x8a: {  	s1 =	srdreg.scid  }
0x8b: {  	s0 =	sand.u32 $0x1, s1  }
0x8c: {  	s17 =	sshll.u32 s0, $0xA;
	s2 =	sadd.s32 s3, s2  }
0x8d: {  	s2 =	sadd.s32 s2, s17  }
0x8e: {  	[smem:$0x3FAC] =	sst s2  }
0x8f: {  	_ = 	snop  }
0x90: {  	s2 =	sld [smem:$0x3FD0];
	(tm) =	ssettm $0x1  }
0x91: {  	s18 =	sld [smem:$0x3FFB];
	_ =	sdelay $0x3  }
0x92: {  	_ =	strace s18  }
0x93: {  	s3 =	sld [smem:$0x3FFC];
	_ =	sdelay $0x3  }
0x94: {  	_ =	strace s3  }
0x95: {  	s3 =	sld [smem:$0x3FFD];
	_ =	sdelay $0x3  }
0x96: {  	_ =	strace s3  }
0x97: {  	_ =	strace $0x8FFFFFFF  }
0x98: {  	s19 =	sld [smem:$0x3FDB];
	_ =	sdelay $0x1  }
0x99: {  	s4 =	simm.s32 $_scs_section_size  }
0x9a: {  	s5 =	simm.s32 $_size__tile_overlayer_lowered;
	s6 =	simm.s32 $_tile_overlayer_lowered  }
0x9b: {  	s22 =	simm.s32 $0x1BFF;
	s21 =	sshll.u32 s6, $0x1;
	s3 =	sadd.s32 s4, s19  }
0x9c: {  	s7 =	simm.s32 $0x0;
	s20 =	sshll.u32 s5, $0x1;
	s5 =	sadd.s32 s21, s3  }
0x9d: {  	[timem:s7], [sflag:s22] =	dma.local [hbm:s5], s20  }
0x9e: {  	_ =	swait.ge [sflag:s22], s20  }
0x9f: {  	s4 =	ssub.s32 $0x0, s20;
	[sflag:s22] =	ssyncset.done $0x0  }
0xa0: {  	[sflag:s22] =	ssyncadd.s32 s4;
	_ =	sdelay $0x1  }
0xa1: {  	s23 =	simm.s32 $0x1B8B  }
0xa2: {  	_ =	swait.ge [sflag:s23], $0x1  }
0xa3: {  	[sflag:s23] =	ssyncset.done $0x0  }
0xa4: {  	s25 =	simm.s32 $0x1B8E;
	s24 =	sld [smem:$0x3FFE];
	[sflag:s23] =	ssyncadd.s32 $0xFFFFFFFF  }
0xa5: {  	s26 =	simm.s32 $execute0_lowered;
	[smem:$0x3FD2] =	sst s25  }
0xa6: {  	s5 =	sshll.u32 s26, $0x1;
	_ =	strace $0x80000046;
	[dreg:$0x1] =	wrdreg $0xFFFFFFFF  }
0xa7: {  	s28 =	simm.s32 $_size_execute0_lowered;
	s3 =	sadd.s32 s3, s5;
	[dreg:$0x0] =	wrdreg $0x0  }
0xa8: {  	s5 =	sshll.u32 s28, $0x1;
	[dreg:$0x2] =	wrdreg s3  }
0xa9: {  	[dreg:$0x3] =	wrdreg s5  }
0xaa: {  	[dreg:$0x4] =	wrdreg $0xC0  }
0xab: {  	_ =	task [dreg:s7], $0x5FFFF  }
0xac: {  	[dreg:$0x1] =	wrdreg $0xFFFFFFFF  }
0xad: {  	[dreg:$0x0] =	wrdreg $0x60  }
0xae: {  	[dreg:$0x2] =	wrdreg s24  }
0xaf: {  	[dreg:$0x3] =	wrdreg s2  }
0xb0: {  	[dreg:$0x4] =	wrdreg $0x98400  }
0xb1: {  	[dreg:$0x5] =	wrdreg $0x9  }
0xb2: {  	_ =	task.clear_ibuf [dreg:s7], $0x6FFFF;
	_ =	strace $0x90000046  }
0xb3: {  	s29 =	simm.s32 $0x9;
	_ =	strace $0x80000048  }
0xb4: {  	_ =	swait.ge [sflag:s29], $0x1  }
0xb5: {  	[sflag:s29] =	ssyncadd.s32 $0xFFFFFFFF  }
0xb6: {  	_ =	strace $0x90000048  }
0xb7: {  	_ =	sfence  }
0xb8: {  	s30 =	sld [smem:$0x0];
	_ =	sdelay $0x2  }
0xb9: {  	s31 =	sshll.u32 s1, $0xD;
	s1 =	sshrl.u32 s1, $0x2  }
0xba: {  	s3 =	sand.u32 $0x4000, s31;
	s1 =	sadd.s32 s1, s30  }
0xbb: {  	s0 =	sor.u32 s3, s0;
	s1 =	sshll.u32 s1, $0x11  }
0xbc: {  	s0 =	sor.u32 s1, s0  }
0xbd: {  	s0 =	sadd.s32 $0x8F2B, s0  }
0xbe: {  	[sflag:s0] =	ssyncadd.remote.s32 $0x1  }
0xbf: {  	_ =	sfence.sel $0xFFFF  }
0xc0: {  	[dreg:$0x0] =	wrdreg $0xFFFFFFFF;
	(pc) =	sbr.abs _section_cstart, $3  }
0xc1: {  	[dreg:$0x1] =	wrdreg $0xFFFFFFFF  }
0xc2: {  	_ =	task.clear_ibuf [dreg:s7], $0x2FFFF;
	_ =	strace $0x9FFFFFFF  }
0xc3: {  	(tm) =	ssettm $0x7FFFFFFF  }
tec
execute0_lowered:
.L_overlay_start_1:
0x0: {  	(tag) =	ssettag $0x1  }
0x1: {  	s8 =	rddreg [dreg:$0x0]  }
0x2: {  	s2 =	rddreg [dreg:$0x1]  }
0x3: {  	s3 =	rddreg [dreg:$0x2]  }
0x4: {  	s0 =	rddreg [dreg:$0x3];
	s4 =	simm.s32 $0x0  }
0x5: {  	s1 =	stileid.u32;
	s7 =	srdreg.scid;
	s15 =	simm.s32 $0x28E0  }
0x6: {  	s18 =	simm.s32 $0x100;
	s19 =	simm.s32 $0x80;
	s20 =	simm.s32 $0x5040  }
0x7: {  	s21 =	simm.s32 $0x1;
	[smem:$0x7FF] =	sst s4;
	s11 =	smul.u32 $0x16260, s1  }
0x8: {  	s5 =	sadd.s32 $0x8E00, s8;
	s6 =	sadd.s32 $0x3A00, s8;
	s10 =	sand.u32 $0x1, s7  }
0x9: {  	s7 =	sadd.s32 $0x13EA00, s8;
	s16 =	sshll.u32 s1, $0x6;
	_ =	strace $0x80000047  }
0xa: {  	s12 =	ssub.s32 $0x2, s10;
	s14 =	sshll.u32 s10, $0x4;
	s31 =	smul.u32 $0x589800, s10  }
0xb: {  	s16 =	sor.u32 $0x1C02, s16;
	s9 =	sshrl.u32 s11, $0x3;
	s13 =	sshrl.u32 s12, $0x1  }
0xc: {  	s30 =	sor.u32 s1, s14;
	s17 =	sadd.s32 s11, s3;
	s14 =	simm.s32 $0x2  }
0xd: {  	s9 =	sadd.s32 s9, s8;
	s8 =	sadd.s32 $0x3D4400, s8;
	s12 =	ssub.s32 s12, s13  }
0xe: {  	s10 =	smul.u32 $0x1500, s30;
	s11 =	sadd.s32 s31, s11;
	s13 =	simm.s32 $0x180  }
0xf: {  	s17 =	sshrl.u32 s17, $0x3;
	s9 =	sadd.s32 $0xE200, s9;
	s12 =	smax.u32 s12, $0x1  }
.LBB2_1:
0x10: {  	s22 =	simm.s32 $0x0  }
.LBB2_2:
0x11: {  	s24 =	smul.u32 $0x2760, s22;
	_ =	sdelay $0x1  }
0x12: {  	s23 =	sshrl.u32 s24, $0x3  }
0x13: {  	s25 =	sadd.s32 s2, s23;
	s23 =	simm.s32 $0x0  }
0x14: {  	[tilespmem:s13], [sflag:$0x2] =	stream.linear.gather [hbm4b:s25+s23], $0x2760, $0x38;
	[tilespmem:$0x1FAA0] =	vst v63  }
0x15: {  	_ =	swait.ge [sflag:s14], $0x2760  }
0x16: {  	[sflag:s14] =	ssyncset.done $0x0  }
0x17: {  	s25 =	sadd.s32 $0x13B0, s25;
	[sflag:s14] =	ssyncadd.s32 $0xFFFFD8A0  }
0x18: {  	[tilespmem:s15], [sflag:$0x2] =	stream.linear.gather [hbm4b:s25+s23], $0x2760, $0x38;
	[tilespmem:$0x1FAA0] =	vst v63  }
0x19: {  	_ =	swait.ge [sflag:s14], $0x2760  }
0x1a: {  	[sflag:s14] =	ssyncset.done $0x0  }
0x1b: {  	[sflag:s14] =	ssyncadd.s32 $0xFFFFD8A0  }
0x1c: {  	[spmem:s17], [sflag:s16] =	dma.local [hbm:s9], $0x2C4C  }
0x1d: {  	_ =	swait.ge [sflag:s14], $0x2C4C  }
0x1e: {  	[sflag:s14] =	ssyncset.done $0x0  }
0x1f: {  	[sflag:s14] =	ssyncadd.s32 $0xFFFFD3B4  }
0x20: {  	v0 =	vmov s24;
	s24 =	simm.s32 $0x0;
	[bflag:$0x0] =	sbarrier.arrive $0xFFFF  }
.LBB2_3:
0x21: {  	s25 =	sshll.u32 s24, $0x7  }
0x22: {  	s25 =	sadd.s32 s10, s25  }
0x23: {  	s25 =	sshrl.u32 s25, $0x3  }
0x24: {  	s26 =	sadd.s32 s5, s25  }
0x25: {  	[tilespmem:s23], [sflag:$0x2] =	stream.linear.gather [hbm4b:s26+s23], $0x80, $0x38;
	[tilespmem:$0x1FAA0] =	vst v63  }
0x26: {  	_ =	swait.ge [sflag:s14], $0x80  }
0x27: {  	[sflag:s14] =	ssyncset.done $0x0  }
0x28: {  	s25 =	sadd.s32 s6, s25;
	[sflag:s14] =	ssyncadd.s32 $0xFFFFFF80  }
0x29: {  	[tilespmem:s18], [sflag:$0x2] =	stream.linear.gather [hbm4b:s25+s23], $0x80, $0x38;
	[tilespmem:$0x1FAA0] =	vst v63  }
0x2a: {  	_ =	swait.ge [sflag:s14], $0x80  }
0x2b: {  	[sflag:s14] =	ssyncset.done $0x0  }
0x2c: {  	[sflag:s14] =	ssyncadd.s32 $0xFFFFFF80  }
0x2d: {  	v1 =	vld [tilespmem:$0x0]  }
0x2e: {  	v2 =	vld [tilespmem:$0x10]  }
0x2f: {  	v3 =	vld [tilespmem:$0x20]  }
0x30: {  	v4 =	vld [tilespmem:$0x30]  }
0x31: {  	v5 =	vld [tilespmem:$0x40]  }
0x32: {  	v6 =	vld [tilespmem:$0x50];
	v1 =	vadd.s32 v0, v1  }
0x33: {  	[tilespmem:$0x80] =	vst v1;
	v1 =	vadd.s32 v0, v2;
	v2 =	vld [tilespmem:$0x60]  }
0x34: {  	[tilespmem:$0x90] =	vst v1;
	v1 =	vadd.s32 v0, v3;
	v3 =	vld [tilespmem:$0x70]  }
0x35: {  	[tilespmem:$0xA0] =	vst v1;
	v1 =	vadd.s32 v0, v4  }
0x36: {  	[tilespmem:$0xB0] =	vst v1;
	v1 =	vadd.s32 v0, v5  }
0x37: {  	[tilespmem:$0xC0] =	vst v1;
	v1 =	vadd.s32 v0, v6  }
0x38: {  	[tilespmem:$0xD0] =	vst v1;
	v1 =	vadd.s32 v0, v2  }
0x39: {  	[tilespmem:$0xE0] =	vst v1;
	v1 =	vadd.s32 v0, v3  }
0x3a: {  	[tilespmem:$0xF0] =	vst v1  }
0x3b: {  	[tilespmem:s20], [sflag:$0x1] =	stream.indirect.gather [hbm4b:s7+s19], $0x90, s19, s19, $0xb8;
	[tilespmem:$0x1FAA0] =	vst v63  }
0x3c: {  	_ =	swait.ge [sflag:s21], $0x4800  }
0x3d: {  	[sflag:s21] =	ssyncset.done $0x0  }
0x3e: {  	s25 =	simm.s32 $0x0;
	[sflag:s21] =	ssyncadd.s32 $0xFFFFB800  }
.LBB2_4:
0x3f: {  	s26 =	sshll.u32 s25, $0x4  }
0x40: {  	v1 =	vld [tilespmem:s26+$0x0]  }
0x41: {  	v2 =	vld [tilespmem:s26+$0x100];
	_ =	sdelay $0x6  }
0x42: {  	v1 =	vld.idx.msk [tilespmem:v1+s13+$0x0], $0xffff  }
0x43: {  	v2 =	vld.idx.msk [tilespmem:v2+s15+$0x0], $0xffff;
	_ =	sdelay $0x4  }
0x44: {  	v1 =	vadd.f32 v2, v1;
	_ =	sdelay $0x1  }
0x45: {  	v2 =	vmul.f32 $2.000000030e-01, v1  }
0x46: {  	vm0 =	vge.f32 v1, $0.0e+00  }
0x47: {  	v1 =	vsel vm0, v1, v2  }
0x48: {  	v1 =	vmul.f32 $1.442695020e+00, v1;
	_ =	sdelay $0x1  }
0x49: {  	(erf) = vpow2.f32 v1;
	_ =	sdelay $0x3  }
0x4a: {  	s31 =	smul.u32 $0x2400, s25;
	_ =	sdelay $0x1  }
0x4b: {  	s26 =	sshra.s32 s31, $0x2  }
0x4c: {  	v2 =	vld [tilespmem:s26+$0x5040]  }
0x4d: {  	v3 =	vld [tilespmem:s26+$0x5050]  }
0x4e: {  	v4 =	vld [tilespmem:s26+$0x5060];
	v1 =	vpop (erf)  }
0x4f: {  	v6 =	vld [tilespmem:s26+$0x5070];
	v5 =	vbroadcast v1, $0x0  }
0x50: {  	v7 =	vld [tilespmem:s26+$0x5080]  }
0x51: {  	v8 =	vld [tilespmem:s26+$0x5090];
	v2 =	vmul.f32 v5, v2  }
0x52: {  	v9 =	vld [tilespmem:s26+$0x50A0];
	v3 =	vmul.f32 v5, v3  }
0x53: {  	v18 =	vld [tilespmem:s26+$0x50B0];
	[tilespmem:s26+$0x5040] =	vst v2;
	v2 =	vmul.f32 v5, v4  }
0x54: {  	v19 =	vld [tilespmem:s26+$0x50C0];
	[tilespmem:s26+$0x5050] =	vst v3;
	v3 =	vmul.f32 v6, v5  }
0x55: {  	v20 =	vld [tilespmem:s26+$0x50D0];
	[tilespmem:s26+$0x5060] =	vst v2;
	v2 =	vmul.f32 v7, v5  }
0x56: {  	v21 =	vld [tilespmem:s26+$0x50E0];
	[tilespmem:s26+$0x5070] =	vst v3;
	v3 =	vmul.f32 v8, v5  }
0x57: {  	v22 =	vld [tilespmem:s26+$0x50F0];
	[tilespmem:s26+$0x5080] =	vst v2;
	v2 =	vmul.f32 v9, v5  }
0x58: {  	v10 =	vld [tilespmem:s26+$0x5100];
	v23 =	vbroadcast v1, $0x1;
	[tilespmem:s26+$0x5090] =	vst v3;
	v3 =	vmul.f32 v18, v5  }
0x59: {  	v24 =	vld [tilespmem:s26+$0x5110];
	[tilespmem:s26+$0x50A0] =	vst v2;
	v2 =	vmul.f32 v19, v5  }
0x5a: {  	v25 =	vld [tilespmem:s26+$0x5120];
	[tilespmem:s26+$0x50B0] =	vst v3;
	v3 =	vmul.f32 v20, v23  }
0x5b: {  	v26 =	vld [tilespmem:s26+$0x5130];
	[tilespmem:s26+$0x50C0] =	vst v2;
	v2 =	vmul.f32 v21, v23  }
0x5c: {  	v27 =	vld [tilespmem:s26+$0x5140];
	[tilespmem:s26+$0x50D0] =	vst v3;
	v3 =	vmul.f32 v22, v23  }
0x5d: {  	v28 =	vld [tilespmem:s26+$0x5150];
	[tilespmem:s26+$0x50E0] =	vst v2;
	v2 =	vmul.f32 v10, v23  }
0x5e: {  	v29 =	vld [tilespmem:s26+$0x5160];
	[tilespmem:s26+$0x50F0] =	vst v3;
	v3 =	vmul.f32 v24, v23  }
0x5f: {  	v30 =	vld [tilespmem:s26+$0x5170];
	[tilespmem:s26+$0x5100] =	vst v2;
	v2 =	vmul.f32 v25, v23  }
0x60: {  	v31 =	vld [tilespmem:s26+$0x5180];
	[tilespmem:s26+$0x5110] =	vst v3;
	v3 =	vmul.f32 v26, v23  }
0x61: {  	v33 =	vld [tilespmem:s26+$0x5190];
	v32 =	vbroadcast v1, $0x2;
	[tilespmem:s26+$0x5120] =	vst v2;
	v2 =	vmul.f32 v27, v23  }
0x62: {  	v34 =	vld [tilespmem:s26+$0x51A0];
	[tilespmem:s26+$0x5130] =	vst v3;
	v3 =	vmul.f32 v28, v23  }
0x63: {  	v35 =	vld [tilespmem:s26+$0x51B0];
	[tilespmem:s26+$0x5140] =	vst v2;
	v2 =	vmul.f32 v29, v32  }
0x64: {  	v36 =	vld [tilespmem:s26+$0x51C0];
	[tilespmem:s26+$0x5150] =	vst v3;
	v3 =	vmul.f32 v30, v32  }
0x65: {  	v37 =	vld [tilespmem:s26+$0x51D0];
	[tilespmem:s26+$0x5160] =	vst v2;
	v2 =	vmul.f32 v31, v32  }
0x66: {  	v38 =	vld [tilespmem:s26+$0x51E0];
	[tilespmem:s26+$0x5170] =	vst v3;
	v3 =	vmul.f32 v33, v32  }
0x67: {  	v39 =	vld [tilespmem:s26+$0x51F0];
	[tilespmem:s26+$0x5180] =	vst v2;
	v2 =	vmul.f32 v34, v32  }
0x68: {  	v40 =	vld [tilespmem:s26+$0x5200];
	[tilespmem:s26+$0x5190] =	vst v3;
	v3 =	vmul.f32 v35, v32  }
0x69: {  	v41 =	vld [tilespmem:s26+$0x5210];
	[tilespmem:s26+$0x51A0] =	vst v2;
	v2 =	vmul.f32 v36, v32  }
0x6a: {  	v43 =	vld [tilespmem:s26+$0x5220];
	v42 =	vbroadcast v1, $0x3;
	[tilespmem:s26+$0x51B0] =	vst v3;
	v3 =	vmul.f32 v37, v32  }
0x6b: {  	v44 =	vld [tilespmem:s26+$0x5230];
	[tilespmem:s26+$0x51C0] =	vst v2;
	v2 =	vmul.f32 v38, v32  }
0x6c: {  	v45 =	vld [tilespmem:s26+$0x5240];
	[tilespmem:s26+$0x51D0] =	vst v3;
	v3 =	vmul.f32 v39, v42  }
0x6d: {  	v46 =	vld [tilespmem:s26+$0x5250];
	[tilespmem:s26+$0x51E0] =	vst v2;
	v2 =	vmul.f32 v40, v42  }
0x6e: {  	v47 =	vld [tilespmem:s26+$0x5260];
	[tilespmem:s26+$0x51F0] =	vst v3;
	v3 =	vmul.f32 v41, v42  }
0x6f: {  	v48 =	vld [tilespmem:s26+$0x5270];
	[tilespmem:s26+$0x5200] =	vst v2;
	v2 =	vmul.f32 v43, v42  }
0x70: {  	v49 =	vld [tilespmem:s26+$0x5280];
	[tilespmem:s26+$0x5210] =	vst v3;
	v3 =	vmul.f32 v44, v42  }
0x71: {  	v50 =	vld [tilespmem:s26+$0x5290];
	[tilespmem:s26+$0x5220] =	vst v2;
	v2 =	vmul.f32 v45, v42  }
0x72: {  	v51 =	vld [tilespmem:s26+$0x52A0];
	[tilespmem:s26+$0x5230] =	vst v3;
	v3 =	vmul.f32 v46, v42  }
0x73: {  	v53 =	vld [tilespmem:s26+$0x52B0];
	v52 =	vbroadcast v1, $0x4;
	[tilespmem:s26+$0x5240] =	vst v2;
	v2 =	vmul.f32 v47, v42  }
0x74: {  	v54 =	vld [tilespmem:s26+$0x52C0];
	[tilespmem:s26+$0x5250] =	vst v3;
	v3 =	vmul.f32 v48, v42  }
0x75: {  	v55 =	vld [tilespmem:s26+$0x52D0];
	[tilespmem:s26+$0x5260] =	vst v2;
	v2 =	vmul.f32 v49, v52  }
0x76: {  	v56 =	vld [tilespmem:s26+$0x52E0];
	[tilespmem:s26+$0x5270] =	vst v3;
	v3 =	vmul.f32 v50, v52  }
0x77: {  	v57 =	vld [tilespmem:s26+$0x52F0];
	[tilespmem:s26+$0x5280] =	vst v2;
	v2 =	vmul.f32 v51, v52  }
0x78: {  	v58 =	vld [tilespmem:s26+$0x5300];
	[tilespmem:s26+$0x5290] =	vst v3;
	v3 =	vmul.f32 v53, v52  }
0x79: {  	v59 =	vld [tilespmem:s26+$0x5310];
	[tilespmem:s26+$0x52A0] =	vst v2;
	v2 =	vmul.f32 v54, v52  }
0x7a: {  	v60 =	vld [tilespmem:s26+$0x5320];
	[tilespmem:s26+$0x52B0] =	vst v3;
	v3 =	vmul.f32 v55, v52  }
0x7b: {  	v61 =	vld [tilespmem:s26+$0x5330];
	[tilespmem:s26+$0x52C0] =	vst v2;
	v2 =	vmul.f32 v56, v52  }
0x7c: {  	v63 =	vld [tilespmem:s26+$0x5340];
	v62 =	vbroadcast v1, $0x5;
	[tilespmem:s26+$0x52D0] =	vst v3;
	v3 =	vmul.f32 v57, v52  }
0x7d: {  	v12 =	vld [tilespmem:s26+$0x5350];
	[tilespmem:s26+$0x52E0] =	vst v2;
	v2 =	vmul.f32 v58, v52  }
0x7e: {  	v13 =	vld [tilespmem:s26+$0x5360];
	[tilespmem:s26+$0x52F0] =	vst v3;
	v3 =	vmul.f32 v59, v62  }
0x7f: {  	v14 =	vld [tilespmem:s26+$0x5370];
	[tilespmem:s26+$0x5300] =	vst v2;
	v2 =	vmul.f32 v60, v62  }
0x80: {  	v15 =	vld [tilespmem:s26+$0x5380];
	[tilespmem:s26+$0x5310] =	vst v3;
	v3 =	vmul.f32 v61, v62  }
0x81: {  	v16 =	vld [tilespmem:s26+$0x5390];
	[tilespmem:s26+$0x5320] =	vst v2;
	v2 =	vmul.f32 v63, v62  }
0x82: {  	v17 =	vld [tilespmem:s26+$0x53A0];
	[tilespmem:s26+$0x5330] =	vst v3;
	v3 =	vmul.f32 v12, v62  }
0x83: {  	v18 =	vld [tilespmem:s26+$0x53B0];
	[tilespmem:s26+$0x5340] =	vst v2;
	v2 =	vmul.f32 v13, v62  }
0x84: {  	v19 =	vld [tilespmem:s26+$0x53C0];
	[tilespmem:s26+$0x5350] =	vst v3;
	v3 =	vmul.f32 v14, v62  }
0x85: {  	v20 =	vbroadcast v1, $0x6;
	v21 =	vld [tilespmem:s26+$0x53D0];
	[tilespmem:s26+$0x5360] =	vst v2;
	v2 =	vmul.f32 v15, v62  }
0x86: {  	v22 =	vld [tilespmem:s26+$0x53E0];
	[tilespmem:s26+$0x5370] =	vst v3;
	v3 =	vmul.f32 v16, v62  }
0x87: {  	v23 =	vld [tilespmem:s26+$0x53F0];
	[tilespmem:s26+$0x5380] =	vst v2;
	v2 =	vmul.f32 v17, v20  }
0x88: {  	v24 =	vld [tilespmem:s26+$0x5400];
	[tilespmem:s26+$0x5390] =	vst v3;
	v3 =	vmul.f32 v18, v20  }
0x89: {  	v25 =	vld [tilespmem:s26+$0x5410];
	[tilespmem:s26+$0x53A0] =	vst v2;
	v2 =	vmul.f32 v19, v20  }
0x8a: {  	v26 =	vld [tilespmem:s26+$0x5420];
	[tilespmem:s26+$0x53B0] =	vst v3;
	v3 =	vmul.f32 v21, v20  }
0x8b: {  	v27 =	vld [tilespmem:s26+$0x5430];
	[tilespmem:s26+$0x53C0] =	vst v2;
	v2 =	vmul.f32 v22, v20  }
0x8c: {  	v28 =	vld [tilespmem:s26+$0x5440];
	[tilespmem:s26+$0x53D0] =	vst v3;
	v3 =	vmul.f32 v23, v20  }
0x8d: {  	v29 =	vld [tilespmem:s26+$0x5450];
	[tilespmem:s26+$0x53E0] =	vst v2;
	v2 =	vmul.f32 v24, v20  }
0x8e: {  	v30 =	vbroadcast v1, $0x7;
	v31 =	vld [tilespmem:s26+$0x5460];
	[tilespmem:s26+$0x53F0] =	vst v3;
	v3 =	vmul.f32 v25, v20  }
0x8f: {  	v32 =	vld [tilespmem:s26+$0x5470];
	[tilespmem:s26+$0x5400] =	vst v2;
	v2 =	vmul.f32 v26, v20  }
0x90: {  	v33 =	vld [tilespmem:s26+$0x5480];
	[tilespmem:s26+$0x5410] =	vst v3;
	v3 =	vmul.f32 v27, v30  }
0x91: {  	v34 =	vld [tilespmem:s26+$0x5490];
	[tilespmem:s26+$0x5420] =	vst v2;
	v2 =	vmul.f32 v28, v30  }
0x92: {  	v35 =	vld [tilespmem:s26+$0x54A0];
	[tilespmem:s26+$0x5430] =	vst v3;
	v3 =	vmul.f32 v29, v30  }
0x93: {  	v36 =	vld [tilespmem:s26+$0x54B0];
	[tilespmem:s26+$0x5440] =	vst v2;
	v2 =	vmul.f32 v31, v30  }
0x94: {  	v37 =	vld [tilespmem:s26+$0x54C0];
	[tilespmem:s26+$0x5450] =	vst v3;
	v3 =	vmul.f32 v32, v30  }
0x95: {  	v38 =	vld [tilespmem:s26+$0x54D0];
	[tilespmem:s26+$0x5460] =	vst v2;
	v2 =	vmul.f32 v33, v30  }
0x96: {  	v39 =	vld [tilespmem:s26+$0x54E0];
	[tilespmem:s26+$0x5470] =	vst v3;
	v3 =	vmul.f32 v34, v30  }
0x97: {  	v40 =	vbroadcast v1, $0x8;
	v41 =	vld [tilespmem:s26+$0x54F0];
	[tilespmem:s26+$0x5480] =	vst v2;
	v2 =	vmul.f32 v35, v30  }
0x98: {  	v42 =	vld [tilespmem:s26+$0x5500];
	[tilespmem:s26+$0x5490] =	vst v3;
	v3 =	vmul.f32 v36, v30  }
0x99: {  	v43 =	vld [tilespmem:s26+$0x5510];
	[tilespmem:s26+$0x54A0] =	vst v2;
	v2 =	vmul.f32 v37, v40  }
0x9a: {  	v44 =	vld [tilespmem:s26+$0x5520];
	[tilespmem:s26+$0x54B0] =	vst v3;
	v3 =	vmul.f32 v38, v40  }
0x9b: {  	v45 =	vld [tilespmem:s26+$0x5530];
	[tilespmem:s26+$0x54C0] =	vst v2;
	v2 =	vmul.f32 v39, v40  }
0x9c: {  	v46 =	vld [tilespmem:s26+$0x5540];
	[tilespmem:s26+$0x54D0] =	vst v3;
	v3 =	vmul.f32 v41, v40  }
0x9d: {  	v47 =	vld [tilespmem:s26+$0x5550];
	[tilespmem:s26+$0x54E0] =	vst v2;
	v2 =	vmul.f32 v42, v40  }
0x9e: {  	v48 =	vld [tilespmem:s26+$0x5560];
	[tilespmem:s26+$0x54F0] =	vst v3;
	v3 =	vmul.f32 v43, v40  }
0x9f: {  	v49 =	vld [tilespmem:s26+$0x5570];
	[tilespmem:s26+$0x5500] =	vst v2;
	v2 =	vmul.f32 v44, v40  }
0xa0: {  	v50 =	vbroadcast v1, $0x9;
	v51 =	vld [tilespmem:s26+$0x5580];
	[tilespmem:s26+$0x5510] =	vst v3;
	v3 =	vmul.f32 v45, v40  }
0xa1: {  	v52 =	vld [tilespmem:s26+$0x5590];
	[tilespmem:s26+$0x5520] =	vst v2;
	v2 =	vmul.f32 v46, v40  }
0xa2: {  	v53 =	vld [tilespmem:s26+$0x55A0];
	[tilespmem:s26+$0x5530] =	vst v3;
	v3 =	vmul.f32 v47, v50  }
0xa3: {  	v54 =	vld [tilespmem:s26+$0x55B0];
	[tilespmem:s26+$0x5540] =	vst v2;
	v2 =	vmul.f32 v48, v50  }
0xa4: {  	v55 =	vld [tilespmem:s26+$0x55C0];
	[tilespmem:s26+$0x5550] =	vst v3;
	v3 =	vmul.f32 v49, v50  }
0xa5: {  	v56 =	vld [tilespmem:s26+$0x55D0];
	[tilespmem:s26+$0x5560] =	vst v2;
	v2 =	vmul.f32 v51, v50  }
0xa6: {  	v57 =	vld [tilespmem:s26+$0x55E0];
	[tilespmem:s26+$0x5570] =	vst v3;
	v3 =	vmul.f32 v52, v50  }
0xa7: {  	v58 =	vld [tilespmem:s26+$0x55F0];
	[tilespmem:s26+$0x5580] =	vst v2;
	v2 =	vmul.f32 v53, v50  }
0xa8: {  	v59 =	vld [tilespmem:s26+$0x5600];
	[tilespmem:s26+$0x5590] =	vst v3;
	v3 =	vmul.f32 v54, v50  }
0xa9: {  	v60 =	vbroadcast v1, $0xA;
	v61 =	vld [tilespmem:s26+$0x5610];
	[tilespmem:s26+$0x55A0] =	vst v2;
	v2 =	vmul.f32 v55, v50  }
0xaa: {  	v62 =	vld [tilespmem:s26+$0x5620];
	[tilespmem:s26+$0x55B0] =	vst v3;
	v3 =	vmul.f32 v56, v50  }
0xab: {  	v63 =	vld [tilespmem:s26+$0x5630];
	[tilespmem:s26+$0x55C0] =	vst v2;
	v2 =	vmul.f32 v57, v60  }
0xac: {  	v12 =	vld [tilespmem:s26+$0x5640];
	[tilespmem:s26+$0x55D0] =	vst v3;
	v3 =	vmul.f32 v58, v60  }
0xad: {  	v13 =	vld [tilespmem:s26+$0x5650];
	[tilespmem:s26+$0x55E0] =	vst v2;
	v2 =	vmul.f32 v59, v60  }
0xae: {  	v14 =	vld [tilespmem:s26+$0x5660];
	[tilespmem:s26+$0x55F0] =	vst v3;
	v3 =	vmul.f32 v61, v60  }
0xaf: {  	v15 =	vld [tilespmem:s26+$0x5670];
	[tilespmem:s26+$0x5600] =	vst v2;
	v2 =	vmul.f32 v62, v60  }
0xb0: {  	v16 =	vld [tilespmem:s26+$0x5680];
	[tilespmem:s26+$0x5610] =	vst v3;
	v3 =	vmul.f32 v63, v60  }
0xb1: {  	v17 =	vld [tilespmem:s26+$0x5690];
	[tilespmem:s26+$0x5620] =	vst v2;
	v2 =	vmul.f32 v12, v60  }
0xb2: {  	v18 =	vbroadcast v1, $0xB;
	v19 =	vld [tilespmem:s26+$0x56A0];
	[tilespmem:s26+$0x5630] =	vst v3;
	v3 =	vmul.f32 v13, v60  }
0xb3: {  	v20 =	vld [tilespmem:s26+$0x56B0];
	[tilespmem:s26+$0x5640] =	vst v2;
	v2 =	vmul.f32 v14, v60  }
0xb4: {  	v21 =	vld [tilespmem:s26+$0x56C0];
	[tilespmem:s26+$0x5650] =	vst v3;
	v3 =	vmul.f32 v15, v18  }
0xb5: {  	v22 =	vld [tilespmem:s26+$0x56D0];
	[tilespmem:s26+$0x5660] =	vst v2;
	v2 =	vmul.f32 v16, v18  }
0xb6: {  	v23 =	vld [tilespmem:s26+$0x56E0];
	[tilespmem:s26+$0x5670] =	vst v3;
	v3 =	vmul.f32 v17, v18  }
0xb7: {  	v24 =	vld [tilespmem:s26+$0x56F0];
	[tilespmem:s26+$0x5680] =	vst v2;
	v2 =	vmul.f32 v19, v18  }
0xb8: {  	v25 =	vld [tilespmem:s26+$0x5700];
	[tilespmem:s26+$0x5690] =	vst v3;
	v3 =	vmul.f32 v20, v18  }
0xb9: {  	v26 =	vld [tilespmem:s26+$0x5710];
	[tilespmem:s26+$0x56A0] =	vst v2;
	v2 =	vmul.f32 v21, v18  }
0xba: {  	v27 =	vld [tilespmem:s26+$0x5720];
	[tilespmem:s26+$0x56B0] =	vst v3;
	v3 =	vmul.f32 v22, v18  }
0xbb: {  	v28 =	vbroadcast v1, $0xC;
	v29 =	vld [tilespmem:s26+$0x5730];
	[tilespmem:s26+$0x56C0] =	vst v2;
	v2 =	vmul.f32 v23, v18  }
0xbc: {  	v30 =	vld [tilespmem:s26+$0x5740];
	[tilespmem:s26+$0x56D0] =	vst v3;
	v3 =	vmul.f32 v24, v18  }
0xbd: {  	v31 =	vld [tilespmem:s26+$0x5750];
	[tilespmem:s26+$0x56E0] =	vst v2;
	v2 =	vmul.f32 v25, v28  }
0xbe: {  	v32 =	vld [tilespmem:s26+$0x5760];
	[tilespmem:s26+$0x56F0] =	vst v3;
	v3 =	vmul.f32 v26, v28  }
0xbf: {  	v33 =	vld [tilespmem:s26+$0x5770];
	[tilespmem:s26+$0x5700] =	vst v2;
	v2 =	vmul.f32 v27, v28  }
0xc0: {  	v34 =	vld [tilespmem:s26+$0x5780];
	[tilespmem:s26+$0x5710] =	vst v3;
	v3 =	vmul.f32 v29, v28  }
0xc1: {  	v35 =	vld [tilespmem:s26+$0x5790];
	[tilespmem:s26+$0x5720] =	vst v2;
	v2 =	vmul.f32 v30, v28  }
0xc2: {  	v36 =	vld [tilespmem:s26+$0x57A0];
	[tilespmem:s26+$0x5730] =	vst v3;
	v3 =	vmul.f32 v31, v28  }
0xc3: {  	v37 =	vld [tilespmem:s26+$0x57B0];
	[tilespmem:s26+$0x5740] =	vst v2;
	v2 =	vmul.f32 v32, v28  }
0xc4: {  	v38 =	vbroadcast v1, $0xD;
	v39 =	vld [tilespmem:s26+$0x57C0];
	[tilespmem:s26+$0x5750] =	vst v3;
	v3 =	vmul.f32 v33, v28  }
0xc5: {  	v40 =	vld [tilespmem:s26+$0x57D0];
	[tilespmem:s26+$0x5760] =	vst v2;
	v2 =	vmul.f32 v34, v28  }
0xc6: {  	v41 =	vld [tilespmem:s26+$0x57E0];
	[tilespmem:s26+$0x5770] =	vst v3;
	v3 =	vmul.f32 v35, v38  }
0xc7: {  	v42 =	vld [tilespmem:s26+$0x57F0];
	[tilespmem:s26+$0x5780] =	vst v2;
	v2 =	vmul.f32 v36, v38  }
0xc8: {  	v43 =	vld [tilespmem:s26+$0x5800];
	[tilespmem:s26+$0x5790] =	vst v3;
	v3 =	vmul.f32 v37, v38  }
0xc9: {  	v44 =	vld [tilespmem:s26+$0x5810];
	[tilespmem:s26+$0x57A0] =	vst v2;
	v2 =	vmul.f32 v39, v38  }
0xca: {  	v45 =	vld [tilespmem:s26+$0x5820];
	[tilespmem:s26+$0x57B0] =	vst v3;
	v3 =	vmul.f32 v40, v38  }
0xcb: {  	v46 =	vld [tilespmem:s26+$0x5830];
	[tilespmem:s26+$0x57C0] =	vst v2;
	v2 =	vmul.f32 v41, v38  }
0xcc: {  	v47 =	vld [tilespmem:s26+$0x5840];
	[tilespmem:s26+$0x57D0] =	vst v3;
	v3 =	vmul.f32 v42, v38  }
0xcd: {  	v48 =	vbroadcast v1, $0xE;
	v49 =	vld [tilespmem:s26+$0x5850];
	[tilespmem:s26+$0x57E0] =	vst v2;
	v2 =	vmul.f32 v43, v38  }
0xce: {  	v50 =	vld [tilespmem:s26+$0x5860];
	[tilespmem:s26+$0x57F0] =	vst v3;
	v3 =	vmul.f32 v44, v38  }
0xcf: {  	v51 =	vld [tilespmem:s26+$0x5870];
	[tilespmem:s26+$0x5800] =	vst v2;
	v2 =	vmul.f32 v45, v48  }
0xd0: {  	v52 =	vld [tilespmem:s26+$0x5880];
	[tilespmem:s26+$0x5810] =	vst v3;
	v3 =	vmul.f32 v46, v48  }
0xd1: {  	v53 =	vld [tilespmem:s26+$0x5890];
	[tilespmem:s26+$0x5820] =	vst v2;
	v2 =	vmul.f32 v47, v48  }
0xd2: {  	v54 =	vld [tilespmem:s26+$0x58A0];
	[tilespmem:s26+$0x5830] =	vst v3;
	v3 =	vmul.f32 v49, v48  }
0xd3: {  	v55 =	vld [tilespmem:s26+$0x58B0];
	[tilespmem:s26+$0x5840] =	vst v2;
	v2 =	vmul.f32 v50, v48  }
0xd4: {  	v56 =	vld [tilespmem:s26+$0x58C0];
	[tilespmem:s26+$0x5850] =	vst v3;
	v3 =	vmul.f32 v51, v48  }
0xd5: {  	v57 =	vld [tilespmem:s26+$0x58D0];
	[tilespmem:s26+$0x5860] =	vst v2;
	v2 =	vmul.f32 v52, v48  }
0xd6: {  	v1 =	vbroadcast v1, $0xF;
	v58 =	vld [tilespmem:s26+$0x58E0];
	[tilespmem:s26+$0x5870] =	vst v3;
	v3 =	vmul.f32 v53, v48  }
0xd7: {  	v59 =	vld [tilespmem:s26+$0x58F0];
	[tilespmem:s26+$0x5880] =	vst v2;
	v2 =	vmul.f32 v54, v48  }
0xd8: {  	v60 =	vld [tilespmem:s26+$0x5900];
	[tilespmem:s26+$0x5890] =	vst v3;
	v3 =	vmul.f32 v55, v1  }
0xd9: {  	v61 =	vld [tilespmem:s26+$0x5910];
	[tilespmem:s26+$0x58A0] =	vst v2;
	v2 =	vmul.f32 v56, v1  }
0xda: {  	v62 =	vld [tilespmem:s26+$0x5920];
	[tilespmem:s26+$0x58B0] =	vst v3;
	v3 =	vmul.f32 v57, v1  }
0xdb: {  	v63 =	vld [tilespmem:s26+$0x5930];
	[tilespmem:s26+$0x58C0] =	vst v2;
	v2 =	vmul.f32 v58, v1  }
0xdc: {  	[tilespmem:s26+$0x58D0] =	vst v3;
	v3 =	vmul.f32 v59, v1  }
0xdd: {  	p0 =	sne.s32 s25, $0x7;
	[tilespmem:s26+$0x58E0] =	vst v2;
	v2 =	vmul.f32 v60, v1  }
.Ltmp0:
0xde: {  	[tilespmem:s26+$0x58F0] =	vst v3;
	v3 =	vmul.f32 v61, v1;
	(pc) =	sbr.rel @p0 .LBB2_4-.Ltmp0, $4  }
0xdf: {  	[tilespmem:s26+$0x5900] =	vst v2;
	v2 =	vmul.f32 v62, v1  }
0xe0: {  	[tilespmem:s26+$0x5910] =	vst v3;
	v1 =	vmul.f32 v63, v1  }
0xe1: {  	[tilespmem:s26+$0x5920] =	vst v2  }
0xe2: {  	s25 =	sadd.s32 $0x1, s25;
	[tilespmem:s26+$0x5930] =	vst v1  }
0xe3: {  	s24 =	sadd.s32 $0x1, s24  }
0xe4: {  	p0 =	sne.s32 s24, $0x2A  }
.Ltmp1:
0xe5: {  	_ = 	snop;
	(pc) =	sbr.rel @p0 .LBB2_3-.Ltmp1, $4  }
0xe6: {  	[spmem:s3] =	stream.indirect.scatter.add.f32 [tilespmem:s20], [sflag:$0x2], $0x90, s18, s19, $0xb8;
	[tilespmem:$0x1FAA0] =	vst v63  }
0xe7: {  	_ =	swait.ge [sflag:s14], $0x4800  }
0xe8: {  	[sflag:s14] =	ssyncset.done $0x0  }
0xe9: {  	[sflag:s14] =	ssyncadd.s32 $0xFFFFB800  }
0xea: {  	s23 =	smul.u32 $0x162600, s22;
	_ =	sdelay $0x1  }
0xeb: {  	s23 =	sadd.s32 s23, s11  }
0xec: {  	s22 =	sadd.s32 $0x1, s22;
	s23 =	sshrl.u32 s23, $0x3  }
0xed: {  	[bflag:$0x0] =	sbarrier.arrive $0xFFFF;
	p0 =	sne.s32 s22, $0x4;
	s23 =	sadd.s32 s8, s23  }
0xee: {  	[hbm:s23], [sflag:s16] =	dma.local [spmem:s17], $0x2C4C  }
.Ltmp2:
0xef: {  	_ =	swait.ge [sflag:s14], $0x2C4C;
	(pc) =	sbr.rel @p0 .LBB2_2-.Ltmp2, $3  }
0xf0: {  	[sflag:s14] =	ssyncset.done $0x0  }
0xf1: {  	[sflag:s14] =	ssyncadd.s32 $0xFFFFD3B4  }
0xf2: {  	[bflag:$0x0] =	sbarrier.arrive $0xFFFF;
	_ =	sdelay $0x1  }
0xf3: {  	s4 =	sadd.s32 $0x1, s4  }
0xf4: {  	p0 =	sne.s32 s4, s12  }
.Ltmp3:
0xf5: {  	_ = 	snop;
	(pc) =	sbr.rel @p0 .LBB2_1-.Ltmp3, $1  }
0xf6: {  	_ =	sdelay $0x3  }
0xf7: {  	_ =	sfence.sel $0x180000  }
0xf8: {  	[bflag:$0x0] =	sbarrier.arrive $0xFFFF  }
0xf9: {  	p0 =	sne.s32 s1, $0x0;
	_ =	strace $0x90000047  }
0xfa: {  	s0 =	sadd.s32 @!p0 $0x100000, s0;
	[bflag:$0x2] =	sbarrier.arrive $0xFFFF  }
0xfb: {  	[sflag:s0] =	ssyncadd.tile.s32 @!p0 $0x1;
	_ =	shalt  }
.Lfunc_end2:
_tile_overlayer_lowered:
.L_overlay_start_2:
0xfc: {  	(tag) =	ssettag $0x2  }
0xfd: {  	s0 =	rddreg [dreg:$0x0];
	s2 =	stileid.u32  }
0xfe: {  	s1 =	rddreg [dreg:$0x1];
	p0 =	sne.s32 s2, $0x0  }
0xff: {  	s3 =	rddreg [dreg:$0x2];
	[bflag:$0x3] =	sbarrier.arrive $0xFFFF;
	s2 =	simm.s32 @!p0 $0x1C02  }
0x100: {  	[timem:s3], [sflag:s2] =	dma.local @!p0 [hbm:s0], s1  }
0x101: {  	s0 =	simm.s32 @!p0 $0x2  }
0x102: {  	_ =	swait.ge @!p0 [sflag:s0], s1  }
0x103: {  	s1 =	ssub.s32 @!p0 $0x0, s1;
	[sflag:s0] =	ssyncset.done @!p0 $0x0  }
0x104: {  	[sflag:s0] =	ssyncadd.s32 @!p0 s1  }
0x105: {  	[bflag:$0x3] =	sbarrier.arrive $0xFFFF  }
0x106: {  	_ =	shalt  }

</sc_bundles>
